<compile_context>
chip_gen: v7x
topology: tpu7x:2x2x1
jax: 0.10.2.dev20260603
libtpu: 0.0.44.dev20260713+nightly
codegen_flags: <defaults>
</compile_context>

<pallas_src>
import jax
import jax.numpy as jnp
import numpy as np
from jax import lax
from jax.experimental import pallas as pl
from jax.experimental.pallas import tpu as pltpu
from jax.experimental.pallas import tpu_sc as plsc

NUM_ATTR = 8
NUM_CLASSES = 1000
TOTAL_DIM = 3072
DIMS_PER_ATTR = TOTAL_DIM // NUM_ATTR
BATCH = 4096

NB_SC = 1536
NB_TC = BATCH - NB_SC
BB = 512

NC, NS, L = 2, 16, 16
NW = NC * NS
RPW = NB_SC // NW
CH = 8
NCHUNK = RPW // CH
GROWS = CH * NUM_ATTR


def _sc_body(z_hbm, sldj_hbm, lab_hbm, means_hbm, out_hbm,
             lab_v, idx_v, z0, z1, g0, g1, sldj_v, acc_v,
             sz0, sz1, sg0, sg1):
    wid = lax.axis_index("s") * NC + lax.axis_index("c")
    row0 = wid * RPW
    srow0 = wid * (BATCH // NW)
    bufs = ((z0, g0, sz0, sg0), (z1, g1, sz1, sg1))

    pltpu.sync_copy(lab_hbm.at[pl.ds(row0 * NUM_ATTR, RPW * NUM_ATTR)], lab_v)
    offs = (lax.iota(jnp.int32, L) % NUM_ATTR) * NUM_CLASSES

    def mkidx(j, carry):
        idx_v[pl.ds(j * L, L)] = lab_v[pl.ds(j * L, L)] + offs
        return carry

    lax.fori_loop(0, RPW * NUM_ATTR // L, mkidx, 0)

    def start(c, b):
        zb, gb, zsem, gsem = bufs[b]
        dz = pltpu.async_copy(
            z_hbm.at[pl.ds(row0 + c * CH, CH), :], zb, zsem)
        dg = pltpu.async_copy(
            means_hbm.at[idx_v.at[pl.ds(c * GROWS, GROWS)]], gb, gsem)
        return dz, dg

    pend = [start(0, 0), None]

    pltpu.sync_copy(sldj_hbm.at[pl.ds(srow0, BATCH // NW)], sldj_v)
    sl = jnp.zeros((L,), jnp.float32)
    for k in range(BATCH // NW // L):
        sl = sl + sldj_v[pl.ds(k * L, L)]

    NACC = 8
    accs = tuple(jnp.zeros((L,), jnp.float32) for _ in range(NACC))
    for c in range(NCHUNK):
        b = c & 1
        if c + 1 < NCHUNK:
            pend[b ^ 1] = start(c + 1, b ^ 1)
        dz, dg = pend[b]
        dz.wait()
        dg.wait()
        zb, gb = bufs[b][0], bufs[b][1]

        def row(g, a, zb=zb, gb=gb):
            a = list(a)
            r = g // NUM_ATTR
            col0 = (g % NUM_ATTR) * DIMS_PER_ATTR
            for s in range(DIMS_PER_ATTR // L):
                d = (zb[r, pl.ds(col0 + s * L, L)]
                     - gb[g, pl.ds(s * L, L)])
                a[s % NACC] = a[s % NACC] + d * d
            return tuple(a)

        accs = lax.fori_loop(0, GROWS, row, accs)

    acc = ((accs[0] + accs[1]) + (accs[2] + accs[3])) + \
          ((accs[4] + accs[5]) + (accs[6] + accs[7]))
    acc_v[...] = 0.5 * acc - sl
    pltpu.sync_copy(acc_v, out_hbm.at[wid])


def _tc_body(z_ref, lab_ref, means_ref, out_ref, mbf_ref):
    pid = pl.program_id(0)

    @pl.when(pid == 0)
    def _init():
        out_ref[...] = jnp.zeros((1, 1), jnp.float32)
        for i in range(NUM_ATTR):
            mbf_ref[i] = means_ref[i].astype(jnp.bfloat16)

    z = z_ref[...]
    labs = lab_ref[...]
    class_iota = lax.broadcasted_iota(jnp.int32, (BB, NUM_CLASSES), 1)
    tacc = jnp.zeros((BB, DIMS_PER_ATTR), jnp.float32)
    for i in range(NUM_ATTR):
        onehot = (labs[:, i][:, None] == class_iota).astype(jnp.bfloat16)
        sel = jnp.dot(onehot, mbf_ref[i],
                      preferred_element_type=jnp.float32)
        d = z[:, i * DIMS_PER_ATTR:(i + 1) * DIMS_PER_ATTR] - sel
        tacc = tacc + d * d
    out_ref[...] += jnp.reshape(0.5 * jnp.sum(tacc), (1, 1))


@jax.jit
def kernel(z, sldj, labels, means):
    labels = labels.astype(jnp.int32)
    lab_flat = labels.reshape(BATCH * NUM_ATTR)
    means2d = means.reshape(NUM_ATTR * NUM_CLASSES, DIMS_PER_ATTR)

    mesh = plsc.VectorSubcoreMesh(core_axis_name="c", subcore_axis_name="s")
    sc_out = pl.kernel(
        _sc_body,
        out_type=jax.ShapeDtypeStruct((NW, L), jnp.float32),
        mesh=mesh,
        scratch_types=[
            pltpu.VMEM((RPW * NUM_ATTR,), jnp.int32),
            pltpu.VMEM((RPW * NUM_ATTR,), jnp.int32),
            pltpu.VMEM((CH, TOTAL_DIM), jnp.float32),
            pltpu.VMEM((CH, TOTAL_DIM), jnp.float32),
            pltpu.VMEM((GROWS, DIMS_PER_ATTR), jnp.float32),
            pltpu.VMEM((GROWS, DIMS_PER_ATTR), jnp.float32),
            pltpu.VMEM((BATCH // NW,), jnp.float32),
            pltpu.VMEM((L,), jnp.float32),
            pltpu.SemaphoreType.DMA,
            pltpu.SemaphoreType.DMA,
            pltpu.SemaphoreType.DMA,
            pltpu.SemaphoreType.DMA,
        ],
    )(z, sldj, lab_flat, means2d)

    grid = NB_TC // BB
    off = NB_SC // BB
    tc_out = pl.pallas_call(
        _tc_body,
        grid=(grid,),
        in_specs=[
            pl.BlockSpec((BB, TOTAL_DIM), lambda b: (b + off, 0)),
            pl.BlockSpec((BB, NUM_ATTR), lambda b: (b + off, 0)),
            pl.BlockSpec((NUM_ATTR, NUM_CLASSES, DIMS_PER_ATTR),
                         lambda b: (0, 0, 0)),
        ],
        out_specs=pl.BlockSpec((1, 1), lambda b: (0, 0)),
        out_shape=jax.ShapeDtypeStruct((1, 1), jnp.float32),
        scratch_shapes=[pltpu.VMEM(
            (NUM_ATTR, NUM_CLASSES, DIMS_PER_ATTR), jnp.bfloat16)],
    )(z, labels, means)

    total = jnp.sum(sc_out) + tc_out[0, 0]
    const = 0.5 * TOTAL_DIM * np.log(2 * np.pi)
    return total / BATCH + jnp.float32(const)

# --- scband reference (transcript-rebuilt; emitter-appended) ---
"""Pipeline reference for scband-simple-split-gmm-25262997635213 (READ-ONLY COPY).

The authoritative reference and input builder live on the scoring server;
editing this copy changes nothing except your own understanding.
"""

import jax, jax.numpy as jnp
import numpy as np

NUM_ATTR = 8
NUM_CLASSES = 1000
TOTAL_DIM = 3072
DIMS_PER_ATTR = TOTAL_DIM // NUM_ATTR
SCALE = 1.0
BATCH = 4096


def setup_inputs(seed: int = 0) -> dict:
    key = jax.random.key(seed)
    k_z, k_sldj, k_lab, k_means = jax.random.split(key, 4)
    z = jax.random.normal(k_z, (BATCH, TOTAL_DIM), dtype=jnp.float32)
    sldj = jax.random.normal(k_sldj, (BATCH,), dtype=jnp.float32)
    labels = jax.random.randint(k_lab, (BATCH, NUM_ATTR), 0, NUM_CLASSES, dtype=jnp.int64)
    # Fixed (non-trainable in torch, but materialized as input here) per-attribute means
    means = jax.random.normal(k_means, (NUM_ATTR, NUM_CLASSES, DIMS_PER_ATTR), dtype=jnp.float32) * SCALE
    return {"z": z, "sldj": sldj, "labels": labels, "means": means}


def reference(z, sldj, labels, means):
    z_flat = z.reshape(z.shape[0], -1)
    log2pi = np.log(2 * np.pi)
    nll = jnp.zeros((z_flat.shape[0],), dtype=z_flat.dtype)
    for i in range(NUM_ATTR):
        start = i * DIMS_PER_ATTR
        end = (i + 1) * DIMS_PER_ATTR
        sel = jnp.take(means[i], labels[:, i], axis=0)  # gather class means [B, dims_per_attr]
        nll = nll + 0.5 * jnp.sum((z_flat[:, start:end] - sel) ** 2, axis=1) + 0.5 * DIMS_PER_ATTR * log2pi
    loss = jnp.mean(nll - sldj)
    return loss

if __name__ == "__main__":
    import jax
    _d = setup_inputs()
    print(jax.jit(kernel)(*tuple(_d.values())))

</pallas_src>

<mosaic_0001>
#map = affine_map<(d0, d1) -> (0, 0)>
#map1 = affine_map<(d0, d1) -> (0)>
module attributes {stable_mosaic.version = 14 : i64} {
  func.func @_sc_body(%arg0: i32, %arg1: i32, %arg2: memref<4096x3072xf32, #tpu.memory_space<hbm>>, %arg3: memref<4096xf32, #tpu.memory_space<hbm>>, %arg4: memref<32768xi32, #tpu.memory_space<hbm>>, %arg5: memref<8000x384xf32, #tpu.memory_space<hbm>>, %arg6: memref<32x16xf32, #tpu.memory_space<hbm>>, %arg7: memref<384xi32, #tpu.memory_space<vmem>>, %arg8: memref<384xi32, #tpu.memory_space<vmem>>, %arg9: memref<8x3072xf32, #tpu.memory_space<vmem>>, %arg10: memref<8x3072xf32, #tpu.memory_space<vmem>>, %arg11: memref<64x384xf32, #tpu.memory_space<vmem>>, %arg12: memref<64x384xf32, #tpu.memory_space<vmem>>, %arg13: memref<128xf32, #tpu.memory_space<vmem>>, %arg14: memref<16xf32, #tpu.memory_space<vmem>>, %arg15: memref<!tpu.dma_semaphore, #tpu.memory_space<semaphore_mem>>, %arg16: memref<!tpu.dma_semaphore, #tpu.memory_space<semaphore_mem>>, %arg17: memref<!tpu.dma_semaphore, #tpu.memory_space<semaphore_mem>>, %arg18: memref<!tpu.dma_semaphore, #tpu.memory_space<semaphore_mem>>) attributes {dimension_semantics = [#tpu.dimension_semantics<core_parallel>, #tpu.dimension_semantics<subcore_parallel>], iteration_bounds = array<i64: 2, 16>, scalar_prefetch = 0 : i64, scratch_operands = 12 : i64, tpu.core_type = #tpu.core_type<sc_vector_subcore>, window_params = [{transform_indices = #map}, {transform_indices = #map1}, {transform_indices = #map1}, {transform_indices = #map}, {transform_indices = #map}]} {
    %mul3A = arith.constant 2 : i32
    %mul3A_0 = arith.muli %arg1, %mul3A : i32
    %add3A = arith.addi %mul3A_0, %arg0 : i32
    %mul3A_1 = arith.constant 48 : i32
    %mul3A_2 = arith.muli %add3A, %mul3A_1 : i32
    %mul3A_3 = arith.constant 128 : i32
    %mul3A_4 = arith.muli %add3A, %mul3A_3 : i32
    %mul3A_5 = arith.constant 8 : i32
    %mul3A_6 = arith.muli %mul3A_2, %mul3A_5 : i32
    "tpu.region"() ({
      %run_scoped3A = tpu.sem_alloc : memref<!tpu.dma_semaphore, #tpu.memory_space<semaphore_mem>>
      %dma_start3A_245 = tpu.memref_slice %arg4[%mul3A_6] : memref<32768xi32, #tpu.memory_space<hbm>> -> memref<384xi32, #tpu.memory_space<hbm>>
      %dma_start3A_246 = tpu.memref_slice %arg4[%mul3A_6] : memref<32768xi32, #tpu.memory_space<hbm>> -> memref<384xi32, #tpu.memory_space<hbm>>
      tpu.enqueue_dma source(%dma_start3A_246 : memref<384xi32, #tpu.memory_space<hbm>>) target(%arg7 : memref<384xi32, #tpu.memory_space<vmem>>) target_semaphore(%run_scoped3A : memref<!tpu.dma_semaphore, #tpu.memory_space<semaphore_mem>>)
      %dma_wait3A_247 = tpu.memref_slice %arg4[%mul3A_6] : memref<32768xi32, #tpu.memory_space<hbm>> -> memref<384xi32, #tpu.memory_space<hbm>>
      %dma_wait3A_248 = tpu.memref_slice %arg4[%mul3A_6] : memref<32768xi32, #tpu.memory_space<hbm>> -> memref<384xi32, #tpu.memory_space<hbm>>
      tpu.wait_dma2 semaphore(%run_scoped3A : memref<!tpu.dma_semaphore, #tpu.memory_space<semaphore_mem>>) src(%dma_wait3A_248 : memref<384xi32, #tpu.memory_space<hbm>>) dst(%arg7 : memref<384xi32, #tpu.memory_space<vmem>>)
      tpu.yield
    }) : () -> ()
    %iota3A = tpu.iota {dimensions = array<i32: 0>} : vector<16xi32>
    %jit3A = arith.constant 8 : i32
    %eq3A = arith.constant 0 : i32
    %eq3A_7 = arith.cmpi eq, %jit3A, %eq3A : i32
    %jit3A_8 = arith.constant 1 : i32
    %select_n3A = arith.select %eq3A_7, %jit3A_8, %jit3A : i32
    %rem3A = vector.broadcast %select_n3A : i32 to vector<16xi32>
    %rem3A_9 = arith.remsi %iota3A, %rem3A : vector<16xi32>
    %ne3A = arith.constant 0 : i32
    %ne3A_10 = vector.broadcast %ne3A : i32 to vector<16xi32>
    %ne3A_11 = arith.cmpi ne, %rem3A_9, %ne3A_10 : vector<16xi32>
    %lt3A = arith.constant 0 : i32
    %lt3A_12 = vector.broadcast %lt3A : i32 to vector<16xi32>
    %lt3A_13 = arith.cmpi slt, %rem3A_9, %lt3A_12 : vector<16xi32>
    %lt3A_14 = arith.constant 0 : i32
    %lt3A_15 = arith.cmpi slt, %select_n3A, %lt3A_14 : i32
    %ne3A_16 = vector.broadcast %lt3A_15 : i1 to vector<16xi1>
    %ne3A_17 = vector.broadcast %ne3A_16 : vector<16xi1> to vector<16xi1>
    %ne3A_18 = arith.xori %lt3A_13, %ne3A_17 : vector<16xi1>
    %and3A = arith.andi %ne3A_18, %ne3A_11 : vector<16xi1>
    %add3A_19 = vector.broadcast %select_n3A : i32 to vector<16xi32>
    %add3A_20 = arith.addi %rem3A_9, %add3A_19 : vector<16xi32>
    %select_n3A_21 = arith.select %and3A, %add3A_20, %rem3A_9 : vector<16xi1>, vector<16xi32>
    %mul3A_22 = arith.constant 1000 : i32
    %mul3A_23 = vector.broadcast %mul3A_22 : i32 to vector<16xi32>
    %mul3A_24 = arith.muli %select_n3A_21, %mul3A_23 : vector<16xi32>
    %scan3A = arith.constant 0 : i32
    %scan3A_25 = arith.constant 0 : i32
    %scan3A_26 = arith.constant 24 : i32
    %scan3A_27 = arith.addi %scan3A_25, %scan3A_26 : i32
    %scan3A_28 = arith.constant 1 : i32
    scf.for %scan3A_245 = %scan3A_25 to %scan3A_27 step %scan3A_28  : i32 {
      %mul3A_246 = arith.constant 16 : i32
      %mul3A_247 = arith.muli %scan3A_245, %mul3A_246 : i32
      %get3A_248 = arith.index_cast %mul3A_247 : i32 to index
      %get3A_249 = tpu.vector_load %arg7[%get3A_248] {strides = array<i32>} : memref<384xi32, #tpu.memory_space<vmem>>, vector<16xi32>,
      %get3A_250 = vector.shape_cast %get3A_249 : vector<16xi32> to vector<16xi32>
      %add3A_251 = arith.addi %get3A_250, %mul3A_24 : vector<16xi32>
      %mul3A_252 = arith.constant 16 : i32
      %mul3A_253 = arith.muli %scan3A_245, %mul3A_252 : i32
      %swap3A_254 = arith.index_cast %mul3A_253 : i32 to index
      %swap3A_255 = tpu.vector_load %arg8[%swap3A_254] {strides = array<i32>} : memref<384xi32, #tpu.memory_space<vmem>>, vector<16xi32>,
      %swap3A_256 = vector.shape_cast %swap3A_255 : vector<16xi32> to vector<16xi32>
      %swap3A_257 = vector.shape_cast %add3A_251 : vector<16xi32> to vector<16xi32>
      tpu.vector_store %arg8[%swap3A_254], %swap3A_257 {strides = array<i32>} : memref<384xi32, #tpu.memory_space<vmem>>, vector<16xi32>,
    }
    %scan3A_29 = arith.constant 24 : i32
    %add3A_30 = arith.constant 0 : i32
    %add3A_31 = arith.addi %mul3A_2, %add3A_30 : i32
    %dma_start3A = arith.constant 0 : i32
    %dma_start3A_32 = tpu.memref_slice %arg2[%add3A_31, %dma_start3A] : memref<4096x3072xf32, #tpu.memory_space<hbm>> -> memref<8x3072xf32, #tpu.memory_space<hbm>>
    %dma_start3A_33 = arith.constant 0 : i32
    %dma_start3A_34 = tpu.memref_slice %arg2[%add3A_31, %dma_start3A_33] : memref<4096x3072xf32, #tpu.memory_space<hbm>> -> memref<8x3072xf32, #tpu.memory_space<hbm>>
    tpu.enqueue_dma source(%dma_start3A_34 : memref<8x3072xf32, #tpu.memory_space<hbm>>) target(%arg9 : memref<8x3072xf32, #tpu.memory_space<vmem>>) target_semaphore(%arg15 : memref<!tpu.dma_semaphore, #tpu.memory_space<semaphore_mem>>)
    %dma_start3A_35 = arith.constant 0 : i32
    %dma_start3A_36 = tpu.memref_slice %arg8[%dma_start3A_35] : memref<384xi32, #tpu.memory_space<vmem>> -> memref<64xi32, #tpu.memory_space<vmem>>
    %dma_start3A_37 = arith.constant 0 : i32
    %dma_start3A_38 = arith.constant 0 : i32
    %dma_start3A_39 = tpu.memref_slice %arg5[%dma_start3A_37, %dma_start3A_38] : memref<8000x384xf32, #tpu.memory_space<hbm>> -> memref<8000x384xf32, #tpu.memory_space<hbm>>
    tpu.enqueue_indirect_dma source(%dma_start3A_39 : memref<8000x384xf32, #tpu.memory_space<hbm>>) target(%arg11 : memref<64x384xf32, #tpu.memory_space<vmem>>) offsets(%dma_start3A_36 : memref<64xi32, #tpu.memory_space<vmem>>) semaphore(%arg17 : memref<!tpu.dma_semaphore, #tpu.memory_space<semaphore_mem>>)
    "tpu.region"() ({
      %run_scoped3A = tpu.sem_alloc : memref<!tpu.dma_semaphore, #tpu.memory_space<semaphore_mem>>
      %dma_start3A_245 = tpu.memref_slice %arg3[%mul3A_4] : memref<4096xf32, #tpu.memory_space<hbm>> -> memref<128xf32, #tpu.memory_space<hbm>>
      %dma_start3A_246 = tpu.memref_slice %arg3[%mul3A_4] : memref<4096xf32, #tpu.memory_space<hbm>> -> memref<128xf32, #tpu.memory_space<hbm>>
      tpu.enqueue_dma source(%dma_start3A_246 : memref<128xf32, #tpu.memory_space<hbm>>) target(%arg13 : memref<128xf32, #tpu.memory_space<vmem>>) target_semaphore(%run_scoped3A : memref<!tpu.dma_semaphore, #tpu.memory_space<semaphore_mem>>)
      %dma_wait3A_247 = tpu.memref_slice %arg3[%mul3A_4] : memref<4096xf32, #tpu.memory_space<hbm>> -> memref<128xf32, #tpu.memory_space<hbm>>
      %dma_wait3A_248 = tpu.memref_slice %arg3[%mul3A_4] : memref<4096xf32, #tpu.memory_space<hbm>> -> memref<128xf32, #tpu.memory_space<hbm>>
      tpu.wait_dma2 semaphore(%run_scoped3A : memref<!tpu.dma_semaphore, #tpu.memory_space<semaphore_mem>>) src(%dma_wait3A_248 : memref<128xf32, #tpu.memory_space<hbm>>) dst(%arg13 : memref<128xf32, #tpu.memory_space<vmem>>)
      tpu.yield
    }) : () -> ()
    %broadcast_in_dim3A = arith.constant 0.000000e+00 : f32
    %broadcast_in_dim3A_40 = vector.broadcast %broadcast_in_dim3A : f32 to vector<16xf32>
    %get3A = arith.constant 0 : index
    %get3A_41 = tpu.vector_load %arg13[%get3A] {strides = array<i32>} : memref<128xf32, #tpu.memory_space<vmem>>, vector<16xf32>,
    %get3A_42 = vector.shape_cast %get3A_41 : vector<16xf32> to vector<16xf32>
    %add3A_43 = arith.addf %broadcast_in_dim3A_40, %get3A_42 : vector<16xf32>
    %get3A_44 = arith.constant 16 : index
    %get3A_45 = tpu.vector_load %arg13[%get3A_44] {strides = array<i32>} : memref<128xf32, #tpu.memory_space<vmem>>, vector<16xf32>,
    %get3A_46 = vector.shape_cast %get3A_45 : vector<16xf32> to vector<16xf32>
    %add3A_47 = arith.addf %add3A_43, %get3A_46 : vector<16xf32>
    %get3A_48 = arith.constant 32 : index
    %get3A_49 = tpu.vector_load %arg13[%get3A_48] {strides = array<i32>} : memref<128xf32, #tpu.memory_space<vmem>>, vector<16xf32>,
    %get3A_50 = vector.shape_cast %get3A_49 : vector<16xf32> to vector<16xf32>
    %add3A_51 = arith.addf %add3A_47, %get3A_50 : vector<16xf32>
    %get3A_52 = arith.constant 48 : index
    %get3A_53 = tpu.vector_load %arg13[%get3A_52] {strides = array<i32>} : memref<128xf32, #tpu.memory_space<vmem>>, vector<16xf32>,
    %get3A_54 = vector.shape_cast %get3A_53 : vector<16xf32> to vector<16xf32>
    %add3A_55 = arith.addf %add3A_51, %get3A_54 : vector<16xf32>
    %get3A_56 = arith.constant 64 : index
    %get3A_57 = tpu.vector_load %arg13[%get3A_56] {strides = array<i32>} : memref<128xf32, #tpu.memory_space<vmem>>, vector<16xf32>,
    %get3A_58 = vector.shape_cast %get3A_57 : vector<16xf32> to vector<16xf32>
    %add3A_59 = arith.addf %add3A_55, %get3A_58 : vector<16xf32>
    %get3A_60 = arith.constant 80 : index
    %get3A_61 = tpu.vector_load %arg13[%get3A_60] {strides = array<i32>} : memref<128xf32, #tpu.memory_space<vmem>>, vector<16xf32>,
    %get3A_62 = vector.shape_cast %get3A_61 : vector<16xf32> to vector<16xf32>
    %add3A_63 = arith.addf %add3A_59, %get3A_62 : vector<16xf32>
    %get3A_64 = arith.constant 96 : index
    %get3A_65 = tpu.vector_load %arg13[%get3A_64] {strides = array<i32>} : memref<128xf32, #tpu.memory_space<vmem>>, vector<16xf32>,
    %get3A_66 = vector.shape_cast %get3A_65 : vector<16xf32> to vector<16xf32>
    %add3A_67 = arith.addf %add3A_63, %get3A_66 : vector<16xf32>
    %get3A_68 = arith.constant 112 : index
    %get3A_69 = tpu.vector_load %arg13[%get3A_68] {strides = array<i32>} : memref<128xf32, #tpu.memory_space<vmem>>, vector<16xf32>,
    %get3A_70 = vector.shape_cast %get3A_69 : vector<16xf32> to vector<16xf32>
    %add3A_71 = arith.addf %add3A_67, %get3A_70 : vector<16xf32>
    %broadcast_in_dim3A_72 = arith.constant 0.000000e+00 : f32
    %broadcast_in_dim3A_73 = vector.broadcast %broadcast_in_dim3A_72 : f32 to vector<16xf32>
    %broadcast_in_dim3A_74 = arith.constant 0.000000e+00 : f32
    %broadcast_in_dim3A_75 = vector.broadcast %broadcast_in_dim3A_74 : f32 to vector<16xf32>
    %broadcast_in_dim3A_76 = arith.constant 0.000000e+00 : f32
    %broadcast_in_dim3A_77 = vector.broadcast %broadcast_in_dim3A_76 : f32 to vector<16xf32>
    %broadcast_in_dim3A_78 = arith.constant 0.000000e+00 : f32
    %broadcast_in_dim3A_79 = vector.broadcast %broadcast_in_dim3A_78 : f32 to vector<16xf32>
    %broadcast_in_dim3A_80 = arith.constant 0.000000e+00 : f32
    %broadcast_in_dim3A_81 = vector.broadcast %broadcast_in_dim3A_80 : f32 to vector<16xf32>
    %broadcast_in_dim3A_82 = arith.constant 0.000000e+00 : f32
    %broadcast_in_dim3A_83 = vector.broadcast %broadcast_in_dim3A_82 : f32 to vector<16xf32>
    %broadcast_in_dim3A_84 = arith.constant 0.000000e+00 : f32
    %broadcast_in_dim3A_85 = vector.broadcast %broadcast_in_dim3A_84 : f32 to vector<16xf32>
    %broadcast_in_dim3A_86 = arith.constant 0.000000e+00 : f32
    %broadcast_in_dim3A_87 = vector.broadcast %broadcast_in_dim3A_86 : f32 to vector<16xf32>
    %add3A_88 = arith.constant 8 : i32
    %add3A_89 = arith.addi %mul3A_2, %add3A_88 : i32
    %dma_start3A_90 = arith.constant 0 : i32
    %dma_start3A_91 = tpu.memref_slice %arg2[%add3A_89, %dma_start3A_90] : memref<4096x3072xf32, #tpu.memory_space<hbm>> -> memref<8x3072xf32, #tpu.memory_space<hbm>>
    %dma_start3A_92 = arith.constant 0 : i32
    %dma_start3A_93 = tpu.memref_slice %arg2[%add3A_89, %dma_start3A_92] : memref<4096x3072xf32, #tpu.memory_space<hbm>> -> memref<8x3072xf32, #tpu.memory_space<hbm>>
    tpu.enqueue_dma source(%dma_start3A_93 : memref<8x3072xf32, #tpu.memory_space<hbm>>) target(%arg10 : memref<8x3072xf32, #tpu.memory_space<vmem>>) target_semaphore(%arg16 : memref<!tpu.dma_semaphore, #tpu.memory_space<semaphore_mem>>)
    %dma_start3A_94 = arith.constant 64 : i32
    %dma_start3A_95 = tpu.memref_slice %arg8[%dma_start3A_94] : memref<384xi32, #tpu.memory_space<vmem>> -> memref<64xi32, #tpu.memory_space<vmem>>
    %dma_start3A_96 = arith.constant 0 : i32
    %dma_start3A_97 = arith.constant 0 : i32
    %dma_start3A_98 = tpu.memref_slice %arg5[%dma_start3A_96, %dma_start3A_97] : memref<8000x384xf32, #tpu.memory_space<hbm>> -> memref<8000x384xf32, #tpu.memory_space<hbm>>
    tpu.enqueue_indirect_dma source(%dma_start3A_98 : memref<8000x384xf32, #tpu.memory_space<hbm>>) target(%arg12 : memref<64x384xf32, #tpu.memory_space<vmem>>) offsets(%dma_start3A_95 : memref<64xi32, #tpu.memory_space<vmem>>) semaphore(%arg18 : memref<!tpu.dma_semaphore, #tpu.memory_space<semaphore_mem>>)
    %dma_wait3A = arith.constant 0 : i32
    %dma_wait3A_99 = tpu.memref_slice %arg2[%add3A_31, %dma_wait3A] : memref<4096x3072xf32, #tpu.memory_space<hbm>> -> memref<8x3072xf32, #tpu.memory_space<hbm>>
    %dma_wait3A_100 = arith.constant 0 : i32
    %dma_wait3A_101 = tpu.memref_slice %arg2[%add3A_31, %dma_wait3A_100] : memref<4096x3072xf32, #tpu.memory_space<hbm>> -> memref<8x3072xf32, #tpu.memory_space<hbm>>
    tpu.wait_dma2 semaphore(%arg15 : memref<!tpu.dma_semaphore, #tpu.memory_space<semaphore_mem>>) src(%dma_wait3A_101 : memref<8x3072xf32, #tpu.memory_space<hbm>>) dst(%arg9 : memref<8x3072xf32, #tpu.memory_space<vmem>>)
    %dma_wait3A_102 = arith.constant 0 : i32
    %dma_wait3A_103 = tpu.memref_slice %arg8[%dma_wait3A_102] : memref<384xi32, #tpu.memory_space<vmem>> -> memref<64xi32, #tpu.memory_space<vmem>>
    %dma_wait3A_104 = arith.constant 0 : i32
    %dma_wait3A_105 = arith.constant 0 : i32
    %dma_wait3A_106 = tpu.memref_slice %arg5[%dma_wait3A_104, %dma_wait3A_105] : memref<8000x384xf32, #tpu.memory_space<hbm>> -> memref<8000x384xf32, #tpu.memory_space<hbm>>
    tpu.wait_indirect_dma semaphore(%arg17 : memref<!tpu.dma_semaphore, #tpu.memory_space<semaphore_mem>>) src(%dma_wait3A_106 : memref<8000x384xf32, #tpu.memory_space<hbm>>) dst(%arg11 : memref<64x384xf32, #tpu.memory_space<vmem>>)
    %scan3A_107 = arith.constant 0 : i32
    %scan3A_108 = arith.constant 64 : i32
    %scan3A_109 = arith.addi %scan3A_107, %scan3A_108 : i32
    %scan3A_110 = arith.constant 1 : i32
    %scan3A_111:8 = scf.for %scan3A_245 = %scan3A_107 to %scan3A_109 step %scan3A_110 iter_args(%scan3A_246 = %broadcast_in_dim3A_73, %scan3A_247 = %broadcast_in_dim3A_75, %scan3A_248 = %broadcast_in_dim3A_77, %scan3A_249 = %broadcast_in_dim3A_79, %scan3A_250 = %broadcast_in_dim3A_81, %scan3A_251 = %broadcast_in_dim3A_83, %scan3A_252 = %broadcast_in_dim3A_85, %scan3A_253 = %broadcast_in_dim3A_87) -> (vector<16xf32>, vector<16xf32>, vector<16xf32>, vector<16xf32>, vector<16xf32>, vector<16xf32>, vector<16xf32>, vector<16xf32>)  : i32 {
      %jit3A_254 = arith.constant 8 : i32
      %div3A = arith.divsi %scan3A_245, %jit3A_254 : i32
      %sign3A = arith.constant 0 : i32
      %sign3A_255 = arith.cmpi sgt, %scan3A_245, %sign3A : i32
      %sign3A_256 = arith.extui %sign3A_255 : i1 to i32
      %sign3A_257 = arith.constant 0 : i32
      %sign3A_258 = arith.cmpi slt, %scan3A_245, %sign3A_257 : i32
      %sign3A_259 = arith.extui %sign3A_258 : i1 to i32
      %sign3A_260 = arith.subi %sign3A_256, %sign3A_259 : i32
      %sign3A_261 = arith.constant 0 : i32
      %sign3A_262 = arith.cmpi sgt, %jit3A_254, %sign3A_261 : i32
      %sign3A_263 = arith.extui %sign3A_262 : i1 to i32
      %sign3A_264 = arith.constant 0 : i32
      %sign3A_265 = arith.cmpi slt, %jit3A_254, %sign3A_264 : i32
      %sign3A_266 = arith.extui %sign3A_265 : i1 to i32
      %sign3A_267 = arith.subi %sign3A_263, %sign3A_266 : i32
      %ne3A_268 = arith.cmpi ne, %sign3A_260, %sign3A_267 : i32
      %rem3A_269 = arith.remsi %scan3A_245, %jit3A_254 : i32
      %ne3A_270 = arith.constant 0 : i32
      %ne3A_271 = arith.cmpi ne, %rem3A_269, %ne3A_270 : i32
      %and3A_272 = arith.andi %ne3A_268, %ne3A_271 : i1
      %sub3A_273 = arith.constant 1 : i32
      %sub3A_274 = arith.subi %div3A, %sub3A_273 : i32
      %select_n3A_275 = arith.select %and3A_272, %sub3A_274, %div3A : i32
      %jit3A_276 = arith.constant 8 : i32
      %eq3A_277 = arith.constant 0 : i32
      %eq3A_278 = arith.cmpi eq, %jit3A_276, %eq3A_277 : i32
      %jit3A_279 = arith.constant 1 : i32
      %select_n3A_280 = arith.select %eq3A_278, %jit3A_279, %jit3A_276 : i32
      %rem3A_281 = arith.remsi %scan3A_245, %select_n3A_280 : i32
      %ne3A_282 = arith.constant 0 : i32
      %ne3A_283 = arith.cmpi ne, %rem3A_281, %ne3A_282 : i32
      %lt3A_284 = arith.constant 0 : i32
      %lt3A_285 = arith.cmpi slt, %rem3A_281, %lt3A_284 : i32
      %lt3A_286 = arith.constant 0 : i32
      %lt3A_287 = arith.cmpi slt, %select_n3A_280, %lt3A_286 : i32
      %ne3A_288 = arith.xori %lt3A_285, %lt3A_287 : i1
      %and3A_289 = arith.andi %ne3A_288, %ne3A_283 : i1
      %add3A_290 = arith.addi %rem3A_281, %select_n3A_280 : i32
      %select_n3A_291 = arith.select %and3A_289, %add3A_290, %rem3A_281 : i32
      %mul3A_292 = arith.constant 384 : i32
      %mul3A_293 = arith.muli %select_n3A_291, %mul3A_292 : i32
      %add3A_294 = arith.constant 0 : i32
      %add3A_295 = arith.addi %mul3A_293, %add3A_294 : i32
      %get3A_296 = arith.index_cast %select_n3A_275 : i32 to index
      %get3A_297 = arith.index_cast %add3A_295 : i32 to index
      %get3A_298 = tpu.vector_load %arg9[%get3A_296, %get3A_297] {strides = array<i32>} : memref<8x3072xf32, #tpu.memory_space<vmem>>, vector<1x16xf32>,
      %get3A_299 = vector.shape_cast %get3A_298 : vector<1x16xf32> to vector<16xf32>
      %get3A_300 = arith.index_cast %scan3A_245 : i32 to index
      %get3A_301 = arith.constant 0 : index
      %get3A_302 = tpu.vector_load %arg11[%get3A_300, %get3A_301] {strides = array<i32>} : memref<64x384xf32, #tpu.memory_space<vmem>>, vector<1x16xf32>,
      %get3A_303 = vector.shape_cast %get3A_302 : vector<1x16xf32> to vector<16xf32>
      %sub3A_304 = arith.subf %get3A_299, %get3A_303 : vector<16xf32>
      %mul3A_305 = arith.mulf %sub3A_304, %sub3A_304 : vector<16xf32>
      %add3A_306 = arith.addf %scan3A_246, %mul3A_305 : vector<16xf32>
      %add3A_307 = arith.constant 16 : i32
      %add3A_308 = arith.addi %mul3A_293, %add3A_307 : i32
      %get3A_309 = arith.index_cast %select_n3A_275 : i32 to index
      %get3A_310 = arith.index_cast %add3A_308 : i32 to index
      %get3A_311 = tpu.vector_load %arg9[%get3A_309, %get3A_310] {strides = array<i32>} : memref<8x3072xf32, #tpu.memory_space<vmem>>, vector<1x16xf32>,
      %get3A_312 = vector.shape_cast %get3A_311 : vector<1x16xf32> to vector<16xf32>
      %get3A_313 = arith.index_cast %scan3A_245 : i32 to index
      %get3A_314 = arith.constant 16 : index
      %get3A_315 = tpu.vector_load %arg11[%get3A_313, %get3A_314] {strides = array<i32>} : memref<64x384xf32, #tpu.memory_space<vmem>>, vector<1x16xf32>,
      %get3A_316 = vector.shape_cast %get3A_315 : vector<1x16xf32> to vector<16xf32>
      %sub3A_317 = arith.subf %get3A_312, %get3A_316 : vector<16xf32>
      %mul3A_318 = arith.mulf %sub3A_317, %sub3A_317 : vector<16xf32>
      %add3A_319 = arith.addf %scan3A_247, %mul3A_318 : vector<16xf32>
      %add3A_320 = arith.constant 32 : i32
      %add3A_321 = arith.addi %mul3A_293, %add3A_320 : i32
      %get3A_322 = arith.index_cast %select_n3A_275 : i32 to index
      %get3A_323 = arith.index_cast %add3A_321 : i32 to index
      %get3A_324 = tpu.vector_load %arg9[%get3A_322, %get3A_323] {strides = array<i32>} : memref<8x3072xf32, #tpu.memory_space<vmem>>, vector<1x16xf32>,
      %get3A_325 = vector.shape_cast %get3A_324 : vector<1x16xf32> to vector<16xf32>
      %get3A_326 = arith.index_cast %scan3A_245 : i32 to index
      %get3A_327 = arith.constant 32 : index
      %get3A_328 = tpu.vector_load %arg11[%get3A_326, %get3A_327] {strides = array<i32>} : memref<64x384xf32, #tpu.memory_space<vmem>>, vector<1x16xf32>,
      %get3A_329 = vector.shape_cast %get3A_328 : vector<1x16xf32> to vector<16xf32>
      %sub3A_330 = arith.subf %get3A_325, %get3A_329 : vector<16xf32>
      %mul3A_331 = arith.mulf %sub3A_330, %sub3A_330 : vector<16xf32>
      %add3A_332 = arith.addf %scan3A_248, %mul3A_331 : vector<16xf32>
      %add3A_333 = arith.constant 48 : i32
      %add3A_334 = arith.addi %mul3A_293, %add3A_333 : i32
      %get3A_335 = arith.index_cast %select_n3A_275 : i32 to index
      %get3A_336 = arith.index_cast %add3A_334 : i32 to index
      %get3A_337 = tpu.vector_load %arg9[%get3A_335, %get3A_336] {strides = array<i32>} : memref<8x3072xf32, #tpu.memory_space<vmem>>, vector<1x16xf32>,
      %get3A_338 = vector.shape_cast %get3A_337 : vector<1x16xf32> to vector<16xf32>
      %get3A_339 = arith.index_cast %scan3A_245 : i32 to index
      %get3A_340 = arith.constant 48 : index
      %get3A_341 = tpu.vector_load %arg11[%get3A_339, %get3A_340] {strides = array<i32>} : memref<64x384xf32, #tpu.memory_space<vmem>>, vector<1x16xf32>,
      %get3A_342 = vector.shape_cast %get3A_341 : vector<1x16xf32> to vector<16xf32>
      %sub3A_343 = arith.subf %get3A_338, %get3A_342 : vector<16xf32>
      %mul3A_344 = arith.mulf %sub3A_343, %sub3A_343 : vector<16xf32>
      %add3A_345 = arith.addf %scan3A_249, %mul3A_344 : vector<16xf32>
      %add3A_346 = arith.constant 64 : i32
      %add3A_347 = arith.addi %mul3A_293, %add3A_346 : i32
      %get3A_348 = arith.index_cast %select_n3A_275 : i32 to index
      %get3A_349 = arith.index_cast %add3A_347 : i32 to index
      %get3A_350 = tpu.vector_load %arg9[%get3A_348, %get3A_349] {strides = array<i32>} : memref<8x3072xf32, #tpu.memory_space<vmem>>, vector<1x16xf32>,
      %get3A_351 = vector.shape_cast %get3A_350 : vector<1x16xf32> to vector<16xf32>
      %get3A_352 = arith.index_cast %scan3A_245 : i32 to index
      %get3A_353 = arith.constant 64 : index
      %get3A_354 = tpu.vector_load %arg11[%get3A_352, %get3A_353] {strides = array<i32>} : memref<64x384xf32, #tpu.memory_space<vmem>>, vector<1x16xf32>,
      %get3A_355 = vector.shape_cast %get3A_354 : vector<1x16xf32> to vector<16xf32>
      %sub3A_356 = arith.subf %get3A_351, %get3A_355 : vector<16xf32>
      %mul3A_357 = arith.mulf %sub3A_356, %sub3A_356 : vector<16xf32>
      %add3A_358 = arith.addf %scan3A_250, %mul3A_357 : vector<16xf32>
      %add3A_359 = arith.constant 80 : i32
      %add3A_360 = arith.addi %mul3A_293, %add3A_359 : i32
      %get3A_361 = arith.index_cast %select_n3A_275 : i32 to index
      %get3A_362 = arith.index_cast %add3A_360 : i32 to index
      %get3A_363 = tpu.vector_load %arg9[%get3A_361, %get3A_362] {strides = array<i32>} : memref<8x3072xf32, #tpu.memory_space<vmem>>, vector<1x16xf32>,
      %get3A_364 = vector.shape_cast %get3A_363 : vector<1x16xf32> to vector<16xf32>
      %get3A_365 = arith.index_cast %scan3A_245 : i32 to index
      %get3A_366 = arith.constant 80 : index
      %get3A_367 = tpu.vector_load %arg11[%get3A_365, %get3A_366] {strides = array<i32>} : memref<64x384xf32, #tpu.memory_space<vmem>>, vector<1x16xf32>,
      %get3A_368 = vector.shape_cast %get3A_367 : vector<1x16xf32> to vector<16xf32>
      %sub3A_369 = arith.subf %get3A_364, %get3A_368 : vector<16xf32>
      %mul3A_370 = arith.mulf %sub3A_369, %sub3A_369 : vector<16xf32>
      %add3A_371 = arith.addf %scan3A_251, %mul3A_370 : vector<16xf32>
      %add3A_372 = arith.constant 96 : i32
      %add3A_373 = arith.addi %mul3A_293, %add3A_372 : i32
      %get3A_374 = arith.index_cast %select_n3A_275 : i32 to index
      %get3A_375 = arith.index_cast %add3A_373 : i32 to index
      %get3A_376 = tpu.vector_load %arg9[%get3A_374, %get3A_375] {strides = array<i32>} : memref<8x3072xf32, #tpu.memory_space<vmem>>, vector<1x16xf32>,
      %get3A_377 = vector.shape_cast %get3A_376 : vector<1x16xf32> to vector<16xf32>
      %get3A_378 = arith.index_cast %scan3A_245 : i32 to index
      %get3A_379 = arith.constant 96 : index
      %get3A_380 = tpu.vector_load %arg11[%get3A_378, %get3A_379] {strides = array<i32>} : memref<64x384xf32, #tpu.memory_space<vmem>>, vector<1x16xf32>,
      %get3A_381 = vector.shape_cast %get3A_380 : vector<1x16xf32> to vector<16xf32>
      %sub3A_382 = arith.subf %get3A_377, %get3A_381 : vector<16xf32>
      %mul3A_383 = arith.mulf %sub3A_382, %sub3A_382 : vector<16xf32>
      %add3A_384 = arith.addf %scan3A_252, %mul3A_383 : vector<16xf32>
      %add3A_385 = arith.constant 112 : i32
      %add3A_386 = arith.addi %mul3A_293, %add3A_385 : i32
      %get3A_387 = arith.index_cast %select_n3A_275 : i32 to index
      %get3A_388 = arith.index_cast %add3A_386 : i32 to index
      %get3A_389 = tpu.vector_load %arg9[%get3A_387, %get3A_388] {strides = array<i32>} : memref<8x3072xf32, #tpu.memory_space<vmem>>, vector<1x16xf32>,
      %get3A_390 = vector.shape_cast %get3A_389 : vector<1x16xf32> to vector<16xf32>
      %get3A_391 = arith.index_cast %scan3A_245 : i32 to index
      %get3A_392 = arith.constant 112 : index
      %get3A_393 = tpu.vector_load %arg11[%get3A_391, %get3A_392] {strides = array<i32>} : memref<64x384xf32, #tpu.memory_space<vmem>>, vector<1x16xf32>,
      %get3A_394 = vector.shape_cast %get3A_393 : vector<1x16xf32> to vector<16xf32>
      %sub3A_395 = arith.subf %get3A_390, %get3A_394 : vector<16xf32>
      %mul3A_396 = arith.mulf %sub3A_395, %sub3A_395 : vector<16xf32>
      %add3A_397 = arith.addf %scan3A_253, %mul3A_396 : vector<16xf32>
      %add3A_398 = arith.constant 128 : i32
      %add3A_399 = arith.addi %mul3A_293, %add3A_398 : i32
      %get3A_400 = arith.index_cast %select_n3A_275 : i32 to index
      %get3A_401 = arith.index_cast %add3A_399 : i32 to index
      %get3A_402 = tpu.vector_load %arg9[%get3A_400, %get3A_401] {strides = array<i32>} : memref<8x3072xf32, #tpu.memory_space<vmem>>, vector<1x16xf32>,
      %get3A_403 = vector.shape_cast %get3A_402 : vector<1x16xf32> to vector<16xf32>
      %get3A_404 = arith.index_cast %scan3A_245 : i32 to index
      %get3A_405 = arith.constant 128 : index
      %get3A_406 = tpu.vector_load %arg11[%get3A_404, %get3A_405] {strides = array<i32>} : memref<64x384xf32, #tpu.memory_space<vmem>>, vector<1x16xf32>,
      %get3A_407 = vector.shape_cast %get3A_406 : vector<1x16xf32> to vector<16xf32>
      %sub3A_408 = arith.subf %get3A_403, %get3A_407 : vector<16xf32>
      %mul3A_409 = arith.mulf %sub3A_408, %sub3A_408 : vector<16xf32>
      %add3A_410 = arith.addf %add3A_306, %mul3A_409 : vector<16xf32>
      %add3A_411 = arith.constant 144 : i32
      %add3A_412 = arith.addi %mul3A_293, %add3A_411 : i32
      %get3A_413 = arith.index_cast %select_n3A_275 : i32 to index
      %get3A_414 = arith.index_cast %add3A_412 : i32 to index
      %get3A_415 = tpu.vector_load %arg9[%get3A_413, %get3A_414] {strides = array<i32>} : memref<8x3072xf32, #tpu.memory_space<vmem>>, vector<1x16xf32>,
      %get3A_416 = vector.shape_cast %get3A_415 : vector<1x16xf32> to vector<16xf32>
      %get3A_417 = arith.index_cast %scan3A_245 : i32 to index
      %get3A_418 = arith.constant 144 : index
      %get3A_419 = tpu.vector_load %arg11[%get3A_417, %get3A_418] {strides = array<i32>} : memref<64x384xf32, #tpu.memory_space<vmem>>, vector<1x16xf32>,
      %get3A_420 = vector.shape_cast %get3A_419 : vector<1x16xf32> to vector<16xf32>
      %sub3A_421 = arith.subf %get3A_416, %get3A_420 : vector<16xf32>
      %mul3A_422 = arith.mulf %sub3A_421, %sub3A_421 : vector<16xf32>
      %add3A_423 = arith.addf %add3A_319, %mul3A_422 : vector<16xf32>
      %add3A_424 = arith.constant 160 : i32
      %add3A_425 = arith.addi %mul3A_293, %add3A_424 : i32
      %get3A_426 = arith.index_cast %select_n3A_275 : i32 to index
      %get3A_427 = arith.index_cast %add3A_425 : i32 to index
      %get3A_428 = tpu.vector_load %arg9[%get3A_426, %get3A_427] {strides = array<i32>} : memref<8x3072xf32, #tpu.memory_space<vmem>>, vector<1x16xf32>,
      %get3A_429 = vector.shape_cast %get3A_428 : vector<1x16xf32> to vector<16xf32>
      %get3A_430 = arith.index_cast %scan3A_245 : i32 to index
      %get3A_431 = arith.constant 160 : index
      %get3A_432 = tpu.vector_load %arg11[%get3A_430, %get3A_431] {strides = array<i32>} : memref<64x384xf32, #tpu.memory_space<vmem>>, vector<1x16xf32>,
      %get3A_433 = vector.shape_cast %get3A_432 : vector<1x16xf32> to vector<16xf32>
      %sub3A_434 = arith.subf %get3A_429, %get3A_433 : vector<16xf32>
      %mul3A_435 = arith.mulf %sub3A_434, %sub3A_434 : vector<16xf32>
      %add3A_436 = arith.addf %add3A_332, %mul3A_435 : vector<16xf32>
      %add3A_437 = arith.constant 176 : i32
      %add3A_438 = arith.addi %mul3A_293, %add3A_437 : i32
      %get3A_439 = arith.index_cast %select_n3A_275 : i32 to index
      %get3A_440 = arith.index_cast %add3A_438 : i32 to index
      %get3A_441 = tpu.vector_load %arg9[%get3A_439, %get3A_440] {strides = array<i32>} : memref<8x3072xf32, #tpu.memory_space<vmem>>, vector<1x16xf32>,
      %get3A_442 = vector.shape_cast %get3A_441 : vector<1x16xf32> to vector<16xf32>
      %get3A_443 = arith.index_cast %scan3A_245 : i32 to index
      %get3A_444 = arith.constant 176 : index
      %get3A_445 = tpu.vector_load %arg11[%get3A_443, %get3A_444] {strides = array<i32>} : memref<64x384xf32, #tpu.memory_space<vmem>>, vector<1x16xf32>,
      %get3A_446 = vector.shape_cast %get3A_445 : vector<1x16xf32> to vector<16xf32>
      %sub3A_447 = arith.subf %get3A_442, %get3A_446 : vector<16xf32>
      %mul3A_448 = arith.mulf %sub3A_447, %sub3A_447 : vector<16xf32>
      %add3A_449 = arith.addf %add3A_345, %mul3A_448 : vector<16xf32>
      %add3A_450 = arith.constant 192 : i32
      %add3A_451 = arith.addi %mul3A_293, %add3A_450 : i32
      %get3A_452 = arith.index_cast %select_n3A_275 : i32 to index
      %get3A_453 = arith.index_cast %add3A_451 : i32 to index
      %get3A_454 = tpu.vector_load %arg9[%get3A_452, %get3A_453] {strides = array<i32>} : memref<8x3072xf32, #tpu.memory_space<vmem>>, vector<1x16xf32>,
      %get3A_455 = vector.shape_cast %get3A_454 : vector<1x16xf32> to vector<16xf32>
      %get3A_456 = arith.index_cast %scan3A_245 : i32 to index
      %get3A_457 = arith.constant 192 : index
      %get3A_458 = tpu.vector_load %arg11[%get3A_456, %get3A_457] {strides = array<i32>} : memref<64x384xf32, #tpu.memory_space<vmem>>, vector<1x16xf32>,
      %get3A_459 = vector.shape_cast %get3A_458 : vector<1x16xf32> to vector<16xf32>
      %sub3A_460 = arith.subf %get3A_455, %get3A_459 : vector<16xf32>
      %mul3A_461 = arith.mulf %sub3A_460, %sub3A_460 : vector<16xf32>
      %add3A_462 = arith.addf %add3A_358, %mul3A_461 : vector<16xf32>
      %add3A_463 = arith.constant 208 : i32
      %add3A_464 = arith.addi %mul3A_293, %add3A_463 : i32
      %get3A_465 = arith.index_cast %select_n3A_275 : i32 to index
      %get3A_466 = arith.index_cast %add3A_464 : i32 to index
      %get3A_467 = tpu.vector_load %arg9[%get3A_465, %get3A_466] {strides = array<i32>} : memref<8x3072xf32, #tpu.memory_space<vmem>>, vector<1x16xf32>,
      %get3A_468 = vector.shape_cast %get3A_467 : vector<1x16xf32> to vector<16xf32>
      %get3A_469 = arith.index_cast %scan3A_245 : i32 to index
      %get3A_470 = arith.constant 208 : index
      %get3A_471 = tpu.vector_load %arg11[%get3A_469, %get3A_470] {strides = array<i32>} : memref<64x384xf32, #tpu.memory_space<vmem>>, vector<1x16xf32>,
      %get3A_472 = vector.shape_cast %get3A_471 : vector<1x16xf32> to vector<16xf32>
      %sub3A_473 = arith.subf %get3A_468, %get3A_472 : vector<16xf32>
      %mul3A_474 = arith.mulf %sub3A_473, %sub3A_473 : vector<16xf32>
      %add3A_475 = arith.addf %add3A_371, %mul3A_474 : vector<16xf32>
      %add3A_476 = arith.constant 224 : i32
      %add3A_477 = arith.addi %mul3A_293, %add3A_476 : i32
      %get3A_478 = arith.index_cast %select_n3A_275 : i32 to index
      %get3A_479 = arith.index_cast %add3A_477 : i32 to index
      %get3A_480 = tpu.vector_load %arg9[%get3A_478, %get3A_479] {strides = array<i32>} : memref<8x3072xf32, #tpu.memory_space<vmem>>, vector<1x16xf32>,
      %get3A_481 = vector.shape_cast %get3A_480 : vector<1x16xf32> to vector<16xf32>
      %get3A_482 = arith.index_cast %scan3A_245 : i32 to index
      %get3A_483 = arith.constant 224 : index
      %get3A_484 = tpu.vector_load %arg11[%get3A_482, %get3A_483] {strides = array<i32>} : memref<64x384xf32, #tpu.memory_space<vmem>>, vector<1x16xf32>,
      %get3A_485 = vector.shape_cast %get3A_484 : vector<1x16xf32> to vector<16xf32>
      %sub3A_486 = arith.subf %get3A_481, %get3A_485 : vector<16xf32>
      %mul3A_487 = arith.mulf %sub3A_486, %sub3A_486 : vector<16xf32>
      %add3A_488 = arith.addf %add3A_384, %mul3A_487 : vector<16xf32>
      %add3A_489 = arith.constant 240 : i32
      %add3A_490 = arith.addi %mul3A_293, %add3A_489 : i32
      %get3A_491 = arith.index_cast %select_n3A_275 : i32 to index
      %get3A_492 = arith.index_cast %add3A_490 : i32 to index
      %get3A_493 = tpu.vector_load %arg9[%get3A_491, %get3A_492] {strides = array<i32>} : memref<8x3072xf32, #tpu.memory_space<vmem>>, vector<1x16xf32>,
      %get3A_494 = vector.shape_cast %get3A_493 : vector<1x16xf32> to vector<16xf32>
      %get3A_495 = arith.index_cast %scan3A_245 : i32 to index
      %get3A_496 = arith.constant 240 : index
      %get3A_497 = tpu.vector_load %arg11[%get3A_495, %get3A_496] {strides = array<i32>} : memref<64x384xf32, #tpu.memory_space<vmem>>, vector<1x16xf32>,
      %get3A_498 = vector.shape_cast %get3A_497 : vector<1x16xf32> to vector<16xf32>
      %sub3A_499 = arith.subf %get3A_494, %get3A_498 : vector<16xf32>
      %mul3A_500 = arith.mulf %sub3A_499, %sub3A_499 : vector<16xf32>
      %add3A_501 = arith.addf %add3A_397, %mul3A_500 : vector<16xf32>
      %add3A_502 = arith.constant 256 : i32
      %add3A_503 = arith.addi %mul3A_293, %add3A_502 : i32
      %get3A_504 = arith.index_cast %select_n3A_275 : i32 to index
      %get3A_505 = arith.index_cast %add3A_503 : i32 to index
      %get3A_506 = tpu.vector_load %arg9[%get3A_504, %get3A_505] {strides = array<i32>} : memref<8x3072xf32, #tpu.memory_space<vmem>>, vector<1x16xf32>,
      %get3A_507 = vector.shape_cast %get3A_506 : vector<1x16xf32> to vector<16xf32>
      %get3A_508 = arith.index_cast %scan3A_245 : i32 to index
      %get3A_509 = arith.constant 256 : index
      %get3A_510 = tpu.vector_load %arg11[%get3A_508, %get3A_509] {strides = array<i32>} : memref<64x384xf32, #tpu.memory_space<vmem>>, vector<1x16xf32>,
      %get3A_511 = vector.shape_cast %get3A_510 : vector<1x16xf32> to vector<16xf32>
      %sub3A_512 = arith.subf %get3A_507, %get3A_511 : vector<16xf32>
      %mul3A_513 = arith.mulf %sub3A_512, %sub3A_512 : vector<16xf32>
      %add3A_514 = arith.addf %add3A_410, %mul3A_513 : vector<16xf32>
      %add3A_515 = arith.constant 272 : i32
      %add3A_516 = arith.addi %mul3A_293, %add3A_515 : i32
      %get3A_517 = arith.index_cast %select_n3A_275 : i32 to index
      %get3A_518 = arith.index_cast %add3A_516 : i32 to index
      %get3A_519 = tpu.vector_load %arg9[%get3A_517, %get3A_518] {strides = array<i32>} : memref<8x3072xf32, #tpu.memory_space<vmem>>, vector<1x16xf32>,
      %get3A_520 = vector.shape_cast %get3A_519 : vector<1x16xf32> to vector<16xf32>
      %get3A_521 = arith.index_cast %scan3A_245 : i32 to index
      %get3A_522 = arith.constant 272 : index
      %get3A_523 = tpu.vector_load %arg11[%get3A_521, %get3A_522] {strides = array<i32>} : memref<64x384xf32, #tpu.memory_space<vmem>>, vector<1x16xf32>,
      %get3A_524 = vector.shape_cast %get3A_523 : vector<1x16xf32> to vector<16xf32>
      %sub3A_525 = arith.subf %get3A_520, %get3A_524 : vector<16xf32>
      %mul3A_526 = arith.mulf %sub3A_525, %sub3A_525 : vector<16xf32>
      %add3A_527 = arith.addf %add3A_423, %mul3A_526 : vector<16xf32>
      %add3A_528 = arith.constant 288 : i32
      %add3A_529 = arith.addi %mul3A_293, %add3A_528 : i32
      %get3A_530 = arith.index_cast %select_n3A_275 : i32 to index
      %get3A_531 = arith.index_cast %add3A_529 : i32 to index
      %get3A_532 = tpu.vector_load %arg9[%get3A_530, %get3A_531] {strides = array<i32>} : memref<8x3072xf32, #tpu.memory_space<vmem>>, vector<1x16xf32>,
      %get3A_533 = vector.shape_cast %get3A_532 : vector<1x16xf32> to vector<16xf32>
      %get3A_534 = arith.index_cast %scan3A_245 : i32 to index
      %get3A_535 = arith.constant 288 : index
      %get3A_536 = tpu.vector_load %arg11[%get3A_534, %get3A_535] {strides = array<i32>} : memref<64x384xf32, #tpu.memory_space<vmem>>, vector<1x16xf32>,
      %get3A_537 = vector.shape_cast %get3A_536 : vector<1x16xf32> to vector<16xf32>
      %sub3A_538 = arith.subf %get3A_533, %get3A_537 : vector<16xf32>
      %mul3A_539 = arith.mulf %sub3A_538, %sub3A_538 : vector<16xf32>
      %add3A_540 = arith.addf %add3A_436, %mul3A_539 : vector<16xf32>
      %add3A_541 = arith.constant 304 : i32
      %add3A_542 = arith.addi %mul3A_293, %add3A_541 : i32
      %get3A_543 = arith.index_cast %select_n3A_275 : i32 to index
      %get3A_544 = arith.index_cast %add3A_542 : i32 to index
      %get3A_545 = tpu.vector_load %arg9[%get3A_543, %get3A_544] {strides = array<i32>} : memref<8x3072xf32, #tpu.memory_space<vmem>>, vector<1x16xf32>,
      %get3A_546 = vector.shape_cast %get3A_545 : vector<1x16xf32> to vector<16xf32>
      %get3A_547 = arith.index_cast %scan3A_245 : i32 to index
      %get3A_548 = arith.constant 304 : index
      %get3A_549 = tpu.vector_load %arg11[%get3A_547, %get3A_548] {strides = array<i32>} : memref<64x384xf32, #tpu.memory_space<vmem>>, vector<1x16xf32>,
      %get3A_550 = vector.shape_cast %get3A_549 : vector<1x16xf32> to vector<16xf32>
      %sub3A_551 = arith.subf %get3A_546, %get3A_550 : vector<16xf32>
      %mul3A_552 = arith.mulf %sub3A_551, %sub3A_551 : vector<16xf32>
      %add3A_553 = arith.addf %add3A_449, %mul3A_552 : vector<16xf32>
      %add3A_554 = arith.constant 320 : i32
      %add3A_555 = arith.addi %mul3A_293, %add3A_554 : i32
      %get3A_556 = arith.index_cast %select_n3A_275 : i32 to index
      %get3A_557 = arith.index_cast %add3A_555 : i32 to index
      %get3A_558 = tpu.vector_load %arg9[%get3A_556, %get3A_557] {strides = array<i32>} : memref<8x3072xf32, #tpu.memory_space<vmem>>, vector<1x16xf32>,
      %get3A_559 = vector.shape_cast %get3A_558 : vector<1x16xf32> to vector<16xf32>
      %get3A_560 = arith.index_cast %scan3A_245 : i32 to index
      %get3A_561 = arith.constant 320 : index
      %get3A_562 = tpu.vector_load %arg11[%get3A_560, %get3A_561] {strides = array<i32>} : memref<64x384xf32, #tpu.memory_space<vmem>>, vector<1x16xf32>,
      %get3A_563 = vector.shape_cast %get3A_562 : vector<1x16xf32> to vector<16xf32>
      %sub3A_564 = arith.subf %get3A_559, %get3A_563 : vector<16xf32>
      %mul3A_565 = arith.mulf %sub3A_564, %sub3A_564 : vector<16xf32>
      %add3A_566 = arith.addf %add3A_462, %mul3A_565 : vector<16xf32>
      %add3A_567 = arith.constant 336 : i32
      %add3A_568 = arith.addi %mul3A_293, %add3A_567 : i32
      %get3A_569 = arith.index_cast %select_n3A_275 : i32 to index
      %get3A_570 = arith.index_cast %add3A_568 : i32 to index
      %get3A_571 = tpu.vector_load %arg9[%get3A_569, %get3A_570] {strides = array<i32>} : memref<8x3072xf32, #tpu.memory_space<vmem>>, vector<1x16xf32>,
      %get3A_572 = vector.shape_cast %get3A_571 : vector<1x16xf32> to vector<16xf32>
      %get3A_573 = arith.index_cast %scan3A_245 : i32 to index
      %get3A_574 = arith.constant 336 : index
      %get3A_575 = tpu.vector_load %arg11[%get3A_573, %get3A_574] {strides = array<i32>} : memref<64x384xf32, #tpu.memory_space<vmem>>, vector<1x16xf32>,
      %get3A_576 = vector.shape_cast %get3A_575 : vector<1x16xf32> to vector<16xf32>
      %sub3A_577 = arith.subf %get3A_572, %get3A_576 : vector<16xf32>
      %mul3A_578 = arith.mulf %sub3A_577, %sub3A_577 : vector<16xf32>
      %add3A_579 = arith.addf %add3A_475, %mul3A_578 : vector<16xf32>
      %add3A_580 = arith.constant 352 : i32
      %add3A_581 = arith.addi %mul3A_293, %add3A_580 : i32
      %get3A_582 = arith.index_cast %select_n3A_275 : i32 to index
      %get3A_583 = arith.index_cast %add3A_581 : i32 to index
      %get3A_584 = tpu.vector_load %arg9[%get3A_582, %get3A_583] {strides = array<i32>} : memref<8x3072xf32, #tpu.memory_space<vmem>>, vector<1x16xf32>,
      %get3A_585 = vector.shape_cast %get3A_584 : vector<1x16xf32> to vector<16xf32>
      %get3A_586 = arith.index_cast %scan3A_245 : i32 to index
      %get3A_587 = arith.constant 352 : index
      %get3A_588 = tpu.vector_load %arg11[%get3A_586, %get3A_587] {strides = array<i32>} : memref<64x384xf32, #tpu.memory_space<vmem>>, vector<1x16xf32>,
      %get3A_589 = vector.shape_cast %get3A_588 : vector<1x16xf32> to vector<16xf32>
      %sub3A_590 = arith.subf %get3A_585, %get3A_589 : vector<16xf32>
      %mul3A_591 = arith.mulf %sub3A_590, %sub3A_590 : vector<16xf32>
      %add3A_592 = arith.addf %add3A_488, %mul3A_591 : vector<16xf32>
      %add3A_593 = arith.constant 368 : i32
      %add3A_594 = arith.addi %mul3A_293, %add3A_593 : i32
      %get3A_595 = arith.index_cast %select_n3A_275 : i32 to index
      %get3A_596 = arith.index_cast %add3A_594 : i32 to index
      %get3A_597 = tpu.vector_load %arg9[%get3A_595, %get3A_596] {strides = array<i32>} : memref<8x3072xf32, #tpu.memory_space<vmem>>, vector<1x16xf32>,
      %get3A_598 = vector.shape_cast %get3A_597 : vector<1x16xf32> to vector<16xf32>
      %get3A_599 = arith.index_cast %scan3A_245 : i32 to index
      %get3A_600 = arith.constant 368 : index
      %get3A_601 = tpu.vector_load %arg11[%get3A_599, %get3A_600] {strides = array<i32>} : memref<64x384xf32, #tpu.memory_space<vmem>>, vector<1x16xf32>,
      %get3A_602 = vector.shape_cast %get3A_601 : vector<1x16xf32> to vector<16xf32>
      %sub3A_603 = arith.subf %get3A_598, %get3A_602 : vector<16xf32>
      %mul3A_604 = arith.mulf %sub3A_603, %sub3A_603 : vector<16xf32>
      %add3A_605 = arith.addf %add3A_501, %mul3A_604 : vector<16xf32>
      scf.yield %add3A_514, %add3A_527, %add3A_540, %add3A_553, %add3A_566, %add3A_579, %add3A_592, %add3A_605 : vector<16xf32>, vector<16xf32>, vector<16xf32>, vector<16xf32>, vector<16xf32>, vector<16xf32>, vector<16xf32>, vector<16xf32>
    }
    %scan3A_112 = arith.constant 64 : i32
    %add3A_113 = arith.constant 16 : i32
    %add3A_114 = arith.addi %mul3A_2, %add3A_113 : i32
    %dma_start3A_115 = arith.constant 0 : i32
    %dma_start3A_116 = tpu.memref_slice %arg2[%add3A_114, %dma_start3A_115] : memref<4096x3072xf32, #tpu.memory_space<hbm>> -> memref<8x3072xf32, #tpu.memory_space<hbm>>
    %dma_start3A_117 = arith.constant 0 : i32
    %dma_start3A_118 = tpu.memref_slice %arg2[%add3A_114, %dma_start3A_117] : memref<4096x3072xf32, #tpu.memory_space<hbm>> -> memref<8x3072xf32, #tpu.memory_space<hbm>>
    tpu.enqueue_dma source(%dma_start3A_118 : memref<8x3072xf32, #tpu.memory_space<hbm>>) target(%arg9 : memref<8x3072xf32, #tpu.memory_space<vmem>>) target_semaphore(%arg15 : memref<!tpu.dma_semaphore, #tpu.memory_space<semaphore_mem>>)
    %dma_start3A_119 = arith.constant 128 : i32
    %dma_start3A_120 = tpu.memref_slice %arg8[%dma_start3A_119] : memref<384xi32, #tpu.memory_space<vmem>> -> memref<64xi32, #tpu.memory_space<vmem>>
    %dma_start3A_121 = arith.constant 0 : i32
    %dma_start3A_122 = arith.constant 0 : i32
    %dma_start3A_123 = tpu.memref_slice %arg5[%dma_start3A_121, %dma_start3A_122] : memref<8000x384xf32, #tpu.memory_space<hbm>> -> memref<8000x384xf32, #tpu.memory_space<hbm>>
    tpu.enqueue_indirect_dma source(%dma_start3A_123 : memref<8000x384xf32, #tpu.memory_space<hbm>>) target(%arg11 : memref<64x384xf32, #tpu.memory_space<vmem>>) offsets(%dma_start3A_120 : memref<64xi32, #tpu.memory_space<vmem>>) semaphore(%arg17 : memref<!tpu.dma_semaphore, #tpu.memory_space<semaphore_mem>>)
    %dma_wait3A_124 = arith.constant 0 : i32
    %dma_wait3A_125 = tpu.memref_slice %arg2[%add3A_89, %dma_wait3A_124] : memref<4096x3072xf32, #tpu.memory_space<hbm>> -> memref<8x3072xf32, #tpu.memory_space<hbm>>
    %dma_wait3A_126 = arith.constant 0 : i32
    %dma_wait3A_127 = tpu.memref_slice %arg2[%add3A_89, %dma_wait3A_126] : memref<4096x3072xf32, #tpu.memory_space<hbm>> -> memref<8x3072xf32, #tpu.memory_space<hbm>>
    tpu.wait_dma2 semaphore(%arg16 : memref<!tpu.dma_semaphore, #tpu.memory_space<semaphore_mem>>) src(%dma_wait3A_127 : memref<8x3072xf32, #tpu.memory_space<hbm>>) dst(%arg10 : memref<8x3072xf32, #tpu.memory_space<vmem>>)
    %dma_wait3A_128 = arith.constant 64 : i32
    %dma_wait3A_129 = tpu.memref_slice %arg8[%dma_wait3A_128] : memref<384xi32, #tpu.memory_space<vmem>> -> memref<64xi32, #tpu.memory_space<vmem>>
    %dma_wait3A_130 = arith.constant 0 : i32
    %dma_wait3A_131 = arith.constant 0 : i32
    %dma_wait3A_132 = tpu.memref_slice %arg5[%dma_wait3A_130, %dma_wait3A_131] : memref<8000x384xf32, #tpu.memory_space<hbm>> -> memref<8000x384xf32, #tpu.memory_space<hbm>>
    tpu.wait_indirect_dma semaphore(%arg18 : memref<!tpu.dma_semaphore, #tpu.memory_space<semaphore_mem>>) src(%dma_wait3A_132 : memref<8000x384xf32, #tpu.memory_space<hbm>>) dst(%arg12 : memref<64x384xf32, #tpu.memory_space<vmem>>)
    %scan3A_133 = arith.constant 0 : i32
    %scan3A_134 = arith.constant 64 : i32
    %scan3A_135 = arith.addi %scan3A_133, %scan3A_134 : i32
    %scan3A_136 = arith.constant 1 : i32
    %scan3A_137:8 = scf.for %scan3A_245 = %scan3A_133 to %scan3A_135 step %scan3A_136 iter_args(%scan3A_246 = %scan3A_111#0, %scan3A_247 = %scan3A_111#1, %scan3A_248 = %scan3A_111#2, %scan3A_249 = %scan3A_111#3, %scan3A_250 = %scan3A_111#4, %scan3A_251 = %scan3A_111#5, %scan3A_252 = %scan3A_111#6, %scan3A_253 = %scan3A_111#7) -> (vector<16xf32>, vector<16xf32>, vector<16xf32>, vector<16xf32>, vector<16xf32>, vector<16xf32>, vector<16xf32>, vector<16xf32>)  : i32 {
      %jit3A_254 = arith.constant 8 : i32
      %div3A = arith.divsi %scan3A_245, %jit3A_254 : i32
      %sign3A = arith.constant 0 : i32
      %sign3A_255 = arith.cmpi sgt, %scan3A_245, %sign3A : i32
      %sign3A_256 = arith.extui %sign3A_255 : i1 to i32
      %sign3A_257 = arith.constant 0 : i32
      %sign3A_258 = arith.cmpi slt, %scan3A_245, %sign3A_257 : i32
      %sign3A_259 = arith.extui %sign3A_258 : i1 to i32
      %sign3A_260 = arith.subi %sign3A_256, %sign3A_259 : i32
      %sign3A_261 = arith.constant 0 : i32
      %sign3A_262 = arith.cmpi sgt, %jit3A_254, %sign3A_261 : i32
      %sign3A_263 = arith.extui %sign3A_262 : i1 to i32
      %sign3A_264 = arith.constant 0 : i32
      %sign3A_265 = arith.cmpi slt, %jit3A_254, %sign3A_264 : i32
      %sign3A_266 = arith.extui %sign3A_265 : i1 to i32
      %sign3A_267 = arith.subi %sign3A_263, %sign3A_266 : i32
      %ne3A_268 = arith.cmpi ne, %sign3A_260, %sign3A_267 : i32
      %rem3A_269 = arith.remsi %scan3A_245, %jit3A_254 : i32
      %ne3A_270 = arith.constant 0 : i32
      %ne3A_271 = arith.cmpi ne, %rem3A_269, %ne3A_270 : i32
      %and3A_272 = arith.andi %ne3A_268, %ne3A_271 : i1
      %sub3A_273 = arith.constant 1 : i32
      %sub3A_274 = arith.subi %div3A, %sub3A_273 : i32
      %select_n3A_275 = arith.select %and3A_272, %sub3A_274, %div3A : i32
      %jit3A_276 = arith.constant 8 : i32
      %eq3A_277 = arith.constant 0 : i32
      %eq3A_278 = arith.cmpi eq, %jit3A_276, %eq3A_277 : i32
      %jit3A_279 = arith.constant 1 : i32
      %select_n3A_280 = arith.select %eq3A_278, %jit3A_279, %jit3A_276 : i32
      %rem3A_281 = arith.remsi %scan3A_245, %select_n3A_280 : i32
      %ne3A_282 = arith.constant 0 : i32
      %ne3A_283 = arith.cmpi ne, %rem3A_281, %ne3A_282 : i32
      %lt3A_284 = arith.constant 0 : i32
      %lt3A_285 = arith.cmpi slt, %rem3A_281, %lt3A_284 : i32
      %lt3A_286 = arith.constant 0 : i32
      %lt3A_287 = arith.cmpi slt, %select_n3A_280, %lt3A_286 : i32
      %ne3A_288 = arith.xori %lt3A_285, %lt3A_287 : i1
      %and3A_289 = arith.andi %ne3A_288, %ne3A_283 : i1
      %add3A_290 = arith.addi %rem3A_281, %select_n3A_280 : i32
      %select_n3A_291 = arith.select %and3A_289, %add3A_290, %rem3A_281 : i32
      %mul3A_292 = arith.constant 384 : i32
      %mul3A_293 = arith.muli %select_n3A_291, %mul3A_292 : i32
      %add3A_294 = arith.constant 0 : i32
      %add3A_295 = arith.addi %mul3A_293, %add3A_294 : i32
      %get3A_296 = arith.index_cast %select_n3A_275 : i32 to index
      %get3A_297 = arith.index_cast %add3A_295 : i32 to index
      %get3A_298 = tpu.vector_load %arg10[%get3A_296, %get3A_297] {strides = array<i32>} : memref<8x3072xf32, #tpu.memory_space<vmem>>, vector<1x16xf32>,
      %get3A_299 = vector.shape_cast %get3A_298 : vector<1x16xf32> to vector<16xf32>
      %get3A_300 = arith.index_cast %scan3A_245 : i32 to index
      %get3A_301 = arith.constant 0 : index
      %get3A_302 = tpu.vector_load %arg12[%get3A_300, %get3A_301] {strides = array<i32>} : memref<64x384xf32, #tpu.memory_space<vmem>>, vector<1x16xf32>,
      %get3A_303 = vector.shape_cast %get3A_302 : vector<1x16xf32> to vector<16xf32>
      %sub3A_304 = arith.subf %get3A_299, %get3A_303 : vector<16xf32>
      %mul3A_305 = arith.mulf %sub3A_304, %sub3A_304 : vector<16xf32>
      %add3A_306 = arith.addf %scan3A_246, %mul3A_305 : vector<16xf32>
      %add3A_307 = arith.constant 16 : i32
      %add3A_308 = arith.addi %mul3A_293, %add3A_307 : i32
      %get3A_309 = arith.index_cast %select_n3A_275 : i32 to index
      %get3A_310 = arith.index_cast %add3A_308 : i32 to index
      %get3A_311 = tpu.vector_load %arg10[%get3A_309, %get3A_310] {strides = array<i32>} : memref<8x3072xf32, #tpu.memory_space<vmem>>, vector<1x16xf32>,
      %get3A_312 = vector.shape_cast %get3A_311 : vector<1x16xf32> to vector<16xf32>
      %get3A_313 = arith.index_cast %scan3A_245 : i32 to index
      %get3A_314 = arith.constant 16 : index
      %get3A_315 = tpu.vector_load %arg12[%get3A_313, %get3A_314] {strides = array<i32>} : memref<64x384xf32, #tpu.memory_space<vmem>>, vector<1x16xf32>,
      %get3A_316 = vector.shape_cast %get3A_315 : vector<1x16xf32> to vector<16xf32>
      %sub3A_317 = arith.subf %get3A_312, %get3A_316 : vector<16xf32>
      %mul3A_318 = arith.mulf %sub3A_317, %sub3A_317 : vector<16xf32>
      %add3A_319 = arith.addf %scan3A_247, %mul3A_318 : vector<16xf32>
      %add3A_320 = arith.constant 32 : i32
      %add3A_321 = arith.addi %mul3A_293, %add3A_320 : i32
      %get3A_322 = arith.index_cast %select_n3A_275 : i32 to index
      %get3A_323 = arith.index_cast %add3A_321 : i32 to index
      %get3A_324 = tpu.vector_load %arg10[%get3A_322, %get3A_323] {strides = array<i32>} : memref<8x3072xf32, #tpu.memory_space<vmem>>, vector<1x16xf32>,
      %get3A_325 = vector.shape_cast %get3A_324 : vector<1x16xf32> to vector<16xf32>
      %get3A_326 = arith.index_cast %scan3A_245 : i32 to index
      %get3A_327 = arith.constant 32 : index
      %get3A_328 = tpu.vector_load %arg12[%get3A_326, %get3A_327] {strides = array<i32>} : memref<64x384xf32, #tpu.memory_space<vmem>>, vector<1x16xf32>,
      %get3A_329 = vector.shape_cast %get3A_328 : vector<1x16xf32> to vector<16xf32>
      %sub3A_330 = arith.subf %get3A_325, %get3A_329 : vector<16xf32>
      %mul3A_331 = arith.mulf %sub3A_330, %sub3A_330 : vector<16xf32>
      %add3A_332 = arith.addf %scan3A_248, %mul3A_331 : vector<16xf32>
      %add3A_333 = arith.constant 48 : i32
      %add3A_334 = arith.addi %mul3A_293, %add3A_333 : i32
      %get3A_335 = arith.index_cast %select_n3A_275 : i32 to index
      %get3A_336 = arith.index_cast %add3A_334 : i32 to index
      %get3A_337 = tpu.vector_load %arg10[%get3A_335, %get3A_336] {strides = array<i32>} : memref<8x3072xf32, #tpu.memory_space<vmem>>, vector<1x16xf32>,
      %get3A_338 = vector.shape_cast %get3A_337 : vector<1x16xf32> to vector<16xf32>
      %get3A_339 = arith.index_cast %scan3A_245 : i32 to index
      %get3A_340 = arith.constant 48 : index
      %get3A_341 = tpu.vector_load %arg12[%get3A_339, %get3A_340] {strides = array<i32>} : memref<64x384xf32, #tpu.memory_space<vmem>>, vector<1x16xf32>,
      %get3A_342 = vector.shape_cast %get3A_341 : vector<1x16xf32> to vector<16xf32>
      %sub3A_343 = arith.subf %get3A_338, %get3A_342 : vector<16xf32>
      %mul3A_344 = arith.mulf %sub3A_343, %sub3A_343 : vector<16xf32>
      %add3A_345 = arith.addf %scan3A_249, %mul3A_344 : vector<16xf32>
      %add3A_346 = arith.constant 64 : i32
      %add3A_347 = arith.addi %mul3A_293, %add3A_346 : i32
      %get3A_348 = arith.index_cast %select_n3A_275 : i32 to index
      %get3A_349 = arith.index_cast %add3A_347 : i32 to index
      %get3A_350 = tpu.vector_load %arg10[%get3A_348, %get3A_349] {strides = array<i32>} : memref<8x3072xf32, #tpu.memory_space<vmem>>, vector<1x16xf32>,
      %get3A_351 = vector.shape_cast %get3A_350 : vector<1x16xf32> to vector<16xf32>
      %get3A_352 = arith.index_cast %scan3A_245 : i32 to index
      %get3A_353 = arith.constant 64 : index
      %get3A_354 = tpu.vector_load %arg12[%get3A_352, %get3A_353] {strides = array<i32>} : memref<64x384xf32, #tpu.memory_space<vmem>>, vector<1x16xf32>,
      %get3A_355 = vector.shape_cast %get3A_354 : vector<1x16xf32> to vector<16xf32>
      %sub3A_356 = arith.subf %get3A_351, %get3A_355 : vector<16xf32>
      %mul3A_357 = arith.mulf %sub3A_356, %sub3A_356 : vector<16xf32>
      %add3A_358 = arith.addf %scan3A_250, %mul3A_357 : vector<16xf32>
      %add3A_359 = arith.constant 80 : i32
      %add3A_360 = arith.addi %mul3A_293, %add3A_359 : i32
      %get3A_361 = arith.index_cast %select_n3A_275 : i32 to index
      %get3A_362 = arith.index_cast %add3A_360 : i32 to index
      %get3A_363 = tpu.vector_load %arg10[%get3A_361, %get3A_362] {strides = array<i32>} : memref<8x3072xf32, #tpu.memory_space<vmem>>, vector<1x16xf32>,
      %get3A_364 = vector.shape_cast %get3A_363 : vector<1x16xf32> to vector<16xf32>
      %get3A_365 = arith.index_cast %scan3A_245 : i32 to index
      %get3A_366 = arith.constant 80 : index
      %get3A_367 = tpu.vector_load %arg12[%get3A_365, %get3A_366] {strides = array<i32>} : memref<64x384xf32, #tpu.memory_space<vmem>>, vector<1x16xf32>,
      %get3A_368 = vector.shape_cast %get3A_367 : vector<1x16xf32> to vector<16xf32>
      %sub3A_369 = arith.subf %get3A_364, %get3A_368 : vector<16xf32>
      %mul3A_370 = arith.mulf %sub3A_369, %sub3A_369 : vector<16xf32>
      %add3A_371 = arith.addf %scan3A_251, %mul3A_370 : vector<16xf32>
      %add3A_372 = arith.constant 96 : i32
      %add3A_373 = arith.addi %mul3A_293, %add3A_372 : i32
      %get3A_374 = arith.index_cast %select_n3A_275 : i32 to index
      %get3A_375 = arith.index_cast %add3A_373 : i32 to index
      %get3A_376 = tpu.vector_load %arg10[%get3A_374, %get3A_375] {strides = array<i32>} : memref<8x3072xf32, #tpu.memory_space<vmem>>, vector<1x16xf32>,
      %get3A_377 = vector.shape_cast %get3A_376 : vector<1x16xf32> to vector<16xf32>
      %get3A_378 = arith.index_cast %scan3A_245 : i32 to index
      %get3A_379 = arith.constant 96 : index
      %get3A_380 = tpu.vector_load %arg12[%get3A_378, %get3A_379] {strides = array<i32>} : memref<64x384xf32, #tpu.memory_space<vmem>>, vector<1x16xf32>,
      %get3A_381 = vector.shape_cast %get3A_380 : vector<1x16xf32> to vector<16xf32>
      %sub3A_382 = arith.subf %get3A_377, %get3A_381 : vector<16xf32>
      %mul3A_383 = arith.mulf %sub3A_382, %sub3A_382 : vector<16xf32>
      %add3A_384 = arith.addf %scan3A_252, %mul3A_383 : vector<16xf32>
      %add3A_385 = arith.constant 112 : i32
      %add3A_386 = arith.addi %mul3A_293, %add3A_385 : i32
      %get3A_387 = arith.index_cast %select_n3A_275 : i32 to index
      %get3A_388 = arith.index_cast %add3A_386 : i32 to index
      %get3A_389 = tpu.vector_load %arg10[%get3A_387, %get3A_388] {strides = array<i32>} : memref<8x3072xf32, #tpu.memory_space<vmem>>, vector<1x16xf32>,
      %get3A_390 = vector.shape_cast %get3A_389 : vector<1x16xf32> to vector<16xf32>
      %get3A_391 = arith.index_cast %scan3A_245 : i32 to index
      %get3A_392 = arith.constant 112 : index
      %get3A_393 = tpu.vector_load %arg12[%get3A_391, %get3A_392] {strides = array<i32>} : memref<64x384xf32, #tpu.memory_space<vmem>>, vector<1x16xf32>,
      %get3A_394 = vector.shape_cast %get3A_393 : vector<1x16xf32> to vector<16xf32>
      %sub3A_395 = arith.subf %get3A_390, %get3A_394 : vector<16xf32>
      %mul3A_396 = arith.mulf %sub3A_395, %sub3A_395 : vector<16xf32>
      %add3A_397 = arith.addf %scan3A_253, %mul3A_396 : vector<16xf32>
      %add3A_398 = arith.constant 128 : i32
      %add3A_399 = arith.addi %mul3A_293, %add3A_398 : i32
      %get3A_400 = arith.index_cast %select_n3A_275 : i32 to index
      %get3A_401 = arith.index_cast %add3A_399 : i32 to index
      %get3A_402 = tpu.vector_load %arg10[%get3A_400, %get3A_401] {strides = array<i32>} : memref<8x3072xf32, #tpu.memory_space<vmem>>, vector<1x16xf32>,
      %get3A_403 = vector.shape_cast %get3A_402 : vector<1x16xf32> to vector<16xf32>
      %get3A_404 = arith.index_cast %scan3A_245 : i32 to index
      %get3A_405 = arith.constant 128 : index
      %get3A_406 = tpu.vector_load %arg12[%get3A_404, %get3A_405] {strides = array<i32>} : memref<64x384xf32, #tpu.memory_space<vmem>>, vector<1x16xf32>,
      %get3A_407 = vector.shape_cast %get3A_406 : vector<1x16xf32> to vector<16xf32>
      %sub3A_408 = arith.subf %get3A_403, %get3A_407 : vector<16xf32>
      %mul3A_409 = arith.mulf %sub3A_408, %sub3A_408 : vector<16xf32>
      %add3A_410 = arith.addf %add3A_306, %mul3A_409 : vector<16xf32>
      %add3A_411 = arith.constant 144 : i32
      %add3A_412 = arith.addi %mul3A_293, %add3A_411 : i32
      %get3A_413 = arith.index_cast %select_n3A_275 : i32 to index
      %get3A_414 = arith.index_cast %add3A_412 : i32 to index
      %get3A_415 = tpu.vector_load %arg10[%get3A_413, %get3A_414] {strides = array<i32>} : memref<8x3072xf32, #tpu.memory_space<vmem>>, vector<1x16xf32>,
      %get3A_416 = vector.shape_cast %get3A_415 : vector<1x16xf32> to vector<16xf32>
      %get3A_417 = arith.index_cast %scan3A_245 : i32 to index
      %get3A_418 = arith.constant 144 : index
      %get3A_419 = tpu.vector_load %arg12[%get3A_417, %get3A_418] {strides = array<i32>} : memref<64x384xf32, #tpu.memory_space<vmem>>, vector<1x16xf32>,
      %get3A_420 = vector.shape_cast %get3A_419 : vector<1x16xf32> to vector<16xf32>
      %sub3A_421 = arith.subf %get3A_416, %get3A_420 : vector<16xf32>
      %mul3A_422 = arith.mulf %sub3A_421, %sub3A_421 : vector<16xf32>
      %add3A_423 = arith.addf %add3A_319, %mul3A_422 : vector<16xf32>
      %add3A_424 = arith.constant 160 : i32
      %add3A_425 = arith.addi %mul3A_293, %add3A_424 : i32
      %get3A_426 = arith.index_cast %select_n3A_275 : i32 to index
      %get3A_427 = arith.index_cast %add3A_425 : i32 to index
      %get3A_428 = tpu.vector_load %arg10[%get3A_426, %get3A_427] {strides = array<i32>} : memref<8x3072xf32, #tpu.memory_space<vmem>>, vector<1x16xf32>,
      %get3A_429 = vector.shape_cast %get3A_428 : vector<1x16xf32> to vector<16xf32>
      %get3A_430 = arith.index_cast %scan3A_245 : i32 to index
      %get3A_431 = arith.constant 160 : index
      %get3A_432 = tpu.vector_load %arg12[%get3A_430, %get3A_431] {strides = array<i32>} : memref<64x384xf32, #tpu.memory_space<vmem>>, vector<1x16xf32>,
      %get3A_433 = vector.shape_cast %get3A_432 : vector<1x16xf32> to vector<16xf32>
      %sub3A_434 = arith.subf %get3A_429, %get3A_433 : vector<16xf32>
      %mul3A_435 = arith.mulf %sub3A_434, %sub3A_434 : vector<16xf32>
      %add3A_436 = arith.addf %add3A_332, %mul3A_435 : vector<16xf32>
      %add3A_437 = arith.constant 176 : i32
      %add3A_438 = arith.addi %mul3A_293, %add3A_437 : i32
      %get3A_439 = arith.index_cast %select_n3A_275 : i32 to index
      %get3A_440 = arith.index_cast %add3A_438 : i32 to index
      %get3A_441 = tpu.vector_load %arg10[%get3A_439, %get3A_440] {strides = array<i32>} : memref<8x3072xf32, #tpu.memory_space<vmem>>, vector<1x16xf32>,
      %get3A_442 = vector.shape_cast %get3A_441 : vector<1x16xf32> to vector<16xf32>
      %get3A_443 = arith.index_cast %scan3A_245 : i32 to index
      %get3A_444 = arith.constant 176 : index
      %get3A_445 = tpu.vector_load %arg12[%get3A_443, %get3A_444] {strides = array<i32>} : memref<64x384xf32, #tpu.memory_space<vmem>>, vector<1x16xf32>,
      %get3A_446 = vector.shape_cast %get3A_445 : vector<1x16xf32> to vector<16xf32>
      %sub3A_447 = arith.subf %get3A_442, %get3A_446 : vector<16xf32>
      %mul3A_448 = arith.mulf %sub3A_447, %sub3A_447 : vector<16xf32>
      %add3A_449 = arith.addf %add3A_345, %mul3A_448 : vector<16xf32>
      %add3A_450 = arith.constant 192 : i32
      %add3A_451 = arith.addi %mul3A_293, %add3A_450 : i32
      %get3A_452 = arith.index_cast %select_n3A_275 : i32 to index
      %get3A_453 = arith.index_cast %add3A_451 : i32 to index
      %get3A_454 = tpu.vector_load %arg10[%get3A_452, %get3A_453] {strides = array<i32>} : memref<8x3072xf32, #tpu.memory_space<vmem>>, vector<1x16xf32>,
      %get3A_455 = vector.shape_cast %get3A_454 : vector<1x16xf32> to vector<16xf32>
      %get3A_456 = arith.index_cast %scan3A_245 : i32 to index
      %get3A_457 = arith.constant 192 : index
      %get3A_458 = tpu.vector_load %arg12[%get3A_456, %get3A_457] {strides = array<i32>} : memref<64x384xf32, #tpu.memory_space<vmem>>, vector<1x16xf32>,
      %get3A_459 = vector.shape_cast %get3A_458 : vector<1x16xf32> to vector<16xf32>
      %sub3A_460 = arith.subf %get3A_455, %get3A_459 : vector<16xf32>
      %mul3A_461 = arith.mulf %sub3A_460, %sub3A_460 : vector<16xf32>
      %add3A_462 = arith.addf %add3A_358, %mul3A_461 : vector<16xf32>
      %add3A_463 = arith.constant 208 : i32
      %add3A_464 = arith.addi %mul3A_293, %add3A_463 : i32
      %get3A_465 = arith.index_cast %select_n3A_275 : i32 to index
      %get3A_466 = arith.index_cast %add3A_464 : i32 to index
      %get3A_467 = tpu.vector_load %arg10[%get3A_465, %get3A_466] {strides = array<i32>} : memref<8x3072xf32, #tpu.memory_space<vmem>>, vector<1x16xf32>,
      %get3A_468 = vector.shape_cast %get3A_467 : vector<1x16xf32> to vector<16xf32>
      %get3A_469 = arith.index_cast %scan3A_245 : i32 to index
      %get3A_470 = arith.constant 208 : index
      %get3A_471 = tpu.vector_load %arg12[%get3A_469, %get3A_470] {strides = array<i32>} : memref<64x384xf32, #tpu.memory_space<vmem>>, vector<1x16xf32>,
      %get3A_472 = vector.shape_cast %get3A_471 : vector<1x16xf32> to vector<16xf32>
      %sub3A_473 = arith.subf %get3A_468, %get3A_472 : vector<16xf32>
      %mul3A_474 = arith.mulf %sub3A_473, %sub3A_473 : vector<16xf32>
      %add3A_475 = arith.addf %add3A_371, %mul3A_474 : vector<16xf32>
      %add3A_476 = arith.constant 224 : i32
      %add3A_477 = arith.addi %mul3A_293, %add3A_476 : i32
      %get3A_478 = arith.index_cast %select_n3A_275 : i32 to index
      %get3A_479 = arith.index_cast %add3A_477 : i32 to index
      %get3A_480 = tpu.vector_load %arg10[%get3A_478, %get3A_479] {strides = array<i32>} : memref<8x3072xf32, #tpu.memory_space<vmem>>, vector<1x16xf32>,
      %get3A_481 = vector.shape_cast %get3A_480 : vector<1x16xf32> to vector<16xf32>
      %get3A_482 = arith.index_cast %scan3A_245 : i32 to index
      %get3A_483 = arith.constant 224 : index
      %get3A_484 = tpu.vector_load %arg12[%get3A_482, %get3A_483] {strides = array<i32>} : memref<64x384xf32, #tpu.memory_space<vmem>>, vector<1x16xf32>,
      %get3A_485 = vector.shape_cast %get3A_484 : vector<1x16xf32> to vector<16xf32>
      %sub3A_486 = arith.subf %get3A_481, %get3A_485 : vector<16xf32>
      %mul3A_487 = arith.mulf %sub3A_486, %sub3A_486 : vector<16xf32>
      %add3A_488 = arith.addf %add3A_384, %mul3A_487 : vector<16xf32>
      %add3A_489 = arith.constant 240 : i32
      %add3A_490 = arith.addi %mul3A_293, %add3A_489 : i32
      %get3A_491 = arith.index_cast %select_n3A_275 : i32 to index
      %get3A_492 = arith.index_cast %add3A_490 : i32 to index
      %get3A_493 = tpu.vector_load %arg10[%get3A_491, %get3A_492] {strides = array<i32>} : memref<8x3072xf32, #tpu.memory_space<vmem>>, vector<1x16xf32>,
      %get3A_494 = vector.shape_cast %get3A_493 : vector<1x16xf32> to vector<16xf32>
      %get3A_495 = arith.index_cast %scan3A_245 : i32 to index
      %get3A_496 = arith.constant 240 : index
      %get3A_497 = tpu.vector_load %arg12[%get3A_495, %get3A_496] {strides = array<i32>} : memref<64x384xf32, #tpu.memory_space<vmem>>, vector<1x16xf32>,
      %get3A_498 = vector.shape_cast %get3A_497 : vector<1x16xf32> to vector<16xf32>
      %sub3A_499 = arith.subf %get3A_494, %get3A_498 : vector<16xf32>
      %mul3A_500 = arith.mulf %sub3A_499, %sub3A_499 : vector<16xf32>
      %add3A_501 = arith.addf %add3A_397, %mul3A_500 : vector<16xf32>
      %add3A_502 = arith.constant 256 : i32
      %add3A_503 = arith.addi %mul3A_293, %add3A_502 : i32
      %get3A_504 = arith.index_cast %select_n3A_275 : i32 to index
      %get3A_505 = arith.index_cast %add3A_503 : i32 to index
      %get3A_506 = tpu.vector_load %arg10[%get3A_504, %get3A_505] {strides = array<i32>} : memref<8x3072xf32, #tpu.memory_space<vmem>>, vector<1x16xf32>,
      %get3A_507 = vector.shape_cast %get3A_506 : vector<1x16xf32> to vector<16xf32>
      %get3A_508 = arith.index_cast %scan3A_245 : i32 to index
      %get3A_509 = arith.constant 256 : index
      %get3A_510 = tpu.vector_load %arg12[%get3A_508, %get3A_509] {strides = array<i32>} : memref<64x384xf32, #tpu.memory_space<vmem>>, vector<1x16xf32>,
      %get3A_511 = vector.shape_cast %get3A_510 : vector<1x16xf32> to vector<16xf32>
      %sub3A_512 = arith.subf %get3A_507, %get3A_511 : vector<16xf32>
      %mul3A_513 = arith.mulf %sub3A_512, %sub3A_512 : vector<16xf32>
      %add3A_514 = arith.addf %add3A_410, %mul3A_513 : vector<16xf32>
      %add3A_515 = arith.constant 272 : i32
      %add3A_516 = arith.addi %mul3A_293, %add3A_515 : i32
      %get3A_517 = arith.index_cast %select_n3A_275 : i32 to index
      %get3A_518 = arith.index_cast %add3A_516 : i32 to index
      %get3A_519 = tpu.vector_load %arg10[%get3A_517, %get3A_518] {strides = array<i32>} : memref<8x3072xf32, #tpu.memory_space<vmem>>, vector<1x16xf32>,
      %get3A_520 = vector.shape_cast %get3A_519 : vector<1x16xf32> to vector<16xf32>
      %get3A_521 = arith.index_cast %scan3A_245 : i32 to index
      %get3A_522 = arith.constant 272 : index
      %get3A_523 = tpu.vector_load %arg12[%get3A_521, %get3A_522] {strides = array<i32>} : memref<64x384xf32, #tpu.memory_space<vmem>>, vector<1x16xf32>,
      %get3A_524 = vector.shape_cast %get3A_523 : vector<1x16xf32> to vector<16xf32>
      %sub3A_525 = arith.subf %get3A_520, %get3A_524 : vector<16xf32>
      %mul3A_526 = arith.mulf %sub3A_525, %sub3A_525 : vector<16xf32>
      %add3A_527 = arith.addf %add3A_423, %mul3A_526 : vector<16xf32>
      %add3A_528 = arith.constant 288 : i32
      %add3A_529 = arith.addi %mul3A_293, %add3A_528 : i32
      %get3A_530 = arith.index_cast %select_n3A_275 : i32 to index
      %get3A_531 = arith.index_cast %add3A_529 : i32 to index
      %get3A_532 = tpu.vector_load %arg10[%get3A_530, %get3A_531] {strides = array<i32>} : memref<8x3072xf32, #tpu.memory_space<vmem>>, vector<1x16xf32>,
      %get3A_533 = vector.shape_cast %get3A_532 : vector<1x16xf32> to vector<16xf32>
      %get3A_534 = arith.index_cast %scan3A_245 : i32 to index
      %get3A_535 = arith.constant 288 : index
      %get3A_536 = tpu.vector_load %arg12[%get3A_534, %get3A_535] {strides = array<i32>} : memref<64x384xf32, #tpu.memory_space<vmem>>, vector<1x16xf32>,
      %get3A_537 = vector.shape_cast %get3A_536 : vector<1x16xf32> to vector<16xf32>
      %sub3A_538 = arith.subf %get3A_533, %get3A_537 : vector<16xf32>
      %mul3A_539 = arith.mulf %sub3A_538, %sub3A_538 : vector<16xf32>
      %add3A_540 = arith.addf %add3A_436, %mul3A_539 : vector<16xf32>
      %add3A_541 = arith.constant 304 : i32
      %add3A_542 = arith.addi %mul3A_293, %add3A_541 : i32
      %get3A_543 = arith.index_cast %select_n3A_275 : i32 to index
      %get3A_544 = arith.index_cast %add3A_542 : i32 to index
      %get3A_545 = tpu.vector_load %arg10[%get3A_543, %get3A_544] {strides = array<i32>} : memref<8x3072xf32, #tpu.memory_space<vmem>>, vector<1x16xf32>,
      %get3A_546 = vector.shape_cast %get3A_545 : vector<1x16xf32> to vector<16xf32>
      %get3A_547 = arith.index_cast %scan3A_245 : i32 to index
      %get3A_548 = arith.constant 304 : index
      %get3A_549 = tpu.vector_load %arg12[%get3A_547, %get3A_548] {strides = array<i32>} : memref<64x384xf32, #tpu.memory_space<vmem>>, vector<1x16xf32>,
      %get3A_550 = vector.shape_cast %get3A_549 : vector<1x16xf32> to vector<16xf32>
      %sub3A_551 = arith.subf %get3A_546, %get3A_550 : vector<16xf32>
      %mul3A_552 = arith.mulf %sub3A_551, %sub3A_551 : vector<16xf32>
      %add3A_553 = arith.addf %add3A_449, %mul3A_552 : vector<16xf32>
      %add3A_554 = arith.constant 320 : i32
      %add3A_555 = arith.addi %mul3A_293, %add3A_554 : i32
      %get3A_556 = arith.index_cast %select_n3A_275 : i32 to index
      %get3A_557 = arith.index_cast %add3A_555 : i32 to index
      %get3A_558 = tpu.vector_load %arg10[%get3A_556, %get3A_557] {strides = array<i32>} : memref<8x3072xf32, #tpu.memory_space<vmem>>, vector<1x16xf32>,
      %get3A_559 = vector.shape_cast %get3A_558 : vector<1x16xf32> to vector<16xf32>
      %get3A_560 = arith.index_cast %scan3A_245 : i32 to index
      %get3A_561 = arith.constant 320 : index
      %get3A_562 = tpu.vector_load %arg12[%get3A_560, %get3A_561] {strides = array<i32>} : memref<64x384xf32, #tpu.memory_space<vmem>>, vector<1x16xf32>,
      %get3A_563 = vector.shape_cast %get3A_562 : vector<1x16xf32> to vector<16xf32>
      %sub3A_564 = arith.subf %get3A_559, %get3A_563 : vector<16xf32>
      %mul3A_565 = arith.mulf %sub3A_564, %sub3A_564 : vector<16xf32>
      %add3A_566 = arith.addf %add3A_462, %mul3A_565 : vector<16xf32>
      %add3A_567 = arith.constant 336 : i32
      %add3A_568 = arith.addi %mul3A_293, %add3A_567 : i32
      %get3A_569 = arith.index_cast %select_n3A_275 : i32 to index
      %get3A_570 = arith.index_cast %add3A_568 : i32 to index
      %get3A_571 = tpu.vector_load %arg10[%get3A_569, %get3A_570] {strides = array<i32>} : memref<8x3072xf32, #tpu.memory_space<vmem>>, vector<1x16xf32>,
      %get3A_572 = vector.shape_cast %get3A_571 : vector<1x16xf32> to vector<16xf32>
      %get3A_573 = arith.index_cast %scan3A_245 : i32 to index
      %get3A_574 = arith.constant 336 : index
      %get3A_575 = tpu.vector_load %arg12[%get3A_573, %get3A_574] {strides = array<i32>} : memref<64x384xf32, #tpu.memory_space<vmem>>, vector<1x16xf32>,
      %get3A_576 = vector.shape_cast %get3A_575 : vector<1x16xf32> to vector<16xf32>
      %sub3A_577 = arith.subf %get3A_572, %get3A_576 : vector<16xf32>
      %mul3A_578 = arith.mulf %sub3A_577, %sub3A_577 : vector<16xf32>
      %add3A_579 = arith.addf %add3A_475, %mul3A_578 : vector<16xf32>
      %add3A_580 = arith.constant 352 : i32
      %add3A_581 = arith.addi %mul3A_293, %add3A_580 : i32
      %get3A_582 = arith.index_cast %select_n3A_275 : i32 to index
      %get3A_583 = arith.index_cast %add3A_581 : i32 to index
      %get3A_584 = tpu.vector_load %arg10[%get3A_582, %get3A_583] {strides = array<i32>} : memref<8x3072xf32, #tpu.memory_space<vmem>>, vector<1x16xf32>,
      %get3A_585 = vector.shape_cast %get3A_584 : vector<1x16xf32> to vector<16xf32>
      %get3A_586 = arith.index_cast %scan3A_245 : i32 to index
      %get3A_587 = arith.constant 352 : index
      %get3A_588 = tpu.vector_load %arg12[%get3A_586, %get3A_587] {strides = array<i32>} : memref<64x384xf32, #tpu.memory_space<vmem>>, vector<1x16xf32>,
      %get3A_589 = vector.shape_cast %get3A_588 : vector<1x16xf32> to vector<16xf32>
      %sub3A_590 = arith.subf %get3A_585, %get3A_589 : vector<16xf32>
      %mul3A_591 = arith.mulf %sub3A_590, %sub3A_590 : vector<16xf32>
      %add3A_592 = arith.addf %add3A_488, %mul3A_591 : vector<16xf32>
      %add3A_593 = arith.constant 368 : i32
      %add3A_594 = arith.addi %mul3A_293, %add3A_593 : i32
      %get3A_595 = arith.index_cast %select_n3A_275 : i32 to index
      %get3A_596 = arith.index_cast %add3A_594 : i32 to index
      %get3A_597 = tpu.vector_load %arg10[%get3A_595, %get3A_596] {strides = array<i32>} : memref<8x3072xf32, #tpu.memory_space<vmem>>, vector<1x16xf32>,
      %get3A_598 = vector.shape_cast %get3A_597 : vector<1x16xf32> to vector<16xf32>
      %get3A_599 = arith.index_cast %scan3A_245 : i32 to index
      %get3A_600 = arith.constant 368 : index
      %get3A_601 = tpu.vector_load %arg12[%get3A_599, %get3A_600] {strides = array<i32>} : memref<64x384xf32, #tpu.memory_space<vmem>>, vector<1x16xf32>,
      %get3A_602 = vector.shape_cast %get3A_601 : vector<1x16xf32> to vector<16xf32>
      %sub3A_603 = arith.subf %get3A_598, %get3A_602 : vector<16xf32>
      %mul3A_604 = arith.mulf %sub3A_603, %sub3A_603 : vector<16xf32>
      %add3A_605 = arith.addf %add3A_501, %mul3A_604 : vector<16xf32>
      scf.yield %add3A_514, %add3A_527, %add3A_540, %add3A_553, %add3A_566, %add3A_579, %add3A_592, %add3A_605 : vector<16xf32>, vector<16xf32>, vector<16xf32>, vector<16xf32>, vector<16xf32>, vector<16xf32>, vector<16xf32>, vector<16xf32>
    }
    %scan3A_138 = arith.constant 64 : i32
    %add3A_139 = arith.constant 24 : i32
    %add3A_140 = arith.addi %mul3A_2, %add3A_139 : i32
    %dma_start3A_141 = arith.constant 0 : i32
    %dma_start3A_142 = tpu.memref_slice %arg2[%add3A_140, %dma_start3A_141] : memref<4096x3072xf32, #tpu.memory_space<hbm>> -> memref<8x3072xf32, #tpu.memory_space<hbm>>
    %dma_start3A_143 = arith.constant 0 : i32
    %dma_start3A_144 = tpu.memref_slice %arg2[%add3A_140, %dma_start3A_143] : memref<4096x3072xf32, #tpu.memory_space<hbm>> -> memref<8x3072xf32, #tpu.memory_space<hbm>>
    tpu.enqueue_dma source(%dma_start3A_144 : memref<8x3072xf32, #tpu.memory_space<hbm>>) target(%arg10 : memref<8x3072xf32, #tpu.memory_space<vmem>>) target_semaphore(%arg16 : memref<!tpu.dma_semaphore, #tpu.memory_space<semaphore_mem>>)
    %dma_start3A_145 = arith.constant 192 : i32
    %dma_start3A_146 = tpu.memref_slice %arg8[%dma_start3A_145] : memref<384xi32, #tpu.memory_space<vmem>> -> memref<64xi32, #tpu.memory_space<vmem>>
    %dma_start3A_147 = arith.constant 0 : i32
    %dma_start3A_148 = arith.constant 0 : i32
    %dma_start3A_149 = tpu.memref_slice %arg5[%dma_start3A_147, %dma_start3A_148] : memref<8000x384xf32, #tpu.memory_space<hbm>> -> memref<8000x384xf32, #tpu.memory_space<hbm>>
    tpu.enqueue_indirect_dma source(%dma_start3A_149 : memref<8000x384xf32, #tpu.memory_space<hbm>>) target(%arg12 : memref<64x384xf32, #tpu.memory_space<vmem>>) offsets(%dma_start3A_146 : memref<64xi32, #tpu.memory_space<vmem>>) semaphore(%arg18 : memref<!tpu.dma_semaphore, #tpu.memory_space<semaphore_mem>>)
    %dma_wait3A_150 = arith.constant 0 : i32
    %dma_wait3A_151 = tpu.memref_slice %arg2[%add3A_114, %dma_wait3A_150] : memref<4096x3072xf32, #tpu.memory_space<hbm>> -> memref<8x3072xf32, #tpu.memory_space<hbm>>
    %dma_wait3A_152 = arith.constant 0 : i32
    %dma_wait3A_153 = tpu.memref_slice %arg2[%add3A_114, %dma_wait3A_152] : memref<4096x3072xf32, #tpu.memory_space<hbm>> -> memref<8x3072xf32, #tpu.memory_space<hbm>>
    tpu.wait_dma2 semaphore(%arg15 : memref<!tpu.dma_semaphore, #tpu.memory_space<semaphore_mem>>) src(%dma_wait3A_153 : memref<8x3072xf32, #tpu.memory_space<hbm>>) dst(%arg9 : memref<8x3072xf32, #tpu.memory_space<vmem>>)
    %dma_wait3A_154 = arith.constant 128 : i32
    %dma_wait3A_155 = tpu.memref_slice %arg8[%dma_wait3A_154] : memref<384xi32, #tpu.memory_space<vmem>> -> memref<64xi32, #tpu.memory_space<vmem>>
    %dma_wait3A_156 = arith.constant 0 : i32
    %dma_wait3A_157 = arith.constant 0 : i32
    %dma_wait3A_158 = tpu.memref_slice %arg5[%dma_wait3A_156, %dma_wait3A_157] : memref<8000x384xf32, #tpu.memory_space<hbm>> -> memref<8000x384xf32, #tpu.memory_space<hbm>>
    tpu.wait_indirect_dma semaphore(%arg17 : memref<!tpu.dma_semaphore, #tpu.memory_space<semaphore_mem>>) src(%dma_wait3A_158 : memref<8000x384xf32, #tpu.memory_space<hbm>>) dst(%arg11 : memref<64x384xf32, #tpu.memory_space<vmem>>)
    %scan3A_159 = arith.constant 0 : i32
    %scan3A_160 = arith.constant 64 : i32
    %scan3A_161 = arith.addi %scan3A_159, %scan3A_160 : i32
    %scan3A_162 = arith.constant 1 : i32
    %scan3A_163:8 = scf.for %scan3A_245 = %scan3A_159 to %scan3A_161 step %scan3A_162 iter_args(%scan3A_246 = %scan3A_137#0, %scan3A_247 = %scan3A_137#1, %scan3A_248 = %scan3A_137#2, %scan3A_249 = %scan3A_137#3, %scan3A_250 = %scan3A_137#4, %scan3A_251 = %scan3A_137#5, %scan3A_252 = %scan3A_137#6, %scan3A_253 = %scan3A_137#7) -> (vector<16xf32>, vector<16xf32>, vector<16xf32>, vector<16xf32>, vector<16xf32>, vector<16xf32>, vector<16xf32>, vector<16xf32>)  : i32 {
      %jit3A_254 = arith.constant 8 : i32
      %div3A = arith.divsi %scan3A_245, %jit3A_254 : i32
      %sign3A = arith.constant 0 : i32
      %sign3A_255 = arith.cmpi sgt, %scan3A_245, %sign3A : i32
      %sign3A_256 = arith.extui %sign3A_255 : i1 to i32
      %sign3A_257 = arith.constant 0 : i32
      %sign3A_258 = arith.cmpi slt, %scan3A_245, %sign3A_257 : i32
      %sign3A_259 = arith.extui %sign3A_258 : i1 to i32
      %sign3A_260 = arith.subi %sign3A_256, %sign3A_259 : i32
      %sign3A_261 = arith.constant 0 : i32
      %sign3A_262 = arith.cmpi sgt, %jit3A_254, %sign3A_261 : i32
      %sign3A_263 = arith.extui %sign3A_262 : i1 to i32
      %sign3A_264 = arith.constant 0 : i32
      %sign3A_265 = arith.cmpi slt, %jit3A_254, %sign3A_264 : i32
      %sign3A_266 = arith.extui %sign3A_265 : i1 to i32
      %sign3A_267 = arith.subi %sign3A_263, %sign3A_266 : i32
      %ne3A_268 = arith.cmpi ne, %sign3A_260, %sign3A_267 : i32
      %rem3A_269 = arith.remsi %scan3A_245, %jit3A_254 : i32
      %ne3A_270 = arith.constant 0 : i32
      %ne3A_271 = arith.cmpi ne, %rem3A_269, %ne3A_270 : i32
      %and3A_272 = arith.andi %ne3A_268, %ne3A_271 : i1
      %sub3A_273 = arith.constant 1 : i32
      %sub3A_274 = arith.subi %div3A, %sub3A_273 : i32
      %select_n3A_275 = arith.select %and3A_272, %sub3A_274, %div3A : i32
      %jit3A_276 = arith.constant 8 : i32
      %eq3A_277 = arith.constant 0 : i32
      %eq3A_278 = arith.cmpi eq, %jit3A_276, %eq3A_277 : i32
      %jit3A_279 = arith.constant 1 : i32
      %select_n3A_280 = arith.select %eq3A_278, %jit3A_279, %jit3A_276 : i32
      %rem3A_281 = arith.remsi %scan3A_245, %select_n3A_280 : i32
      %ne3A_282 = arith.constant 0 : i32
      %ne3A_283 = arith.cmpi ne, %rem3A_281, %ne3A_282 : i32
      %lt3A_284 = arith.constant 0 : i32
      %lt3A_285 = arith.cmpi slt, %rem3A_281, %lt3A_284 : i32
      %lt3A_286 = arith.constant 0 : i32
      %lt3A_287 = arith.cmpi slt, %select_n3A_280, %lt3A_286 : i32
      %ne3A_288 = arith.xori %lt3A_285, %lt3A_287 : i1
      %and3A_289 = arith.andi %ne3A_288, %ne3A_283 : i1
      %add3A_290 = arith.addi %rem3A_281, %select_n3A_280 : i32
      %select_n3A_291 = arith.select %and3A_289, %add3A_290, %rem3A_281 : i32
      %mul3A_292 = arith.constant 384 : i32
      %mul3A_293 = arith.muli %select_n3A_291, %mul3A_292 : i32
      %add3A_294 = arith.constant 0 : i32
      %add3A_295 = arith.addi %mul3A_293, %add3A_294 : i32
      %get3A_296 = arith.index_cast %select_n3A_275 : i32 to index
      %get3A_297 = arith.index_cast %add3A_295 : i32 to index
      %get3A_298 = tpu.vector_load %arg9[%get3A_296, %get3A_297] {strides = array<i32>} : memref<8x3072xf32, #tpu.memory_space<vmem>>, vector<1x16xf32>,
      %get3A_299 = vector.shape_cast %get3A_298 : vector<1x16xf32> to vector<16xf32>
      %get3A_300 = arith.index_cast %scan3A_245 : i32 to index
      %get3A_301 = arith.constant 0 : index
      %get3A_302 = tpu.vector_load %arg11[%get3A_300, %get3A_301] {strides = array<i32>} : memref<64x384xf32, #tpu.memory_space<vmem>>, vector<1x16xf32>,
      %get3A_303 = vector.shape_cast %get3A_302 : vector<1x16xf32> to vector<16xf32>
      %sub3A_304 = arith.subf %get3A_299, %get3A_303 : vector<16xf32>
      %mul3A_305 = arith.mulf %sub3A_304, %sub3A_304 : vector<16xf32>
      %add3A_306 = arith.addf %scan3A_246, %mul3A_305 : vector<16xf32>
      %add3A_307 = arith.constant 16 : i32
      %add3A_308 = arith.addi %mul3A_293, %add3A_307 : i32
      %get3A_309 = arith.index_cast %select_n3A_275 : i32 to index
      %get3A_310 = arith.index_cast %add3A_308 : i32 to index
      %get3A_311 = tpu.vector_load %arg9[%get3A_309, %get3A_310] {strides = array<i32>} : memref<8x3072xf32, #tpu.memory_space<vmem>>, vector<1x16xf32>,
      %get3A_312 = vector.shape_cast %get3A_311 : vector<1x16xf32> to vector<16xf32>
      %get3A_313 = arith.index_cast %scan3A_245 : i32 to index
      %get3A_314 = arith.constant 16 : index
      %get3A_315 = tpu.vector_load %arg11[%get3A_313, %get3A_314] {strides = array<i32>} : memref<64x384xf32, #tpu.memory_space<vmem>>, vector<1x16xf32>,
      %get3A_316 = vector.shape_cast %get3A_315 : vector<1x16xf32> to vector<16xf32>
      %sub3A_317 = arith.subf %get3A_312, %get3A_316 : vector<16xf32>
      %mul3A_318 = arith.mulf %sub3A_317, %sub3A_317 : vector<16xf32>
      %add3A_319 = arith.addf %scan3A_247, %mul3A_318 : vector<16xf32>
      %add3A_320 = arith.constant 32 : i32
      %add3A_321 = arith.addi %mul3A_293, %add3A_320 : i32
      %get3A_322 = arith.index_cast %select_n3A_275 : i32 to index
      %get3A_323 = arith.index_cast %add3A_321 : i32 to index
      %get3A_324 = tpu.vector_load %arg9[%get3A_322, %get3A_323] {strides = array<i32>} : memref<8x3072xf32, #tpu.memory_space<vmem>>, vector<1x16xf32>,
      %get3A_325 = vector.shape_cast %get3A_324 : vector<1x16xf32> to vector<16xf32>
      %get3A_326 = arith.index_cast %scan3A_245 : i32 to index
      %get3A_327 = arith.constant 32 : index
      %get3A_328 = tpu.vector_load %arg11[%get3A_326, %get3A_327] {strides = array<i32>} : memref<64x384xf32, #tpu.memory_space<vmem>>, vector<1x16xf32>,
      %get3A_329 = vector.shape_cast %get3A_328 : vector<1x16xf32> to vector<16xf32>
      %sub3A_330 = arith.subf %get3A_325, %get3A_329 : vector<16xf32>
      %mul3A_331 = arith.mulf %sub3A_330, %sub3A_330 : vector<16xf32>
      %add3A_332 = arith.addf %scan3A_248, %mul3A_331 : vector<16xf32>
      %add3A_333 = arith.constant 48 : i32
      %add3A_334 = arith.addi %mul3A_293, %add3A_333 : i32
      %get3A_335 = arith.index_cast %select_n3A_275 : i32 to index
      %get3A_336 = arith.index_cast %add3A_334 : i32 to index
      %get3A_337 = tpu.vector_load %arg9[%get3A_335, %get3A_336] {strides = array<i32>} : memref<8x3072xf32, #tpu.memory_space<vmem>>, vector<1x16xf32>,
      %get3A_338 = vector.shape_cast %get3A_337 : vector<1x16xf32> to vector<16xf32>
      %get3A_339 = arith.index_cast %scan3A_245 : i32 to index
      %get3A_340 = arith.constant 48 : index
      %get3A_341 = tpu.vector_load %arg11[%get3A_339, %get3A_340] {strides = array<i32>} : memref<64x384xf32, #tpu.memory_space<vmem>>, vector<1x16xf32>,
      %get3A_342 = vector.shape_cast %get3A_341 : vector<1x16xf32> to vector<16xf32>
      %sub3A_343 = arith.subf %get3A_338, %get3A_342 : vector<16xf32>
      %mul3A_344 = arith.mulf %sub3A_343, %sub3A_343 : vector<16xf32>
      %add3A_345 = arith.addf %scan3A_249, %mul3A_344 : vector<16xf32>
      %add3A_346 = arith.constant 64 : i32
      %add3A_347 = arith.addi %mul3A_293, %add3A_346 : i32
      %get3A_348 = arith.index_cast %select_n3A_275 : i32 to index
      %get3A_349 = arith.index_cast %add3A_347 : i32 to index
      %get3A_350 = tpu.vector_load %arg9[%get3A_348, %get3A_349] {strides = array<i32>} : memref<8x3072xf32, #tpu.memory_space<vmem>>, vector<1x16xf32>,
      %get3A_351 = vector.shape_cast %get3A_350 : vector<1x16xf32> to vector<16xf32>
      %get3A_352 = arith.index_cast %scan3A_245 : i32 to index
      %get3A_353 = arith.constant 64 : index
      %get3A_354 = tpu.vector_load %arg11[%get3A_352, %get3A_353] {strides = array<i32>} : memref<64x384xf32, #tpu.memory_space<vmem>>, vector<1x16xf32>,
      %get3A_355 = vector.shape_cast %get3A_354 : vector<1x16xf32> to vector<16xf32>
      %sub3A_356 = arith.subf %get3A_351, %get3A_355 : vector<16xf32>
      %mul3A_357 = arith.mulf %sub3A_356, %sub3A_356 : vector<16xf32>
      %add3A_358 = arith.addf %scan3A_250, %mul3A_357 : vector<16xf32>
      %add3A_359 = arith.constant 80 : i32
      %add3A_360 = arith.addi %mul3A_293, %add3A_359 : i32
      %get3A_361 = arith.index_cast %select_n3A_275 : i32 to index
      %get3A_362 = arith.index_cast %add3A_360 : i32 to index
      %get3A_363 = tpu.vector_load %arg9[%get3A_361, %get3A_362] {strides = array<i32>} : memref<8x3072xf32, #tpu.memory_space<vmem>>, vector<1x16xf32>,
      %get3A_364 = vector.shape_cast %get3A_363 : vector<1x16xf32> to vector<16xf32>
      %get3A_365 = arith.index_cast %scan3A_245 : i32 to index
      %get3A_366 = arith.constant 80 : index
      %get3A_367 = tpu.vector_load %arg11[%get3A_365, %get3A_366] {strides = array<i32>} : memref<64x384xf32, #tpu.memory_space<vmem>>, vector<1x16xf32>,
      %get3A_368 = vector.shape_cast %get3A_367 : vector<1x16xf32> to vector<16xf32>
      %sub3A_369 = arith.subf %get3A_364, %get3A_368 : vector<16xf32>
      %mul3A_370 = arith.mulf %sub3A_369, %sub3A_369 : vector<16xf32>
      %add3A_371 = arith.addf %scan3A_251, %mul3A_370 : vector<16xf32>
      %add3A_372 = arith.constant 96 : i32
      %add3A_373 = arith.addi %mul3A_293, %add3A_372 : i32
      %get3A_374 = arith.index_cast %select_n3A_275 : i32 to index
      %get3A_375 = arith.index_cast %add3A_373 : i32 to index
      %get3A_376 = tpu.vector_load %arg9[%get3A_374, %get3A_375] {strides = array<i32>} : memref<8x3072xf32, #tpu.memory_space<vmem>>, vector<1x16xf32>,
      %get3A_377 = vector.shape_cast %get3A_376 : vector<1x16xf32> to vector<16xf32>
      %get3A_378 = arith.index_cast %scan3A_245 : i32 to index
      %get3A_379 = arith.constant 96 : index
      %get3A_380 = tpu.vector_load %arg11[%get3A_378, %get3A_379] {strides = array<i32>} : memref<64x384xf32, #tpu.memory_space<vmem>>, vector<1x16xf32>,
      %get3A_381 = vector.shape_cast %get3A_380 : vector<1x16xf32> to vector<16xf32>
      %sub3A_382 = arith.subf %get3A_377, %get3A_381 : vector<16xf32>
      %mul3A_383 = arith.mulf %sub3A_382, %sub3A_382 : vector<16xf32>
      %add3A_384 = arith.addf %scan3A_252, %mul3A_383 : vector<16xf32>
      %add3A_385 = arith.constant 112 : i32
      %add3A_386 = arith.addi %mul3A_293, %add3A_385 : i32
      %get3A_387 = arith.index_cast %select_n3A_275 : i32 to index
      %get3A_388 = arith.index_cast %add3A_386 : i32 to index
      %get3A_389 = tpu.vector_load %arg9[%get3A_387, %get3A_388] {strides = array<i32>} : memref<8x3072xf32, #tpu.memory_space<vmem>>, vector<1x16xf32>,
      %get3A_390 = vector.shape_cast %get3A_389 : vector<1x16xf32> to vector<16xf32>
      %get3A_391 = arith.index_cast %scan3A_245 : i32 to index
      %get3A_392 = arith.constant 112 : index
      %get3A_393 = tpu.vector_load %arg11[%get3A_391, %get3A_392] {strides = array<i32>} : memref<64x384xf32, #tpu.memory_space<vmem>>, vector<1x16xf32>,
      %get3A_394 = vector.shape_cast %get3A_393 : vector<1x16xf32> to vector<16xf32>
      %sub3A_395 = arith.subf %get3A_390, %get3A_394 : vector<16xf32>
      %mul3A_396 = arith.mulf %sub3A_395, %sub3A_395 : vector<16xf32>
      %add3A_397 = arith.addf %scan3A_253, %mul3A_396 : vector<16xf32>
      %add3A_398 = arith.constant 128 : i32
      %add3A_399 = arith.addi %mul3A_293, %add3A_398 : i32
      %get3A_400 = arith.index_cast %select_n3A_275 : i32 to index
      %get3A_401 = arith.index_cast %add3A_399 : i32 to index
      %get3A_402 = tpu.vector_load %arg9[%get3A_400, %get3A_401] {strides = array<i32>} : memref<8x3072xf32, #tpu.memory_space<vmem>>, vector<1x16xf32>,
      %get3A_403 = vector.shape_cast %get3A_402 : vector<1x16xf32> to vector<16xf32>
      %get3A_404 = arith.index_cast %scan3A_245 : i32 to index
      %get3A_405 = arith.constant 128 : index
      %get3A_406 = tpu.vector_load %arg11[%get3A_404, %get3A_405] {strides = array<i32>} : memref<64x384xf32, #tpu.memory_space<vmem>>, vector<1x16xf32>,
      %get3A_407 = vector.shape_cast %get3A_406 : vector<1x16xf32> to vector<16xf32>
      %sub3A_408 = arith.subf %get3A_403, %get3A_407 : vector<16xf32>
      %mul3A_409 = arith.mulf %sub3A_408, %sub3A_408 : vector<16xf32>
      %add3A_410 = arith.addf %add3A_306, %mul3A_409 : vector<16xf32>
      %add3A_411 = arith.constant 144 : i32
      %add3A_412 = arith.addi %mul3A_293, %add3A_411 : i32
      %get3A_413 = arith.index_cast %select_n3A_275 : i32 to index
      %get3A_414 = arith.index_cast %add3A_412 : i32 to index
      %get3A_415 = tpu.vector_load %arg9[%get3A_413, %get3A_414] {strides = array<i32>} : memref<8x3072xf32, #tpu.memory_space<vmem>>, vector<1x16xf32>,
      %get3A_416 = vector.shape_cast %get3A_415 : vector<1x16xf32> to vector<16xf32>
      %get3A_417 = arith.index_cast %scan3A_245 : i32 to index
      %get3A_418 = arith.constant 144 : index
      %get3A_419 = tpu.vector_load %arg11[%get3A_417, %get3A_418] {strides = array<i32>} : memref<64x384xf32, #tpu.memory_space<vmem>>, vector<1x16xf32>,
      %get3A_420 = vector.shape_cast %get3A_419 : vector<1x16xf32> to vector<16xf32>
      %sub3A_421 = arith.subf %get3A_416, %get3A_420 : vector<16xf32>
      %mul3A_422 = arith.mulf %sub3A_421, %sub3A_421 : vector<16xf32>
      %add3A_423 = arith.addf %add3A_319, %mul3A_422 : vector<16xf32>
      %add3A_424 = arith.constant 160 : i32
      %add3A_425 = arith.addi %mul3A_293, %add3A_424 : i32
      %get3A_426 = arith.index_cast %select_n3A_275 : i32 to index
      %get3A_427 = arith.index_cast %add3A_425 : i32 to index
      %get3A_428 = tpu.vector_load %arg9[%get3A_426, %get3A_427] {strides = array<i32>} : memref<8x3072xf32, #tpu.memory_space<vmem>>, vector<1x16xf32>,
      %get3A_429 = vector.shape_cast %get3A_428 : vector<1x16xf32> to vector<16xf32>
      %get3A_430 = arith.index_cast %scan3A_245 : i32 to index
      %get3A_431 = arith.constant 160 : index
      %get3A_432 = tpu.vector_load %arg11[%get3A_430, %get3A_431] {strides = array<i32>} : memref<64x384xf32, #tpu.memory_space<vmem>>, vector<1x16xf32>,
      %get3A_433 = vector.shape_cast %get3A_432 : vector<1x16xf32> to vector<16xf32>
      %sub3A_434 = arith.subf %get3A_429, %get3A_433 : vector<16xf32>
      %mul3A_435 = arith.mulf %sub3A_434, %sub3A_434 : vector<16xf32>
      %add3A_436 = arith.addf %add3A_332, %mul3A_435 : vector<16xf32>
      %add3A_437 = arith.constant 176 : i32
      %add3A_438 = arith.addi %mul3A_293, %add3A_437 : i32
      %get3A_439 = arith.index_cast %select_n3A_275 : i32 to index
      %get3A_440 = arith.index_cast %add3A_438 : i32 to index
      %get3A_441 = tpu.vector_load %arg9[%get3A_439, %get3A_440] {strides = array<i32>} : memref<8x3072xf32, #tpu.memory_space<vmem>>, vector<1x16xf32>,
      %get3A_442 = vector.shape_cast %get3A_441 : vector<1x16xf32> to vector<16xf32>
      %get3A_443 = arith.index_cast %scan3A_245 : i32 to index
      %get3A_444 = arith.constant 176 : index
      %get3A_445 = tpu.vector_load %arg11[%get3A_443, %get3A_444] {strides = array<i32>} : memref<64x384xf32, #tpu.memory_space<vmem>>, vector<1x16xf32>,
      %get3A_446 = vector.shape_cast %get3A_445 : vector<1x16xf32> to vector<16xf32>
      %sub3A_447 = arith.subf %get3A_442, %get3A_446 : vector<16xf32>
      %mul3A_448 = arith.mulf %sub3A_447, %sub3A_447 : vector<16xf32>
      %add3A_449 = arith.addf %add3A_345, %mul3A_448 : vector<16xf32>
      %add3A_450 = arith.constant 192 : i32
      %add3A_451 = arith.addi %mul3A_293, %add3A_450 : i32
      %get3A_452 = arith.index_cast %select_n3A_275 : i32 to index
      %get3A_453 = arith.index_cast %add3A_451 : i32 to index
      %get3A_454 = tpu.vector_load %arg9[%get3A_452, %get3A_453] {strides = array<i32>} : memref<8x3072xf32, #tpu.memory_space<vmem>>, vector<1x16xf32>,
      %get3A_455 = vector.shape_cast %get3A_454 : vector<1x16xf32> to vector<16xf32>
      %get3A_456 = arith.index_cast %scan3A_245 : i32 to index
      %get3A_457 = arith.constant 192 : index
      %get3A_458 = tpu.vector_load %arg11[%get3A_456, %get3A_457] {strides = array<i32>} : memref<64x384xf32, #tpu.memory_space<vmem>>, vector<1x16xf32>,
      %get3A_459 = vector.shape_cast %get3A_458 : vector<1x16xf32> to vector<16xf32>
      %sub3A_460 = arith.subf %get3A_455, %get3A_459 : vector<16xf32>
      %mul3A_461 = arith.mulf %sub3A_460, %sub3A_460 : vector<16xf32>
      %add3A_462 = arith.addf %add3A_358, %mul3A_461 : vector<16xf32>
      %add3A_463 = arith.constant 208 : i32
      %add3A_464 = arith.addi %mul3A_293, %add3A_463 : i32
      %get3A_465 = arith.index_cast %select_n3A_275 : i32 to index
      %get3A_466 = arith.index_cast %add3A_464 : i32 to index
      %get3A_467 = tpu.vector_load %arg9[%get3A_465, %get3A_466] {strides = array<i32>} : memref<8x3072xf32, #tpu.memory_space<vmem>>, vector<1x16xf32>,
      %get3A_468 = vector.shape_cast %get3A_467 : vector<1x16xf32> to vector<16xf32>
      %get3A_469 = arith.index_cast %scan3A_245 : i32 to index
      %get3A_470 = arith.constant 208 : index
      %get3A_471 = tpu.vector_load %arg11[%get3A_469, %get3A_470] {strides = array<i32>} : memref<64x384xf32, #tpu.memory_space<vmem>>, vector<1x16xf32>,
      %get3A_472 = vector.shape_cast %get3A_471 : vector<1x16xf32> to vector<16xf32>
      %sub3A_473 = arith.subf %get3A_468, %get3A_472 : vector<16xf32>
      %mul3A_474 = arith.mulf %sub3A_473, %sub3A_473 : vector<16xf32>
      %add3A_475 = arith.addf %add3A_371, %mul3A_474 : vector<16xf32>
      %add3A_476 = arith.constant 224 : i32
      %add3A_477 = arith.addi %mul3A_293, %add3A_476 : i32
      %get3A_478 = arith.index_cast %select_n3A_275 : i32 to index
      %get3A_479 = arith.index_cast %add3A_477 : i32 to index
      %get3A_480 = tpu.vector_load %arg9[%get3A_478, %get3A_479] {strides = array<i32>} : memref<8x3072xf32, #tpu.memory_space<vmem>>, vector<1x16xf32>,
      %get3A_481 = vector.shape_cast %get3A_480 : vector<1x16xf32> to vector<16xf32>
      %get3A_482 = arith.index_cast %scan3A_245 : i32 to index
      %get3A_483 = arith.constant 224 : index
      %get3A_484 = tpu.vector_load %arg11[%get3A_482, %get3A_483] {strides = array<i32>} : memref<64x384xf32, #tpu.memory_space<vmem>>, vector<1x16xf32>,
      %get3A_485 = vector.shape_cast %get3A_484 : vector<1x16xf32> to vector<16xf32>
      %sub3A_486 = arith.subf %get3A_481, %get3A_485 : vector<16xf32>
      %mul3A_487 = arith.mulf %sub3A_486, %sub3A_486 : vector<16xf32>
      %add3A_488 = arith.addf %add3A_384, %mul3A_487 : vector<16xf32>
      %add3A_489 = arith.constant 240 : i32
      %add3A_490 = arith.addi %mul3A_293, %add3A_489 : i32
      %get3A_491 = arith.index_cast %select_n3A_275 : i32 to index
      %get3A_492 = arith.index_cast %add3A_490 : i32 to index
      %get3A_493 = tpu.vector_load %arg9[%get3A_491, %get3A_492] {strides = array<i32>} : memref<8x3072xf32, #tpu.memory_space<vmem>>, vector<1x16xf32>,
      %get3A_494 = vector.shape_cast %get3A_493 : vector<1x16xf32> to vector<16xf32>
      %get3A_495 = arith.index_cast %scan3A_245 : i32 to index
      %get3A_496 = arith.constant 240 : index
      %get3A_497 = tpu.vector_load %arg11[%get3A_495, %get3A_496] {strides = array<i32>} : memref<64x384xf32, #tpu.memory_space<vmem>>, vector<1x16xf32>,
      %get3A_498 = vector.shape_cast %get3A_497 : vector<1x16xf32> to vector<16xf32>
      %sub3A_499 = arith.subf %get3A_494, %get3A_498 : vector<16xf32>
      %mul3A_500 = arith.mulf %sub3A_499, %sub3A_499 : vector<16xf32>
      %add3A_501 = arith.addf %add3A_397, %mul3A_500 : vector<16xf32>
      %add3A_502 = arith.constant 256 : i32
      %add3A_503 = arith.addi %mul3A_293, %add3A_502 : i32
      %get3A_504 = arith.index_cast %select_n3A_275 : i32 to index
      %get3A_505 = arith.index_cast %add3A_503 : i32 to index
      %get3A_506 = tpu.vector_load %arg9[%get3A_504, %get3A_505] {strides = array<i32>} : memref<8x3072xf32, #tpu.memory_space<vmem>>, vector<1x16xf32>,
      %get3A_507 = vector.shape_cast %get3A_506 : vector<1x16xf32> to vector<16xf32>
      %get3A_508 = arith.index_cast %scan3A_245 : i32 to index
      %get3A_509 = arith.constant 256 : index
      %get3A_510 = tpu.vector_load %arg11[%get3A_508, %get3A_509] {strides = array<i32>} : memref<64x384xf32, #tpu.memory_space<vmem>>, vector<1x16xf32>,
      %get3A_511 = vector.shape_cast %get3A_510 : vector<1x16xf32> to vector<16xf32>
      %sub3A_512 = arith.subf %get3A_507, %get3A_511 : vector<16xf32>
      %mul3A_513 = arith.mulf %sub3A_512, %sub3A_512 : vector<16xf32>
      %add3A_514 = arith.addf %add3A_410, %mul3A_513 : vector<16xf32>
      %add3A_515 = arith.constant 272 : i32
      %add3A_516 = arith.addi %mul3A_293, %add3A_515 : i32
      %get3A_517 = arith.index_cast %select_n3A_275 : i32 to index
      %get3A_518 = arith.index_cast %add3A_516 : i32 to index
      %get3A_519 = tpu.vector_load %arg9[%get3A_517, %get3A_518] {strides = array<i32>} : memref<8x3072xf32, #tpu.memory_space<vmem>>, vector<1x16xf32>,
      %get3A_520 = vector.shape_cast %get3A_519 : vector<1x16xf32> to vector<16xf32>
      %get3A_521 = arith.index_cast %scan3A_245 : i32 to index
      %get3A_522 = arith.constant 272 : index
      %get3A_523 = tpu.vector_load %arg11[%get3A_521, %get3A_522] {strides = array<i32>} : memref<64x384xf32, #tpu.memory_space<vmem>>, vector<1x16xf32>,
      %get3A_524 = vector.shape_cast %get3A_523 : vector<1x16xf32> to vector<16xf32>
      %sub3A_525 = arith.subf %get3A_520, %get3A_524 : vector<16xf32>
      %mul3A_526 = arith.mulf %sub3A_525, %sub3A_525 : vector<16xf32>
      %add3A_527 = arith.addf %add3A_423, %mul3A_526 : vector<16xf32>
      %add3A_528 = arith.constant 288 : i32
      %add3A_529 = arith.addi %mul3A_293, %add3A_528 : i32
      %get3A_530 = arith.index_cast %select_n3A_275 : i32 to index
      %get3A_531 = arith.index_cast %add3A_529 : i32 to index
      %get3A_532 = tpu.vector_load %arg9[%get3A_530, %get3A_531] {strides = array<i32>} : memref<8x3072xf32, #tpu.memory_space<vmem>>, vector<1x16xf32>,
      %get3A_533 = vector.shape_cast %get3A_532 : vector<1x16xf32> to vector<16xf32>
      %get3A_534 = arith.index_cast %scan3A_245 : i32 to index
      %get3A_535 = arith.constant 288 : index
      %get3A_536 = tpu.vector_load %arg11[%get3A_534, %get3A_535] {strides = array<i32>} : memref<64x384xf32, #tpu.memory_space<vmem>>, vector<1x16xf32>,
      %get3A_537 = vector.shape_cast %get3A_536 : vector<1x16xf32> to vector<16xf32>
      %sub3A_538 = arith.subf %get3A_533, %get3A_537 : vector<16xf32>
      %mul3A_539 = arith.mulf %sub3A_538, %sub3A_538 : vector<16xf32>
      %add3A_540 = arith.addf %add3A_436, %mul3A_539 : vector<16xf32>
      %add3A_541 = arith.constant 304 : i32
      %add3A_542 = arith.addi %mul3A_293, %add3A_541 : i32
      %get3A_543 = arith.index_cast %select_n3A_275 : i32 to index
      %get3A_544 = arith.index_cast %add3A_542 : i32 to index
      %get3A_545 = tpu.vector_load %arg9[%get3A_543, %get3A_544] {strides = array<i32>} : memref<8x3072xf32, #tpu.memory_space<vmem>>, vector<1x16xf32>,
      %get3A_546 = vector.shape_cast %get3A_545 : vector<1x16xf32> to vector<16xf32>
      %get3A_547 = arith.index_cast %scan3A_245 : i32 to index
      %get3A_548 = arith.constant 304 : index
      %get3A_549 = tpu.vector_load %arg11[%get3A_547, %get3A_548] {strides = array<i32>} : memref<64x384xf32, #tpu.memory_space<vmem>>, vector<1x16xf32>,
      %get3A_550 = vector.shape_cast %get3A_549 : vector<1x16xf32> to vector<16xf32>
      %sub3A_551 = arith.subf %get3A_546, %get3A_550 : vector<16xf32>
      %mul3A_552 = arith.mulf %sub3A_551, %sub3A_551 : vector<16xf32>
      %add3A_553 = arith.addf %add3A_449, %mul3A_552 : vector<16xf32>
      %add3A_554 = arith.constant 320 : i32
      %add3A_555 = arith.addi %mul3A_293, %add3A_554 : i32
      %get3A_556 = arith.index_cast %select_n3A_275 : i32 to index
      %get3A_557 = arith.index_cast %add3A_555 : i32 to index
      %get3A_558 = tpu.vector_load %arg9[%get3A_556, %get3A_557] {strides = array<i32>} : memref<8x3072xf32, #tpu.memory_space<vmem>>, vector<1x16xf32>,
      %get3A_559 = vector.shape_cast %get3A_558 : vector<1x16xf32> to vector<16xf32>
      %get3A_560 = arith.index_cast %scan3A_245 : i32 to index
      %get3A_561 = arith.constant 320 : index
      %get3A_562 = tpu.vector_load %arg11[%get3A_560, %get3A_561] {strides = array<i32>} : memref<64x384xf32, #tpu.memory_space<vmem>>, vector<1x16xf32>,
      %get3A_563 = vector.shape_cast %get3A_562 : vector<1x16xf32> to vector<16xf32>
      %sub3A_564 = arith.subf %get3A_559, %get3A_563 : vector<16xf32>
      %mul3A_565 = arith.mulf %sub3A_564, %sub3A_564 : vector<16xf32>
      %add3A_566 = arith.addf %add3A_462, %mul3A_565 : vector<16xf32>
      %add3A_567 = arith.constant 336 : i32
      %add3A_568 = arith.addi %mul3A_293, %add3A_567 : i32
      %get3A_569 = arith.index_cast %select_n3A_275 : i32 to index
      %get3A_570 = arith.index_cast %add3A_568 : i32 to index
      %get3A_571 = tpu.vector_load %arg9[%get3A_569, %get3A_570] {strides = array<i32>} : memref<8x3072xf32, #tpu.memory_space<vmem>>, vector<1x16xf32>,
      %get3A_572 = vector.shape_cast %get3A_571 : vector<1x16xf32> to vector<16xf32>
      %get3A_573 = arith.index_cast %scan3A_245 : i32 to index
      %get3A_574 = arith.constant 336 : index
      %get3A_575 = tpu.vector_load %arg11[%get3A_573, %get3A_574] {strides = array<i32>} : memref<64x384xf32, #tpu.memory_space<vmem>>, vector<1x16xf32>,
      %get3A_576 = vector.shape_cast %get3A_575 : vector<1x16xf32> to vector<16xf32>
      %sub3A_577 = arith.subf %get3A_572, %get3A_576 : vector<16xf32>
      %mul3A_578 = arith.mulf %sub3A_577, %sub3A_577 : vector<16xf32>
      %add3A_579 = arith.addf %add3A_475, %mul3A_578 : vector<16xf32>
      %add3A_580 = arith.constant 352 : i32
      %add3A_581 = arith.addi %mul3A_293, %add3A_580 : i32
      %get3A_582 = arith.index_cast %select_n3A_275 : i32 to index
      %get3A_583 = arith.index_cast %add3A_581 : i32 to index
      %get3A_584 = tpu.vector_load %arg9[%get3A_582, %get3A_583] {strides = array<i32>} : memref<8x3072xf32, #tpu.memory_space<vmem>>, vector<1x16xf32>,
      %get3A_585 = vector.shape_cast %get3A_584 : vector<1x16xf32> to vector<16xf32>
      %get3A_586 = arith.index_cast %scan3A_245 : i32 to index
      %get3A_587 = arith.constant 352 : index
      %get3A_588 = tpu.vector_load %arg11[%get3A_586, %get3A_587] {strides = array<i32>} : memref<64x384xf32, #tpu.memory_space<vmem>>, vector<1x16xf32>,
      %get3A_589 = vector.shape_cast %get3A_588 : vector<1x16xf32> to vector<16xf32>
      %sub3A_590 = arith.subf %get3A_585, %get3A_589 : vector<16xf32>
      %mul3A_591 = arith.mulf %sub3A_590, %sub3A_590 : vector<16xf32>
      %add3A_592 = arith.addf %add3A_488, %mul3A_591 : vector<16xf32>
      %add3A_593 = arith.constant 368 : i32
      %add3A_594 = arith.addi %mul3A_293, %add3A_593 : i32
      %get3A_595 = arith.index_cast %select_n3A_275 : i32 to index
      %get3A_596 = arith.index_cast %add3A_594 : i32 to index
      %get3A_597 = tpu.vector_load %arg9[%get3A_595, %get3A_596] {strides = array<i32>} : memref<8x3072xf32, #tpu.memory_space<vmem>>, vector<1x16xf32>,
      %get3A_598 = vector.shape_cast %get3A_597 : vector<1x16xf32> to vector<16xf32>
      %get3A_599 = arith.index_cast %scan3A_245 : i32 to index
      %get3A_600 = arith.constant 368 : index
      %get3A_601 = tpu.vector_load %arg11[%get3A_599, %get3A_600] {strides = array<i32>} : memref<64x384xf32, #tpu.memory_space<vmem>>, vector<1x16xf32>,
      %get3A_602 = vector.shape_cast %get3A_601 : vector<1x16xf32> to vector<16xf32>
      %sub3A_603 = arith.subf %get3A_598, %get3A_602 : vector<16xf32>
      %mul3A_604 = arith.mulf %sub3A_603, %sub3A_603 : vector<16xf32>
      %add3A_605 = arith.addf %add3A_501, %mul3A_604 : vector<16xf32>
      scf.yield %add3A_514, %add3A_527, %add3A_540, %add3A_553, %add3A_566, %add3A_579, %add3A_592, %add3A_605 : vector<16xf32>, vector<16xf32>, vector<16xf32>, vector<16xf32>, vector<16xf32>, vector<16xf32>, vector<16xf32>, vector<16xf32>
    }
    %scan3A_164 = arith.constant 64 : i32
    %add3A_165 = arith.constant 32 : i32
    %add3A_166 = arith.addi %mul3A_2, %add3A_165 : i32
    %dma_start3A_167 = arith.constant 0 : i32
    %dma_start3A_168 = tpu.memref_slice %arg2[%add3A_166, %dma_start3A_167] : memref<4096x3072xf32, #tpu.memory_space<hbm>> -> memref<8x3072xf32, #tpu.memory_space<hbm>>
    %dma_start3A_169 = arith.constant 0 : i32
    %dma_start3A_170 = tpu.memref_slice %arg2[%add3A_166, %dma_start3A_169] : memref<4096x3072xf32, #tpu.memory_space<hbm>> -> memref<8x3072xf32, #tpu.memory_space<hbm>>
    tpu.enqueue_dma source(%dma_start3A_170 : memref<8x3072xf32, #tpu.memory_space<hbm>>) target(%arg9 : memref<8x3072xf32, #tpu.memory_space<vmem>>) target_semaphore(%arg15 : memref<!tpu.dma_semaphore, #tpu.memory_space<semaphore_mem>>)
    %dma_start3A_171 = arith.constant 256 : i32
    %dma_start3A_172 = tpu.memref_slice %arg8[%dma_start3A_171] : memref<384xi32, #tpu.memory_space<vmem>> -> memref<64xi32, #tpu.memory_space<vmem>>
    %dma_start3A_173 = arith.constant 0 : i32
    %dma_start3A_174 = arith.constant 0 : i32
    %dma_start3A_175 = tpu.memref_slice %arg5[%dma_start3A_173, %dma_start3A_174] : memref<8000x384xf32, #tpu.memory_space<hbm>> -> memref<8000x384xf32, #tpu.memory_space<hbm>>
    tpu.enqueue_indirect_dma source(%dma_start3A_175 : memref<8000x384xf32, #tpu.memory_space<hbm>>) target(%arg11 : memref<64x384xf32, #tpu.memory_space<vmem>>) offsets(%dma_start3A_172 : memref<64xi32, #tpu.memory_space<vmem>>) semaphore(%arg17 : memref<!tpu.dma_semaphore, #tpu.memory_space<semaphore_mem>>)
    %dma_wait3A_176 = arith.constant 0 : i32
    %dma_wait3A_177 = tpu.memref_slice %arg2[%add3A_140, %dma_wait3A_176] : memref<4096x3072xf32, #tpu.memory_space<hbm>> -> memref<8x3072xf32, #tpu.memory_space<hbm>>
    %dma_wait3A_178 = arith.constant 0 : i32
    %dma_wait3A_179 = tpu.memref_slice %arg2[%add3A_140, %dma_wait3A_178] : memref<4096x3072xf32, #tpu.memory_space<hbm>> -> memref<8x3072xf32, #tpu.memory_space<hbm>>
    tpu.wait_dma2 semaphore(%arg16 : memref<!tpu.dma_semaphore, #tpu.memory_space<semaphore_mem>>) src(%dma_wait3A_179 : memref<8x3072xf32, #tpu.memory_space<hbm>>) dst(%arg10 : memref<8x3072xf32, #tpu.memory_space<vmem>>)
    %dma_wait3A_180 = arith.constant 192 : i32
    %dma_wait3A_181 = tpu.memref_slice %arg8[%dma_wait3A_180] : memref<384xi32, #tpu.memory_space<vmem>> -> memref<64xi32, #tpu.memory_space<vmem>>
    %dma_wait3A_182 = arith.constant 0 : i32
    %dma_wait3A_183 = arith.constant 0 : i32
    %dma_wait3A_184 = tpu.memref_slice %arg5[%dma_wait3A_182, %dma_wait3A_183] : memref<8000x384xf32, #tpu.memory_space<hbm>> -> memref<8000x384xf32, #tpu.memory_space<hbm>>
    tpu.wait_indirect_dma semaphore(%arg18 : memref<!tpu.dma_semaphore, #tpu.memory_space<semaphore_mem>>) src(%dma_wait3A_184 : memref<8000x384xf32, #tpu.memory_space<hbm>>) dst(%arg12 : memref<64x384xf32, #tpu.memory_space<vmem>>)
    %scan3A_185 = arith.constant 0 : i32
    %scan3A_186 = arith.constant 64 : i32
    %scan3A_187 = arith.addi %scan3A_185, %scan3A_186 : i32
    %scan3A_188 = arith.constant 1 : i32
    %scan3A_189:8 = scf.for %scan3A_245 = %scan3A_185 to %scan3A_187 step %scan3A_188 iter_args(%scan3A_246 = %scan3A_163#0, %scan3A_247 = %scan3A_163#1, %scan3A_248 = %scan3A_163#2, %scan3A_249 = %scan3A_163#3, %scan3A_250 = %scan3A_163#4, %scan3A_251 = %scan3A_163#5, %scan3A_252 = %scan3A_163#6, %scan3A_253 = %scan3A_163#7) -> (vector<16xf32>, vector<16xf32>, vector<16xf32>, vector<16xf32>, vector<16xf32>, vector<16xf32>, vector<16xf32>, vector<16xf32>)  : i32 {
      %jit3A_254 = arith.constant 8 : i32
      %div3A = arith.divsi %scan3A_245, %jit3A_254 : i32
      %sign3A = arith.constant 0 : i32
      %sign3A_255 = arith.cmpi sgt, %scan3A_245, %sign3A : i32
      %sign3A_256 = arith.extui %sign3A_255 : i1 to i32
      %sign3A_257 = arith.constant 0 : i32
      %sign3A_258 = arith.cmpi slt, %scan3A_245, %sign3A_257 : i32
      %sign3A_259 = arith.extui %sign3A_258 : i1 to i32
      %sign3A_260 = arith.subi %sign3A_256, %sign3A_259 : i32
      %sign3A_261 = arith.constant 0 : i32
      %sign3A_262 = arith.cmpi sgt, %jit3A_254, %sign3A_261 : i32
      %sign3A_263 = arith.extui %sign3A_262 : i1 to i32
      %sign3A_264 = arith.constant 0 : i32
      %sign3A_265 = arith.cmpi slt, %jit3A_254, %sign3A_264 : i32
      %sign3A_266 = arith.extui %sign3A_265 : i1 to i32
      %sign3A_267 = arith.subi %sign3A_263, %sign3A_266 : i32
      %ne3A_268 = arith.cmpi ne, %sign3A_260, %sign3A_267 : i32
      %rem3A_269 = arith.remsi %scan3A_245, %jit3A_254 : i32
      %ne3A_270 = arith.constant 0 : i32
      %ne3A_271 = arith.cmpi ne, %rem3A_269, %ne3A_270 : i32
      %and3A_272 = arith.andi %ne3A_268, %ne3A_271 : i1
      %sub3A_273 = arith.constant 1 : i32
      %sub3A_274 = arith.subi %div3A, %sub3A_273 : i32
      %select_n3A_275 = arith.select %and3A_272, %sub3A_274, %div3A : i32
      %jit3A_276 = arith.constant 8 : i32
      %eq3A_277 = arith.constant 0 : i32
      %eq3A_278 = arith.cmpi eq, %jit3A_276, %eq3A_277 : i32
      %jit3A_279 = arith.constant 1 : i32
      %select_n3A_280 = arith.select %eq3A_278, %jit3A_279, %jit3A_276 : i32
      %rem3A_281 = arith.remsi %scan3A_245, %select_n3A_280 : i32
      %ne3A_282 = arith.constant 0 : i32
      %ne3A_283 = arith.cmpi ne, %rem3A_281, %ne3A_282 : i32
      %lt3A_284 = arith.constant 0 : i32
      %lt3A_285 = arith.cmpi slt, %rem3A_281, %lt3A_284 : i32
      %lt3A_286 = arith.constant 0 : i32
      %lt3A_287 = arith.cmpi slt, %select_n3A_280, %lt3A_286 : i32
      %ne3A_288 = arith.xori %lt3A_285, %lt3A_287 : i1
      %and3A_289 = arith.andi %ne3A_288, %ne3A_283 : i1
      %add3A_290 = arith.addi %rem3A_281, %select_n3A_280 : i32
      %select_n3A_291 = arith.select %and3A_289, %add3A_290, %rem3A_281 : i32
      %mul3A_292 = arith.constant 384 : i32
      %mul3A_293 = arith.muli %select_n3A_291, %mul3A_292 : i32
      %add3A_294 = arith.constant 0 : i32
      %add3A_295 = arith.addi %mul3A_293, %add3A_294 : i32
      %get3A_296 = arith.index_cast %select_n3A_275 : i32 to index
      %get3A_297 = arith.index_cast %add3A_295 : i32 to index
      %get3A_298 = tpu.vector_load %arg10[%get3A_296, %get3A_297] {strides = array<i32>} : memref<8x3072xf32, #tpu.memory_space<vmem>>, vector<1x16xf32>,
      %get3A_299 = vector.shape_cast %get3A_298 : vector<1x16xf32> to vector<16xf32>
      %get3A_300 = arith.index_cast %scan3A_245 : i32 to index
      %get3A_301 = arith.constant 0 : index
      %get3A_302 = tpu.vector_load %arg12[%get3A_300, %get3A_301] {strides = array<i32>} : memref<64x384xf32, #tpu.memory_space<vmem>>, vector<1x16xf32>,
      %get3A_303 = vector.shape_cast %get3A_302 : vector<1x16xf32> to vector<16xf32>
      %sub3A_304 = arith.subf %get3A_299, %get3A_303 : vector<16xf32>
      %mul3A_305 = arith.mulf %sub3A_304, %sub3A_304 : vector<16xf32>
      %add3A_306 = arith.addf %scan3A_246, %mul3A_305 : vector<16xf32>
      %add3A_307 = arith.constant 16 : i32
      %add3A_308 = arith.addi %mul3A_293, %add3A_307 : i32
      %get3A_309 = arith.index_cast %select_n3A_275 : i32 to index
      %get3A_310 = arith.index_cast %add3A_308 : i32 to index
      %get3A_311 = tpu.vector_load %arg10[%get3A_309, %get3A_310] {strides = array<i32>} : memref<8x3072xf32, #tpu.memory_space<vmem>>, vector<1x16xf32>,
      %get3A_312 = vector.shape_cast %get3A_311 : vector<1x16xf32> to vector<16xf32>
      %get3A_313 = arith.index_cast %scan3A_245 : i32 to index
      %get3A_314 = arith.constant 16 : index
      %get3A_315 = tpu.vector_load %arg12[%get3A_313, %get3A_314] {strides = array<i32>} : memref<64x384xf32, #tpu.memory_space<vmem>>, vector<1x16xf32>,
      %get3A_316 = vector.shape_cast %get3A_315 : vector<1x16xf32> to vector<16xf32>
      %sub3A_317 = arith.subf %get3A_312, %get3A_316 : vector<16xf32>
      %mul3A_318 = arith.mulf %sub3A_317, %sub3A_317 : vector<16xf32>
      %add3A_319 = arith.addf %scan3A_247, %mul3A_318 : vector<16xf32>
      %add3A_320 = arith.constant 32 : i32
      %add3A_321 = arith.addi %mul3A_293, %add3A_320 : i32
      %get3A_322 = arith.index_cast %select_n3A_275 : i32 to index
      %get3A_323 = arith.index_cast %add3A_321 : i32 to index
      %get3A_324 = tpu.vector_load %arg10[%get3A_322, %get3A_323] {strides = array<i32>} : memref<8x3072xf32, #tpu.memory_space<vmem>>, vector<1x16xf32>,
      %get3A_325 = vector.shape_cast %get3A_324 : vector<1x16xf32> to vector<16xf32>
      %get3A_326 = arith.index_cast %scan3A_245 : i32 to index
      %get3A_327 = arith.constant 32 : index
      %get3A_328 = tpu.vector_load %arg12[%get3A_326, %get3A_327] {strides = array<i32>} : memref<64x384xf32, #tpu.memory_space<vmem>>, vector<1x16xf32>,
      %get3A_329 = vector.shape_cast %get3A_328 : vector<1x16xf32> to vector<16xf32>
      %sub3A_330 = arith.subf %get3A_325, %get3A_329 : vector<16xf32>
      %mul3A_331 = arith.mulf %sub3A_330, %sub3A_330 : vector<16xf32>
      %add3A_332 = arith.addf %scan3A_248, %mul3A_331 : vector<16xf32>
      %add3A_333 = arith.constant 48 : i32
      %add3A_334 = arith.addi %mul3A_293, %add3A_333 : i32
      %get3A_335 = arith.index_cast %select_n3A_275 : i32 to index
      %get3A_336 = arith.index_cast %add3A_334 : i32 to index
      %get3A_337 = tpu.vector_load %arg10[%get3A_335, %get3A_336] {strides = array<i32>} : memref<8x3072xf32, #tpu.memory_space<vmem>>, vector<1x16xf32>,
      %get3A_338 = vector.shape_cast %get3A_337 : vector<1x16xf32> to vector<16xf32>
      %get3A_339 = arith.index_cast %scan3A_245 : i32 to index
      %get3A_340 = arith.constant 48 : index
      %get3A_341 = tpu.vector_load %arg12[%get3A_339, %get3A_340] {strides = array<i32>} : memref<64x384xf32, #tpu.memory_space<vmem>>, vector<1x16xf32>,
      %get3A_342 = vector.shape_cast %get3A_341 : vector<1x16xf32> to vector<16xf32>
      %sub3A_343 = arith.subf %get3A_338, %get3A_342 : vector<16xf32>
      %mul3A_344 = arith.mulf %sub3A_343, %sub3A_343 : vector<16xf32>
      %add3A_345 = arith.addf %scan3A_249, %mul3A_344 : vector<16xf32>
      %add3A_346 = arith.constant 64 : i32
      %add3A_347 = arith.addi %mul3A_293, %add3A_346 : i32
      %get3A_348 = arith.index_cast %select_n3A_275 : i32 to index
      %get3A_349 = arith.index_cast %add3A_347 : i32 to index
      %get3A_350 = tpu.vector_load %arg10[%get3A_348, %get3A_349] {strides = array<i32>} : memref<8x3072xf32, #tpu.memory_space<vmem>>, vector<1x16xf32>,
      %get3A_351 = vector.shape_cast %get3A_350 : vector<1x16xf32> to vector<16xf32>
      %get3A_352 = arith.index_cast %scan3A_245 : i32 to index
      %get3A_353 = arith.constant 64 : index
      %get3A_354 = tpu.vector_load %arg12[%get3A_352, %get3A_353] {strides = array<i32>} : memref<64x384xf32, #tpu.memory_space<vmem>>, vector<1x16xf32>,
      %get3A_355 = vector.shape_cast %get3A_354 : vector<1x16xf32> to vector<16xf32>
      %sub3A_356 = arith.subf %get3A_351, %get3A_355 : vector<16xf32>
      %mul3A_357 = arith.mulf %sub3A_356, %sub3A_356 : vector<16xf32>
      %add3A_358 = arith.addf %scan3A_250, %mul3A_357 : vector<16xf32>
      %add3A_359 = arith.constant 80 : i32
      %add3A_360 = arith.addi %mul3A_293, %add3A_359 : i32
      %get3A_361 = arith.index_cast %select_n3A_275 : i32 to index
      %get3A_362 = arith.index_cast %add3A_360 : i32 to index
      %get3A_363 = tpu.vector_load %arg10[%get3A_361, %get3A_362] {strides = array<i32>} : memref<8x3072xf32, #tpu.memory_space<vmem>>, vector<1x16xf32>,
      %get3A_364 = vector.shape_cast %get3A_363 : vector<1x16xf32> to vector<16xf32>
      %get3A_365 = arith.index_cast %scan3A_245 : i32 to index
      %get3A_366 = arith.constant 80 : index
      %get3A_367 = tpu.vector_load %arg12[%get3A_365, %get3A_366] {strides = array<i32>} : memref<64x384xf32, #tpu.memory_space<vmem>>, vector<1x16xf32>,
      %get3A_368 = vector.shape_cast %get3A_367 : vector<1x16xf32> to vector<16xf32>
      %sub3A_369 = arith.subf %get3A_364, %get3A_368 : vector<16xf32>
      %mul3A_370 = arith.mulf %sub3A_369, %sub3A_369 : vector<16xf32>
      %add3A_371 = arith.addf %scan3A_251, %mul3A_370 : vector<16xf32>
      %add3A_372 = arith.constant 96 : i32
      %add3A_373 = arith.addi %mul3A_293, %add3A_372 : i32
      %get3A_374 = arith.index_cast %select_n3A_275 : i32 to index
      %get3A_375 = arith.index_cast %add3A_373 : i32 to index
      %get3A_376 = tpu.vector_load %arg10[%get3A_374, %get3A_375] {strides = array<i32>} : memref<8x3072xf32, #tpu.memory_space<vmem>>, vector<1x16xf32>,
      %get3A_377 = vector.shape_cast %get3A_376 : vector<1x16xf32> to vector<16xf32>
      %get3A_378 = arith.index_cast %scan3A_245 : i32 to index
      %get3A_379 = arith.constant 96 : index
      %get3A_380 = tpu.vector_load %arg12[%get3A_378, %get3A_379] {strides = array<i32>} : memref<64x384xf32, #tpu.memory_space<vmem>>, vector<1x16xf32>,
      %get3A_381 = vector.shape_cast %get3A_380 : vector<1x16xf32> to vector<16xf32>
      %sub3A_382 = arith.subf %get3A_377, %get3A_381 : vector<16xf32>
      %mul3A_383 = arith.mulf %sub3A_382, %sub3A_382 : vector<16xf32>
      %add3A_384 = arith.addf %scan3A_252, %mul3A_383 : vector<16xf32>
      %add3A_385 = arith.constant 112 : i32
      %add3A_386 = arith.addi %mul3A_293, %add3A_385 : i32
      %get3A_387 = arith.index_cast %select_n3A_275 : i32 to index
      %get3A_388 = arith.index_cast %add3A_386 : i32 to index
      %get3A_389 = tpu.vector_load %arg10[%get3A_387, %get3A_388] {strides = array<i32>} : memref<8x3072xf32, #tpu.memory_space<vmem>>, vector<1x16xf32>,
      %get3A_390 = vector.shape_cast %get3A_389 : vector<1x16xf32> to vector<16xf32>
      %get3A_391 = arith.index_cast %scan3A_245 : i32 to index
      %get3A_392 = arith.constant 112 : index
      %get3A_393 = tpu.vector_load %arg12[%get3A_391, %get3A_392] {strides = array<i32>} : memref<64x384xf32, #tpu.memory_space<vmem>>, vector<1x16xf32>,
      %get3A_394 = vector.shape_cast %get3A_393 : vector<1x16xf32> to vector<16xf32>
      %sub3A_395 = arith.subf %get3A_390, %get3A_394 : vector<16xf32>
      %mul3A_396 = arith.mulf %sub3A_395, %sub3A_395 : vector<16xf32>
      %add3A_397 = arith.addf %scan3A_253, %mul3A_396 : vector<16xf32>
      %add3A_398 = arith.constant 128 : i32
      %add3A_399 = arith.addi %mul3A_293, %add3A_398 : i32
      %get3A_400 = arith.index_cast %select_n3A_275 : i32 to index
      %get3A_401 = arith.index_cast %add3A_399 : i32 to index
      %get3A_402 = tpu.vector_load %arg10[%get3A_400, %get3A_401] {strides = array<i32>} : memref<8x3072xf32, #tpu.memory_space<vmem>>, vector<1x16xf32>,
      %get3A_403 = vector.shape_cast %get3A_402 : vector<1x16xf32> to vector<16xf32>
      %get3A_404 = arith.index_cast %scan3A_245 : i32 to index
      %get3A_405 = arith.constant 128 : index
      %get3A_406 = tpu.vector_load %arg12[%get3A_404, %get3A_405] {strides = array<i32>} : memref<64x384xf32, #tpu.memory_space<vmem>>, vector<1x16xf32>,
      %get3A_407 = vector.shape_cast %get3A_406 : vector<1x16xf32> to vector<16xf32>
      %sub3A_408 = arith.subf %get3A_403, %get3A_407 : vector<16xf32>
      %mul3A_409 = arith.mulf %sub3A_408, %sub3A_408 : vector<16xf32>
      %add3A_410 = arith.addf %add3A_306, %mul3A_409 : vector<16xf32>
      %add3A_411 = arith.constant 144 : i32
      %add3A_412 = arith.addi %mul3A_293, %add3A_411 : i32
      %get3A_413 = arith.index_cast %select_n3A_275 : i32 to index
      %get3A_414 = arith.index_cast %add3A_412 : i32 to index
      %get3A_415 = tpu.vector_load %arg10[%get3A_413, %get3A_414] {strides = array<i32>} : memref<8x3072xf32, #tpu.memory_space<vmem>>, vector<1x16xf32>,
      %get3A_416 = vector.shape_cast %get3A_415 : vector<1x16xf32> to vector<16xf32>
      %get3A_417 = arith.index_cast %scan3A_245 : i32 to index
      %get3A_418 = arith.constant 144 : index
      %get3A_419 = tpu.vector_load %arg12[%get3A_417, %get3A_418] {strides = array<i32>} : memref<64x384xf32, #tpu.memory_space<vmem>>, vector<1x16xf32>,
      %get3A_420 = vector.shape_cast %get3A_419 : vector<1x16xf32> to vector<16xf32>
      %sub3A_421 = arith.subf %get3A_416, %get3A_420 : vector<16xf32>
      %mul3A_422 = arith.mulf %sub3A_421, %sub3A_421 : vector<16xf32>
      %add3A_423 = arith.addf %add3A_319, %mul3A_422 : vector<16xf32>
      %add3A_424 = arith.constant 160 : i32
      %add3A_425 = arith.addi %mul3A_293, %add3A_424 : i32
      %get3A_426 = arith.index_cast %select_n3A_275 : i32 to index
      %get3A_427 = arith.index_cast %add3A_425 : i32 to index
      %get3A_428 = tpu.vector_load %arg10[%get3A_426, %get3A_427] {strides = array<i32>} : memref<8x3072xf32, #tpu.memory_space<vmem>>, vector<1x16xf32>,
      %get3A_429 = vector.shape_cast %get3A_428 : vector<1x16xf32> to vector<16xf32>
      %get3A_430 = arith.index_cast %scan3A_245 : i32 to index
      %get3A_431 = arith.constant 160 : index
      %get3A_432 = tpu.vector_load %arg12[%get3A_430, %get3A_431] {strides = array<i32>} : memref<64x384xf32, #tpu.memory_space<vmem>>, vector<1x16xf32>,
      %get3A_433 = vector.shape_cast %get3A_432 : vector<1x16xf32> to vector<16xf32>
      %sub3A_434 = arith.subf %get3A_429, %get3A_433 : vector<16xf32>
      %mul3A_435 = arith.mulf %sub3A_434, %sub3A_434 : vector<16xf32>
      %add3A_436 = arith.addf %add3A_332, %mul3A_435 : vector<16xf32>
      %add3A_437 = arith.constant 176 : i32
      %add3A_438 = arith.addi %mul3A_293, %add3A_437 : i32
      %get3A_439 = arith.index_cast %select_n3A_275 : i32 to index
      %get3A_440 = arith.index_cast %add3A_438 : i32 to index
      %get3A_441 = tpu.vector_load %arg10[%get3A_439, %get3A_440] {strides = array<i32>} : memref<8x3072xf32, #tpu.memory_space<vmem>>, vector<1x16xf32>,
      %get3A_442 = vector.shape_cast %get3A_441 : vector<1x16xf32> to vector<16xf32>
      %get3A_443 = arith.index_cast %scan3A_245 : i32 to index
      %get3A_444 = arith.constant 176 : index
      %get3A_445 = tpu.vector_load %arg12[%get3A_443, %get3A_444] {strides = array<i32>} : memref<64x384xf32, #tpu.memory_space<vmem>>, vector<1x16xf32>,
      %get3A_446 = vector.shape_cast %get3A_445 : vector<1x16xf32> to vector<16xf32>
      %sub3A_447 = arith.subf %get3A_442, %get3A_446 : vector<16xf32>
      %mul3A_448 = arith.mulf %sub3A_447, %sub3A_447 : vector<16xf32>
      %add3A_449 = arith.addf %add3A_345, %mul3A_448 : vector<16xf32>
      %add3A_450 = arith.constant 192 : i32
      %add3A_451 = arith.addi %mul3A_293, %add3A_450 : i32
      %get3A_452 = arith.index_cast %select_n3A_275 : i32 to index
      %get3A_453 = arith.index_cast %add3A_451 : i32 to index
      %get3A_454 = tpu.vector_load %arg10[%get3A_452, %get3A_453] {strides = array<i32>} : memref<8x3072xf32, #tpu.memory_space<vmem>>, vector<1x16xf32>,
      %get3A_455 = vector.shape_cast %get3A_454 : vector<1x16xf32> to vector<16xf32>
      %get3A_456 = arith.index_cast %scan3A_245 : i32 to index
      %get3A_457 = arith.constant 192 : index
      %get3A_458 = tpu.vector_load %arg12[%get3A_456, %get3A_457] {strides = array<i32>} : memref<64x384xf32, #tpu.memory_space<vmem>>, vector<1x16xf32>,
      %get3A_459 = vector.shape_cast %get3A_458 : vector<1x16xf32> to vector<16xf32>
      %sub3A_460 = arith.subf %get3A_455, %get3A_459 : vector<16xf32>
      %mul3A_461 = arith.mulf %sub3A_460, %sub3A_460 : vector<16xf32>
      %add3A_462 = arith.addf %add3A_358, %mul3A_461 : vector<16xf32>
      %add3A_463 = arith.constant 208 : i32
      %add3A_464 = arith.addi %mul3A_293, %add3A_463 : i32
      %get3A_465 = arith.index_cast %select_n3A_275 : i32 to index
      %get3A_466 = arith.index_cast %add3A_464 : i32 to index
      %get3A_467 = tpu.vector_load %arg10[%get3A_465, %get3A_466] {strides = array<i32>} : memref<8x3072xf32, #tpu.memory_space<vmem>>, vector<1x16xf32>,
      %get3A_468 = vector.shape_cast %get3A_467 : vector<1x16xf32> to vector<16xf32>
      %get3A_469 = arith.index_cast %scan3A_245 : i32 to index
      %get3A_470 = arith.constant 208 : index
      %get3A_471 = tpu.vector_load %arg12[%get3A_469, %get3A_470] {strides = array<i32>} : memref<64x384xf32, #tpu.memory_space<vmem>>, vector<1x16xf32>,
      %get3A_472 = vector.shape_cast %get3A_471 : vector<1x16xf32> to vector<16xf32>
      %sub3A_473 = arith.subf %get3A_468, %get3A_472 : vector<16xf32>
      %mul3A_474 = arith.mulf %sub3A_473, %sub3A_473 : vector<16xf32>
      %add3A_475 = arith.addf %add3A_371, %mul3A_474 : vector<16xf32>
      %add3A_476 = arith.constant 224 : i32
      %add3A_477 = arith.addi %mul3A_293, %add3A_476 : i32
      %get3A_478 = arith.index_cast %select_n3A_275 : i32 to index
      %get3A_479 = arith.index_cast %add3A_477 : i32 to index
      %get3A_480 = tpu.vector_load %arg10[%get3A_478, %get3A_479] {strides = array<i32>} : memref<8x3072xf32, #tpu.memory_space<vmem>>, vector<1x16xf32>,
      %get3A_481 = vector.shape_cast %get3A_480 : vector<1x16xf32> to vector<16xf32>
      %get3A_482 = arith.index_cast %scan3A_245 : i32 to index
      %get3A_483 = arith.constant 224 : index
      %get3A_484 = tpu.vector_load %arg12[%get3A_482, %get3A_483] {strides = array<i32>} : memref<64x384xf32, #tpu.memory_space<vmem>>, vector<1x16xf32>,
      %get3A_485 = vector.shape_cast %get3A_484 : vector<1x16xf32> to vector<16xf32>
      %sub3A_486 = arith.subf %get3A_481, %get3A_485 : vector<16xf32>
      %mul3A_487 = arith.mulf %sub3A_486, %sub3A_486 : vector<16xf32>
      %add3A_488 = arith.addf %add3A_384, %mul3A_487 : vector<16xf32>
      %add3A_489 = arith.constant 240 : i32
      %add3A_490 = arith.addi %mul3A_293, %add3A_489 : i32
      %get3A_491 = arith.index_cast %select_n3A_275 : i32 to index
      %get3A_492 = arith.index_cast %add3A_490 : i32 to index
      %get3A_493 = tpu.vector_load %arg10[%get3A_491, %get3A_492] {strides = array<i32>} : memref<8x3072xf32, #tpu.memory_space<vmem>>, vector<1x16xf32>,
      %get3A_494 = vector.shape_cast %get3A_493 : vector<1x16xf32> to vector<16xf32>
      %get3A_495 = arith.index_cast %scan3A_245 : i32 to index
      %get3A_496 = arith.constant 240 : index
      %get3A_497 = tpu.vector_load %arg12[%get3A_495, %get3A_496] {strides = array<i32>} : memref<64x384xf32, #tpu.memory_space<vmem>>, vector<1x16xf32>,
      %get3A_498 = vector.shape_cast %get3A_497 : vector<1x16xf32> to vector<16xf32>
      %sub3A_499 = arith.subf %get3A_494, %get3A_498 : vector<16xf32>
      %mul3A_500 = arith.mulf %sub3A_499, %sub3A_499 : vector<16xf32>
      %add3A_501 = arith.addf %add3A_397, %mul3A_500 : vector<16xf32>
      %add3A_502 = arith.constant 256 : i32
      %add3A_503 = arith.addi %mul3A_293, %add3A_502 : i32
      %get3A_504 = arith.index_cast %select_n3A_275 : i32 to index
      %get3A_505 = arith.index_cast %add3A_503 : i32 to index
      %get3A_506 = tpu.vector_load %arg10[%get3A_504, %get3A_505] {strides = array<i32>} : memref<8x3072xf32, #tpu.memory_space<vmem>>, vector<1x16xf32>,
      %get3A_507 = vector.shape_cast %get3A_506 : vector<1x16xf32> to vector<16xf32>
      %get3A_508 = arith.index_cast %scan3A_245 : i32 to index
      %get3A_509 = arith.constant 256 : index
      %get3A_510 = tpu.vector_load %arg12[%get3A_508, %get3A_509] {strides = array<i32>} : memref<64x384xf32, #tpu.memory_space<vmem>>, vector<1x16xf32>,
      %get3A_511 = vector.shape_cast %get3A_510 : vector<1x16xf32> to vector<16xf32>
      %sub3A_512 = arith.subf %get3A_507, %get3A_511 : vector<16xf32>
      %mul3A_513 = arith.mulf %sub3A_512, %sub3A_512 : vector<16xf32>
      %add3A_514 = arith.addf %add3A_410, %mul3A_513 : vector<16xf32>
      %add3A_515 = arith.constant 272 : i32
      %add3A_516 = arith.addi %mul3A_293, %add3A_515 : i32
      %get3A_517 = arith.index_cast %select_n3A_275 : i32 to index
      %get3A_518 = arith.index_cast %add3A_516 : i32 to index
      %get3A_519 = tpu.vector_load %arg10[%get3A_517, %get3A_518] {strides = array<i32>} : memref<8x3072xf32, #tpu.memory_space<vmem>>, vector<1x16xf32>,
      %get3A_520 = vector.shape_cast %get3A_519 : vector<1x16xf32> to vector<16xf32>
      %get3A_521 = arith.index_cast %scan3A_245 : i32 to index
      %get3A_522 = arith.constant 272 : index
      %get3A_523 = tpu.vector_load %arg12[%get3A_521, %get3A_522] {strides = array<i32>} : memref<64x384xf32, #tpu.memory_space<vmem>>, vector<1x16xf32>,
      %get3A_524 = vector.shape_cast %get3A_523 : vector<1x16xf32> to vector<16xf32>
      %sub3A_525 = arith.subf %get3A_520, %get3A_524 : vector<16xf32>
      %mul3A_526 = arith.mulf %sub3A_525, %sub3A_525 : vector<16xf32>
      %add3A_527 = arith.addf %add3A_423, %mul3A_526 : vector<16xf32>
      %add3A_528 = arith.constant 288 : i32
      %add3A_529 = arith.addi %mul3A_293, %add3A_528 : i32
      %get3A_530 = arith.index_cast %select_n3A_275 : i32 to index
      %get3A_531 = arith.index_cast %add3A_529 : i32 to index
      %get3A_532 = tpu.vector_load %arg10[%get3A_530, %get3A_531] {strides = array<i32>} : memref<8x3072xf32, #tpu.memory_space<vmem>>, vector<1x16xf32>,
      %get3A_533 = vector.shape_cast %get3A_532 : vector<1x16xf32> to vector<16xf32>
      %get3A_534 = arith.index_cast %scan3A_245 : i32 to index
      %get3A_535 = arith.constant 288 : index
      %get3A_536 = tpu.vector_load %arg12[%get3A_534, %get3A_535] {strides = array<i32>} : memref<64x384xf32, #tpu.memory_space<vmem>>, vector<1x16xf32>,
      %get3A_537 = vector.shape_cast %get3A_536 : vector<1x16xf32> to vector<16xf32>
      %sub3A_538 = arith.subf %get3A_533, %get3A_537 : vector<16xf32>
      %mul3A_539 = arith.mulf %sub3A_538, %sub3A_538 : vector<16xf32>
      %add3A_540 = arith.addf %add3A_436, %mul3A_539 : vector<16xf32>
      %add3A_541 = arith.constant 304 : i32
      %add3A_542 = arith.addi %mul3A_293, %add3A_541 : i32
      %get3A_543 = arith.index_cast %select_n3A_275 : i32 to index
      %get3A_544 = arith.index_cast %add3A_542 : i32 to index
      %get3A_545 = tpu.vector_load %arg10[%get3A_543, %get3A_544] {strides = array<i32>} : memref<8x3072xf32, #tpu.memory_space<vmem>>, vector<1x16xf32>,
      %get3A_546 = vector.shape_cast %get3A_545 : vector<1x16xf32> to vector<16xf32>
      %get3A_547 = arith.index_cast %scan3A_245 : i32 to index
      %get3A_548 = arith.constant 304 : index
      %get3A_549 = tpu.vector_load %arg12[%get3A_547, %get3A_548] {strides = array<i32>} : memref<64x384xf32, #tpu.memory_space<vmem>>, vector<1x16xf32>,
      %get3A_550 = vector.shape_cast %get3A_549 : vector<1x16xf32> to vector<16xf32>
      %sub3A_551 = arith.subf %get3A_546, %get3A_550 : vector<16xf32>
      %mul3A_552 = arith.mulf %sub3A_551, %sub3A_551 : vector<16xf32>
      %add3A_553 = arith.addf %add3A_449, %mul3A_552 : vector<16xf32>
      %add3A_554 = arith.constant 320 : i32
      %add3A_555 = arith.addi %mul3A_293, %add3A_554 : i32
      %get3A_556 = arith.index_cast %select_n3A_275 : i32 to index
      %get3A_557 = arith.index_cast %add3A_555 : i32 to index
      %get3A_558 = tpu.vector_load %arg10[%get3A_556, %get3A_557] {strides = array<i32>} : memref<8x3072xf32, #tpu.memory_space<vmem>>, vector<1x16xf32>,
      %get3A_559 = vector.shape_cast %get3A_558 : vector<1x16xf32> to vector<16xf32>
      %get3A_560 = arith.index_cast %scan3A_245 : i32 to index
      %get3A_561 = arith.constant 320 : index
      %get3A_562 = tpu.vector_load %arg12[%get3A_560, %get3A_561] {strides = array<i32>} : memref<64x384xf32, #tpu.memory_space<vmem>>, vector<1x16xf32>,
      %get3A_563 = vector.shape_cast %get3A_562 : vector<1x16xf32> to vector<16xf32>
      %sub3A_564 = arith.subf %get3A_559, %get3A_563 : vector<16xf32>
      %mul3A_565 = arith.mulf %sub3A_564, %sub3A_564 : vector<16xf32>
      %add3A_566 = arith.addf %add3A_462, %mul3A_565 : vector<16xf32>
      %add3A_567 = arith.constant 336 : i32
      %add3A_568 = arith.addi %mul3A_293, %add3A_567 : i32
      %get3A_569 = arith.index_cast %select_n3A_275 : i32 to index
      %get3A_570 = arith.index_cast %add3A_568 : i32 to index
      %get3A_571 = tpu.vector_load %arg10[%get3A_569, %get3A_570] {strides = array<i32>} : memref<8x3072xf32, #tpu.memory_space<vmem>>, vector<1x16xf32>,
      %get3A_572 = vector.shape_cast %get3A_571 : vector<1x16xf32> to vector<16xf32>
      %get3A_573 = arith.index_cast %scan3A_245 : i32 to index
      %get3A_574 = arith.constant 336 : index
      %get3A_575 = tpu.vector_load %arg12[%get3A_573, %get3A_574] {strides = array<i32>} : memref<64x384xf32, #tpu.memory_space<vmem>>, vector<1x16xf32>,
      %get3A_576 = vector.shape_cast %get3A_575 : vector<1x16xf32> to vector<16xf32>
      %sub3A_577 = arith.subf %get3A_572, %get3A_576 : vector<16xf32>
      %mul3A_578 = arith.mulf %sub3A_577, %sub3A_577 : vector<16xf32>
      %add3A_579 = arith.addf %add3A_475, %mul3A_578 : vector<16xf32>
      %add3A_580 = arith.constant 352 : i32
      %add3A_581 = arith.addi %mul3A_293, %add3A_580 : i32
      %get3A_582 = arith.index_cast %select_n3A_275 : i32 to index
      %get3A_583 = arith.index_cast %add3A_581 : i32 to index
      %get3A_584 = tpu.vector_load %arg10[%get3A_582, %get3A_583] {strides = array<i32>} : memref<8x3072xf32, #tpu.memory_space<vmem>>, vector<1x16xf32>,
      %get3A_585 = vector.shape_cast %get3A_584 : vector<1x16xf32> to vector<16xf32>
      %get3A_586 = arith.index_cast %scan3A_245 : i32 to index
      %get3A_587 = arith.constant 352 : index
      %get3A_588 = tpu.vector_load %arg12[%get3A_586, %get3A_587] {strides = array<i32>} : memref<64x384xf32, #tpu.memory_space<vmem>>, vector<1x16xf32>,
      %get3A_589 = vector.shape_cast %get3A_588 : vector<1x16xf32> to vector<16xf32>
      %sub3A_590 = arith.subf %get3A_585, %get3A_589 : vector<16xf32>
      %mul3A_591 = arith.mulf %sub3A_590, %sub3A_590 : vector<16xf32>
      %add3A_592 = arith.addf %add3A_488, %mul3A_591 : vector<16xf32>
      %add3A_593 = arith.constant 368 : i32
      %add3A_594 = arith.addi %mul3A_293, %add3A_593 : i32
      %get3A_595 = arith.index_cast %select_n3A_275 : i32 to index
      %get3A_596 = arith.index_cast %add3A_594 : i32 to index
      %get3A_597 = tpu.vector_load %arg10[%get3A_595, %get3A_596] {strides = array<i32>} : memref<8x3072xf32, #tpu.memory_space<vmem>>, vector<1x16xf32>,
      %get3A_598 = vector.shape_cast %get3A_597 : vector<1x16xf32> to vector<16xf32>
      %get3A_599 = arith.index_cast %scan3A_245 : i32 to index
      %get3A_600 = arith.constant 368 : index
      %get3A_601 = tpu.vector_load %arg12[%get3A_599, %get3A_600] {strides = array<i32>} : memref<64x384xf32, #tpu.memory_space<vmem>>, vector<1x16xf32>,
      %get3A_602 = vector.shape_cast %get3A_601 : vector<1x16xf32> to vector<16xf32>
      %sub3A_603 = arith.subf %get3A_598, %get3A_602 : vector<16xf32>
      %mul3A_604 = arith.mulf %sub3A_603, %sub3A_603 : vector<16xf32>
      %add3A_605 = arith.addf %add3A_501, %mul3A_604 : vector<16xf32>
      scf.yield %add3A_514, %add3A_527, %add3A_540, %add3A_553, %add3A_566, %add3A_579, %add3A_592, %add3A_605 : vector<16xf32>, vector<16xf32>, vector<16xf32>, vector<16xf32>, vector<16xf32>, vector<16xf32>, vector<16xf32>, vector<16xf32>
    }
    %scan3A_190 = arith.constant 64 : i32
    %add3A_191 = arith.constant 40 : i32
    %add3A_192 = arith.addi %mul3A_2, %add3A_191 : i32
    %dma_start3A_193 = arith.constant 0 : i32
    %dma_start3A_194 = tpu.memref_slice %arg2[%add3A_192, %dma_start3A_193] : memref<4096x3072xf32, #tpu.memory_space<hbm>> -> memref<8x3072xf32, #tpu.memory_space<hbm>>
    %dma_start3A_195 = arith.constant 0 : i32
    %dma_start3A_196 = tpu.memref_slice %arg2[%add3A_192, %dma_start3A_195] : memref<4096x3072xf32, #tpu.memory_space<hbm>> -> memref<8x3072xf32, #tpu.memory_space<hbm>>
    tpu.enqueue_dma source(%dma_start3A_196 : memref<8x3072xf32, #tpu.memory_space<hbm>>) target(%arg10 : memref<8x3072xf32, #tpu.memory_space<vmem>>) target_semaphore(%arg16 : memref<!tpu.dma_semaphore, #tpu.memory_space<semaphore_mem>>)
    %dma_start3A_197 = arith.constant 320 : i32
    %dma_start3A_198 = tpu.memref_slice %arg8[%dma_start3A_197] : memref<384xi32, #tpu.memory_space<vmem>> -> memref<64xi32, #tpu.memory_space<vmem>>
    %dma_start3A_199 = arith.constant 0 : i32
    %dma_start3A_200 = arith.constant 0 : i32
    %dma_start3A_201 = tpu.memref_slice %arg5[%dma_start3A_199, %dma_start3A_200] : memref<8000x384xf32, #tpu.memory_space<hbm>> -> memref<8000x384xf32, #tpu.memory_space<hbm>>
    tpu.enqueue_indirect_dma source(%dma_start3A_201 : memref<8000x384xf32, #tpu.memory_space<hbm>>) target(%arg12 : memref<64x384xf32, #tpu.memory_space<vmem>>) offsets(%dma_start3A_198 : memref<64xi32, #tpu.memory_space<vmem>>) semaphore(%arg18 : memref<!tpu.dma_semaphore, #tpu.memory_space<semaphore_mem>>)
    %dma_wait3A_202 = arith.constant 0 : i32
    %dma_wait3A_203 = tpu.memref_slice %arg2[%add3A_166, %dma_wait3A_202] : memref<4096x3072xf32, #tpu.memory_space<hbm>> -> memref<8x3072xf32, #tpu.memory_space<hbm>>
    %dma_wait3A_204 = arith.constant 0 : i32
    %dma_wait3A_205 = tpu.memref_slice %arg2[%add3A_166, %dma_wait3A_204] : memref<4096x3072xf32, #tpu.memory_space<hbm>> -> memref<8x3072xf32, #tpu.memory_space<hbm>>
    tpu.wait_dma2 semaphore(%arg15 : memref<!tpu.dma_semaphore, #tpu.memory_space<semaphore_mem>>) src(%dma_wait3A_205 : memref<8x3072xf32, #tpu.memory_space<hbm>>) dst(%arg9 : memref<8x3072xf32, #tpu.memory_space<vmem>>)
    %dma_wait3A_206 = arith.constant 256 : i32
    %dma_wait3A_207 = tpu.memref_slice %arg8[%dma_wait3A_206] : memref<384xi32, #tpu.memory_space<vmem>> -> memref<64xi32, #tpu.memory_space<vmem>>
    %dma_wait3A_208 = arith.constant 0 : i32
    %dma_wait3A_209 = arith.constant 0 : i32
    %dma_wait3A_210 = tpu.memref_slice %arg5[%dma_wait3A_208, %dma_wait3A_209] : memref<8000x384xf32, #tpu.memory_space<hbm>> -> memref<8000x384xf32, #tpu.memory_space<hbm>>
    tpu.wait_indirect_dma semaphore(%arg17 : memref<!tpu.dma_semaphore, #tpu.memory_space<semaphore_mem>>) src(%dma_wait3A_210 : memref<8000x384xf32, #tpu.memory_space<hbm>>) dst(%arg11 : memref<64x384xf32, #tpu.memory_space<vmem>>)
    %scan3A_211 = arith.constant 0 : i32
    %scan3A_212 = arith.constant 64 : i32
    %scan3A_213 = arith.addi %scan3A_211, %scan3A_212 : i32
    %scan3A_214 = arith.constant 1 : i32
    %scan3A_215:8 = scf.for %scan3A_245 = %scan3A_211 to %scan3A_213 step %scan3A_214 iter_args(%scan3A_246 = %scan3A_189#0, %scan3A_247 = %scan3A_189#1, %scan3A_248 = %scan3A_189#2, %scan3A_249 = %scan3A_189#3, %scan3A_250 = %scan3A_189#4, %scan3A_251 = %scan3A_189#5, %scan3A_252 = %scan3A_189#6, %scan3A_253 = %scan3A_189#7) -> (vector<16xf32>, vector<16xf32>, vector<16xf32>, vector<16xf32>, vector<16xf32>, vector<16xf32>, vector<16xf32>, vector<16xf32>)  : i32 {
      %jit3A_254 = arith.constant 8 : i32
      %div3A = arith.divsi %scan3A_245, %jit3A_254 : i32
      %sign3A = arith.constant 0 : i32
      %sign3A_255 = arith.cmpi sgt, %scan3A_245, %sign3A : i32
      %sign3A_256 = arith.extui %sign3A_255 : i1 to i32
      %sign3A_257 = arith.constant 0 : i32
      %sign3A_258 = arith.cmpi slt, %scan3A_245, %sign3A_257 : i32
      %sign3A_259 = arith.extui %sign3A_258 : i1 to i32
      %sign3A_260 = arith.subi %sign3A_256, %sign3A_259 : i32
      %sign3A_261 = arith.constant 0 : i32
      %sign3A_262 = arith.cmpi sgt, %jit3A_254, %sign3A_261 : i32
      %sign3A_263 = arith.extui %sign3A_262 : i1 to i32
      %sign3A_264 = arith.constant 0 : i32
      %sign3A_265 = arith.cmpi slt, %jit3A_254, %sign3A_264 : i32
      %sign3A_266 = arith.extui %sign3A_265 : i1 to i32
      %sign3A_267 = arith.subi %sign3A_263, %sign3A_266 : i32
      %ne3A_268 = arith.cmpi ne, %sign3A_260, %sign3A_267 : i32
      %rem3A_269 = arith.remsi %scan3A_245, %jit3A_254 : i32
      %ne3A_270 = arith.constant 0 : i32
      %ne3A_271 = arith.cmpi ne, %rem3A_269, %ne3A_270 : i32
      %and3A_272 = arith.andi %ne3A_268, %ne3A_271 : i1
      %sub3A_273 = arith.constant 1 : i32
      %sub3A_274 = arith.subi %div3A, %sub3A_273 : i32
      %select_n3A_275 = arith.select %and3A_272, %sub3A_274, %div3A : i32
      %jit3A_276 = arith.constant 8 : i32
      %eq3A_277 = arith.constant 0 : i32
      %eq3A_278 = arith.cmpi eq, %jit3A_276, %eq3A_277 : i32
      %jit3A_279 = arith.constant 1 : i32
      %select_n3A_280 = arith.select %eq3A_278, %jit3A_279, %jit3A_276 : i32
      %rem3A_281 = arith.remsi %scan3A_245, %select_n3A_280 : i32
      %ne3A_282 = arith.constant 0 : i32
      %ne3A_283 = arith.cmpi ne, %rem3A_281, %ne3A_282 : i32
      %lt3A_284 = arith.constant 0 : i32
      %lt3A_285 = arith.cmpi slt, %rem3A_281, %lt3A_284 : i32
      %lt3A_286 = arith.constant 0 : i32
      %lt3A_287 = arith.cmpi slt, %select_n3A_280, %lt3A_286 : i32
      %ne3A_288 = arith.xori %lt3A_285, %lt3A_287 : i1
      %and3A_289 = arith.andi %ne3A_288, %ne3A_283 : i1
      %add3A_290 = arith.addi %rem3A_281, %select_n3A_280 : i32
      %select_n3A_291 = arith.select %and3A_289, %add3A_290, %rem3A_281 : i32
      %mul3A_292 = arith.constant 384 : i32
      %mul3A_293 = arith.muli %select_n3A_291, %mul3A_292 : i32
      %add3A_294 = arith.constant 0 : i32
      %add3A_295 = arith.addi %mul3A_293, %add3A_294 : i32
      %get3A_296 = arith.index_cast %select_n3A_275 : i32 to index
      %get3A_297 = arith.index_cast %add3A_295 : i32 to index
      %get3A_298 = tpu.vector_load %arg9[%get3A_296, %get3A_297] {strides = array<i32>} : memref<8x3072xf32, #tpu.memory_space<vmem>>, vector<1x16xf32>,
      %get3A_299 = vector.shape_cast %get3A_298 : vector<1x16xf32> to vector<16xf32>
      %get3A_300 = arith.index_cast %scan3A_245 : i32 to index
      %get3A_301 = arith.constant 0 : index
      %get3A_302 = tpu.vector_load %arg11[%get3A_300, %get3A_301] {strides = array<i32>} : memref<64x384xf32, #tpu.memory_space<vmem>>, vector<1x16xf32>,
      %get3A_303 = vector.shape_cast %get3A_302 : vector<1x16xf32> to vector<16xf32>
      %sub3A_304 = arith.subf %get3A_299, %get3A_303 : vector<16xf32>
      %mul3A_305 = arith.mulf %sub3A_304, %sub3A_304 : vector<16xf32>
      %add3A_306 = arith.addf %scan3A_246, %mul3A_305 : vector<16xf32>
      %add3A_307 = arith.constant 16 : i32
      %add3A_308 = arith.addi %mul3A_293, %add3A_307 : i32
      %get3A_309 = arith.index_cast %select_n3A_275 : i32 to index
      %get3A_310 = arith.index_cast %add3A_308 : i32 to index
      %get3A_311 = tpu.vector_load %arg9[%get3A_309, %get3A_310] {strides = array<i32>} : memref<8x3072xf32, #tpu.memory_space<vmem>>, vector<1x16xf32>,
      %get3A_312 = vector.shape_cast %get3A_311 : vector<1x16xf32> to vector<16xf32>
      %get3A_313 = arith.index_cast %scan3A_245 : i32 to index
      %get3A_314 = arith.constant 16 : index
      %get3A_315 = tpu.vector_load %arg11[%get3A_313, %get3A_314] {strides = array<i32>} : memref<64x384xf32, #tpu.memory_space<vmem>>, vector<1x16xf32>,
      %get3A_316 = vector.shape_cast %get3A_315 : vector<1x16xf32> to vector<16xf32>
      %sub3A_317 = arith.subf %get3A_312, %get3A_316 : vector<16xf32>
      %mul3A_318 = arith.mulf %sub3A_317, %sub3A_317 : vector<16xf32>
      %add3A_319 = arith.addf %scan3A_247, %mul3A_318 : vector<16xf32>
      %add3A_320 = arith.constant 32 : i32
      %add3A_321 = arith.addi %mul3A_293, %add3A_320 : i32
      %get3A_322 = arith.index_cast %select_n3A_275 : i32 to index
      %get3A_323 = arith.index_cast %add3A_321 : i32 to index
      %get3A_324 = tpu.vector_load %arg9[%get3A_322, %get3A_323] {strides = array<i32>} : memref<8x3072xf32, #tpu.memory_space<vmem>>, vector<1x16xf32>,
      %get3A_325 = vector.shape_cast %get3A_324 : vector<1x16xf32> to vector<16xf32>
      %get3A_326 = arith.index_cast %scan3A_245 : i32 to index
      %get3A_327 = arith.constant 32 : index
      %get3A_328 = tpu.vector_load %arg11[%get3A_326, %get3A_327] {strides = array<i32>} : memref<64x384xf32, #tpu.memory_space<vmem>>, vector<1x16xf32>,
      %get3A_329 = vector.shape_cast %get3A_328 : vector<1x16xf32> to vector<16xf32>
      %sub3A_330 = arith.subf %get3A_325, %get3A_329 : vector<16xf32>
      %mul3A_331 = arith.mulf %sub3A_330, %sub3A_330 : vector<16xf32>
      %add3A_332 = arith.addf %scan3A_248, %mul3A_331 : vector<16xf32>
      %add3A_333 = arith.constant 48 : i32
      %add3A_334 = arith.addi %mul3A_293, %add3A_333 : i32
      %get3A_335 = arith.index_cast %select_n3A_275 : i32 to index
      %get3A_336 = arith.index_cast %add3A_334 : i32 to index
      %get3A_337 = tpu.vector_load %arg9[%get3A_335, %get3A_336] {strides = array<i32>} : memref<8x3072xf32, #tpu.memory_space<vmem>>, vector<1x16xf32>,
      %get3A_338 = vector.shape_cast %get3A_337 : vector<1x16xf32> to vector<16xf32>
      %get3A_339 = arith.index_cast %scan3A_245 : i32 to index
      %get3A_340 = arith.constant 48 : index
      %get3A_341 = tpu.vector_load %arg11[%get3A_339, %get3A_340] {strides = array<i32>} : memref<64x384xf32, #tpu.memory_space<vmem>>, vector<1x16xf32>,
      %get3A_342 = vector.shape_cast %get3A_341 : vector<1x16xf32> to vector<16xf32>
      %sub3A_343 = arith.subf %get3A_338, %get3A_342 : vector<16xf32>
      %mul3A_344 = arith.mulf %sub3A_343, %sub3A_343 : vector<16xf32>
      %add3A_345 = arith.addf %scan3A_249, %mul3A_344 : vector<16xf32>
      %add3A_346 = arith.constant 64 : i32
      %add3A_347 = arith.addi %mul3A_293, %add3A_346 : i32
      %get3A_348 = arith.index_cast %select_n3A_275 : i32 to index
      %get3A_349 = arith.index_cast %add3A_347 : i32 to index
      %get3A_350 = tpu.vector_load %arg9[%get3A_348, %get3A_349] {strides = array<i32>} : memref<8x3072xf32, #tpu.memory_space<vmem>>, vector<1x16xf32>,
      %get3A_351 = vector.shape_cast %get3A_350 : vector<1x16xf32> to vector<16xf32>
      %get3A_352 = arith.index_cast %scan3A_245 : i32 to index
      %get3A_353 = arith.constant 64 : index
      %get3A_354 = tpu.vector_load %arg11[%get3A_352, %get3A_353] {strides = array<i32>} : memref<64x384xf32, #tpu.memory_space<vmem>>, vector<1x16xf32>,
      %get3A_355 = vector.shape_cast %get3A_354 : vector<1x16xf32> to vector<16xf32>
      %sub3A_356 = arith.subf %get3A_351, %get3A_355 : vector<16xf32>
      %mul3A_357 = arith.mulf %sub3A_356, %sub3A_356 : vector<16xf32>
      %add3A_358 = arith.addf %scan3A_250, %mul3A_357 : vector<16xf32>
      %add3A_359 = arith.constant 80 : i32
      %add3A_360 = arith.addi %mul3A_293, %add3A_359 : i32
      %get3A_361 = arith.index_cast %select_n3A_275 : i32 to index
      %get3A_362 = arith.index_cast %add3A_360 : i32 to index
      %get3A_363 = tpu.vector_load %arg9[%get3A_361, %get3A_362] {strides = array<i32>} : memref<8x3072xf32, #tpu.memory_space<vmem>>, vector<1x16xf32>,
      %get3A_364 = vector.shape_cast %get3A_363 : vector<1x16xf32> to vector<16xf32>
      %get3A_365 = arith.index_cast %scan3A_245 : i32 to index
      %get3A_366 = arith.constant 80 : index
      %get3A_367 = tpu.vector_load %arg11[%get3A_365, %get3A_366] {strides = array<i32>} : memref<64x384xf32, #tpu.memory_space<vmem>>, vector<1x16xf32>,
      %get3A_368 = vector.shape_cast %get3A_367 : vector<1x16xf32> to vector<16xf32>
      %sub3A_369 = arith.subf %get3A_364, %get3A_368 : vector<16xf32>
      %mul3A_370 = arith.mulf %sub3A_369, %sub3A_369 : vector<16xf32>
      %add3A_371 = arith.addf %scan3A_251, %mul3A_370 : vector<16xf32>
      %add3A_372 = arith.constant 96 : i32
      %add3A_373 = arith.addi %mul3A_293, %add3A_372 : i32
      %get3A_374 = arith.index_cast %select_n3A_275 : i32 to index
      %get3A_375 = arith.index_cast %add3A_373 : i32 to index
      %get3A_376 = tpu.vector_load %arg9[%get3A_374, %get3A_375] {strides = array<i32>} : memref<8x3072xf32, #tpu.memory_space<vmem>>, vector<1x16xf32>,
      %get3A_377 = vector.shape_cast %get3A_376 : vector<1x16xf32> to vector<16xf32>
      %get3A_378 = arith.index_cast %scan3A_245 : i32 to index
      %get3A_379 = arith.constant 96 : index
      %get3A_380 = tpu.vector_load %arg11[%get3A_378, %get3A_379] {strides = array<i32>} : memref<64x384xf32, #tpu.memory_space<vmem>>, vector<1x16xf32>,
      %get3A_381 = vector.shape_cast %get3A_380 : vector<1x16xf32> to vector<16xf32>
      %sub3A_382 = arith.subf %get3A_377, %get3A_381 : vector<16xf32>
      %mul3A_383 = arith.mulf %sub3A_382, %sub3A_382 : vector<16xf32>
      %add3A_384 = arith.addf %scan3A_252, %mul3A_383 : vector<16xf32>
      %add3A_385 = arith.constant 112 : i32
      %add3A_386 = arith.addi %mul3A_293, %add3A_385 : i32
      %get3A_387 = arith.index_cast %select_n3A_275 : i32 to index
      %get3A_388 = arith.index_cast %add3A_386 : i32 to index
      %get3A_389 = tpu.vector_load %arg9[%get3A_387, %get3A_388] {strides = array<i32>} : memref<8x3072xf32, #tpu.memory_space<vmem>>, vector<1x16xf32>,
      %get3A_390 = vector.shape_cast %get3A_389 : vector<1x16xf32> to vector<16xf32>
      %get3A_391 = arith.index_cast %scan3A_245 : i32 to index
      %get3A_392 = arith.constant 112 : index
      %get3A_393 = tpu.vector_load %arg11[%get3A_391, %get3A_392] {strides = array<i32>} : memref<64x384xf32, #tpu.memory_space<vmem>>, vector<1x16xf32>,
      %get3A_394 = vector.shape_cast %get3A_393 : vector<1x16xf32> to vector<16xf32>
      %sub3A_395 = arith.subf %get3A_390, %get3A_394 : vector<16xf32>
      %mul3A_396 = arith.mulf %sub3A_395, %sub3A_395 : vector<16xf32>
      %add3A_397 = arith.addf %scan3A_253, %mul3A_396 : vector<16xf32>
      %add3A_398 = arith.constant 128 : i32
      %add3A_399 = arith.addi %mul3A_293, %add3A_398 : i32
      %get3A_400 = arith.index_cast %select_n3A_275 : i32 to index
      %get3A_401 = arith.index_cast %add3A_399 : i32 to index
      %get3A_402 = tpu.vector_load %arg9[%get3A_400, %get3A_401] {strides = array<i32>} : memref<8x3072xf32, #tpu.memory_space<vmem>>, vector<1x16xf32>,
      %get3A_403 = vector.shape_cast %get3A_402 : vector<1x16xf32> to vector<16xf32>
      %get3A_404 = arith.index_cast %scan3A_245 : i32 to index
      %get3A_405 = arith.constant 128 : index
      %get3A_406 = tpu.vector_load %arg11[%get3A_404, %get3A_405] {strides = array<i32>} : memref<64x384xf32, #tpu.memory_space<vmem>>, vector<1x16xf32>,
      %get3A_407 = vector.shape_cast %get3A_406 : vector<1x16xf32> to vector<16xf32>
      %sub3A_408 = arith.subf %get3A_403, %get3A_407 : vector<16xf32>
      %mul3A_409 = arith.mulf %sub3A_408, %sub3A_408 : vector<16xf32>
      %add3A_410 = arith.addf %add3A_306, %mul3A_409 : vector<16xf32>
      %add3A_411 = arith.constant 144 : i32
      %add3A_412 = arith.addi %mul3A_293, %add3A_411 : i32
      %get3A_413 = arith.index_cast %select_n3A_275 : i32 to index
      %get3A_414 = arith.index_cast %add3A_412 : i32 to index
      %get3A_415 = tpu.vector_load %arg9[%get3A_413, %get3A_414] {strides = array<i32>} : memref<8x3072xf32, #tpu.memory_space<vmem>>, vector<1x16xf32>,
      %get3A_416 = vector.shape_cast %get3A_415 : vector<1x16xf32> to vector<16xf32>
      %get3A_417 = arith.index_cast %scan3A_245 : i32 to index
      %get3A_418 = arith.constant 144 : index
      %get3A_419 = tpu.vector_load %arg11[%get3A_417, %get3A_418] {strides = array<i32>} : memref<64x384xf32, #tpu.memory_space<vmem>>, vector<1x16xf32>,
      %get3A_420 = vector.shape_cast %get3A_419 : vector<1x16xf32> to vector<16xf32>
      %sub3A_421 = arith.subf %get3A_416, %get3A_420 : vector<16xf32>
      %mul3A_422 = arith.mulf %sub3A_421, %sub3A_421 : vector<16xf32>
      %add3A_423 = arith.addf %add3A_319, %mul3A_422 : vector<16xf32>
      %add3A_424 = arith.constant 160 : i32
      %add3A_425 = arith.addi %mul3A_293, %add3A_424 : i32
      %get3A_426 = arith.index_cast %select_n3A_275 : i32 to index
      %get3A_427 = arith.index_cast %add3A_425 : i32 to index
      %get3A_428 = tpu.vector_load %arg9[%get3A_426, %get3A_427] {strides = array<i32>} : memref<8x3072xf32, #tpu.memory_space<vmem>>, vector<1x16xf32>,
      %get3A_429 = vector.shape_cast %get3A_428 : vector<1x16xf32> to vector<16xf32>
      %get3A_430 = arith.index_cast %scan3A_245 : i32 to index
      %get3A_431 = arith.constant 160 : index
      %get3A_432 = tpu.vector_load %arg11[%get3A_430, %get3A_431] {strides = array<i32>} : memref<64x384xf32, #tpu.memory_space<vmem>>, vector<1x16xf32>,
      %get3A_433 = vector.shape_cast %get3A_432 : vector<1x16xf32> to vector<16xf32>
      %sub3A_434 = arith.subf %get3A_429, %get3A_433 : vector<16xf32>
      %mul3A_435 = arith.mulf %sub3A_434, %sub3A_434 : vector<16xf32>
      %add3A_436 = arith.addf %add3A_332, %mul3A_435 : vector<16xf32>
      %add3A_437 = arith.constant 176 : i32
      %add3A_438 = arith.addi %mul3A_293, %add3A_437 : i32
      %get3A_439 = arith.index_cast %select_n3A_275 : i32 to index
      %get3A_440 = arith.index_cast %add3A_438 : i32 to index
      %get3A_441 = tpu.vector_load %arg9[%get3A_439, %get3A_440] {strides = array<i32>} : memref<8x3072xf32, #tpu.memory_space<vmem>>, vector<1x16xf32>,
      %get3A_442 = vector.shape_cast %get3A_441 : vector<1x16xf32> to vector<16xf32>
      %get3A_443 = arith.index_cast %scan3A_245 : i32 to index
      %get3A_444 = arith.constant 176 : index
      %get3A_445 = tpu.vector_load %arg11[%get3A_443, %get3A_444] {strides = array<i32>} : memref<64x384xf32, #tpu.memory_space<vmem>>, vector<1x16xf32>,
      %get3A_446 = vector.shape_cast %get3A_445 : vector<1x16xf32> to vector<16xf32>
      %sub3A_447 = arith.subf %get3A_442, %get3A_446 : vector<16xf32>
      %mul3A_448 = arith.mulf %sub3A_447, %sub3A_447 : vector<16xf32>
      %add3A_449 = arith.addf %add3A_345, %mul3A_448 : vector<16xf32>
      %add3A_450 = arith.constant 192 : i32
      %add3A_451 = arith.addi %mul3A_293, %add3A_450 : i32
      %get3A_452 = arith.index_cast %select_n3A_275 : i32 to index
      %get3A_453 = arith.index_cast %add3A_451 : i32 to index
      %get3A_454 = tpu.vector_load %arg9[%get3A_452, %get3A_453] {strides = array<i32>} : memref<8x3072xf32, #tpu.memory_space<vmem>>, vector<1x16xf32>,
      %get3A_455 = vector.shape_cast %get3A_454 : vector<1x16xf32> to vector<16xf32>
      %get3A_456 = arith.index_cast %scan3A_245 : i32 to index
      %get3A_457 = arith.constant 192 : index
      %get3A_458 = tpu.vector_load %arg11[%get3A_456, %get3A_457] {strides = array<i32>} : memref<64x384xf32, #tpu.memory_space<vmem>>, vector<1x16xf32>,
      %get3A_459 = vector.shape_cast %get3A_458 : vector<1x16xf32> to vector<16xf32>
      %sub3A_460 = arith.subf %get3A_455, %get3A_459 : vector<16xf32>
      %mul3A_461 = arith.mulf %sub3A_460, %sub3A_460 : vector<16xf32>
      %add3A_462 = arith.addf %add3A_358, %mul3A_461 : vector<16xf32>
      %add3A_463 = arith.constant 208 : i32
      %add3A_464 = arith.addi %mul3A_293, %add3A_463 : i32
      %get3A_465 = arith.index_cast %select_n3A_275 : i32 to index
      %get3A_466 = arith.index_cast %add3A_464 : i32 to index
      %get3A_467 = tpu.vector_load %arg9[%get3A_465, %get3A_466] {strides = array<i32>} : memref<8x3072xf32, #tpu.memory_space<vmem>>, vector<1x16xf32>,
      %get3A_468 = vector.shape_cast %get3A_467 : vector<1x16xf32> to vector<16xf32>
      %get3A_469 = arith.index_cast %scan3A_245 : i32 to index
      %get3A_470 = arith.constant 208 : index
      %get3A_471 = tpu.vector_load %arg11[%get3A_469, %get3A_470] {strides = array<i32>} : memref<64x384xf32, #tpu.memory_space<vmem>>, vector<1x16xf32>,
      %get3A_472 = vector.shape_cast %get3A_471 : vector<1x16xf32> to vector<16xf32>
      %sub3A_473 = arith.subf %get3A_468, %get3A_472 : vector<16xf32>
      %mul3A_474 = arith.mulf %sub3A_473, %sub3A_473 : vector<16xf32>
      %add3A_475 = arith.addf %add3A_371, %mul3A_474 : vector<16xf32>
      %add3A_476 = arith.constant 224 : i32
      %add3A_477 = arith.addi %mul3A_293, %add3A_476 : i32
      %get3A_478 = arith.index_cast %select_n3A_275 : i32 to index
      %get3A_479 = arith.index_cast %add3A_477 : i32 to index
      %get3A_480 = tpu.vector_load %arg9[%get3A_478, %get3A_479] {strides = array<i32>} : memref<8x3072xf32, #tpu.memory_space<vmem>>, vector<1x16xf32>,
      %get3A_481 = vector.shape_cast %get3A_480 : vector<1x16xf32> to vector<16xf32>
      %get3A_482 = arith.index_cast %scan3A_245 : i32 to index
      %get3A_483 = arith.constant 224 : index
      %get3A_484 = tpu.vector_load %arg11[%get3A_482, %get3A_483] {strides = array<i32>} : memref<64x384xf32, #tpu.memory_space<vmem>>, vector<1x16xf32>,
      %get3A_485 = vector.shape_cast %get3A_484 : vector<1x16xf32> to vector<16xf32>
      %sub3A_486 = arith.subf %get3A_481, %get3A_485 : vector<16xf32>
      %mul3A_487 = arith.mulf %sub3A_486, %sub3A_486 : vector<16xf32>
      %add3A_488 = arith.addf %add3A_384, %mul3A_487 : vector<16xf32>
      %add3A_489 = arith.constant 240 : i32
      %add3A_490 = arith.addi %mul3A_293, %add3A_489 : i32
      %get3A_491 = arith.index_cast %select_n3A_275 : i32 to index
      %get3A_492 = arith.index_cast %add3A_490 : i32 to index
      %get3A_493 = tpu.vector_load %arg9[%get3A_491, %get3A_492] {strides = array<i32>} : memref<8x3072xf32, #tpu.memory_space<vmem>>, vector<1x16xf32>,
      %get3A_494 = vector.shape_cast %get3A_493 : vector<1x16xf32> to vector<16xf32>
      %get3A_495 = arith.index_cast %scan3A_245 : i32 to index
      %get3A_496 = arith.constant 240 : index
      %get3A_497 = tpu.vector_load %arg11[%get3A_495, %get3A_496] {strides = array<i32>} : memref<64x384xf32, #tpu.memory_space<vmem>>, vector<1x16xf32>,
      %get3A_498 = vector.shape_cast %get3A_497 : vector<1x16xf32> to vector<16xf32>
      %sub3A_499 = arith.subf %get3A_494, %get3A_498 : vector<16xf32>
      %mul3A_500 = arith.mulf %sub3A_499, %sub3A_499 : vector<16xf32>
      %add3A_501 = arith.addf %add3A_397, %mul3A_500 : vector<16xf32>
      %add3A_502 = arith.constant 256 : i32
      %add3A_503 = arith.addi %mul3A_293, %add3A_502 : i32
      %get3A_504 = arith.index_cast %select_n3A_275 : i32 to index
      %get3A_505 = arith.index_cast %add3A_503 : i32 to index
      %get3A_506 = tpu.vector_load %arg9[%get3A_504, %get3A_505] {strides = array<i32>} : memref<8x3072xf32, #tpu.memory_space<vmem>>, vector<1x16xf32>,
      %get3A_507 = vector.shape_cast %get3A_506 : vector<1x16xf32> to vector<16xf32>
      %get3A_508 = arith.index_cast %scan3A_245 : i32 to index
      %get3A_509 = arith.constant 256 : index
      %get3A_510 = tpu.vector_load %arg11[%get3A_508, %get3A_509] {strides = array<i32>} : memref<64x384xf32, #tpu.memory_space<vmem>>, vector<1x16xf32>,
      %get3A_511 = vector.shape_cast %get3A_510 : vector<1x16xf32> to vector<16xf32>
      %sub3A_512 = arith.subf %get3A_507, %get3A_511 : vector<16xf32>
      %mul3A_513 = arith.mulf %sub3A_512, %sub3A_512 : vector<16xf32>
      %add3A_514 = arith.addf %add3A_410, %mul3A_513 : vector<16xf32>
      %add3A_515 = arith.constant 272 : i32
      %add3A_516 = arith.addi %mul3A_293, %add3A_515 : i32
      %get3A_517 = arith.index_cast %select_n3A_275 : i32 to index
      %get3A_518 = arith.index_cast %add3A_516 : i32 to index
      %get3A_519 = tpu.vector_load %arg9[%get3A_517, %get3A_518] {strides = array<i32>} : memref<8x3072xf32, #tpu.memory_space<vmem>>, vector<1x16xf32>,
      %get3A_520 = vector.shape_cast %get3A_519 : vector<1x16xf32> to vector<16xf32>
      %get3A_521 = arith.index_cast %scan3A_245 : i32 to index
      %get3A_522 = arith.constant 272 : index
      %get3A_523 = tpu.vector_load %arg11[%get3A_521, %get3A_522] {strides = array<i32>} : memref<64x384xf32, #tpu.memory_space<vmem>>, vector<1x16xf32>,
      %get3A_524 = vector.shape_cast %get3A_523 : vector<1x16xf32> to vector<16xf32>
      %sub3A_525 = arith.subf %get3A_520, %get3A_524 : vector<16xf32>
      %mul3A_526 = arith.mulf %sub3A_525, %sub3A_525 : vector<16xf32>
      %add3A_527 = arith.addf %add3A_423, %mul3A_526 : vector<16xf32>
      %add3A_528 = arith.constant 288 : i32
      %add3A_529 = arith.addi %mul3A_293, %add3A_528 : i32
      %get3A_530 = arith.index_cast %select_n3A_275 : i32 to index
      %get3A_531 = arith.index_cast %add3A_529 : i32 to index
      %get3A_532 = tpu.vector_load %arg9[%get3A_530, %get3A_531] {strides = array<i32>} : memref<8x3072xf32, #tpu.memory_space<vmem>>, vector<1x16xf32>,
      %get3A_533 = vector.shape_cast %get3A_532 : vector<1x16xf32> to vector<16xf32>
      %get3A_534 = arith.index_cast %scan3A_245 : i32 to index
      %get3A_535 = arith.constant 288 : index
      %get3A_536 = tpu.vector_load %arg11[%get3A_534, %get3A_535] {strides = array<i32>} : memref<64x384xf32, #tpu.memory_space<vmem>>, vector<1x16xf32>,
      %get3A_537 = vector.shape_cast %get3A_536 : vector<1x16xf32> to vector<16xf32>
      %sub3A_538 = arith.subf %get3A_533, %get3A_537 : vector<16xf32>
      %mul3A_539 = arith.mulf %sub3A_538, %sub3A_538 : vector<16xf32>
      %add3A_540 = arith.addf %add3A_436, %mul3A_539 : vector<16xf32>
      %add3A_541 = arith.constant 304 : i32
      %add3A_542 = arith.addi %mul3A_293, %add3A_541 : i32
      %get3A_543 = arith.index_cast %select_n3A_275 : i32 to index
      %get3A_544 = arith.index_cast %add3A_542 : i32 to index
      %get3A_545 = tpu.vector_load %arg9[%get3A_543, %get3A_544] {strides = array<i32>} : memref<8x3072xf32, #tpu.memory_space<vmem>>, vector<1x16xf32>,
      %get3A_546 = vector.shape_cast %get3A_545 : vector<1x16xf32> to vector<16xf32>
      %get3A_547 = arith.index_cast %scan3A_245 : i32 to index
      %get3A_548 = arith.constant 304 : index
      %get3A_549 = tpu.vector_load %arg11[%get3A_547, %get3A_548] {strides = array<i32>} : memref<64x384xf32, #tpu.memory_space<vmem>>, vector<1x16xf32>,
      %get3A_550 = vector.shape_cast %get3A_549 : vector<1x16xf32> to vector<16xf32>
      %sub3A_551 = arith.subf %get3A_546, %get3A_550 : vector<16xf32>
      %mul3A_552 = arith.mulf %sub3A_551, %sub3A_551 : vector<16xf32>
      %add3A_553 = arith.addf %add3A_449, %mul3A_552 : vector<16xf32>
      %add3A_554 = arith.constant 320 : i32
      %add3A_555 = arith.addi %mul3A_293, %add3A_554 : i32
      %get3A_556 = arith.index_cast %select_n3A_275 : i32 to index
      %get3A_557 = arith.index_cast %add3A_555 : i32 to index
      %get3A_558 = tpu.vector_load %arg9[%get3A_556, %get3A_557] {strides = array<i32>} : memref<8x3072xf32, #tpu.memory_space<vmem>>, vector<1x16xf32>,
      %get3A_559 = vector.shape_cast %get3A_558 : vector<1x16xf32> to vector<16xf32>
      %get3A_560 = arith.index_cast %scan3A_245 : i32 to index
      %get3A_561 = arith.constant 320 : index
      %get3A_562 = tpu.vector_load %arg11[%get3A_560, %get3A_561] {strides = array<i32>} : memref<64x384xf32, #tpu.memory_space<vmem>>, vector<1x16xf32>,
      %get3A_563 = vector.shape_cast %get3A_562 : vector<1x16xf32> to vector<16xf32>
      %sub3A_564 = arith.subf %get3A_559, %get3A_563 : vector<16xf32>
      %mul3A_565 = arith.mulf %sub3A_564, %sub3A_564 : vector<16xf32>
      %add3A_566 = arith.addf %add3A_462, %mul3A_565 : vector<16xf32>
      %add3A_567 = arith.constant 336 : i32
      %add3A_568 = arith.addi %mul3A_293, %add3A_567 : i32
      %get3A_569 = arith.index_cast %select_n3A_275 : i32 to index
      %get3A_570 = arith.index_cast %add3A_568 : i32 to index
      %get3A_571 = tpu.vector_load %arg9[%get3A_569, %get3A_570] {strides = array<i32>} : memref<8x3072xf32, #tpu.memory_space<vmem>>, vector<1x16xf32>,
      %get3A_572 = vector.shape_cast %get3A_571 : vector<1x16xf32> to vector<16xf32>
      %get3A_573 = arith.index_cast %scan3A_245 : i32 to index
      %get3A_574 = arith.constant 336 : index
      %get3A_575 = tpu.vector_load %arg11[%get3A_573, %get3A_574] {strides = array<i32>} : memref<64x384xf32, #tpu.memory_space<vmem>>, vector<1x16xf32>,
      %get3A_576 = vector.shape_cast %get3A_575 : vector<1x16xf32> to vector<16xf32>
      %sub3A_577 = arith.subf %get3A_572, %get3A_576 : vector<16xf32>
      %mul3A_578 = arith.mulf %sub3A_577, %sub3A_577 : vector<16xf32>
      %add3A_579 = arith.addf %add3A_475, %mul3A_578 : vector<16xf32>
      %add3A_580 = arith.constant 352 : i32
      %add3A_581 = arith.addi %mul3A_293, %add3A_580 : i32
      %get3A_582 = arith.index_cast %select_n3A_275 : i32 to index
      %get3A_583 = arith.index_cast %add3A_581 : i32 to index
      %get3A_584 = tpu.vector_load %arg9[%get3A_582, %get3A_583] {strides = array<i32>} : memref<8x3072xf32, #tpu.memory_space<vmem>>, vector<1x16xf32>,
      %get3A_585 = vector.shape_cast %get3A_584 : vector<1x16xf32> to vector<16xf32>
      %get3A_586 = arith.index_cast %scan3A_245 : i32 to index
      %get3A_587 = arith.constant 352 : index
      %get3A_588 = tpu.vector_load %arg11[%get3A_586, %get3A_587] {strides = array<i32>} : memref<64x384xf32, #tpu.memory_space<vmem>>, vector<1x16xf32>,
      %get3A_589 = vector.shape_cast %get3A_588 : vector<1x16xf32> to vector<16xf32>
      %sub3A_590 = arith.subf %get3A_585, %get3A_589 : vector<16xf32>
      %mul3A_591 = arith.mulf %sub3A_590, %sub3A_590 : vector<16xf32>
      %add3A_592 = arith.addf %add3A_488, %mul3A_591 : vector<16xf32>
      %add3A_593 = arith.constant 368 : i32
      %add3A_594 = arith.addi %mul3A_293, %add3A_593 : i32
      %get3A_595 = arith.index_cast %select_n3A_275 : i32 to index
      %get3A_596 = arith.index_cast %add3A_594 : i32 to index
      %get3A_597 = tpu.vector_load %arg9[%get3A_595, %get3A_596] {strides = array<i32>} : memref<8x3072xf32, #tpu.memory_space<vmem>>, vector<1x16xf32>,
      %get3A_598 = vector.shape_cast %get3A_597 : vector<1x16xf32> to vector<16xf32>
      %get3A_599 = arith.index_cast %scan3A_245 : i32 to index
      %get3A_600 = arith.constant 368 : index
      %get3A_601 = tpu.vector_load %arg11[%get3A_599, %get3A_600] {strides = array<i32>} : memref<64x384xf32, #tpu.memory_space<vmem>>, vector<1x16xf32>,
      %get3A_602 = vector.shape_cast %get3A_601 : vector<1x16xf32> to vector<16xf32>
      %sub3A_603 = arith.subf %get3A_598, %get3A_602 : vector<16xf32>
      %mul3A_604 = arith.mulf %sub3A_603, %sub3A_603 : vector<16xf32>
      %add3A_605 = arith.addf %add3A_501, %mul3A_604 : vector<16xf32>
      scf.yield %add3A_514, %add3A_527, %add3A_540, %add3A_553, %add3A_566, %add3A_579, %add3A_592, %add3A_605 : vector<16xf32>, vector<16xf32>, vector<16xf32>, vector<16xf32>, vector<16xf32>, vector<16xf32>, vector<16xf32>, vector<16xf32>
    }
    %scan3A_216 = arith.constant 64 : i32
    %dma_wait3A_217 = arith.constant 0 : i32
    %dma_wait3A_218 = tpu.memref_slice %arg2[%add3A_192, %dma_wait3A_217] : memref<4096x3072xf32, #tpu.memory_space<hbm>> -> memref<8x3072xf32, #tpu.memory_space<hbm>>
    %dma_wait3A_219 = arith.constant 0 : i32
    %dma_wait3A_220 = tpu.memref_slice %arg2[%add3A_192, %dma_wait3A_219] : memref<4096x3072xf32, #tpu.memory_space<hbm>> -> memref<8x3072xf32, #tpu.memory_space<hbm>>
    tpu.wait_dma2 semaphore(%arg16 : memref<!tpu.dma_semaphore, #tpu.memory_space<semaphore_mem>>) src(%dma_wait3A_220 : memref<8x3072xf32, #tpu.memory_space<hbm>>) dst(%arg10 : memref<8x3072xf32, #tpu.memory_space<vmem>>)
    %dma_wait3A_221 = arith.constant 320 : i32
    %dma_wait3A_222 = tpu.memref_slice %arg8[%dma_wait3A_221] : memref<384xi32, #tpu.memory_space<vmem>> -> memref<64xi32, #tpu.memory_space<vmem>>
    %dma_wait3A_223 = arith.constant 0 : i32
    %dma_wait3A_224 = arith.constant 0 : i32
    %dma_wait3A_225 = tpu.memref_slice %arg5[%dma_wait3A_223, %dma_wait3A_224] : memref<8000x384xf32, #tpu.memory_space<hbm>> -> memref<8000x384xf32, #tpu.memory_space<hbm>>
    tpu.wait_indirect_dma semaphore(%arg18 : memref<!tpu.dma_semaphore, #tpu.memory_space<semaphore_mem>>) src(%dma_wait3A_225 : memref<8000x384xf32, #tpu.memory_space<hbm>>) dst(%arg12 : memref<64x384xf32, #tpu.memory_space<vmem>>)
    %scan3A_226 = arith.constant 0 : i32
    %scan3A_227 = arith.constant 64 : i32
    %scan3A_228 = arith.addi %scan3A_226, %scan3A_227 : i32
    %scan3A_229 = arith.constant 1 : i32
    %scan3A_230:8 = scf.for %scan3A_245 = %scan3A_226 to %scan3A_228 step %scan3A_229 iter_args(%scan3A_246 = %scan3A_215#0, %scan3A_247 = %scan3A_215#1, %scan3A_248 = %scan3A_215#2, %scan3A_249 = %scan3A_215#3, %scan3A_250 = %scan3A_215#4, %scan3A_251 = %scan3A_215#5, %scan3A_252 = %scan3A_215#6, %scan3A_253 = %scan3A_215#7) -> (vector<16xf32>, vector<16xf32>, vector<16xf32>, vector<16xf32>, vector<16xf32>, vector<16xf32>, vector<16xf32>, vector<16xf32>)  : i32 {
      %jit3A_254 = arith.constant 8 : i32
      %div3A = arith.divsi %scan3A_245, %jit3A_254 : i32
      %sign3A = arith.constant 0 : i32
      %sign3A_255 = arith.cmpi sgt, %scan3A_245, %sign3A : i32
      %sign3A_256 = arith.extui %sign3A_255 : i1 to i32
      %sign3A_257 = arith.constant 0 : i32
      %sign3A_258 = arith.cmpi slt, %scan3A_245, %sign3A_257 : i32
      %sign3A_259 = arith.extui %sign3A_258 : i1 to i32
      %sign3A_260 = arith.subi %sign3A_256, %sign3A_259 : i32
      %sign3A_261 = arith.constant 0 : i32
      %sign3A_262 = arith.cmpi sgt, %jit3A_254, %sign3A_261 : i32
      %sign3A_263 = arith.extui %sign3A_262 : i1 to i32
      %sign3A_264 = arith.constant 0 : i32
      %sign3A_265 = arith.cmpi slt, %jit3A_254, %sign3A_264 : i32
      %sign3A_266 = arith.extui %sign3A_265 : i1 to i32
      %sign3A_267 = arith.subi %sign3A_263, %sign3A_266 : i32
      %ne3A_268 = arith.cmpi ne, %sign3A_260, %sign3A_267 : i32
      %rem3A_269 = arith.remsi %scan3A_245, %jit3A_254 : i32
      %ne3A_270 = arith.constant 0 : i32
      %ne3A_271 = arith.cmpi ne, %rem3A_269, %ne3A_270 : i32
      %and3A_272 = arith.andi %ne3A_268, %ne3A_271 : i1
      %sub3A_273 = arith.constant 1 : i32
      %sub3A_274 = arith.subi %div3A, %sub3A_273 : i32
      %select_n3A_275 = arith.select %and3A_272, %sub3A_274, %div3A : i32
      %jit3A_276 = arith.constant 8 : i32
      %eq3A_277 = arith.constant 0 : i32
      %eq3A_278 = arith.cmpi eq, %jit3A_276, %eq3A_277 : i32
      %jit3A_279 = arith.constant 1 : i32
      %select_n3A_280 = arith.select %eq3A_278, %jit3A_279, %jit3A_276 : i32
      %rem3A_281 = arith.remsi %scan3A_245, %select_n3A_280 : i32
      %ne3A_282 = arith.constant 0 : i32
      %ne3A_283 = arith.cmpi ne, %rem3A_281, %ne3A_282 : i32
      %lt3A_284 = arith.constant 0 : i32
      %lt3A_285 = arith.cmpi slt, %rem3A_281, %lt3A_284 : i32
      %lt3A_286 = arith.constant 0 : i32
      %lt3A_287 = arith.cmpi slt, %select_n3A_280, %lt3A_286 : i32
      %ne3A_288 = arith.xori %lt3A_285, %lt3A_287 : i1
      %and3A_289 = arith.andi %ne3A_288, %ne3A_283 : i1
      %add3A_290 = arith.addi %rem3A_281, %select_n3A_280 : i32
      %select_n3A_291 = arith.select %and3A_289, %add3A_290, %rem3A_281 : i32
      %mul3A_292 = arith.constant 384 : i32
      %mul3A_293 = arith.muli %select_n3A_291, %mul3A_292 : i32
      %add3A_294 = arith.constant 0 : i32
      %add3A_295 = arith.addi %mul3A_293, %add3A_294 : i32
      %get3A_296 = arith.index_cast %select_n3A_275 : i32 to index
      %get3A_297 = arith.index_cast %add3A_295 : i32 to index
      %get3A_298 = tpu.vector_load %arg10[%get3A_296, %get3A_297] {strides = array<i32>} : memref<8x3072xf32, #tpu.memory_space<vmem>>, vector<1x16xf32>,
      %get3A_299 = vector.shape_cast %get3A_298 : vector<1x16xf32> to vector<16xf32>
      %get3A_300 = arith.index_cast %scan3A_245 : i32 to index
      %get3A_301 = arith.constant 0 : index
      %get3A_302 = tpu.vector_load %arg12[%get3A_300, %get3A_301] {strides = array<i32>} : memref<64x384xf32, #tpu.memory_space<vmem>>, vector<1x16xf32>,
      %get3A_303 = vector.shape_cast %get3A_302 : vector<1x16xf32> to vector<16xf32>
      %sub3A_304 = arith.subf %get3A_299, %get3A_303 : vector<16xf32>
      %mul3A_305 = arith.mulf %sub3A_304, %sub3A_304 : vector<16xf32>
      %add3A_306 = arith.addf %scan3A_246, %mul3A_305 : vector<16xf32>
      %add3A_307 = arith.constant 16 : i32
      %add3A_308 = arith.addi %mul3A_293, %add3A_307 : i32
      %get3A_309 = arith.index_cast %select_n3A_275 : i32 to index
      %get3A_310 = arith.index_cast %add3A_308 : i32 to index
      %get3A_311 = tpu.vector_load %arg10[%get3A_309, %get3A_310] {strides = array<i32>} : memref<8x3072xf32, #tpu.memory_space<vmem>>, vector<1x16xf32>,
      %get3A_312 = vector.shape_cast %get3A_311 : vector<1x16xf32> to vector<16xf32>
      %get3A_313 = arith.index_cast %scan3A_245 : i32 to index
      %get3A_314 = arith.constant 16 : index
      %get3A_315 = tpu.vector_load %arg12[%get3A_313, %get3A_314] {strides = array<i32>} : memref<64x384xf32, #tpu.memory_space<vmem>>, vector<1x16xf32>,
      %get3A_316 = vector.shape_cast %get3A_315 : vector<1x16xf32> to vector<16xf32>
      %sub3A_317 = arith.subf %get3A_312, %get3A_316 : vector<16xf32>
      %mul3A_318 = arith.mulf %sub3A_317, %sub3A_317 : vector<16xf32>
      %add3A_319 = arith.addf %scan3A_247, %mul3A_318 : vector<16xf32>
      %add3A_320 = arith.constant 32 : i32
      %add3A_321 = arith.addi %mul3A_293, %add3A_320 : i32
      %get3A_322 = arith.index_cast %select_n3A_275 : i32 to index
      %get3A_323 = arith.index_cast %add3A_321 : i32 to index
      %get3A_324 = tpu.vector_load %arg10[%get3A_322, %get3A_323] {strides = array<i32>} : memref<8x3072xf32, #tpu.memory_space<vmem>>, vector<1x16xf32>,
      %get3A_325 = vector.shape_cast %get3A_324 : vector<1x16xf32> to vector<16xf32>
      %get3A_326 = arith.index_cast %scan3A_245 : i32 to index
      %get3A_327 = arith.constant 32 : index
      %get3A_328 = tpu.vector_load %arg12[%get3A_326, %get3A_327] {strides = array<i32>} : memref<64x384xf32, #tpu.memory_space<vmem>>, vector<1x16xf32>,
      %get3A_329 = vector.shape_cast %get3A_328 : vector<1x16xf32> to vector<16xf32>
      %sub3A_330 = arith.subf %get3A_325, %get3A_329 : vector<16xf32>
      %mul3A_331 = arith.mulf %sub3A_330, %sub3A_330 : vector<16xf32>
      %add3A_332 = arith.addf %scan3A_248, %mul3A_331 : vector<16xf32>
      %add3A_333 = arith.constant 48 : i32
      %add3A_334 = arith.addi %mul3A_293, %add3A_333 : i32
      %get3A_335 = arith.index_cast %select_n3A_275 : i32 to index
      %get3A_336 = arith.index_cast %add3A_334 : i32 to index
      %get3A_337 = tpu.vector_load %arg10[%get3A_335, %get3A_336] {strides = array<i32>} : memref<8x3072xf32, #tpu.memory_space<vmem>>, vector<1x16xf32>,
      %get3A_338 = vector.shape_cast %get3A_337 : vector<1x16xf32> to vector<16xf32>
      %get3A_339 = arith.index_cast %scan3A_245 : i32 to index
      %get3A_340 = arith.constant 48 : index
      %get3A_341 = tpu.vector_load %arg12[%get3A_339, %get3A_340] {strides = array<i32>} : memref<64x384xf32, #tpu.memory_space<vmem>>, vector<1x16xf32>,
      %get3A_342 = vector.shape_cast %get3A_341 : vector<1x16xf32> to vector<16xf32>
      %sub3A_343 = arith.subf %get3A_338, %get3A_342 : vector<16xf32>
      %mul3A_344 = arith.mulf %sub3A_343, %sub3A_343 : vector<16xf32>
      %add3A_345 = arith.addf %scan3A_249, %mul3A_344 : vector<16xf32>
      %add3A_346 = arith.constant 64 : i32
      %add3A_347 = arith.addi %mul3A_293, %add3A_346 : i32
      %get3A_348 = arith.index_cast %select_n3A_275 : i32 to index
      %get3A_349 = arith.index_cast %add3A_347 : i32 to index
      %get3A_350 = tpu.vector_load %arg10[%get3A_348, %get3A_349] {strides = array<i32>} : memref<8x3072xf32, #tpu.memory_space<vmem>>, vector<1x16xf32>,
      %get3A_351 = vector.shape_cast %get3A_350 : vector<1x16xf32> to vector<16xf32>
      %get3A_352 = arith.index_cast %scan3A_245 : i32 to index
      %get3A_353 = arith.constant 64 : index
      %get3A_354 = tpu.vector_load %arg12[%get3A_352, %get3A_353] {strides = array<i32>} : memref<64x384xf32, #tpu.memory_space<vmem>>, vector<1x16xf32>,
      %get3A_355 = vector.shape_cast %get3A_354 : vector<1x16xf32> to vector<16xf32>
      %sub3A_356 = arith.subf %get3A_351, %get3A_355 : vector<16xf32>
      %mul3A_357 = arith.mulf %sub3A_356, %sub3A_356 : vector<16xf32>
      %add3A_358 = arith.addf %scan3A_250, %mul3A_357 : vector<16xf32>
      %add3A_359 = arith.constant 80 : i32
      %add3A_360 = arith.addi %mul3A_293, %add3A_359 : i32
      %get3A_361 = arith.index_cast %select_n3A_275 : i32 to index
      %get3A_362 = arith.index_cast %add3A_360 : i32 to index
      %get3A_363 = tpu.vector_load %arg10[%get3A_361, %get3A_362] {strides = array<i32>} : memref<8x3072xf32, #tpu.memory_space<vmem>>, vector<1x16xf32>,
      %get3A_364 = vector.shape_cast %get3A_363 : vector<1x16xf32> to vector<16xf32>
      %get3A_365 = arith.index_cast %scan3A_245 : i32 to index
      %get3A_366 = arith.constant 80 : index
      %get3A_367 = tpu.vector_load %arg12[%get3A_365, %get3A_366] {strides = array<i32>} : memref<64x384xf32, #tpu.memory_space<vmem>>, vector<1x16xf32>,
      %get3A_368 = vector.shape_cast %get3A_367 : vector<1x16xf32> to vector<16xf32>
      %sub3A_369 = arith.subf %get3A_364, %get3A_368 : vector<16xf32>
      %mul3A_370 = arith.mulf %sub3A_369, %sub3A_369 : vector<16xf32>
      %add3A_371 = arith.addf %scan3A_251, %mul3A_370 : vector<16xf32>
      %add3A_372 = arith.constant 96 : i32
      %add3A_373 = arith.addi %mul3A_293, %add3A_372 : i32
      %get3A_374 = arith.index_cast %select_n3A_275 : i32 to index
      %get3A_375 = arith.index_cast %add3A_373 : i32 to index
      %get3A_376 = tpu.vector_load %arg10[%get3A_374, %get3A_375] {strides = array<i32>} : memref<8x3072xf32, #tpu.memory_space<vmem>>, vector<1x16xf32>,
      %get3A_377 = vector.shape_cast %get3A_376 : vector<1x16xf32> to vector<16xf32>
      %get3A_378 = arith.index_cast %scan3A_245 : i32 to index
      %get3A_379 = arith.constant 96 : index
      %get3A_380 = tpu.vector_load %arg12[%get3A_378, %get3A_379] {strides = array<i32>} : memref<64x384xf32, #tpu.memory_space<vmem>>, vector<1x16xf32>,
      %get3A_381 = vector.shape_cast %get3A_380 : vector<1x16xf32> to vector<16xf32>
      %sub3A_382 = arith.subf %get3A_377, %get3A_381 : vector<16xf32>
      %mul3A_383 = arith.mulf %sub3A_382, %sub3A_382 : vector<16xf32>
      %add3A_384 = arith.addf %scan3A_252, %mul3A_383 : vector<16xf32>
      %add3A_385 = arith.constant 112 : i32
      %add3A_386 = arith.addi %mul3A_293, %add3A_385 : i32
      %get3A_387 = arith.index_cast %select_n3A_275 : i32 to index
      %get3A_388 = arith.index_cast %add3A_386 : i32 to index
      %get3A_389 = tpu.vector_load %arg10[%get3A_387, %get3A_388] {strides = array<i32>} : memref<8x3072xf32, #tpu.memory_space<vmem>>, vector<1x16xf32>,
      %get3A_390 = vector.shape_cast %get3A_389 : vector<1x16xf32> to vector<16xf32>
      %get3A_391 = arith.index_cast %scan3A_245 : i32 to index
      %get3A_392 = arith.constant 112 : index
      %get3A_393 = tpu.vector_load %arg12[%get3A_391, %get3A_392] {strides = array<i32>} : memref<64x384xf32, #tpu.memory_space<vmem>>, vector<1x16xf32>,
      %get3A_394 = vector.shape_cast %get3A_393 : vector<1x16xf32> to vector<16xf32>
      %sub3A_395 = arith.subf %get3A_390, %get3A_394 : vector<16xf32>
      %mul3A_396 = arith.mulf %sub3A_395, %sub3A_395 : vector<16xf32>
      %add3A_397 = arith.addf %scan3A_253, %mul3A_396 : vector<16xf32>
      %add3A_398 = arith.constant 128 : i32
      %add3A_399 = arith.addi %mul3A_293, %add3A_398 : i32
      %get3A_400 = arith.index_cast %select_n3A_275 : i32 to index
      %get3A_401 = arith.index_cast %add3A_399 : i32 to index
      %get3A_402 = tpu.vector_load %arg10[%get3A_400, %get3A_401] {strides = array<i32>} : memref<8x3072xf32, #tpu.memory_space<vmem>>, vector<1x16xf32>,
      %get3A_403 = vector.shape_cast %get3A_402 : vector<1x16xf32> to vector<16xf32>
      %get3A_404 = arith.index_cast %scan3A_245 : i32 to index
      %get3A_405 = arith.constant 128 : index
      %get3A_406 = tpu.vector_load %arg12[%get3A_404, %get3A_405] {strides = array<i32>} : memref<64x384xf32, #tpu.memory_space<vmem>>, vector<1x16xf32>,
      %get3A_407 = vector.shape_cast %get3A_406 : vector<1x16xf32> to vector<16xf32>
      %sub3A_408 = arith.subf %get3A_403, %get3A_407 : vector<16xf32>
      %mul3A_409 = arith.mulf %sub3A_408, %sub3A_408 : vector<16xf32>
      %add3A_410 = arith.addf %add3A_306, %mul3A_409 : vector<16xf32>
      %add3A_411 = arith.constant 144 : i32
      %add3A_412 = arith.addi %mul3A_293, %add3A_411 : i32
      %get3A_413 = arith.index_cast %select_n3A_275 : i32 to index
      %get3A_414 = arith.index_cast %add3A_412 : i32 to index
      %get3A_415 = tpu.vector_load %arg10[%get3A_413, %get3A_414] {strides = array<i32>} : memref<8x3072xf32, #tpu.memory_space<vmem>>, vector<1x16xf32>,
      %get3A_416 = vector.shape_cast %get3A_415 : vector<1x16xf32> to vector<16xf32>
      %get3A_417 = arith.index_cast %scan3A_245 : i32 to index
      %get3A_418 = arith.constant 144 : index
      %get3A_419 = tpu.vector_load %arg12[%get3A_417, %get3A_418] {strides = array<i32>} : memref<64x384xf32, #tpu.memory_space<vmem>>, vector<1x16xf32>,
      %get3A_420 = vector.shape_cast %get3A_419 : vector<1x16xf32> to vector<16xf32>
      %sub3A_421 = arith.subf %get3A_416, %get3A_420 : vector<16xf32>
      %mul3A_422 = arith.mulf %sub3A_421, %sub3A_421 : vector<16xf32>
      %add3A_423 = arith.addf %add3A_319, %mul3A_422 : vector<16xf32>
      %add3A_424 = arith.constant 160 : i32
      %add3A_425 = arith.addi %mul3A_293, %add3A_424 : i32
      %get3A_426 = arith.index_cast %select_n3A_275 : i32 to index
      %get3A_427 = arith.index_cast %add3A_425 : i32 to index
      %get3A_428 = tpu.vector_load %arg10[%get3A_426, %get3A_427] {strides = array<i32>} : memref<8x3072xf32, #tpu.memory_space<vmem>>, vector<1x16xf32>,
      %get3A_429 = vector.shape_cast %get3A_428 : vector<1x16xf32> to vector<16xf32>
      %get3A_430 = arith.index_cast %scan3A_245 : i32 to index
      %get3A_431 = arith.constant 160 : index
      %get3A_432 = tpu.vector_load %arg12[%get3A_430, %get3A_431] {strides = array<i32>} : memref<64x384xf32, #tpu.memory_space<vmem>>, vector<1x16xf32>,
      %get3A_433 = vector.shape_cast %get3A_432 : vector<1x16xf32> to vector<16xf32>
      %sub3A_434 = arith.subf %get3A_429, %get3A_433 : vector<16xf32>
      %mul3A_435 = arith.mulf %sub3A_434, %sub3A_434 : vector<16xf32>
      %add3A_436 = arith.addf %add3A_332, %mul3A_435 : vector<16xf32>
      %add3A_437 = arith.constant 176 : i32
      %add3A_438 = arith.addi %mul3A_293, %add3A_437 : i32
      %get3A_439 = arith.index_cast %select_n3A_275 : i32 to index
      %get3A_440 = arith.index_cast %add3A_438 : i32 to index
      %get3A_441 = tpu.vector_load %arg10[%get3A_439, %get3A_440] {strides = array<i32>} : memref<8x3072xf32, #tpu.memory_space<vmem>>, vector<1x16xf32>,
      %get3A_442 = vector.shape_cast %get3A_441 : vector<1x16xf32> to vector<16xf32>
      %get3A_443 = arith.index_cast %scan3A_245 : i32 to index
      %get3A_444 = arith.constant 176 : index
      %get3A_445 = tpu.vector_load %arg12[%get3A_443, %get3A_444] {strides = array<i32>} : memref<64x384xf32, #tpu.memory_space<vmem>>, vector<1x16xf32>,
      %get3A_446 = vector.shape_cast %get3A_445 : vector<1x16xf32> to vector<16xf32>
      %sub3A_447 = arith.subf %get3A_442, %get3A_446 : vector<16xf32>
      %mul3A_448 = arith.mulf %sub3A_447, %sub3A_447 : vector<16xf32>
      %add3A_449 = arith.addf %add3A_345, %mul3A_448 : vector<16xf32>
      %add3A_450 = arith.constant 192 : i32
      %add3A_451 = arith.addi %mul3A_293, %add3A_450 : i32
      %get3A_452 = arith.index_cast %select_n3A_275 : i32 to index
      %get3A_453 = arith.index_cast %add3A_451 : i32 to index
      %get3A_454 = tpu.vector_load %arg10[%get3A_452, %get3A_453] {strides = array<i32>} : memref<8x3072xf32, #tpu.memory_space<vmem>>, vector<1x16xf32>,
      %get3A_455 = vector.shape_cast %get3A_454 : vector<1x16xf32> to vector<16xf32>
      %get3A_456 = arith.index_cast %scan3A_245 : i32 to index
      %get3A_457 = arith.constant 192 : index
      %get3A_458 = tpu.vector_load %arg12[%get3A_456, %get3A_457] {strides = array<i32>} : memref<64x384xf32, #tpu.memory_space<vmem>>, vector<1x16xf32>,
      %get3A_459 = vector.shape_cast %get3A_458 : vector<1x16xf32> to vector<16xf32>
      %sub3A_460 = arith.subf %get3A_455, %get3A_459 : vector<16xf32>
      %mul3A_461 = arith.mulf %sub3A_460, %sub3A_460 : vector<16xf32>
      %add3A_462 = arith.addf %add3A_358, %mul3A_461 : vector<16xf32>
      %add3A_463 = arith.constant 208 : i32
      %add3A_464 = arith.addi %mul3A_293, %add3A_463 : i32
      %get3A_465 = arith.index_cast %select_n3A_275 : i32 to index
      %get3A_466 = arith.index_cast %add3A_464 : i32 to index
      %get3A_467 = tpu.vector_load %arg10[%get3A_465, %get3A_466] {strides = array<i32>} : memref<8x3072xf32, #tpu.memory_space<vmem>>, vector<1x16xf32>,
      %get3A_468 = vector.shape_cast %get3A_467 : vector<1x16xf32> to vector<16xf32>
      %get3A_469 = arith.index_cast %scan3A_245 : i32 to index
      %get3A_470 = arith.constant 208 : index
      %get3A_471 = tpu.vector_load %arg12[%get3A_469, %get3A_470] {strides = array<i32>} : memref<64x384xf32, #tpu.memory_space<vmem>>, vector<1x16xf32>,
      %get3A_472 = vector.shape_cast %get3A_471 : vector<1x16xf32> to vector<16xf32>
      %sub3A_473 = arith.subf %get3A_468, %get3A_472 : vector<16xf32>
      %mul3A_474 = arith.mulf %sub3A_473, %sub3A_473 : vector<16xf32>
      %add3A_475 = arith.addf %add3A_371, %mul3A_474 : vector<16xf32>
      %add3A_476 = arith.constant 224 : i32
      %add3A_477 = arith.addi %mul3A_293, %add3A_476 : i32
      %get3A_478 = arith.index_cast %select_n3A_275 : i32 to index
      %get3A_479 = arith.index_cast %add3A_477 : i32 to index
      %get3A_480 = tpu.vector_load %arg10[%get3A_478, %get3A_479] {strides = array<i32>} : memref<8x3072xf32, #tpu.memory_space<vmem>>, vector<1x16xf32>,
      %get3A_481 = vector.shape_cast %get3A_480 : vector<1x16xf32> to vector<16xf32>
      %get3A_482 = arith.index_cast %scan3A_245 : i32 to index
      %get3A_483 = arith.constant 224 : index
      %get3A_484 = tpu.vector_load %arg12[%get3A_482, %get3A_483] {strides = array<i32>} : memref<64x384xf32, #tpu.memory_space<vmem>>, vector<1x16xf32>,
      %get3A_485 = vector.shape_cast %get3A_484 : vector<1x16xf32> to vector<16xf32>
      %sub3A_486 = arith.subf %get3A_481, %get3A_485 : vector<16xf32>
      %mul3A_487 = arith.mulf %sub3A_486, %sub3A_486 : vector<16xf32>
      %add3A_488 = arith.addf %add3A_384, %mul3A_487 : vector<16xf32>
      %add3A_489 = arith.constant 240 : i32
      %add3A_490 = arith.addi %mul3A_293, %add3A_489 : i32
      %get3A_491 = arith.index_cast %select_n3A_275 : i32 to index
      %get3A_492 = arith.index_cast %add3A_490 : i32 to index
      %get3A_493 = tpu.vector_load %arg10[%get3A_491, %get3A_492] {strides = array<i32>} : memref<8x3072xf32, #tpu.memory_space<vmem>>, vector<1x16xf32>,
      %get3A_494 = vector.shape_cast %get3A_493 : vector<1x16xf32> to vector<16xf32>
      %get3A_495 = arith.index_cast %scan3A_245 : i32 to index
      %get3A_496 = arith.constant 240 : index
      %get3A_497 = tpu.vector_load %arg12[%get3A_495, %get3A_496] {strides = array<i32>} : memref<64x384xf32, #tpu.memory_space<vmem>>, vector<1x16xf32>,
      %get3A_498 = vector.shape_cast %get3A_497 : vector<1x16xf32> to vector<16xf32>
      %sub3A_499 = arith.subf %get3A_494, %get3A_498 : vector<16xf32>
      %mul3A_500 = arith.mulf %sub3A_499, %sub3A_499 : vector<16xf32>
      %add3A_501 = arith.addf %add3A_397, %mul3A_500 : vector<16xf32>
      %add3A_502 = arith.constant 256 : i32
      %add3A_503 = arith.addi %mul3A_293, %add3A_502 : i32
      %get3A_504 = arith.index_cast %select_n3A_275 : i32 to index
      %get3A_505 = arith.index_cast %add3A_503 : i32 to index
      %get3A_506 = tpu.vector_load %arg10[%get3A_504, %get3A_505] {strides = array<i32>} : memref<8x3072xf32, #tpu.memory_space<vmem>>, vector<1x16xf32>,
      %get3A_507 = vector.shape_cast %get3A_506 : vector<1x16xf32> to vector<16xf32>
      %get3A_508 = arith.index_cast %scan3A_245 : i32 to index
      %get3A_509 = arith.constant 256 : index
      %get3A_510 = tpu.vector_load %arg12[%get3A_508, %get3A_509] {strides = array<i32>} : memref<64x384xf32, #tpu.memory_space<vmem>>, vector<1x16xf32>,
      %get3A_511 = vector.shape_cast %get3A_510 : vector<1x16xf32> to vector<16xf32>
      %sub3A_512 = arith.subf %get3A_507, %get3A_511 : vector<16xf32>
      %mul3A_513 = arith.mulf %sub3A_512, %sub3A_512 : vector<16xf32>
      %add3A_514 = arith.addf %add3A_410, %mul3A_513 : vector<16xf32>
      %add3A_515 = arith.constant 272 : i32
      %add3A_516 = arith.addi %mul3A_293, %add3A_515 : i32
      %get3A_517 = arith.index_cast %select_n3A_275 : i32 to index
      %get3A_518 = arith.index_cast %add3A_516 : i32 to index
      %get3A_519 = tpu.vector_load %arg10[%get3A_517, %get3A_518] {strides = array<i32>} : memref<8x3072xf32, #tpu.memory_space<vmem>>, vector<1x16xf32>,
      %get3A_520 = vector.shape_cast %get3A_519 : vector<1x16xf32> to vector<16xf32>
      %get3A_521 = arith.index_cast %scan3A_245 : i32 to index
      %get3A_522 = arith.constant 272 : index
      %get3A_523 = tpu.vector_load %arg12[%get3A_521, %get3A_522] {strides = array<i32>} : memref<64x384xf32, #tpu.memory_space<vmem>>, vector<1x16xf32>,
      %get3A_524 = vector.shape_cast %get3A_523 : vector<1x16xf32> to vector<16xf32>
      %sub3A_525 = arith.subf %get3A_520, %get3A_524 : vector<16xf32>
      %mul3A_526 = arith.mulf %sub3A_525, %sub3A_525 : vector<16xf32>
      %add3A_527 = arith.addf %add3A_423, %mul3A_526 : vector<16xf32>
      %add3A_528 = arith.constant 288 : i32
      %add3A_529 = arith.addi %mul3A_293, %add3A_528 : i32
      %get3A_530 = arith.index_cast %select_n3A_275 : i32 to index
      %get3A_531 = arith.index_cast %add3A_529 : i32 to index
      %get3A_532 = tpu.vector_load %arg10[%get3A_530, %get3A_531] {strides = array<i32>} : memref<8x3072xf32, #tpu.memory_space<vmem>>, vector<1x16xf32>,
      %get3A_533 = vector.shape_cast %get3A_532 : vector<1x16xf32> to vector<16xf32>
      %get3A_534 = arith.index_cast %scan3A_245 : i32 to index
      %get3A_535 = arith.constant 288 : index
      %get3A_536 = tpu.vector_load %arg12[%get3A_534, %get3A_535] {strides = array<i32>} : memref<64x384xf32, #tpu.memory_space<vmem>>, vector<1x16xf32>,
      %get3A_537 = vector.shape_cast %get3A_536 : vector<1x16xf32> to vector<16xf32>
      %sub3A_538 = arith.subf %get3A_533, %get3A_537 : vector<16xf32>
      %mul3A_539 = arith.mulf %sub3A_538, %sub3A_538 : vector<16xf32>
      %add3A_540 = arith.addf %add3A_436, %mul3A_539 : vector<16xf32>
      %add3A_541 = arith.constant 304 : i32
      %add3A_542 = arith.addi %mul3A_293, %add3A_541 : i32
      %get3A_543 = arith.index_cast %select_n3A_275 : i32 to index
      %get3A_544 = arith.index_cast %add3A_542 : i32 to index
      %get3A_545 = tpu.vector_load %arg10[%get3A_543, %get3A_544] {strides = array<i32>} : memref<8x3072xf32, #tpu.memory_space<vmem>>, vector<1x16xf32>,
      %get3A_546 = vector.shape_cast %get3A_545 : vector<1x16xf32> to vector<16xf32>
      %get3A_547 = arith.index_cast %scan3A_245 : i32 to index
      %get3A_548 = arith.constant 304 : index
      %get3A_549 = tpu.vector_load %arg12[%get3A_547, %get3A_548] {strides = array<i32>} : memref<64x384xf32, #tpu.memory_space<vmem>>, vector<1x16xf32>,
      %get3A_550 = vector.shape_cast %get3A_549 : vector<1x16xf32> to vector<16xf32>
      %sub3A_551 = arith.subf %get3A_546, %get3A_550 : vector<16xf32>
      %mul3A_552 = arith.mulf %sub3A_551, %sub3A_551 : vector<16xf32>
      %add3A_553 = arith.addf %add3A_449, %mul3A_552 : vector<16xf32>
      %add3A_554 = arith.constant 320 : i32
      %add3A_555 = arith.addi %mul3A_293, %add3A_554 : i32
      %get3A_556 = arith.index_cast %select_n3A_275 : i32 to index
      %get3A_557 = arith.index_cast %add3A_555 : i32 to index
      %get3A_558 = tpu.vector_load %arg10[%get3A_556, %get3A_557] {strides = array<i32>} : memref<8x3072xf32, #tpu.memory_space<vmem>>, vector<1x16xf32>,
      %get3A_559 = vector.shape_cast %get3A_558 : vector<1x16xf32> to vector<16xf32>
      %get3A_560 = arith.index_cast %scan3A_245 : i32 to index
      %get3A_561 = arith.constant 320 : index
      %get3A_562 = tpu.vector_load %arg12[%get3A_560, %get3A_561] {strides = array<i32>} : memref<64x384xf32, #tpu.memory_space<vmem>>, vector<1x16xf32>,
      %get3A_563 = vector.shape_cast %get3A_562 : vector<1x16xf32> to vector<16xf32>
      %sub3A_564 = arith.subf %get3A_559, %get3A_563 : vector<16xf32>
      %mul3A_565 = arith.mulf %sub3A_564, %sub3A_564 : vector<16xf32>
      %add3A_566 = arith.addf %add3A_462, %mul3A_565 : vector<16xf32>
      %add3A_567 = arith.constant 336 : i32
      %add3A_568 = arith.addi %mul3A_293, %add3A_567 : i32
      %get3A_569 = arith.index_cast %select_n3A_275 : i32 to index
      %get3A_570 = arith.index_cast %add3A_568 : i32 to index
      %get3A_571 = tpu.vector_load %arg10[%get3A_569, %get3A_570] {strides = array<i32>} : memref<8x3072xf32, #tpu.memory_space<vmem>>, vector<1x16xf32>,
      %get3A_572 = vector.shape_cast %get3A_571 : vector<1x16xf32> to vector<16xf32>
      %get3A_573 = arith.index_cast %scan3A_245 : i32 to index
      %get3A_574 = arith.constant 336 : index
      %get3A_575 = tpu.vector_load %arg12[%get3A_573, %get3A_574] {strides = array<i32>} : memref<64x384xf32, #tpu.memory_space<vmem>>, vector<1x16xf32>,
      %get3A_576 = vector.shape_cast %get3A_575 : vector<1x16xf32> to vector<16xf32>
      %sub3A_577 = arith.subf %get3A_572, %get3A_576 : vector<16xf32>
      %mul3A_578 = arith.mulf %sub3A_577, %sub3A_577 : vector<16xf32>
      %add3A_579 = arith.addf %add3A_475, %mul3A_578 : vector<16xf32>
      %add3A_580 = arith.constant 352 : i32
      %add3A_581 = arith.addi %mul3A_293, %add3A_580 : i32
      %get3A_582 = arith.index_cast %select_n3A_275 : i32 to index
      %get3A_583 = arith.index_cast %add3A_581 : i32 to index
      %get3A_584 = tpu.vector_load %arg10[%get3A_582, %get3A_583] {strides = array<i32>} : memref<8x3072xf32, #tpu.memory_space<vmem>>, vector<1x16xf32>,
      %get3A_585 = vector.shape_cast %get3A_584 : vector<1x16xf32> to vector<16xf32>
      %get3A_586 = arith.index_cast %scan3A_245 : i32 to index
      %get3A_587 = arith.constant 352 : index
      %get3A_588 = tpu.vector_load %arg12[%get3A_586, %get3A_587] {strides = array<i32>} : memref<64x384xf32, #tpu.memory_space<vmem>>, vector<1x16xf32>,
      %get3A_589 = vector.shape_cast %get3A_588 : vector<1x16xf32> to vector<16xf32>
      %sub3A_590 = arith.subf %get3A_585, %get3A_589 : vector<16xf32>
      %mul3A_591 = arith.mulf %sub3A_590, %sub3A_590 : vector<16xf32>
      %add3A_592 = arith.addf %add3A_488, %mul3A_591 : vector<16xf32>
      %add3A_593 = arith.constant 368 : i32
      %add3A_594 = arith.addi %mul3A_293, %add3A_593 : i32
      %get3A_595 = arith.index_cast %select_n3A_275 : i32 to index
      %get3A_596 = arith.index_cast %add3A_594 : i32 to index
      %get3A_597 = tpu.vector_load %arg10[%get3A_595, %get3A_596] {strides = array<i32>} : memref<8x3072xf32, #tpu.memory_space<vmem>>, vector<1x16xf32>,
      %get3A_598 = vector.shape_cast %get3A_597 : vector<1x16xf32> to vector<16xf32>
      %get3A_599 = arith.index_cast %scan3A_245 : i32 to index
      %get3A_600 = arith.constant 368 : index
      %get3A_601 = tpu.vector_load %arg12[%get3A_599, %get3A_600] {strides = array<i32>} : memref<64x384xf32, #tpu.memory_space<vmem>>, vector<1x16xf32>,
      %get3A_602 = vector.shape_cast %get3A_601 : vector<1x16xf32> to vector<16xf32>
      %sub3A_603 = arith.subf %get3A_598, %get3A_602 : vector<16xf32>
      %mul3A_604 = arith.mulf %sub3A_603, %sub3A_603 : vector<16xf32>
      %add3A_605 = arith.addf %add3A_501, %mul3A_604 : vector<16xf32>
      scf.yield %add3A_514, %add3A_527, %add3A_540, %add3A_553, %add3A_566, %add3A_579, %add3A_592, %add3A_605 : vector<16xf32>, vector<16xf32>, vector<16xf32>, vector<16xf32>, vector<16xf32>, vector<16xf32>, vector<16xf32>, vector<16xf32>
    }
    %scan3A_231 = arith.constant 64 : i32
    %add3A_232 = arith.addf %scan3A_230#0, %scan3A_230#1 : vector<16xf32>
    %add3A_233 = arith.addf %scan3A_230#2, %scan3A_230#3 : vector<16xf32>
    %add3A_234 = arith.addf %add3A_232, %add3A_233 : vector<16xf32>
    %add3A_235 = arith.addf %scan3A_230#4, %scan3A_230#5 : vector<16xf32>
    %add3A_236 = arith.addf %scan3A_230#6, %scan3A_230#7 : vector<16xf32>
    %add3A_237 = arith.addf %add3A_235, %add3A_236 : vector<16xf32>
    %add3A_238 = arith.addf %add3A_234, %add3A_237 : vector<16xf32>
    %mul3A_239 = arith.constant 5.000000e-01 : f32
    %mul3A_240 = vector.broadcast %mul3A_239 : f32 to vector<16xf32>
    %mul3A_241 = arith.mulf %mul3A_240, %add3A_238 : vector<16xf32>
    %sub3A = arith.subf %mul3A_241, %add3A_71 : vector<16xf32>
    %swap3A = arith.constant 0 : index
    %swap3A_242 = tpu.vector_load %arg14[%swap3A] {strides = array<i32>} : memref<16xf32, #tpu.memory_space<vmem>>, vector<16xf32>,
    %swap3A_243 = vector.shape_cast %swap3A_242 : vector<16xf32> to vector<16xf32>
    %swap3A_244 = vector.shape_cast %sub3A : vector<16xf32> to vector<16xf32>
    tpu.vector_store %arg14[%swap3A], %swap3A_244 {strides = array<i32>} : memref<16xf32, #tpu.memory_space<vmem>>, vector<16xf32>,
    "tpu.region"() ({
      %run_scoped3A = tpu.sem_alloc : memref<!tpu.dma_semaphore, #tpu.memory_space<semaphore_mem>>
      %dma_start3A_245 = arith.constant 0 : i32
      %dma_start3A_246 = tpu.memref_slice %arg6[%add3A, %dma_start3A_245] : memref<32x16xf32, #tpu.memory_space<hbm>> -> memref<1x16xf32, #tpu.memory_space<hbm>>
      %dma_start3A_247 = tpu.memref_squeeze %dma_start3A_246 : memref<1x16xf32, #tpu.memory_space<hbm>> -> memref<16xf32, #tpu.memory_space<hbm>>
      %dma_start3A_248 = arith.constant 0 : i32
      %dma_start3A_249 = tpu.memref_slice %arg6[%add3A, %dma_start3A_248] : memref<32x16xf32, #tpu.memory_space<hbm>> -> memref<1x16xf32, #tpu.memory_space<hbm>>
      %dma_start3A_250 = tpu.memref_squeeze %dma_start3A_249 : memref<1x16xf32, #tpu.memory_space<hbm>> -> memref<16xf32, #tpu.memory_space<hbm>>
      tpu.enqueue_dma source(%arg14 : memref<16xf32, #tpu.memory_space<vmem>>) target(%dma_start3A_250 : memref<16xf32, #tpu.memory_space<hbm>>) target_semaphore(%run_scoped3A : memref<!tpu.dma_semaphore, #tpu.memory_space<semaphore_mem>>)
      %dma_wait3A_251 = arith.constant 0 : i32
      %dma_wait3A_252 = tpu.memref_slice %arg6[%add3A, %dma_wait3A_251] : memref<32x16xf32, #tpu.memory_space<hbm>> -> memref<1x16xf32, #tpu.memory_space<hbm>>
      %dma_wait3A_253 = tpu.memref_squeeze %dma_wait3A_252 : memref<1x16xf32, #tpu.memory_space<hbm>> -> memref<16xf32, #tpu.memory_space<hbm>>
      %dma_wait3A_254 = arith.constant 0 : i32
      %dma_wait3A_255 = tpu.memref_slice %arg6[%add3A, %dma_wait3A_254] : memref<32x16xf32, #tpu.memory_space<hbm>> -> memref<1x16xf32, #tpu.memory_space<hbm>>
      %dma_wait3A_256 = tpu.memref_squeeze %dma_wait3A_255 : memref<1x16xf32, #tpu.memory_space<hbm>> -> memref<16xf32, #tpu.memory_space<hbm>>
      tpu.wait_dma2 semaphore(%run_scoped3A : memref<!tpu.dma_semaphore, #tpu.memory_space<semaphore_mem>>) src(%arg14 : memref<16xf32, #tpu.memory_space<vmem>>) dst(%dma_wait3A_256 : memref<16xf32, #tpu.memory_space<hbm>>)
      tpu.yield
    }) : () -> ()
    return
  }
}

module attributes {stable_mosaic.version = 14 : i64} {
  func.func @_tc_body(%arg0: i32, %arg1: memref<512x3072xf32, #tpu.memory_space<vmem>>, %arg2: memref<512x8xi32, #tpu.memory_space<vmem>>, %arg3: memref<8x1000x384xf32, #tpu.memory_space<vmem>>, %arg4: memref<1x1xf32, #tpu.memory_space<vmem>>, %arg5: memref<8x1000x384xbf16, #tpu.memory_space<vmem>>) attributes {dimension_semantics = [#tpu.dimension_semantics<arbitrary>], iteration_bounds = array<i64: 5>, scalar_prefetch = 0 : i64, scratch_operands = 1 : i64, tpu.core_type = #tpu.core_type<tc>, window_params = [{transform_indices = @transform_0, window_bounds = array<i64: 512, 3072>}, {transform_indices = @transform_1, window_bounds = array<i64: 512, 8>}, {pipeline_mode = #tpu.pipeline_mode<synchronous>, transform_indices = @transform_2, window_bounds = array<i64: 8, 1000, 384>}, {pipeline_mode = #tpu.pipeline_mode<synchronous>, transform_indices = @transform_3, window_bounds = array<i64: 1, 1>}]} {
    %eq3A = arith.constant 0 : i32
    %eq3A_0 = arith.cmpi eq, %arg0, %eq3A : i32
    %convert_element_type3A = arith.extui %eq3A_0 : i1 to i32
    %cond3A = arith.constant 0 : i32
    %cond3A_1 = arith.cmpi ne, %convert_element_type3A, %cond3A : i32
    scf.if %cond3A_1 {
      %broadcast_in_dim3A_166 = arith.constant 0.000000e+00 : f32
      %broadcast_in_dim3A_167 = vector.broadcast %broadcast_in_dim3A_166 : f32 to vector<1x1xf32>
      %swap3A_168 = arith.constant 0 : index
      %swap3A_169 = arith.constant 0 : index
      %swap3A_170 = vector.load %arg4[%swap3A_168, %swap3A_169] : memref<1x1xf32, #tpu.memory_space<vmem>>, vector<1x1xf32>
      tpu.vector_store %arg4[%swap3A_168, %swap3A_169], %broadcast_in_dim3A_167 {strides = array<i32>} : memref<1x1xf32, #tpu.memory_space<vmem>>, vector<1x1xf32>,
      %get3A_171 = arith.constant 0 : index
      %get3A_172 = arith.constant 0 : index
      %get3A_173 = arith.constant 0 : index
      %get3A_174 = vector.load %arg3[%get3A_171, %get3A_172, %get3A_173] : memref<8x1000x384xf32, #tpu.memory_space<vmem>>, vector<1x1000x384xf32>
      %get3A_175 = vector.shape_cast %get3A_174 : vector<1x1000x384xf32> to vector<1000x384xf32>
      %convert_element_type3A_176 = arith.truncf %get3A_175 : vector<1000x384xf32> to vector<1000x384xbf16>
      %swap3A_177 = arith.constant 0 : index
      %swap3A_178 = arith.constant 0 : index
      %swap3A_179 = arith.constant 0 : index
      %swap3A_180 = vector.load %arg5[%swap3A_177, %swap3A_178, %swap3A_179] : memref<8x1000x384xbf16, #tpu.memory_space<vmem>>, vector<1x1000x384xbf16>
      %swap3A_181 = vector.shape_cast %swap3A_180 : vector<1x1000x384xbf16> to vector<1000x384xbf16>
      %swap3A_182 = vector.shape_cast %convert_element_type3A_176 : vector<1000x384xbf16> to vector<1x1000x384xbf16>
      tpu.vector_store %arg5[%swap3A_177, %swap3A_178, %swap3A_179], %swap3A_182 {strides = array<i32>} : memref<8x1000x384xbf16, #tpu.memory_space<vmem>>, vector<1x1000x384xbf16>,
      %get3A_183 = arith.constant 1 : index
      %get3A_184 = arith.constant 0 : index
      %get3A_185 = arith.constant 0 : index
      %get3A_186 = vector.load %arg3[%get3A_183, %get3A_184, %get3A_185] : memref<8x1000x384xf32, #tpu.memory_space<vmem>>, vector<1x1000x384xf32>
      %get3A_187 = vector.shape_cast %get3A_186 : vector<1x1000x384xf32> to vector<1000x384xf32>
      %convert_element_type3A_188 = arith.truncf %get3A_187 : vector<1000x384xf32> to vector<1000x384xbf16>
      %swap3A_189 = arith.constant 1 : index
      %swap3A_190 = arith.constant 0 : index
      %swap3A_191 = arith.constant 0 : index
      %swap3A_192 = vector.load %arg5[%swap3A_189, %swap3A_190, %swap3A_191] : memref<8x1000x384xbf16, #tpu.memory_space<vmem>>, vector<1x1000x384xbf16>
      %swap3A_193 = vector.shape_cast %swap3A_192 : vector<1x1000x384xbf16> to vector<1000x384xbf16>
      %swap3A_194 = vector.shape_cast %convert_element_type3A_188 : vector<1000x384xbf16> to vector<1x1000x384xbf16>
      tpu.vector_store %arg5[%swap3A_189, %swap3A_190, %swap3A_191], %swap3A_194 {strides = array<i32>} : memref<8x1000x384xbf16, #tpu.memory_space<vmem>>, vector<1x1000x384xbf16>,
      %get3A_195 = arith.constant 2 : index
      %get3A_196 = arith.constant 0 : index
      %get3A_197 = arith.constant 0 : index
      %get3A_198 = vector.load %arg3[%get3A_195, %get3A_196, %get3A_197] : memref<8x1000x384xf32, #tpu.memory_space<vmem>>, vector<1x1000x384xf32>
      %get3A_199 = vector.shape_cast %get3A_198 : vector<1x1000x384xf32> to vector<1000x384xf32>
      %convert_element_type3A_200 = arith.truncf %get3A_199 : vector<1000x384xf32> to vector<1000x384xbf16>
      %swap3A_201 = arith.constant 2 : index
      %swap3A_202 = arith.constant 0 : index
      %swap3A_203 = arith.constant 0 : index
      %swap3A_204 = vector.load %arg5[%swap3A_201, %swap3A_202, %swap3A_203] : memref<8x1000x384xbf16, #tpu.memory_space<vmem>>, vector<1x1000x384xbf16>
      %swap3A_205 = vector.shape_cast %swap3A_204 : vector<1x1000x384xbf16> to vector<1000x384xbf16>
      %swap3A_206 = vector.shape_cast %convert_element_type3A_200 : vector<1000x384xbf16> to vector<1x1000x384xbf16>
      tpu.vector_store %arg5[%swap3A_201, %swap3A_202, %swap3A_203], %swap3A_206 {strides = array<i32>} : memref<8x1000x384xbf16, #tpu.memory_space<vmem>>, vector<1x1000x384xbf16>,
      %get3A_207 = arith.constant 3 : index
      %get3A_208 = arith.constant 0 : index
      %get3A_209 = arith.constant 0 : index
      %get3A_210 = vector.load %arg3[%get3A_207, %get3A_208, %get3A_209] : memref<8x1000x384xf32, #tpu.memory_space<vmem>>, vector<1x1000x384xf32>
      %get3A_211 = vector.shape_cast %get3A_210 : vector<1x1000x384xf32> to vector<1000x384xf32>
      %convert_element_type3A_212 = arith.truncf %get3A_211 : vector<1000x384xf32> to vector<1000x384xbf16>
      %swap3A_213 = arith.constant 3 : index
      %swap3A_214 = arith.constant 0 : index
      %swap3A_215 = arith.constant 0 : index
      %swap3A_216 = vector.load %arg5[%swap3A_213, %swap3A_214, %swap3A_215] : memref<8x1000x384xbf16, #tpu.memory_space<vmem>>, vector<1x1000x384xbf16>
      %swap3A_217 = vector.shape_cast %swap3A_216 : vector<1x1000x384xbf16> to vector<1000x384xbf16>
      %swap3A_218 = vector.shape_cast %convert_element_type3A_212 : vector<1000x384xbf16> to vector<1x1000x384xbf16>
      tpu.vector_store %arg5[%swap3A_213, %swap3A_214, %swap3A_215], %swap3A_218 {strides = array<i32>} : memref<8x1000x384xbf16, #tpu.memory_space<vmem>>, vector<1x1000x384xbf16>,
      %get3A_219 = arith.constant 4 : index
      %get3A_220 = arith.constant 0 : index
      %get3A_221 = arith.constant 0 : index
      %get3A_222 = vector.load %arg3[%get3A_219, %get3A_220, %get3A_221] : memref<8x1000x384xf32, #tpu.memory_space<vmem>>, vector<1x1000x384xf32>
      %get3A_223 = vector.shape_cast %get3A_222 : vector<1x1000x384xf32> to vector<1000x384xf32>
      %convert_element_type3A_224 = arith.truncf %get3A_223 : vector<1000x384xf32> to vector<1000x384xbf16>
      %swap3A_225 = arith.constant 4 : index
      %swap3A_226 = arith.constant 0 : index
      %swap3A_227 = arith.constant 0 : index
      %swap3A_228 = vector.load %arg5[%swap3A_225, %swap3A_226, %swap3A_227] : memref<8x1000x384xbf16, #tpu.memory_space<vmem>>, vector<1x1000x384xbf16>
      %swap3A_229 = vector.shape_cast %swap3A_228 : vector<1x1000x384xbf16> to vector<1000x384xbf16>
      %swap3A_230 = vector.shape_cast %convert_element_type3A_224 : vector<1000x384xbf16> to vector<1x1000x384xbf16>
      tpu.vector_store %arg5[%swap3A_225, %swap3A_226, %swap3A_227], %swap3A_230 {strides = array<i32>} : memref<8x1000x384xbf16, #tpu.memory_space<vmem>>, vector<1x1000x384xbf16>,
      %get3A_231 = arith.constant 5 : index
      %get3A_232 = arith.constant 0 : index
      %get3A_233 = arith.constant 0 : index
      %get3A_234 = vector.load %arg3[%get3A_231, %get3A_232, %get3A_233] : memref<8x1000x384xf32, #tpu.memory_space<vmem>>, vector<1x1000x384xf32>
      %get3A_235 = vector.shape_cast %get3A_234 : vector<1x1000x384xf32> to vector<1000x384xf32>
      %convert_element_type3A_236 = arith.truncf %get3A_235 : vector<1000x384xf32> to vector<1000x384xbf16>
      %swap3A_237 = arith.constant 5 : index
      %swap3A_238 = arith.constant 0 : index
      %swap3A_239 = arith.constant 0 : index
      %swap3A_240 = vector.load %arg5[%swap3A_237, %swap3A_238, %swap3A_239] : memref<8x1000x384xbf16, #tpu.memory_space<vmem>>, vector<1x1000x384xbf16>
      %swap3A_241 = vector.shape_cast %swap3A_240 : vector<1x1000x384xbf16> to vector<1000x384xbf16>
      %swap3A_242 = vector.shape_cast %convert_element_type3A_236 : vector<1000x384xbf16> to vector<1x1000x384xbf16>
      tpu.vector_store %arg5[%swap3A_237, %swap3A_238, %swap3A_239], %swap3A_242 {strides = array<i32>} : memref<8x1000x384xbf16, #tpu.memory_space<vmem>>, vector<1x1000x384xbf16>,
      %get3A_243 = arith.constant 6 : index
      %get3A_244 = arith.constant 0 : index
      %get3A_245 = arith.constant 0 : index
      %get3A_246 = vector.load %arg3[%get3A_243, %get3A_244, %get3A_245] : memref<8x1000x384xf32, #tpu.memory_space<vmem>>, vector<1x1000x384xf32>
      %get3A_247 = vector.shape_cast %get3A_246 : vector<1x1000x384xf32> to vector<1000x384xf32>
      %convert_element_type3A_248 = arith.truncf %get3A_247 : vector<1000x384xf32> to vector<1000x384xbf16>
      %swap3A_249 = arith.constant 6 : index
      %swap3A_250 = arith.constant 0 : index
      %swap3A_251 = arith.constant 0 : index
      %swap3A_252 = vector.load %arg5[%swap3A_249, %swap3A_250, %swap3A_251] : memref<8x1000x384xbf16, #tpu.memory_space<vmem>>, vector<1x1000x384xbf16>
      %swap3A_253 = vector.shape_cast %swap3A_252 : vector<1x1000x384xbf16> to vector<1000x384xbf16>
      %swap3A_254 = vector.shape_cast %convert_element_type3A_248 : vector<1000x384xbf16> to vector<1x1000x384xbf16>
      tpu.vector_store %arg5[%swap3A_249, %swap3A_250, %swap3A_251], %swap3A_254 {strides = array<i32>} : memref<8x1000x384xbf16, #tpu.memory_space<vmem>>, vector<1x1000x384xbf16>,
      %get3A_255 = arith.constant 7 : index
      %get3A_256 = arith.constant 0 : index
      %get3A_257 = arith.constant 0 : index
      %get3A_258 = vector.load %arg3[%get3A_255, %get3A_256, %get3A_257] : memref<8x1000x384xf32, #tpu.memory_space<vmem>>, vector<1x1000x384xf32>
      %get3A_259 = vector.shape_cast %get3A_258 : vector<1x1000x384xf32> to vector<1000x384xf32>
      %convert_element_type3A_260 = arith.truncf %get3A_259 : vector<1000x384xf32> to vector<1000x384xbf16>
      %swap3A_261 = arith.constant 7 : index
      %swap3A_262 = arith.constant 0 : index
      %swap3A_263 = arith.constant 0 : index
      %swap3A_264 = vector.load %arg5[%swap3A_261, %swap3A_262, %swap3A_263] : memref<8x1000x384xbf16, #tpu.memory_space<vmem>>, vector<1x1000x384xbf16>
      %swap3A_265 = vector.shape_cast %swap3A_264 : vector<1x1000x384xbf16> to vector<1000x384xbf16>
      %swap3A_266 = vector.shape_cast %convert_element_type3A_260 : vector<1000x384xbf16> to vector<1x1000x384xbf16>
      tpu.vector_store %arg5[%swap3A_261, %swap3A_262, %swap3A_263], %swap3A_266 {strides = array<i32>} : memref<8x1000x384xbf16, #tpu.memory_space<vmem>>, vector<1x1000x384xbf16>,
    } else {
    }
    %get3A = arith.constant 0 : index
    %get3A_2 = arith.constant 0 : index
    %get3A_3 = vector.load %arg1[%get3A, %get3A_2] : memref<512x3072xf32, #tpu.memory_space<vmem>>, vector<512x3072xf32>
    %get3A_4 = arith.constant 0 : index
    %get3A_5 = arith.constant 0 : index
    %get3A_6 = vector.load %arg2[%get3A_4, %get3A_5] : memref<512x8xi32, #tpu.memory_space<vmem>>, vector<512x8xi32>
    %iota3A = tpu.iota {dimensions = array<i32: 1>} : vector<512x1000xi32>
    %broadcast_in_dim3A = arith.constant 0.000000e+00 : f32
    %broadcast_in_dim3A_7 = vector.broadcast %broadcast_in_dim3A : f32 to vector<512x384xf32>
    %slice3A = vector.extract_strided_slice %get3A_6 {offsets = [0, 0], sizes = [512, 1], strides = [1, 1]} : vector<512x8xi32> to vector<512x1xi32>
    %squeeze3A = vector.shape_cast %slice3A : vector<512x1xi32> to vector<512xi32>
    %broadcast_in_dim3A_8 = vector.shape_cast %squeeze3A : vector<512xi32> to vector<512x1xi32>
    %eq3A_9 = vector.broadcast %broadcast_in_dim3A_8 : vector<512x1xi32> to vector<512x1000xi32>
    %eq3A_10 = arith.cmpi eq, %eq3A_9, %iota3A : vector<512x1000xi32>
    %convert_element_type3A_11 = arith.extui %eq3A_10 : vector<512x1000xi1> to vector<512x1000xi32>
    %convert_element_type3A_12 = arith.sitofp %convert_element_type3A_11 : vector<512x1000xi32> to vector<512x1000xf32>
    %convert_element_type3A_13 = arith.truncf %convert_element_type3A_12 : vector<512x1000xf32> to vector<512x1000xbf16>
    %get3A_14 = arith.constant 0 : index
    %get3A_15 = arith.constant 0 : index
    %get3A_16 = arith.constant 0 : index
    %get3A_17 = vector.load %arg5[%get3A_14, %get3A_15, %get3A_16] : memref<8x1000x384xbf16, #tpu.memory_space<vmem>>, vector<1x1000x384xbf16>
    %get3A_18 = vector.shape_cast %get3A_17 : vector<1x1000x384xbf16> to vector<1000x384xbf16>
    %dot_general3A = arith.constant dense<0.000000e+00> : vector<512x384xf32>
    %dot_general3A_19 = tpu.matmul %convert_element_type3A_13, %get3A_18, %dot_general3A {dimension_numbers = #tpu.dot_dimension_numbers<[1], [0], [0], [1], [0, 0, 1, 1], [], []>, transpose_lhs_hint = false} : vector<512x1000xbf16>, vector<1000x384xbf16>, vector<512x384xf32> -> vector<512x384xf32>
    %slice3A_20 = vector.extract_strided_slice %get3A_3 {offsets = [0, 0], sizes = [512, 384], strides = [1, 1]} : vector<512x3072xf32> to vector<512x384xf32>
    %sub3A = arith.subf %slice3A_20, %dot_general3A_19 : vector<512x384xf32>
    %mul3A = arith.mulf %sub3A, %sub3A : vector<512x384xf32>
    %add3A = arith.addf %broadcast_in_dim3A_7, %mul3A : vector<512x384xf32>
    %slice3A_21 = vector.extract_strided_slice %get3A_6 {offsets = [0, 1], sizes = [512, 1], strides = [1, 1]} : vector<512x8xi32> to vector<512x1xi32>
    %squeeze3A_22 = vector.shape_cast %slice3A_21 : vector<512x1xi32> to vector<512xi32>
    %broadcast_in_dim3A_23 = vector.shape_cast %squeeze3A_22 : vector<512xi32> to vector<512x1xi32>
    %eq3A_24 = vector.broadcast %broadcast_in_dim3A_23 : vector<512x1xi32> to vector<512x1000xi32>
    %eq3A_25 = arith.cmpi eq, %eq3A_24, %iota3A : vector<512x1000xi32>
    %convert_element_type3A_26 = arith.extui %eq3A_25 : vector<512x1000xi1> to vector<512x1000xi32>
    %convert_element_type3A_27 = arith.sitofp %convert_element_type3A_26 : vector<512x1000xi32> to vector<512x1000xf32>
    %convert_element_type3A_28 = arith.truncf %convert_element_type3A_27 : vector<512x1000xf32> to vector<512x1000xbf16>
    %get3A_29 = arith.constant 1 : index
    %get3A_30 = arith.constant 0 : index
    %get3A_31 = arith.constant 0 : index
    %get3A_32 = vector.load %arg5[%get3A_29, %get3A_30, %get3A_31] : memref<8x1000x384xbf16, #tpu.memory_space<vmem>>, vector<1x1000x384xbf16>
    %get3A_33 = vector.shape_cast %get3A_32 : vector<1x1000x384xbf16> to vector<1000x384xbf16>
    %dot_general3A_34 = arith.constant dense<0.000000e+00> : vector<512x384xf32>
    %dot_general3A_35 = tpu.matmul %convert_element_type3A_28, %get3A_33, %dot_general3A_34 {dimension_numbers = #tpu.dot_dimension_numbers<[1], [0], [0], [1], [0, 0, 1, 1], [], []>, transpose_lhs_hint = false} : vector<512x1000xbf16>, vector<1000x384xbf16>, vector<512x384xf32> -> vector<512x384xf32>
    %slice3A_36 = vector.extract_strided_slice %get3A_3 {offsets = [0, 384], sizes = [512, 384], strides = [1, 1]} : vector<512x3072xf32> to vector<512x384xf32>
    %sub3A_37 = arith.subf %slice3A_36, %dot_general3A_35 : vector<512x384xf32>
    %mul3A_38 = arith.mulf %sub3A_37, %sub3A_37 : vector<512x384xf32>
    %add3A_39 = arith.addf %add3A, %mul3A_38 : vector<512x384xf32>
    %slice3A_40 = vector.extract_strided_slice %get3A_6 {offsets = [0, 2], sizes = [512, 1], strides = [1, 1]} : vector<512x8xi32> to vector<512x1xi32>
    %squeeze3A_41 = vector.shape_cast %slice3A_40 : vector<512x1xi32> to vector<512xi32>
    %broadcast_in_dim3A_42 = vector.shape_cast %squeeze3A_41 : vector<512xi32> to vector<512x1xi32>
    %eq3A_43 = vector.broadcast %broadcast_in_dim3A_42 : vector<512x1xi32> to vector<512x1000xi32>
    %eq3A_44 = arith.cmpi eq, %eq3A_43, %iota3A : vector<512x1000xi32>
    %convert_element_type3A_45 = arith.extui %eq3A_44 : vector<512x1000xi1> to vector<512x1000xi32>
    %convert_element_type3A_46 = arith.sitofp %convert_element_type3A_45 : vector<512x1000xi32> to vector<512x1000xf32>
    %convert_element_type3A_47 = arith.truncf %convert_element_type3A_46 : vector<512x1000xf32> to vector<512x1000xbf16>
    %get3A_48 = arith.constant 2 : index
    %get3A_49 = arith.constant 0 : index
    %get3A_50 = arith.constant 0 : index
    %get3A_51 = vector.load %arg5[%get3A_48, %get3A_49, %get3A_50] : memref<8x1000x384xbf16, #tpu.memory_space<vmem>>, vector<1x1000x384xbf16>
    %get3A_52 = vector.shape_cast %get3A_51 : vector<1x1000x384xbf16> to vector<1000x384xbf16>
    %dot_general3A_53 = arith.constant dense<0.000000e+00> : vector<512x384xf32>
    %dot_general3A_54 = tpu.matmul %convert_element_type3A_47, %get3A_52, %dot_general3A_53 {dimension_numbers = #tpu.dot_dimension_numbers<[1], [0], [0], [1], [0, 0, 1, 1], [], []>, transpose_lhs_hint = false} : vector<512x1000xbf16>, vector<1000x384xbf16>, vector<512x384xf32> -> vector<512x384xf32>
    %slice3A_55 = vector.extract_strided_slice %get3A_3 {offsets = [0, 768], sizes = [512, 384], strides = [1, 1]} : vector<512x3072xf32> to vector<512x384xf32>
    %sub3A_56 = arith.subf %slice3A_55, %dot_general3A_54 : vector<512x384xf32>
    %mul3A_57 = arith.mulf %sub3A_56, %sub3A_56 : vector<512x384xf32>
    %add3A_58 = arith.addf %add3A_39, %mul3A_57 : vector<512x384xf32>
    %slice3A_59 = vector.extract_strided_slice %get3A_6 {offsets = [0, 3], sizes = [512, 1], strides = [1, 1]} : vector<512x8xi32> to vector<512x1xi32>
    %squeeze3A_60 = vector.shape_cast %slice3A_59 : vector<512x1xi32> to vector<512xi32>
    %broadcast_in_dim3A_61 = vector.shape_cast %squeeze3A_60 : vector<512xi32> to vector<512x1xi32>
    %eq3A_62 = vector.broadcast %broadcast_in_dim3A_61 : vector<512x1xi32> to vector<512x1000xi32>
    %eq3A_63 = arith.cmpi eq, %eq3A_62, %iota3A : vector<512x1000xi32>
    %convert_element_type3A_64 = arith.extui %eq3A_63 : vector<512x1000xi1> to vector<512x1000xi32>
    %convert_element_type3A_65 = arith.sitofp %convert_element_type3A_64 : vector<512x1000xi32> to vector<512x1000xf32>
    %convert_element_type3A_66 = arith.truncf %convert_element_type3A_65 : vector<512x1000xf32> to vector<512x1000xbf16>
    %get3A_67 = arith.constant 3 : index
    %get3A_68 = arith.constant 0 : index
    %get3A_69 = arith.constant 0 : index
    %get3A_70 = vector.load %arg5[%get3A_67, %get3A_68, %get3A_69] : memref<8x1000x384xbf16, #tpu.memory_space<vmem>>, vector<1x1000x384xbf16>
    %get3A_71 = vector.shape_cast %get3A_70 : vector<1x1000x384xbf16> to vector<1000x384xbf16>
    %dot_general3A_72 = arith.constant dense<0.000000e+00> : vector<512x384xf32>
    %dot_general3A_73 = tpu.matmul %convert_element_type3A_66, %get3A_71, %dot_general3A_72 {dimension_numbers = #tpu.dot_dimension_numbers<[1], [0], [0], [1], [0, 0, 1, 1], [], []>, transpose_lhs_hint = false} : vector<512x1000xbf16>, vector<1000x384xbf16>, vector<512x384xf32> -> vector<512x384xf32>
    %slice3A_74 = vector.extract_strided_slice %get3A_3 {offsets = [0, 1152], sizes = [512, 384], strides = [1, 1]} : vector<512x3072xf32> to vector<512x384xf32>
    %sub3A_75 = arith.subf %slice3A_74, %dot_general3A_73 : vector<512x384xf32>
    %mul3A_76 = arith.mulf %sub3A_75, %sub3A_75 : vector<512x384xf32>
    %add3A_77 = arith.addf %add3A_58, %mul3A_76 : vector<512x384xf32>
    %slice3A_78 = vector.extract_strided_slice %get3A_6 {offsets = [0, 4], sizes = [512, 1], strides = [1, 1]} : vector<512x8xi32> to vector<512x1xi32>
    %squeeze3A_79 = vector.shape_cast %slice3A_78 : vector<512x1xi32> to vector<512xi32>
    %broadcast_in_dim3A_80 = vector.shape_cast %squeeze3A_79 : vector<512xi32> to vector<512x1xi32>
    %eq3A_81 = vector.broadcast %broadcast_in_dim3A_80 : vector<512x1xi32> to vector<512x1000xi32>
    %eq3A_82 = arith.cmpi eq, %eq3A_81, %iota3A : vector<512x1000xi32>
    %convert_element_type3A_83 = arith.extui %eq3A_82 : vector<512x1000xi1> to vector<512x1000xi32>
    %convert_element_type3A_84 = arith.sitofp %convert_element_type3A_83 : vector<512x1000xi32> to vector<512x1000xf32>
    %convert_element_type3A_85 = arith.truncf %convert_element_type3A_84 : vector<512x1000xf32> to vector<512x1000xbf16>
    %get3A_86 = arith.constant 4 : index
    %get3A_87 = arith.constant 0 : index
    %get3A_88 = arith.constant 0 : index
    %get3A_89 = vector.load %arg5[%get3A_86, %get3A_87, %get3A_88] : memref<8x1000x384xbf16, #tpu.memory_space<vmem>>, vector<1x1000x384xbf16>
    %get3A_90 = vector.shape_cast %get3A_89 : vector<1x1000x384xbf16> to vector<1000x384xbf16>
    %dot_general3A_91 = arith.constant dense<0.000000e+00> : vector<512x384xf32>
    %dot_general3A_92 = tpu.matmul %convert_element_type3A_85, %get3A_90, %dot_general3A_91 {dimension_numbers = #tpu.dot_dimension_numbers<[1], [0], [0], [1], [0, 0, 1, 1], [], []>, transpose_lhs_hint = false} : vector<512x1000xbf16>, vector<1000x384xbf16>, vector<512x384xf32> -> vector<512x384xf32>
    %slice3A_93 = vector.extract_strided_slice %get3A_3 {offsets = [0, 1536], sizes = [512, 384], strides = [1, 1]} : vector<512x3072xf32> to vector<512x384xf32>
    %sub3A_94 = arith.subf %slice3A_93, %dot_general3A_92 : vector<512x384xf32>
    %mul3A_95 = arith.mulf %sub3A_94, %sub3A_94 : vector<512x384xf32>
    %add3A_96 = arith.addf %add3A_77, %mul3A_95 : vector<512x384xf32>
    %slice3A_97 = vector.extract_strided_slice %get3A_6 {offsets = [0, 5], sizes = [512, 1], strides = [1, 1]} : vector<512x8xi32> to vector<512x1xi32>
    %squeeze3A_98 = vector.shape_cast %slice3A_97 : vector<512x1xi32> to vector<512xi32>
    %broadcast_in_dim3A_99 = vector.shape_cast %squeeze3A_98 : vector<512xi32> to vector<512x1xi32>
    %eq3A_100 = vector.broadcast %broadcast_in_dim3A_99 : vector<512x1xi32> to vector<512x1000xi32>
    %eq3A_101 = arith.cmpi eq, %eq3A_100, %iota3A : vector<512x1000xi32>
    %convert_element_type3A_102 = arith.extui %eq3A_101 : vector<512x1000xi1> to vector<512x1000xi32>
    %convert_element_type3A_103 = arith.sitofp %convert_element_type3A_102 : vector<512x1000xi32> to vector<512x1000xf32>
    %convert_element_type3A_104 = arith.truncf %convert_element_type3A_103 : vector<512x1000xf32> to vector<512x1000xbf16>
    %get3A_105 = arith.constant 5 : index
    %get3A_106 = arith.constant 0 : index
    %get3A_107 = arith.constant 0 : index
    %get3A_108 = vector.load %arg5[%get3A_105, %get3A_106, %get3A_107] : memref<8x1000x384xbf16, #tpu.memory_space<vmem>>, vector<1x1000x384xbf16>
    %get3A_109 = vector.shape_cast %get3A_108 : vector<1x1000x384xbf16> to vector<1000x384xbf16>
    %dot_general3A_110 = arith.constant dense<0.000000e+00> : vector<512x384xf32>
    %dot_general3A_111 = tpu.matmul %convert_element_type3A_104, %get3A_109, %dot_general3A_110 {dimension_numbers = #tpu.dot_dimension_numbers<[1], [0], [0], [1], [0, 0, 1, 1], [], []>, transpose_lhs_hint = false} : vector<512x1000xbf16>, vector<1000x384xbf16>, vector<512x384xf32> -> vector<512x384xf32>
    %slice3A_112 = vector.extract_strided_slice %get3A_3 {offsets = [0, 1920], sizes = [512, 384], strides = [1, 1]} : vector<512x3072xf32> to vector<512x384xf32>
    %sub3A_113 = arith.subf %slice3A_112, %dot_general3A_111 : vector<512x384xf32>
    %mul3A_114 = arith.mulf %sub3A_113, %sub3A_113 : vector<512x384xf32>
    %add3A_115 = arith.addf %add3A_96, %mul3A_114 : vector<512x384xf32>
    %slice3A_116 = vector.extract_strided_slice %get3A_6 {offsets = [0, 6], sizes = [512, 1], strides = [1, 1]} : vector<512x8xi32> to vector<512x1xi32>
    %squeeze3A_117 = vector.shape_cast %slice3A_116 : vector<512x1xi32> to vector<512xi32>
    %broadcast_in_dim3A_118 = vector.shape_cast %squeeze3A_117 : vector<512xi32> to vector<512x1xi32>
    %eq3A_119 = vector.broadcast %broadcast_in_dim3A_118 : vector<512x1xi32> to vector<512x1000xi32>
    %eq3A_120 = arith.cmpi eq, %eq3A_119, %iota3A : vector<512x1000xi32>
    %convert_element_type3A_121 = arith.extui %eq3A_120 : vector<512x1000xi1> to vector<512x1000xi32>
    %convert_element_type3A_122 = arith.sitofp %convert_element_type3A_121 : vector<512x1000xi32> to vector<512x1000xf32>
    %convert_element_type3A_123 = arith.truncf %convert_element_type3A_122 : vector<512x1000xf32> to vector<512x1000xbf16>
    %get3A_124 = arith.constant 6 : index
    %get3A_125 = arith.constant 0 : index
    %get3A_126 = arith.constant 0 : index
    %get3A_127 = vector.load %arg5[%get3A_124, %get3A_125, %get3A_126] : memref<8x1000x384xbf16, #tpu.memory_space<vmem>>, vector<1x1000x384xbf16>
    %get3A_128 = vector.shape_cast %get3A_127 : vector<1x1000x384xbf16> to vector<1000x384xbf16>
    %dot_general3A_129 = arith.constant dense<0.000000e+00> : vector<512x384xf32>
    %dot_general3A_130 = tpu.matmul %convert_element_type3A_123, %get3A_128, %dot_general3A_129 {dimension_numbers = #tpu.dot_dimension_numbers<[1], [0], [0], [1], [0, 0, 1, 1], [], []>, transpose_lhs_hint = false} : vector<512x1000xbf16>, vector<1000x384xbf16>, vector<512x384xf32> -> vector<512x384xf32>
    %slice3A_131 = vector.extract_strided_slice %get3A_3 {offsets = [0, 2304], sizes = [512, 384], strides = [1, 1]} : vector<512x3072xf32> to vector<512x384xf32>
    %sub3A_132 = arith.subf %slice3A_131, %dot_general3A_130 : vector<512x384xf32>
    %mul3A_133 = arith.mulf %sub3A_132, %sub3A_132 : vector<512x384xf32>
    %add3A_134 = arith.addf %add3A_115, %mul3A_133 : vector<512x384xf32>
    %slice3A_135 = vector.extract_strided_slice %get3A_6 {offsets = [0, 7], sizes = [512, 1], strides = [1, 1]} : vector<512x8xi32> to vector<512x1xi32>
    %squeeze3A_136 = vector.shape_cast %slice3A_135 : vector<512x1xi32> to vector<512xi32>
    %broadcast_in_dim3A_137 = vector.shape_cast %squeeze3A_136 : vector<512xi32> to vector<512x1xi32>
    %eq3A_138 = vector.broadcast %broadcast_in_dim3A_137 : vector<512x1xi32> to vector<512x1000xi32>
    %eq3A_139 = arith.cmpi eq, %eq3A_138, %iota3A : vector<512x1000xi32>
    %convert_element_type3A_140 = arith.extui %eq3A_139 : vector<512x1000xi1> to vector<512x1000xi32>
    %convert_element_type3A_141 = arith.sitofp %convert_element_type3A_140 : vector<512x1000xi32> to vector<512x1000xf32>
    %convert_element_type3A_142 = arith.truncf %convert_element_type3A_141 : vector<512x1000xf32> to vector<512x1000xbf16>
    %get3A_143 = arith.constant 7 : index
    %get3A_144 = arith.constant 0 : index
    %get3A_145 = arith.constant 0 : index
    %get3A_146 = vector.load %arg5[%get3A_143, %get3A_144, %get3A_145] : memref<8x1000x384xbf16, #tpu.memory_space<vmem>>, vector<1x1000x384xbf16>
    %get3A_147 = vector.shape_cast %get3A_146 : vector<1x1000x384xbf16> to vector<1000x384xbf16>
    %dot_general3A_148 = arith.constant dense<0.000000e+00> : vector<512x384xf32>
    %dot_general3A_149 = tpu.matmul %convert_element_type3A_142, %get3A_147, %dot_general3A_148 {dimension_numbers = #tpu.dot_dimension_numbers<[1], [0], [0], [1], [0, 0, 1, 1], [], []>, transpose_lhs_hint = false} : vector<512x1000xbf16>, vector<1000x384xbf16>, vector<512x384xf32> -> vector<512x384xf32>
    %slice3A_150 = vector.extract_strided_slice %get3A_3 {offsets = [0, 2688], sizes = [512, 384], strides = [1, 1]} : vector<512x3072xf32> to vector<512x384xf32>
    %sub3A_151 = arith.subf %slice3A_150, %dot_general3A_149 : vector<512x384xf32>
    %mul3A_152 = arith.mulf %sub3A_151, %sub3A_151 : vector<512x384xf32>
    %add3A_153 = arith.addf %add3A_134, %mul3A_152 : vector<512x384xf32>
    %get3A_154 = arith.constant 0 : index
    %get3A_155 = arith.constant 0 : index
    %get3A_156 = vector.load %arg4[%get3A_154, %get3A_155] : memref<1x1xf32, #tpu.memory_space<vmem>>, vector<1x1xf32>
    %reduce_sum3A = vector.shape_cast %add3A_153 : vector<512x384xf32> to vector<1x512x384xf32>
    %reduce_sum3A_157 = arith.constant dense<0.000000e+00> : vector<1xf32>
    %reduce_sum3A_158 = vector.multi_reduction <add>, %reduce_sum3A, %reduce_sum3A_157 [1, 2] : vector<1x512x384xf32> to vector<1xf32>
    %reduce_sum3A_159 = vector.shape_cast %reduce_sum3A_158 : vector<1xf32> to vector<1x1x1xf32>
    %reduce_sum3A_160 = vector.extract %reduce_sum3A_159[0, 0, 0] : f32 from vector<1x1x1xf32>
    %mul3A_161 = arith.constant 5.000000e-01 : f32
    %mul3A_162 = arith.mulf %mul3A_161, %reduce_sum3A_160 : f32
    %reshape3A = vector.broadcast %mul3A_162 : f32 to vector<1x1xf32>
    %add3A_163 = arith.addf %get3A_156, %reshape3A : vector<1x1xf32>
    %swap3A = arith.constant 0 : index
    %swap3A_164 = arith.constant 0 : index
    %swap3A_165 = vector.load %arg4[%swap3A, %swap3A_164] : memref<1x1xf32, #tpu.memory_space<vmem>>, vector<1x1xf32>
    tpu.vector_store %arg4[%swap3A, %swap3A_164], %add3A_163 {strides = array<i32>} : memref<1x1xf32, #tpu.memory_space<vmem>>, vector<1x1xf32>,
    return
  }
  func.func @transform_0(%arg0: i32) -> (i32, i32) {
    %add3A = arith.constant 3 : i32
    %add3A_0 = arith.addi %arg0, %add3A : i32
    %c0_i32 = arith.constant 0 : i32
    %c0_i32_1 = arith.constant 0 : i32
    return %add3A_0, %c0_i32 : i32, i32
  }
  func.func @transform_1(%arg0: i32) -> (i32, i32) {
    %add3A = arith.constant 3 : i32
    %add3A_0 = arith.addi %arg0, %add3A : i32
    %c0_i32 = arith.constant 0 : i32
    %c0_i32_1 = arith.constant 0 : i32
    return %add3A_0, %c0_i32 : i32, i32
  }
  func.func @transform_2(%arg0: i32) -> (i32, i32, i32) {
    %c0_i32 = arith.constant 0 : i32
    %c0_i32_0 = arith.constant 0 : i32
    %c0_i32_1 = arith.constant 0 : i32
    %c0_i32_2 = arith.constant 0 : i32
    return %c0_i32, %c0_i32_0, %c0_i32_1 : i32, i32, i32
  }
  func.func @transform_3(%arg0: i32) -> (i32, i32) {
    %c0_i32 = arith.constant 0 : i32
    %c0_i32_0 = arith.constant 0 : i32
    %c0_i32_1 = arith.constant 0 : i32
    return %c0_i32, %c0_i32_0 : i32, i32
  }
}

</mosaic_0001>

<sc_bundles>
// kernel: kernel.4.cloned.1.call-start
scs
__scs_entry_jumppad:
0x0: {  	(pc) =	sbr.rel $0x88, $3  }
0x1: {  	(tag) =	ssettag $0x0;
	lr =	simm.s32 $0x1  }
0x2: {  	[smem:$0x3F9D] =	sst lr;
	_ =	strace $0xD0000000  }
0x3: {  	_ = 	snop  }
0x4: {  	_ = 	snop  }
0x5: {  	_ = 	snop  }
0x6: {  	_ = 	snop  }
0x7: {  	_ = 	snop  }
__scs_overlays_trampoline_lowered:
0x8: {  	[smem:$0x3FAC] =	sst s0  }
0x9: {  	[smem:$0x3FAD] =	sst s1  }
0xa: {  	[smem:$0x3FAE] =	sst s2  }
0xb: {  	[smem:$0x3FAF] =	sst s3  }
0xc: {  	[smem:$0x3FB0] =	sst s4  }
0xd: {  	[smem:$0x3FB1] =	sst s5  }
0xe: {  	[smem:$0x3FB2] =	sst s6  }
0xf: {  	[smem:$0x3FB3] =	sst s7  }
0x10: {  	[smem:$0x3FB4] =	sst s8  }
0x11: {  	[smem:$0x3FB5] =	sst s9;
	s0 =	simm.s32 @!p0 $0x0  }
0x12: {  	s1 =	sld [smem:$0x3F9B];
	s0 =	simm.s32 @p0 $0x1  }
0x13: {  	[smem:$0x3FB6] =	sst s0;
	s0 =	simm.s32 @!p1 $0x0  }
0x14: {  	s2 =	sld [smem:$0x3F9A];
	s0 =	simm.s32 @p1 $0x1  }
0x15: {  	[smem:$0x3FB7] =	sst s0;
	s0 =	simm.s32 @!p2 $0x0  }
0x16: {  	s3 =	sld [smem:$0x3FDB];
	s0 =	simm.s32 @p2 $0x1  }
0x17: {  	s4 =	simm.s32 $0x1BF5;
	[smem:$0x3FB9] =	sst s0  }
0x18: {  	s0 =	sld [smem:$0x3F9C];
	_ =	swait.ge [sflag:s4], $0x0  }
0x19: {  	s7 =	sld [smem:$0x3F9D]  }
0x1a: {  	s8 =	sadd.s32 $0xFFFFE003, lr  }
0x1b: {  	s9 =	sadd.s32 $0xFFFFFEF7, lr;
	s5 =	simm.s32 $0xFFFFFFFF;
	p2 =	slt.u32 s8, $0xFFFFF086  }
0x1c: {  	p1 =	slt.u32 s9, $0xF7A;
	s5 =	simm.s32 @!p2 $0x0  }
0x1d: {  	s5 =	simm.s32 @p1 $0x1;
	p0 =	seq.s32 s7, s2  }
0x1e: {  	s7 =	smul.u32 @!p0 $0xF7A, s2;
	p2 =	seq.s32 @!p0 s5, $0x0  }
0x1f: {  	s9 =	smul.u32 $0xF7A, s1;
	s8 =	simm.s32 @!p0 $0x1BF5;
	p2 =	por !p2, p0  }
0x20: {  	[sflag:s8] =	ssyncset.s32 @!p0 $0xFFFFF086;
	s6 =	sadd.s32 @!p0 s3, s7;
	s7 =	simm.s32 @!p0 $0x108  }
0x21: {  	s3 =	sadd.s32 s3, s9;
	s6 =	sadd.s32 @!p0 $0x88, s6;
	s7 =	simm.s32 @p2 $0x1082  }
0x22: {  	[simem:s7], [sflag:s8] =	dma.local @!p0 [hbm:s6], $0xF7A  }
0x23: {  	s9 =	sor.u32 $0xD0000000, s2;
	s6 =	simm.s32 $0x108;
	_ =	swait.ge @!p0 [sflag:s8], $0x0  }
0x24: {  	s3 =	sadd.s32 $0x88, s3;
	s6 =	simm.s32 @!p1 $0x1082;
	[sflag:s4] =	ssyncset.s32 $0xFFFFF086  }
0x25: {  	[simem:s6], [sflag:s4] =	dma.local [hbm:s3], $0xF7A  }
0x26: {  	[smem:$0x3F9D] =	sst s1;
	(tag) =	ssettag s2;
	_ =	strace s9  }
0x27: {  	s1 =	sld [smem:$0x3FAD]  }
0x28: {  	s2 =	sld [smem:$0x3FAE]  }
0x29: {  	s4 =	sld [smem:$0x3FB0]  }
0x2a: {  	p0 =	seq.s32 s5, $0x0;
	s5 =	sld [smem:$0x3FB1]  }
0x2b: {  	s6 =	sld [smem:$0x3FB2]  }
0x2c: {  	s7 =	sld [smem:$0x3FB3]  }
0x2d: {  	s3 =	simm.s32 $0x108;
	s8 =	sld [smem:$0x3FB4]  }
0x2e: {  	s3 =	simm.s32 @!p0 $0x1082;
	s9 =	sld [smem:$0x3FB5]  }
0x2f: {  	lr =	sadd.s32 s0, s3;
	s0 =	sld [smem:$0x3FAC]  }
0x30: {  	s3 =	sld [smem:$0x3FAF]  }
0x31: {  	[smem:$0x3FB8] =	sst s10  }
0x32: {  	s10 =	sld [smem:$0x3FB6];
	_ =	sdelay $0x3  }
0x33: {  	p0 =	seq.s32 s10, $0x1;
	s10 =	sld [smem:$0x3FB8];
	_ =	sdelay $0x3  }
0x34: {  	[smem:$0x3FB8] =	sst s10  }
0x35: {  	s10 =	sld [smem:$0x3FB7];
	_ =	sdelay $0x3  }
0x36: {  	p1 =	seq.s32 s10, $0x1;
	s10 =	sld [smem:$0x3FB8];
	_ =	sdelay $0x3  }
0x37: {  	[smem:$0x3FB8] =	sst s10  }
0x38: {  	s10 =	sld [smem:$0x3FB9]  }
0x39: {  	_ = 	snop;
	(pc) =	sbr.ind lr, $3  }
0x3a: {  	_ = 	snop  }
0x3b: {  	_ = 	snop  }
0x3c: {  	p2 =	seq.s32 s10, $0x1;
	s10 =	sld [smem:$0x3FB8]  }
0x3d: {  	_ =	shalt  }
0x3e: {  	_ =	shalt  }
0x3f: {  	_ =	shalt  }
0x40: {  	_ =	shalt  }
0x41: {  	_ =	shalt  }
0x42: {  	_ =	shalt  }
0x43: {  	_ =	shalt  }
0x44: {  	_ =	shalt  }
0x45: {  	_ =	shalt  }
0x46: {  	_ =	shalt  }
0x47: {  	_ =	shalt  }
0x48: {  	_ =	shalt  }
0x49: {  	_ =	shalt  }
0x4a: {  	_ =	shalt  }
0x4b: {  	_ =	shalt  }
0x4c: {  	_ =	shalt  }
0x4d: {  	_ =	shalt  }
0x4e: {  	_ =	shalt  }
0x4f: {  	_ =	shalt  }
0x50: {  	_ =	shalt  }
0x51: {  	_ =	shalt  }
0x52: {  	_ =	shalt  }
0x53: {  	_ =	shalt  }
0x54: {  	_ =	shalt  }
0x55: {  	_ =	shalt  }
0x56: {  	_ =	shalt  }
0x57: {  	_ =	shalt  }
0x58: {  	_ =	shalt  }
0x59: {  	_ =	shalt  }
0x5a: {  	_ =	shalt  }
0x5b: {  	_ =	shalt  }
0x5c: {  	_ =	shalt  }
0x5d: {  	_ =	shalt  }
0x5e: {  	_ =	shalt  }
0x5f: {  	_ =	shalt  }
0x60: {  	_ =	shalt  }
0x61: {  	_ =	shalt  }
0x62: {  	_ =	shalt  }
0x63: {  	_ =	shalt  }
0x64: {  	_ =	shalt  }
0x65: {  	_ =	shalt  }
0x66: {  	_ =	shalt  }
0x67: {  	_ =	shalt  }
0x68: {  	_ =	shalt  }
0x69: {  	_ =	shalt  }
0x6a: {  	_ =	shalt  }
0x6b: {  	_ =	shalt  }
0x6c: {  	_ =	shalt  }
0x6d: {  	_ =	shalt  }
0x6e: {  	_ =	shalt  }
0x6f: {  	_ =	shalt  }
0x70: {  	_ =	shalt  }
0x71: {  	_ =	shalt  }
0x72: {  	_ =	shalt  }
0x73: {  	_ =	shalt  }
0x74: {  	_ =	shalt  }
0x75: {  	_ =	shalt  }
0x76: {  	_ =	shalt  }
0x77: {  	_ =	shalt  }
0x78: {  	_ =	shalt  }
0x79: {  	_ =	shalt  }
0x7a: {  	_ =	shalt  }
0x7b: {  	_ =	shalt  }
0x7c: {  	_ =	shalt  }
0x7d: {  	_ =	shalt  }
0x7e: {  	_ =	shalt  }
0x7f: {  	_ =	shalt  }
0x80: {  	_ =	shalt  }
0x81: {  	_ =	shalt  }
0x82: {  	_ =	shalt  }
0x83: {  	_ =	shalt  }
0x84: {  	_ =	shalt  }
0x85: {  	_ =	shalt  }
0x86: {  	_ =	shalt  }
0x87: {  	_ =	shalt  }
.Lfunc_end0:
.L_simem_size_0:
called_computation_lowered:
.L_overlay_start_0:
0x88: {  	s2 =	sld [smem:$0x3FD9]  }
0x89: {  	s3 =	sld [smem:$0x3FFE];
	_ =	sdelay $0x1  }
0x8a: {  	s1 =	srdreg.scid  }
0x8b: {  	s0 =	sand.u32 $0x1, s1  }
0x8c: {  	s17 =	sshll.u32 s0, $0xA;
	s2 =	sadd.s32 s3, s2  }
0x8d: {  	s2 =	sadd.s32 s2, s17  }
0x8e: {  	[smem:$0x3FC4] =	sst s2  }
0x8f: {  	_ = 	snop  }
0x90: {  	s2 =	sld [smem:$0x3FC9]  }
0x91: {  	s18 =	sld [smem:$0x3FC8]  }
0x92: {  	s4 =	sld [smem:$0x3FC6];
	(tm) =	ssettm $0x1  }
0x93: {  	s5 =	sld [smem:$0x3FFB];
	_ =	sdelay $0x3  }
0x94: {  	_ =	strace s5  }
0x95: {  	s5 =	sld [smem:$0x3FFC];
	_ =	sdelay $0x3  }
0x96: {  	_ =	strace s5  }
0x97: {  	s5 =	sld [smem:$0x3FFD];
	_ =	sdelay $0x3  }
0x98: {  	_ =	strace s5  }
0x99: {  	_ =	strace $0x8FFFFFFF  }
0x9a: {  	s19 =	sld [smem:$0x3FDB];
	_ =	sdelay $0x1  }
0x9b: {  	s6 =	simm.s32 $_scs_section_size  }
0x9c: {  	s7 =	simm.s32 $_size__tile_overlayer_lowered;
	s8 =	simm.s32 $_tile_overlayer_lowered  }
0x9d: {  	s22 =	simm.s32 $0x1BFF;
	s21 =	sshll.u32 s8, $0x1;
	s5 =	sadd.s32 s6, s19  }
0x9e: {  	s9 =	simm.s32 $0x0;
	s20 =	sshll.u32 s7, $0x1;
	s7 =	sadd.s32 s21, s5  }
0x9f: {  	[timem:s9], [sflag:s22] =	dma.local [hbm:s7], s20  }
0xa0: {  	_ =	swait.ge [sflag:s22], s20  }
0xa1: {  	s6 =	ssub.s32 $0x0, s20;
	[sflag:s22] =	ssyncset.done $0x0  }
0xa2: {  	[sflag:s22] =	ssyncadd.s32 s6;
	_ =	sdelay $0x1  }
0xa3: {  	s23 =	simm.s32 $0x1B8B  }
0xa4: {  	_ =	swait.ge [sflag:s23], $0x1  }
0xa5: {  	[sflag:s23] =	ssyncset.done $0x0  }
0xa6: {  	s25 =	simm.s32 $0x1B8E;
	s24 =	sld [smem:$0x3FFE];
	[sflag:s23] =	ssyncadd.s32 $0xFFFFFFFF  }
0xa7: {  	s26 =	simm.s32 $execute0_lowered;
	[smem:$0x3FD2] =	sst s25  }
0xa8: {  	s7 =	sshll.u32 s26, $0x1;
	_ =	strace $0x80000046;
	[dreg:$0x1] =	wrdreg $0xFFFFFFFF  }
0xa9: {  	s28 =	simm.s32 $_size_execute0_lowered;
	s5 =	sadd.s32 s5, s7;
	[dreg:$0x0] =	wrdreg $0x0  }
0xaa: {  	s7 =	sshll.u32 s28, $0x1;
	[dreg:$0x2] =	wrdreg s5  }
0xab: {  	[dreg:$0x3] =	wrdreg s7  }
0xac: {  	[dreg:$0x4] =	wrdreg $0xC0  }
0xad: {  	_ =	task [dreg:s9], $0x5FFFF  }
0xae: {  	[dreg:$0x1] =	wrdreg $0xFFFFFFFF  }
0xaf: {  	[dreg:$0x0] =	wrdreg $0x60  }
0xb0: {  	[dreg:$0x2] =	wrdreg s2  }
0xb1: {  	[dreg:$0x3] =	wrdreg s18  }
0xb2: {  	[dreg:$0x4] =	wrdreg s24  }
0xb3: {  	[dreg:$0x5] =	wrdreg s4  }
0xb4: {  	[dreg:$0x6] =	wrdreg $0x9  }
0xb5: {  	_ =	task.clear_ibuf [dreg:s9], $0x7FFFF;
	_ =	strace $0x90000046  }
0xb6: {  	s29 =	simm.s32 $0x9;
	_ =	strace $0x80000048  }
0xb7: {  	_ =	swait.ge [sflag:s29], $0x1  }
0xb8: {  	[sflag:s29] =	ssyncadd.s32 $0xFFFFFFFF  }
0xb9: {  	_ =	strace $0x90000048  }
0xba: {  	_ =	sfence  }
0xbb: {  	s30 =	sld [smem:$0x0];
	_ =	sdelay $0x2  }
0xbc: {  	s31 =	sshll.u32 s1, $0xD;
	s1 =	sshrl.u32 s1, $0x2  }
0xbd: {  	s3 =	sand.u32 $0x4000, s31;
	s1 =	sadd.s32 s1, s30  }
0xbe: {  	s0 =	sor.u32 s3, s0;
	s1 =	sshll.u32 s1, $0x11  }
0xbf: {  	s0 =	sor.u32 s1, s0  }
0xc0: {  	s0 =	sadd.s32 $0x8F2B, s0  }
0xc1: {  	[sflag:s0] =	ssyncadd.remote.s32 $0x1  }
0xc2: {  	_ =	sfence.sel $0xFFFF  }
0xc3: {  	[dreg:$0x0] =	wrdreg $0xFFFFFFFF;
	(pc) =	sbr.abs _section_cstart, $3  }
0xc4: {  	[dreg:$0x1] =	wrdreg $0xFFFFFFFF  }
0xc5: {  	_ =	task.clear_ibuf [dreg:s9], $0x2FFFF;
	_ =	strace $0x9FFFFFFF  }
0xc6: {  	(tm) =	ssettm $0x7FFFFFFF  }
0xc7: {  	_ =	shalt  }
tec
execute0_lowered:
.L_overlay_start_1:
0x0: {  	(tag) =	ssettag $0x1  }
0x1: {  	s0 =	rddreg [dreg:$0x0]  }
0x2: {  	s1 =	rddreg [dreg:$0x1];
	s2 =	srdreg.scid  }
0x3: {  	s5 =	stileid.u32;
	s3 =	rddreg [dreg:$0x2]  }
0x4: {  	s28 =	simm.s32 $0x0;
	s15 =	simm.s32 $0x5;
	s11 =	simm.s32 $0x14300  }
0x5: {  	s12 =	simm.s32 $0x14700;
	s13 =	simm.s32 $0x14F00;
	s14 =	simm.s32 $0x15300  }
0x6: {  	s16 =	simm.s32 $0x15F00;
	s17 =	simm.s32 $0x16700;
	s18 =	simm.s32 $0x16B00  }
0x7: {  	s19 =	simm.s32 $0x17300;
	s20 =	simm.s32 $0x17700;
	s21 =	simm.s32 $0x17F00  }
0x8: {  	s4 =	sand.u32 $0x1, s2;
	s5 =	sshll.u32 s5, $0x1;
	s2 =	rddreg [dreg:$0x3]  }
0x9: {  	[smem:$0x7FF] =	sst s28;
	s5 =	sor.u32 s4, s5;
	s4 =	ssub.s32 $0x2, s4  }
0xa: {  	s7 =	smul.u32 $0x30, s5;
	s5 =	sshll.u32 s5, $0x4;
	s9 =	sshrl.u32 s4, $0x1  }
0xb: {  	_ =	strace $0x80000047;
	s4 =	ssub.s32 s4, s9;
	s1 =	sadd.s32 s1, s5  }
0xc: {  	s6 =	sadd.s32 s7, s3;
	s8 =	sshrl.u32 s7, $0x3;
	s3 =	sadd.s32 s5, s3  }
0xd: {  	s22 =	sadd.s32 $0x18, s7;
	s7 =	sadd.s32 $0x28, s7;
	[dreg:$0x7] =	wrdreg s1  }
0xe: {  	s31 =	smax.u32 s4, $0x1;
	s5 =	simm.s32 $0x15B00;
	s10 =	smul.u32 $0xC00, s8  }
0xf: {  	s6 =	sadd.s32 $0xC00, s6;
	s8 =	smul.u32 $0x6000, s8;
	s9 =	sshrl.u32 s22, $0x3  }
0x10: {  	s7 =	sshrl.u32 s7, $0x3;
	s30 =	sadd.s32 $0x1C00, s3;
	[dreg:$0xe] =	wrdreg s31  }
0x11: {  	s22 =	simm.s32 $0x1;
	[dreg:$0x5] =	wrdreg s6;
	s9 =	smul.u32 $0xC00, s9  }
0x12: {  	s6 =	sadd.s32 $0x100, s2;
	s24 =	smul.u32 $0xC00, s7;
	s8 =	sshrl.u32 s8, $0x3  }
0x13: {  	[dreg:$0xd] =	wrdreg s30;
	s10 =	sadd.s32 s0, s10;
	s8 =	sadd.s32 s0, s8  }
0x14: {  	s25 =	sadd.s32 $0x1800, s10;
	s26 =	sadd.s32 s0, s9;
	[dreg:$0x6] =	wrdreg s10  }
0x15: {  	s29 =	sadd.s32 $0x3000, s10;
	s0 =	sadd.s32 s0, s24;
	[dreg:$0x9] =	wrdreg s25  }
0x16: {  	s9 =	simm.s32 $0x13700;
	s10 =	simm.s32 $0x13B00;
	[dreg:$0xa] =	wrdreg s26  }
0x17: {  	v3 =	vlaneseq.u32;
	vm0 =	vmmov $0xffff;
	s24 =	simm.s32 $0x2;
	s23 =	sadd.s32 $0xC00, s8;
	[dreg:$0xb] =	wrdreg s29  }
0x18: {  	vm1 =	vmmov $0xff;
	v0 =	vand.u32 $0x7, v3;
	v2 =	vshrl.u32 v3, $0x3;
	[dreg:$0xc] =	wrdreg s0;
	s8 =	simm.s32 $0x12F00;
	s25 =	simm.s32 $0x4  }
0x19: {  	v3 =	vor.u32 $0x8, v3;
	v1 =	vmul.u32 $0x3E8, v0;
	v2 =	vmul.u32 $0x8, v2;
	s26 =	simm.s32 $0x0;
	[dreg:$0x8] =	wrdreg s23;
	s23 =	simm.s32 $0x3  }
.LBB2_1:
0x1a: {  	s0 =	rddreg [dreg:$0x5]  }
0x1b: {  	[tilespmem:s28], [sflag:$0x5] =	stream.linear.gather [hbm4b:s0+s28], $0x180, $0x38;
	[tilespmem:$0x18400] =	vst v63  }
0x1c: {  	_ =	swait.ge [sflag:s15], $0x180  }
0x1d: {  	[sflag:s15] =	ssyncset.done $0x0  }
0x1e: {  	s0 =	simm.s32 $0x0;
	[sflag:s15] =	ssyncadd.s32 $0xFFFFFE80  }
0x1f: {  	s1 =	simm.s32 $0x40;
	v4 =	vld [tilespmem:s0+$0x0]  }
.LBB2_2:
0x20: {  	p0 =	sne.s32 s1, $0x5C0  }
.Ltmp0:
0x21: {  	_ = 	snop;
	(pc) =	sbr.rel @p0 .LBB2_2-.Ltmp0, $3  }
0x22: {  	_ =	sdelay $0x1  }
0x23: {  	s3 =	sshra.s32 s1, $0x2;
	s1 =	sadd.s32 $0x40, s1;
	v5 =	vadd.s32 v1, v4  }
0x24: {  	v4 =	vld [tilespmem:s3+$0x0];
	[tilespmem:s0+$0x180] =	vst v5;
	s0 =	smov.u32 s3  }
0x25: {  	_ =	sdelay $0x3  }
0x26: {  	v4 =	vadd.s32 v1, v4  }
0x27: {  	s1 =	simm.s32 $0x0;
	s7 =	rddreg [dreg:$0x6];
	s3 =	simm.s32 $0x300;
	[tilespmem:s0+$0x180] =	vst v4  }
0x28: {  	[tilespmem:s3], [sflag:$0x1] =	stream.linear.gather [hbm4b:s7+s1], $0x6000, $0x38;
	[tilespmem:$0x18400] =	vst v63  }
0x29: {  	v4 =	vld [tilespmem:$0x180];
	_ =	sdelay $0x4  }
0x2a: {  	v5 =	vshrl.u32 v4, $0x3  }
0x2b: {  	v5 =	vmul.u32 $0x18, v5  }
0x2c: {  	v4 =	vand.u32 $0x7, v4  }
0x2d: {  	v4 =	vor.u32 v4, v5  }
0x2e: {  	v5 =	vperm.xlane v4, v0;
	_ =	sdelay $0x1  }
0x2f: {  	v5 =	vadd.s32 v2, v5;
	_ =	sdelay $0x1  }
0x30: {  	v4 =	vperm.xlane v4, v3;
	_ =	sdelay $0x1  }
0x31: {  	s3 =	simm.s32 $0xC300;
	v4 =	vadd.s32 v2, v4  }
0x32: {  	[tilespmem:s3], [sflag:$0x3] =	stream.indirect_vreg.gather [hbm4b:s2+s1], $0x80, v5, vm0, $0xb8;
	[tilespmem:$0x18400] =	vst v63  }
0x33: {  	s4 =	simm.s32 $0xCB00  }
0x34: {  	[tilespmem:s4], [sflag:$0x3] =	stream.indirect_vreg.gather [hbm4b:s6+s1], $0x80, v5, vm1, $0xb8;
	[tilespmem:$0x18400] =	vst v63  }
0x35: {  	s7 =	simm.s32 $0xCF00  }
0x36: {  	[tilespmem:s7], [sflag:$0x3] =	stream.indirect_vreg.gather [hbm4b:s2+s1], $0x80, v4, vm0, $0xb8;
	[tilespmem:$0x18400] =	vst v63  }
0x37: {  	s3 =	simm.s32 $0xD700  }
0x38: {  	[tilespmem:s3], [sflag:$0x3] =	stream.indirect_vreg.gather [hbm4b:s6+s1], $0x80, v4, vm1, $0xb8;
	[tilespmem:$0x18400] =	vst v63  }
0x39: {  	v4 =	vld [tilespmem:$0x190];
	_ =	sdelay $0x4  }
0x3a: {  	v5 =	vshrl.u32 v4, $0x3  }
0x3b: {  	v5 =	vmul.u32 $0x18, v5  }
0x3c: {  	v4 =	vand.u32 $0x7, v4  }
0x3d: {  	v4 =	vor.u32 v4, v5  }
0x3e: {  	v5 =	vperm.xlane v4, v0;
	_ =	sdelay $0x1  }
0x3f: {  	v5 =	vadd.s32 v2, v5;
	_ =	sdelay $0x1  }
0x40: {  	v4 =	vperm.xlane v4, v3;
	_ =	sdelay $0x1  }
0x41: {  	s4 =	simm.s32 $0xDB00;
	v4 =	vadd.s32 v2, v4  }
0x42: {  	[tilespmem:s4], [sflag:$0x3] =	stream.indirect_vreg.gather [hbm4b:s2+s1], $0x80, v5, vm0, $0xb8;
	[tilespmem:$0x18400] =	vst v63  }
0x43: {  	s7 =	simm.s32 $0xE300  }
0x44: {  	[tilespmem:s7], [sflag:$0x3] =	stream.indirect_vreg.gather [hbm4b:s6+s1], $0x80, v5, vm1, $0xb8;
	[tilespmem:$0x18400] =	vst v63  }
0x45: {  	s3 =	simm.s32 $0xE700  }
0x46: {  	[tilespmem:s3], [sflag:$0x3] =	stream.indirect_vreg.gather [hbm4b:s2+s1], $0x80, v4, vm0, $0xb8;
	[tilespmem:$0x18400] =	vst v63  }
0x47: {  	s4 =	simm.s32 $0xEF00  }
0x48: {  	[tilespmem:s4], [sflag:$0x3] =	stream.indirect_vreg.gather [hbm4b:s6+s1], $0x80, v4, vm1, $0xb8;
	[tilespmem:$0x18400] =	vst v63  }
0x49: {  	v4 =	vld [tilespmem:$0x1A0];
	_ =	sdelay $0x4  }
0x4a: {  	v5 =	vshrl.u32 v4, $0x3  }
0x4b: {  	v5 =	vmul.u32 $0x18, v5  }
0x4c: {  	v4 =	vand.u32 $0x7, v4  }
0x4d: {  	v4 =	vor.u32 v4, v5  }
0x4e: {  	v5 =	vperm.xlane v4, v0;
	_ =	sdelay $0x1  }
0x4f: {  	v5 =	vadd.s32 v2, v5;
	_ =	sdelay $0x1  }
0x50: {  	v4 =	vperm.xlane v4, v3;
	_ =	sdelay $0x1  }
0x51: {  	s7 =	simm.s32 $0xF300;
	v4 =	vadd.s32 v2, v4  }
0x52: {  	[tilespmem:s7], [sflag:$0x3] =	stream.indirect_vreg.gather [hbm4b:s2+s1], $0x80, v5, vm0, $0xb8;
	[tilespmem:$0x18400] =	vst v63  }
0x53: {  	s3 =	simm.s32 $0xFB00  }
0x54: {  	[tilespmem:s3], [sflag:$0x3] =	stream.indirect_vreg.gather [hbm4b:s6+s1], $0x80, v5, vm1, $0xb8;
	[tilespmem:$0x18400] =	vst v63  }
0x55: {  	s4 =	simm.s32 $0xFF00  }
0x56: {  	[tilespmem:s4], [sflag:$0x3] =	stream.indirect_vreg.gather [hbm4b:s2+s1], $0x80, v4, vm0, $0xb8;
	[tilespmem:$0x18400] =	vst v63  }
0x57: {  	s7 =	simm.s32 $0x10700  }
0x58: {  	[tilespmem:s7], [sflag:$0x3] =	stream.indirect_vreg.gather [hbm4b:s6+s1], $0x80, v4, vm1, $0xb8;
	[tilespmem:$0x18400] =	vst v63  }
0x59: {  	v4 =	vld [tilespmem:$0x1B0];
	_ =	sdelay $0x4  }
0x5a: {  	v5 =	vshrl.u32 v4, $0x3  }
0x5b: {  	v5 =	vmul.u32 $0x18, v5  }
0x5c: {  	v4 =	vand.u32 $0x7, v4  }
0x5d: {  	v4 =	vor.u32 v4, v5  }
0x5e: {  	v5 =	vperm.xlane v4, v0;
	_ =	sdelay $0x1  }
0x5f: {  	v5 =	vadd.s32 v2, v5;
	_ =	sdelay $0x1  }
0x60: {  	v4 =	vperm.xlane v4, v3;
	_ =	sdelay $0x1  }
0x61: {  	s3 =	simm.s32 $0x10B00;
	v4 =	vadd.s32 v2, v4  }
0x62: {  	[tilespmem:s3], [sflag:$0x3] =	stream.indirect_vreg.gather [hbm4b:s2+s1], $0x80, v5, vm0, $0xb8;
	[tilespmem:$0x18400] =	vst v63  }
0x63: {  	s4 =	simm.s32 $0x11300  }
0x64: {  	[tilespmem:s4], [sflag:$0x3] =	stream.indirect_vreg.gather [hbm4b:s6+s1], $0x80, v5, vm1, $0xb8;
	[tilespmem:$0x18400] =	vst v63  }
0x65: {  	s7 =	simm.s32 $0x11700  }
0x66: {  	[tilespmem:s7], [sflag:$0x3] =	stream.indirect_vreg.gather [hbm4b:s2+s1], $0x80, v4, vm0, $0xb8;
	[tilespmem:$0x18400] =	vst v63  }
0x67: {  	s3 =	simm.s32 $0x11F00  }
0x68: {  	[tilespmem:s3], [sflag:$0x3] =	stream.indirect_vreg.gather [hbm4b:s6+s1], $0x80, v4, vm1, $0xb8;
	[tilespmem:$0x18400] =	vst v63  }
0x69: {  	s4 =	rddreg [dreg:$0x7];
	s7 =	simm.s32 $0x18300  }
0x6a: {  	[tilespmem:s7], [sflag:$0x5] =	stream.linear.gather [hbm4b:s4+s1], $0x80, $0x38;
	[tilespmem:$0x18400] =	vst v63  }
0x6b: {  	_ =	swait.ge [sflag:s15], $0x80  }
0x6c: {  	[sflag:s15] =	ssyncset.done $0x0  }
0x6d: {  	[sflag:s15] =	ssyncadd.s32 $0xFFFFFF80  }
0x6e: {  	v11 =	vld [tilespmem:$0x18300]  }
0x6f: {  	v10 =	vld [tilespmem:$0x18310]  }
0x70: {  	v9 =	vld [tilespmem:$0x18320]  }
0x71: {  	v8 =	vld [tilespmem:$0x18330]  }
0x72: {  	v7 =	vld [tilespmem:$0x18340]  }
0x73: {  	v6 =	vld [tilespmem:$0x18350]  }
0x74: {  	s4 =	simm.s32 $0x6300;
	s3 =	rddreg [dreg:$0x8];
	v5 =	vld [tilespmem:$0x18360]  }
0x75: {  	v4 =	vld [tilespmem:$0x18370];
	[tilespmem:s4], [sflag:$0x2] =	stream.linear.gather [hbm4b:s3+s1], $0x6000, $0x38  }
0x76: {  	v12 =	vld [tilespmem:$0x1C0];
	_ =	sdelay $0x4  }
0x77: {  	v13 =	vshrl.u32 v12, $0x3  }
0x78: {  	v13 =	vmul.u32 $0x18, v13  }
0x79: {  	v12 =	vand.u32 $0x7, v12  }
0x7a: {  	v12 =	vor.u32 v12, v13  }
0x7b: {  	v13 =	vperm.xlane v12, v0;
	_ =	sdelay $0x1  }
0x7c: {  	v13 =	vadd.s32 v2, v13;
	_ =	sdelay $0x1  }
0x7d: {  	v12 =	vperm.xlane v12, v3;
	_ =	sdelay $0x1  }
0x7e: {  	s7 =	simm.s32 $0x12300;
	v12 =	vadd.s32 v2, v12  }
0x7f: {  	[tilespmem:s7], [sflag:$0x4] =	stream.indirect_vreg.gather [hbm4b:s2+s1], $0x80, v13, vm0, $0xb8;
	[tilespmem:$0x18400] =	vst v63  }
0x80: {  	s3 =	simm.s32 $0x12B00  }
0x81: {  	[tilespmem:s3], [sflag:$0x4] =	stream.indirect_vreg.gather [hbm4b:s6+s1], $0x80, v13, vm1, $0xb8;
	[tilespmem:$0x18400] =	vst v63  }
0x82: {  	_ = 	snop  }
0x83: {  	[tilespmem:s8], [sflag:$0x4] =	stream.indirect_vreg.gather [hbm4b:s2+s1], $0x80, v12, vm0, $0xb8;
	[tilespmem:$0x18400] =	vst v63  }
0x84: {  	_ = 	snop  }
0x85: {  	[tilespmem:s9], [sflag:$0x4] =	stream.indirect_vreg.gather [hbm4b:s6+s1], $0x80, v12, vm1, $0xb8;
	[tilespmem:$0x18400] =	vst v63  }
0x86: {  	v12 =	vld [tilespmem:$0x1D0];
	_ =	sdelay $0x4  }
0x87: {  	v13 =	vshrl.u32 v12, $0x3  }
0x88: {  	v13 =	vmul.u32 $0x18, v13  }
0x89: {  	v12 =	vand.u32 $0x7, v12  }
0x8a: {  	v12 =	vor.u32 v12, v13  }
0x8b: {  	v13 =	vperm.xlane v12, v0;
	_ =	sdelay $0x1  }
0x8c: {  	v13 =	vadd.s32 v2, v13;
	_ =	sdelay $0x1  }
0x8d: {  	v12 =	vperm.xlane v12, v3;
	_ =	sdelay $0x1  }
0x8e: {  	v12 =	vadd.s32 v2, v12  }
0x8f: {  	[tilespmem:s10], [sflag:$0x4] =	stream.indirect_vreg.gather [hbm4b:s2+s1], $0x80, v13, vm0, $0xb8;
	[tilespmem:$0x18400] =	vst v63  }
0x90: {  	_ = 	snop  }
0x91: {  	[tilespmem:s11], [sflag:$0x4] =	stream.indirect_vreg.gather [hbm4b:s6+s1], $0x80, v13, vm1, $0xb8;
	[tilespmem:$0x18400] =	vst v63  }
0x92: {  	_ = 	snop  }
0x93: {  	[tilespmem:s12], [sflag:$0x4] =	stream.indirect_vreg.gather [hbm4b:s2+s1], $0x80, v12, vm0, $0xb8;
	[tilespmem:$0x18400] =	vst v63  }
0x94: {  	_ = 	snop  }
0x95: {  	[tilespmem:s13], [sflag:$0x4] =	stream.indirect_vreg.gather [hbm4b:s6+s1], $0x80, v12, vm1, $0xb8;
	[tilespmem:$0x18400] =	vst v63  }
0x96: {  	v12 =	vld [tilespmem:$0x1E0];
	_ =	sdelay $0x4  }
0x97: {  	v13 =	vshrl.u32 v12, $0x3  }
0x98: {  	v13 =	vmul.u32 $0x18, v13  }
0x99: {  	v12 =	vand.u32 $0x7, v12  }
0x9a: {  	v12 =	vor.u32 v12, v13  }
0x9b: {  	v13 =	vperm.xlane v12, v0;
	_ =	sdelay $0x1  }
0x9c: {  	v13 =	vadd.s32 v2, v13;
	_ =	sdelay $0x1  }
0x9d: {  	v12 =	vperm.xlane v12, v3;
	_ =	sdelay $0x1  }
0x9e: {  	v12 =	vadd.s32 v2, v12  }
0x9f: {  	[tilespmem:s14], [sflag:$0x4] =	stream.indirect_vreg.gather [hbm4b:s2+s1], $0x80, v13, vm0, $0xb8;
	[tilespmem:$0x18400] =	vst v63  }
0xa0: {  	_ = 	snop  }
0xa1: {  	[tilespmem:s5], [sflag:$0x4] =	stream.indirect_vreg.gather [hbm4b:s6+s1], $0x80, v13, vm1, $0xb8;
	[tilespmem:$0x18400] =	vst v63  }
0xa2: {  	_ = 	snop  }
0xa3: {  	[tilespmem:s16], [sflag:$0x4] =	stream.indirect_vreg.gather [hbm4b:s2+s1], $0x80, v12, vm0, $0xb8;
	[tilespmem:$0x18400] =	vst v63  }
0xa4: {  	_ = 	snop  }
0xa5: {  	[tilespmem:s17], [sflag:$0x4] =	stream.indirect_vreg.gather [hbm4b:s6+s1], $0x80, v12, vm1, $0xb8;
	[tilespmem:$0x18400] =	vst v63  }
0xa6: {  	v12 =	vld [tilespmem:$0x1F0];
	_ =	sdelay $0x4  }
0xa7: {  	v13 =	vshrl.u32 v12, $0x3  }
0xa8: {  	v13 =	vmul.u32 $0x18, v13  }
0xa9: {  	v12 =	vand.u32 $0x7, v12  }
0xaa: {  	v12 =	vor.u32 v12, v13  }
0xab: {  	v13 =	vperm.xlane v12, v0;
	_ =	sdelay $0x1  }
0xac: {  	v13 =	vadd.s32 v2, v13;
	_ =	sdelay $0x1  }
0xad: {  	v12 =	vperm.xlane v12, v3;
	_ =	sdelay $0x1  }
0xae: {  	v12 =	vadd.s32 v2, v12  }
0xaf: {  	[tilespmem:s18], [sflag:$0x4] =	stream.indirect_vreg.gather [hbm4b:s2+s1], $0x80, v13, vm0, $0xb8;
	[tilespmem:$0x18400] =	vst v63  }
0xb0: {  	_ = 	snop  }
0xb1: {  	[tilespmem:s19], [sflag:$0x4] =	stream.indirect_vreg.gather [hbm4b:s6+s1], $0x80, v13, vm1, $0xb8;
	[tilespmem:$0x18400] =	vst v63  }
0xb2: {  	_ = 	snop  }
0xb3: {  	[tilespmem:s20], [sflag:$0x4] =	stream.indirect_vreg.gather [hbm4b:s2+s1], $0x80, v12, vm0, $0xb8;
	[tilespmem:$0x18400] =	vst v63  }
0xb4: {  	_ = 	snop  }
0xb5: {  	[tilespmem:s21], [sflag:$0x4] =	stream.indirect_vreg.gather [hbm4b:s6+s1], $0x80, v12, vm1, $0xb8;
	[tilespmem:$0x18400] =	vst v63  }
0xb6: {  	_ =	swait.ge [sflag:s22], $0x6000  }
0xb7: {  	s4 =	sand.u32 $0x7, s1;
	[sflag:s22] =	ssyncset.done $0x0  }
0xb8: {  	s0 =	smul.u32 $0x3000, s4;
	s7 =	simm.s32 $0x0;
	[sflag:s22] =	ssyncadd.s32 $0xFFFFA000  }
0xb9: {  	s3 =	smul.u32 $0x3000, s7;
	_ =	swait.ge [sflag:s23], $0x6000  }
0xba: {  	s0 =	sshrl.u32 s0, $0x2;
	s1 =	sand.u32 $0x380, s1;
	[sflag:s23] =	ssyncset.done $0x0  }
0xbb: {  	s3 =	sshra.s32 s3, $0x2;
	s28 =	sor.u32 s1, s0;
	[sflag:s23] =	ssyncadd.s32 $0xFFFFA000  }
0xbc: {  	s29 =	sor.u32 s1, s3;
	v13 =	vld [tilespmem:s28+$0x710]  }
0xbd: {  	v14 =	vld [tilespmem:s29+$0xC710]  }
0xbe: {  	v16 =	vld [tilespmem:s29+$0xC770]  }
0xbf: {  	v15 =	vld [tilespmem:s29+$0xCB00]  }
0xc0: {  	v12 =	vld [tilespmem:s29+$0xC370]  }
0xc1: {  	v17 =	vld [tilespmem:s29+$0xC300]  }
0xc2: {  	v18 =	vld [tilespmem:s28+$0x300]  }
0xc3: {  	v21 =	vld [tilespmem:s28+$0x370]  }
0xc4: {  	v22 =	vld [tilespmem:s29+$0xC700]  }
0xc5: {  	v27 =	vld [tilespmem:s29+$0xC310]  }
0xc6: {  	v23 =	vld [tilespmem:s28+$0xB60]  }
0xc7: {  	v24 =	vld [tilespmem:s28+$0x700]  }
0xc8: {  	v26 =	vld [tilespmem:s29+$0xC760]  }
0xc9: {  	v28 =	vld [tilespmem:s28+$0x760]  }
0xca: {  	v29 =	vld [tilespmem:s29+$0xC750]  }
0xcb: {  	v33 =	vld [tilespmem:s28+$0x310]  }
0xcc: {  	v30 =	vld [tilespmem:s28+$0x750]  }
0xcd: {  	v31 =	vld [tilespmem:s29+$0xC740]  }
0xce: {  	v20 =	vld [tilespmem:s29+$0xCB20]  }
0xcf: {  	v32 =	vld [tilespmem:s28+$0x740]  }
0xd0: {  	v19 =	vld [tilespmem:s29+$0xC730]  }
0xd1: {  	v34 =	vld [tilespmem:s28+$0x730]  }
0xd2: {  	v35 =	vld [tilespmem:s29+$0xC720]  }
0xd3: {  	v36 =	vld [tilespmem:s28+$0x720]  }
0xd4: {  	v37 =	vld [tilespmem:s29+$0xCB60]  }
0xd5: {  	v25 =	vld [tilespmem:s29+$0xC360]  }
0xd6: {  	v41 =	vld [tilespmem:s29+$0xC350]  }
0xd7: {  	v38 =	vld [tilespmem:s28+$0x330]  }
0xd8: {  	v40 =	vld [tilespmem:s29+$0xC330]  }
0xd9: {  	v42 =	vld [tilespmem:s29+$0xC340]  }
0xda: {  	v45 =	vld [tilespmem:s28+$0x340];
	v34 =	vsub.f32 v34, v19  }
0xdb: {  	v61 =	vld [tilespmem:s28+$0x350];
	v44 =	vsub.f32 v24, v22;
	v22 =	vsub.f32 v32, v31  }
0xdc: {  	v39 =	vld [tilespmem:s28+$0x320];
	v29 =	vsub.f32 v30, v29;
	v26 =	vsub.f32 v28, v26  }
0xdd: {  	v43 =	vld [tilespmem:s29+$0xCB40];
	v38 =	vsub.f32 v38, v40;
	v17 =	vsub.f32 v18, v17  }
0xde: {  	v19 =	vimm.f32 $0.0e+00;
	v24 =	vld [tilespmem:s29+$0xC320];
	v18 =	vsub.f32 v23, v37;
	v31 =	vsub.f32 v36, v35  }
0xdf: {  	v28 =	vld [tilespmem:s28+$0xB40];
	v62 =	vsub.f32 v45, v42;
	v12 =	vsub.f32 v21, v12;
	v34 =	vmul.f32 v34, v34  }
0xe0: {  	v30 =	vld [tilespmem:s28+$0x360];
	v37 =	vsub.f32 v61, v41;
	v32 =	vmul.f32 v22, v22;
	v17 =	vmul.f32 v17, v17  }
0xe1: {  	v42 =	vld [tilespmem:s28+$0xB00];
	v21 =	vimm.f32 $0.0e+00;
	v22 =	vmul.f32 v29, v29;
	v23 =	vmul.f32 v26, v26  }
0xe2: {  	v40 =	vld [tilespmem:s29+$0xCB70];
	v29 =	vmul.f32 v38, v38;
	v45 =	vmul.f32 v12, v12;
	v17 =	vadd.f32 v17, v19  }
0xe3: {  	v41 =	vld [tilespmem:s28+$0xB20];
	v60 =	vsub.f32 v39, v24;
	v24 =	vmul.f32 v18, v18;
	v18 =	vsub.f32 v33, v27  }
0xe4: {  	v39 =	vld [tilespmem:s28+$0x770];
	v27 =	vadd.f32 v29, v19;
	v29 =	vmul.f32 v44, v44;
	v44 =	vmul.f32 v62, v62  }
0xe5: {  	v26 =	vld [tilespmem:s29+$0xCB30];
	v43 =	vsub.f32 v28, v43;
	v28 =	vimm.f32 $0.0e+00;
	v63 =	vmul.f32 v60, v60  }
0xe6: {  	v38 =	vld [tilespmem:s28+$0xB70];
	v36 =	vmul.f32 v18, v18;
	v27 =	vadd.f32 v34, v27;
	v35 =	vadd.f32 v29, v17  }
0xe7: {  	s30 =	simm.s32 $0x80;
	s31 =	simm.s32 $0x10;
	s0 =	simm.s32 $0x1;
	v33 =	vld [tilespmem:s28+$0xB50];
	v29 =	vimm.f32 $0.0e+00;
	v17 =	vimm.f32 $0.0e+00;
	v34 =	vadd.f32 v63, v19  }
.LBB2_4:
0xe8: {  	s1 =	smov.u32 s0  }
0xe9: {  	s3 =	sand.u32 $0x7, s0;
	s4 =	sshrl.u32 s0, $0x3;
	v12 =	vadd.f32 v44, v19;
	v18 =	vmul.f32 v31, v31;
	v16 =	vsub.f32 v39, v16;
	v31 =	vld [tilespmem:s28+$0xB10];
	s1 =	sadd.s32 $0x1, s0  }
0xea: {  	p0 =	sne.s32 s0, $0x3F;
	v39 =	vmul.f32 v43, v43;
	s4 =	smul.u32 $0x3000, s4;
	v19 =	vadd.f32 v45, v29;
	v15 =	vsub.f32 v42, v15;
	v29 =	vld [tilespmem:s29+$0xCB10]  }
0xeb: {  	v14 =	vsub.f32 v13, v14;
	s0 =	smul.u32 $0x3000, s3;
	v12 =	vadd.f32 v32, v12;
	v13 =	vmul.f32 v16, v16;
	v16 =	vld [tilespmem:s29+$0xCB50]  }
0xec: {  	v28 =	vadd.f32 v36, v28;
	s3 =	sand.u32 $0x380, s31;
	v32 =	vmul.f32 v37, v37;
	s4 =	sshra.s32 s4, $0x2;
	v36 =	vsub.f32 v38, v40  }
0xed: {  	s0 =	sshrl.u32 s0, $0x2;
	s29 =	sand.u32 $0x380, s30;
	v15 =	vmul.f32 v15, v15;
	v37 =	vadd.f32 v13, v19;
	v20 =	vsub.f32 v41, v20  }
0xee: {  	v25 =	vsub.f32 v30, v25;
	s29 =	sor.u32 s29, s4;
	v19 =	vadd.f32 v39, v12;
	v12 =	vmul.f32 v36, v36;
	v30 =	vld [tilespmem:s28+$0xB30];
	s28 =	sor.u32 s3, s0  }
0xef: {  	v36 =	vmul.f32 v14, v14;
	v35 =	vadd.f32 v15, v35;
	v13 =	vld [tilespmem:s28+$0x710];
	v15 =	vsub.f32 v31, v29  }
0xf0: {  	v25 =	vmul.f32 v25, v25;
	v29 =	vadd.f32 v12, v37;
	v14 =	vld [tilespmem:s29+$0xC710];
	v31 =	vsub.f32 v33, v16  }
0xf1: {  	v18 =	vadd.f32 v18, v34;
	v12 =	vadd.f32 v36, v28;
	v16 =	vld [tilespmem:s29+$0xC770];
	v28 =	vmul.f32 v15, v15  }
0xf2: {  	v17 =	vadd.f32 v32, v17;
	v21 =	vadd.f32 v25, v21;
	v20 =	vmul.f32 v20, v20;
	v15 =	vld [tilespmem:s29+$0xCB00]  }
0xf3: {  	v25 =	vmul.f32 v31, v31;
	v34 =	vld [tilespmem:s29+$0xC370];
	v28 =	vadd.f32 v28, v12;
	v12 =	vsub.f32 v30, v26  }
0xf4: {  	v17 =	vadd.f32 v22, v17;
	v18 =	vadd.f32 v20, v18;
	v26 =	vld [tilespmem:s29+$0xC300]  }
0xf5: {  	v20 =	vadd.f32 v23, v21;
	v33 =	vld [tilespmem:s28+$0x300];
	v12 =	vmul.f32 v12, v12  }
0xf6: {  	v17 =	vadd.f32 v25, v17;
	v37 =	vld [tilespmem:s28+$0x370]  }
0xf7: {  	v21 =	vadd.f32 v24, v20;
	v22 =	vld [tilespmem:s29+$0xC700];
	v12 =	vadd.f32 v12, v27  }
0xf8: {  	v27 =	vld [tilespmem:s29+$0xC310]  }
0xf9: {  	v23 =	vld [tilespmem:s28+$0xB60]  }
0xfa: {  	v20 =	vld [tilespmem:s28+$0x700]  }
0xfb: {  	v24 =	vld [tilespmem:s29+$0xC760]  }
0xfc: {  	v30 =	vld [tilespmem:s28+$0x760]  }
0xfd: {  	v36 =	vld [tilespmem:s29+$0xC750]  }
0xfe: {  	v38 =	vld [tilespmem:s28+$0x310]  }
0xff: {  	v40 =	vsub.f32 v20, v22;
	v22 =	vld [tilespmem:s28+$0x750]  }
0x100: {  	v32 =	vld [tilespmem:s29+$0xC740]  }
0x101: {  	v20 =	vld [tilespmem:s29+$0xCB20]  }
0x102: {  	v39 =	vld [tilespmem:s28+$0x740]  }
0x103: {  	v31 =	vld [tilespmem:s29+$0xC730]  }
0x104: {  	v41 =	vld [tilespmem:s28+$0x730]  }
0x105: {  	v42 =	vld [tilespmem:s29+$0xC720]  }
0x106: {  	v43 =	vld [tilespmem:s28+$0x720]  }
0x107: {  	v44 =	vld [tilespmem:s29+$0xCB60]  }
0x108: {  	v25 =	vld [tilespmem:s29+$0xC360]  }
0x109: {  	v45 =	vld [tilespmem:s29+$0xC350]  }
0x10a: {  	v41 =	vsub.f32 v41, v31;
	v46 =	vld [tilespmem:s28+$0x330]  }
0x10b: {  	v47 =	vld [tilespmem:s28+$0x320];
	v31 =	vsub.f32 v43, v42  }
0x10c: {  	v32 =	vsub.f32 v39, v32;
	v41 =	vmul.f32 v41, v41;
	v42 =	vld [tilespmem:s29+$0xC340]  }
0x10d: {  	v39 =	vld [tilespmem:s29+$0xC330]  }
0x10e: {  	v22 =	vsub.f32 v22, v36;
	v32 =	vmul.f32 v32, v32;
	v43 =	vld [tilespmem:s29+$0xCB40]  }
0x10f: {  	v36 =	vld [tilespmem:s29+$0xC320]  }
0x110: {  	v24 =	vsub.f32 v30, v24;
	v22 =	vmul.f32 v22, v22;
	v48 =	vld [tilespmem:s28+$0x340]  }
0x111: {  	v44 =	vsub.f32 v23, v44;
	v49 =	vld [tilespmem:s28+$0xB40]  }
0x112: {  	v23 =	vmul.f32 v24, v24;
	v39 =	vsub.f32 v46, v39;
	v30 =	vld [tilespmem:s28+$0x360]  }
0x113: {  	v33 =	vsub.f32 v33, v26;
	v26 =	vld [tilespmem:s29+$0xCB30]  }
0x114: {  	v24 =	vmul.f32 v44, v44;
	v46 =	vsub.f32 v47, v36;
	v36 =	vmul.f32 v39, v39;
	v47 =	vld [tilespmem:s28+$0x350]  }
0x115: {  	v27 =	vsub.f32 v38, v27;
	v44 =	vmul.f32 v33, v33;
	v48 =	vsub.f32 v48, v42;
	v39 =	vld [tilespmem:s28+$0x770]  }
.Ltmp1:
0x116: {  	v12 =	vadd.f32 v36, v12;
	v33 =	vld [tilespmem:s28+$0xB50];
	(pc) =	sbr.rel @p0 .LBB2_4-.Ltmp1, $4  }
0x117: {  	v40 =	vmul.f32 v40, v40;
	v35 =	vadd.f32 v44, v35;
	v36 =	vmul.f32 v27, v27;
	v42 =	vld [tilespmem:s28+$0xB00]  }
0x118: {  	v50 =	vsub.f32 v37, v34;
	v46 =	vmul.f32 v46, v46;
	v27 =	vadd.f32 v41, v12;
	v38 =	vld [tilespmem:s28+$0xB70]  }
0x119: {  	v35 =	vadd.f32 v40, v35;
	v43 =	vsub.f32 v49, v43;
	v44 =	vmul.f32 v48, v48;
	v40 =	vld [tilespmem:s29+$0xCB70]  }
0x11a: {  	s31 =	sadd.s32 $0x10, s31;
	s30 =	sadd.s32 $0x80, s30;
	s0 =	smov.u32 s1;
	v34 =	vadd.f32 v46, v18;
	v37 =	vsub.f32 v47, v45;
	v45 =	vmul.f32 v50, v50;
	v41 =	vld [tilespmem:s28+$0xB20]  }
0x11b: {  	v46 =	vld [tilespmem:s28+$0xB10]  }
0x11c: {  	v47 =	vld [tilespmem:s29+$0xCB10]  }
0x11d: {  	v48 =	vld [tilespmem:s29+$0xCB50];
	s0 =	simm.s32 $0x0;
	s1 =	rddreg [dreg:$0x9];
	s3 =	simm.s32 $0x300  }
0x11e: {  	v49 =	vld [tilespmem:s28+$0xB30];
	[tilespmem:s3], [sflag:$0x1] =	stream.linear.gather [hbm4b:s1+s0], $0x6000, $0x38  }
0x11f: {  	v12 =	vld [tilespmem:$0x200];
	_ =	sdelay $0x4  }
0x120: {  	v18 =	vshrl.u32 v12, $0x3  }
0x121: {  	v18 =	vmul.u32 $0x18, v18  }
0x122: {  	v12 =	vand.u32 $0x7, v12  }
0x123: {  	v12 =	vor.u32 v12, v18  }
0x124: {  	v18 =	vperm.xlane v12, v0;
	_ =	sdelay $0x1  }
0x125: {  	v18 =	vadd.s32 v2, v18;
	_ =	sdelay $0x1  }
0x126: {  	v12 =	vperm.xlane v12, v3;
	_ =	sdelay $0x1  }
0x127: {  	s3 =	simm.s32 $0xC300;
	v12 =	vadd.s32 v2, v12  }
0x128: {  	[tilespmem:s3], [sflag:$0x3] =	stream.indirect_vreg.gather [hbm4b:s2+s0], $0x80, v18, vm0, $0xb8;
	[tilespmem:$0x18400] =	vst v63  }
0x129: {  	s4 =	simm.s32 $0xCB00  }
0x12a: {  	[tilespmem:s4], [sflag:$0x3] =	stream.indirect_vreg.gather [hbm4b:s6+s0], $0x80, v18, vm1, $0xb8;
	[tilespmem:$0x18400] =	vst v63  }
0x12b: {  	s7 =	simm.s32 $0xCF00  }
0x12c: {  	[tilespmem:s7], [sflag:$0x3] =	stream.indirect_vreg.gather [hbm4b:s2+s0], $0x80, v12, vm0, $0xb8;
	[tilespmem:$0x18400] =	vst v63  }
0x12d: {  	s3 =	simm.s32 $0xD700  }
0x12e: {  	[tilespmem:s3], [sflag:$0x3] =	stream.indirect_vreg.gather [hbm4b:s6+s0], $0x80, v12, vm1, $0xb8;
	[tilespmem:$0x18400] =	vst v63  }
0x12f: {  	v12 =	vld [tilespmem:$0x210];
	_ =	sdelay $0x4  }
0x130: {  	v18 =	vshrl.u32 v12, $0x3  }
0x131: {  	v18 =	vmul.u32 $0x18, v18  }
0x132: {  	v12 =	vand.u32 $0x7, v12  }
0x133: {  	v12 =	vor.u32 v12, v18  }
0x134: {  	v18 =	vperm.xlane v12, v0;
	_ =	sdelay $0x1  }
0x135: {  	v18 =	vadd.s32 v2, v18;
	_ =	sdelay $0x1  }
0x136: {  	v12 =	vperm.xlane v12, v3;
	_ =	sdelay $0x1  }
0x137: {  	s4 =	simm.s32 $0xDB00;
	v12 =	vadd.s32 v2, v12  }
0x138: {  	[tilespmem:s4], [sflag:$0x3] =	stream.indirect_vreg.gather [hbm4b:s2+s0], $0x80, v18, vm0, $0xb8;
	[tilespmem:$0x18400] =	vst v63  }
0x139: {  	s7 =	simm.s32 $0xE300  }
0x13a: {  	[tilespmem:s7], [sflag:$0x3] =	stream.indirect_vreg.gather [hbm4b:s6+s0], $0x80, v18, vm1, $0xb8;
	[tilespmem:$0x18400] =	vst v63  }
0x13b: {  	s3 =	simm.s32 $0xE700  }
0x13c: {  	[tilespmem:s3], [sflag:$0x3] =	stream.indirect_vreg.gather [hbm4b:s2+s0], $0x80, v12, vm0, $0xb8;
	[tilespmem:$0x18400] =	vst v63  }
0x13d: {  	s4 =	simm.s32 $0xEF00  }
0x13e: {  	[tilespmem:s4], [sflag:$0x3] =	stream.indirect_vreg.gather [hbm4b:s6+s0], $0x80, v12, vm1, $0xb8;
	[tilespmem:$0x18400] =	vst v63  }
0x13f: {  	v12 =	vld [tilespmem:$0x220];
	_ =	sdelay $0x4  }
0x140: {  	v18 =	vshrl.u32 v12, $0x3  }
0x141: {  	v18 =	vmul.u32 $0x18, v18  }
0x142: {  	v12 =	vand.u32 $0x7, v12  }
0x143: {  	v12 =	vor.u32 v12, v18  }
0x144: {  	v18 =	vperm.xlane v12, v0;
	_ =	sdelay $0x1  }
0x145: {  	v18 =	vadd.s32 v2, v18;
	_ =	sdelay $0x1  }
0x146: {  	v12 =	vperm.xlane v12, v3;
	_ =	sdelay $0x1  }
0x147: {  	s7 =	simm.s32 $0xF300;
	v12 =	vadd.s32 v2, v12  }
0x148: {  	[tilespmem:s7], [sflag:$0x3] =	stream.indirect_vreg.gather [hbm4b:s2+s0], $0x80, v18, vm0, $0xb8;
	[tilespmem:$0x18400] =	vst v63  }
0x149: {  	s3 =	simm.s32 $0xFB00  }
0x14a: {  	[tilespmem:s3], [sflag:$0x3] =	stream.indirect_vreg.gather [hbm4b:s6+s0], $0x80, v18, vm1, $0xb8;
	[tilespmem:$0x18400] =	vst v63  }
0x14b: {  	s4 =	simm.s32 $0xFF00  }
0x14c: {  	[tilespmem:s4], [sflag:$0x3] =	stream.indirect_vreg.gather [hbm4b:s2+s0], $0x80, v12, vm0, $0xb8;
	[tilespmem:$0x18400] =	vst v63  }
0x14d: {  	s7 =	simm.s32 $0x10700  }
0x14e: {  	[tilespmem:s7], [sflag:$0x3] =	stream.indirect_vreg.gather [hbm4b:s6+s0], $0x80, v12, vm1, $0xb8;
	[tilespmem:$0x18400] =	vst v63  }
0x14f: {  	v12 =	vld [tilespmem:$0x230];
	_ =	sdelay $0x4  }
0x150: {  	v18 =	vshrl.u32 v12, $0x3  }
0x151: {  	v18 =	vmul.u32 $0x18, v18  }
0x152: {  	v12 =	vand.u32 $0x7, v12  }
0x153: {  	v12 =	vor.u32 v12, v18  }
0x154: {  	v18 =	vperm.xlane v12, v0;
	_ =	sdelay $0x1  }
0x155: {  	v18 =	vadd.s32 v2, v18;
	_ =	sdelay $0x1  }
0x156: {  	v12 =	vperm.xlane v12, v3;
	_ =	sdelay $0x1  }
0x157: {  	s3 =	simm.s32 $0x10B00;
	v12 =	vadd.s32 v2, v12  }
0x158: {  	[tilespmem:s3], [sflag:$0x3] =	stream.indirect_vreg.gather [hbm4b:s2+s0], $0x80, v18, vm0, $0xb8;
	[tilespmem:$0x18400] =	vst v63  }
0x159: {  	s4 =	simm.s32 $0x11300  }
0x15a: {  	[tilespmem:s4], [sflag:$0x3] =	stream.indirect_vreg.gather [hbm4b:s6+s0], $0x80, v18, vm1, $0xb8;
	[tilespmem:$0x18400] =	vst v63  }
0x15b: {  	s7 =	simm.s32 $0x11700  }
0x15c: {  	[tilespmem:s7], [sflag:$0x3] =	stream.indirect_vreg.gather [hbm4b:s2+s0], $0x80, v12, vm0, $0xb8;
	[tilespmem:$0x18400] =	vst v63  }
0x15d: {  	s3 =	simm.s32 $0x11F00  }
0x15e: {  	[tilespmem:s3], [sflag:$0x3] =	stream.indirect_vreg.gather [hbm4b:s6+s0], $0x80, v12, vm1, $0xb8;
	[tilespmem:$0x18400] =	vst v63  }
0x15f: {  	_ =	swait.ge [sflag:s24], $0x6000  }
0x160: {  	s4 =	simm.s32 $0x0;
	[sflag:s24] =	ssyncset.done $0x0  }
0x161: {  	s1 =	smul.u32 $0x3000, s4;
	[sflag:s24] =	ssyncadd.s32 $0xFFFFA000  }
0x162: {  	_ =	swait.ge [sflag:s25], $0x6000  }
0x163: {  	s7 =	sand.u32 $0x380, s0;
	s1 =	sshra.s32 s1, $0x2;
	[sflag:s25] =	ssyncset.done $0x0  }
0x164: {  	s0 =	sand.u32 $0x7, s0;
	s4 =	sor.u32 s7, s1;
	[sflag:s25] =	ssyncadd.s32 $0xFFFFA000  }
0x165: {  	s0 =	smul.u32 $0x3000, s0;
	s28 =	sadd.s32 $0x12B00, s4;
	v50 =	vld [tilespmem:s4+$0x12B00]  }
0x166: {  	v12 =	vld [tilespmem:s28+$0x20]  }
0x167: {  	s1 =	sadd.s32 $0x12300, s4;
	s0 =	sshrl.u32 s0, $0x2;
	v51 =	vld [tilespmem:s28+$0x30]  }
0x168: {  	s29 =	sor.u32 s7, s0;
	v52 =	vld [tilespmem:s1+$0x20]  }
0x169: {  	v18 =	vld [tilespmem:s29+$0x6710]  }
0x16a: {  	s7 =	sadd.s32 $0x12700, s4;
	v53 =	vld [tilespmem:s29+$0x6B30]  }
0x16b: {  	v54 =	vld [tilespmem:s7+$0x20]  }
0x16c: {  	v55 =	vld [tilespmem:s29+$0x6320]  }
0x16d: {  	v56 =	vld [tilespmem:s29+$0x6330]  }
0x16e: {  	v57 =	vld [tilespmem:s1+$0x10]  }
0x16f: {  	v58 =	vld [tilespmem:s7+$0x30]  }
0x170: {  	v59 =	vld [tilespmem:s29+$0x6310]  }
0x171: {  	v60 =	vld [tilespmem:s29+$0x6730]  }
0x172: {  	v61 =	vld [tilespmem:s4+$0x12300]  }
0x173: {  	v62 =	vld [tilespmem:s1+$0x30]  }
0x174: {  	v19 =	vadd.f32 v44, v19;
	v16 =	vsub.f32 v39, v16;
	v63 =	vld [tilespmem:s29+$0x6B00]  }
0x175: {  	v13 =	vsub.f32 v13, v14;
	v28 =	vadd.f32 v36, v28;
	v39 =	vld [tilespmem:s4+$0x12700]  }
0x176: {  	v25 =	vsub.f32 v30, v25;
	v15 =	vsub.f32 v42, v15;
	v42 =	vld [tilespmem:s7+$0x70]  }
0x177: {  	v29 =	vadd.f32 v45, v29;
	v14 =	vadd.f32 v32, v19;
	v16 =	vmul.f32 v16, v16;
	v32 =	vld [tilespmem:s29+$0x6700]  }
0x178: {  	v31 =	vmul.f32 v31, v31;
	v19 =	vmul.f32 v43, v43;
	v36 =	vsub.f32 v38, v40;
	v44 =	vld [tilespmem:s7+$0x60]  }
0x179: {  	v16 =	vadd.f32 v16, v29;
	v29 =	vmul.f32 v15, v15;
	v45 =	vsub.f32 v41, v20;
	v41 =	vld [tilespmem:s7+$0x50]  }
0x17a: {  	v13 =	vmul.f32 v13, v13;
	v15 =	vadd.f32 v19, v14;
	v19 =	vmul.f32 v36, v36;
	v14 =	vld [tilespmem:s7+$0x40]  }
0x17b: {  	v25 =	vmul.f32 v25, v25;
	v31 =	vadd.f32 v31, v34;
	v20 =	vadd.f32 v29, v35;
	v29 =	vld [tilespmem:s29+$0x6760]  }
0x17c: {  	v30 =	vsub.f32 v46, v47;
	v19 =	vadd.f32 v19, v16;
	v16 =	vmul.f32 v37, v37;
	v35 =	vld [tilespmem:s29+$0x6340]  }
0x17d: {  	v13 =	vadd.f32 v13, v28;
	v21 =	vadd.f32 v25, v21;
	v28 =	vld [tilespmem:s29+$0x6770]  }
0x17e: {  	v33 =	vsub.f32 v33, v48;
	v30 =	vmul.f32 v30, v30;
	v16 =	vadd.f32 v16, v17;
	v47 =	vld [tilespmem:s29+$0x6350]  }
0x17f: {  	v25 =	vmul.f32 v45, v45;
	v21 =	vadd.f32 v23, v21;
	v17 =	vsub.f32 v49, v26;
	v26 =	vld [tilespmem:s1+$0x60]  }
0x180: {  	v13 =	vadd.f32 v30, v13;
	v30 =	vmul.f32 v33, v33;
	v16 =	vadd.f32 v22, v16;
	v37 =	vld [tilespmem:s1+$0x70]  }
0x181: {  	v25 =	vadd.f32 v25, v31;
	v17 =	vmul.f32 v17, v17;
	v22 =	vld [tilespmem:s1+$0x50]  }
0x182: {  	v23 =	vadd.f32 v24, v21;
	v16 =	vadd.f32 v30, v16;
	v30 =	vld [tilespmem:s29+$0x6360]  }
0x183: {  	v17 =	vadd.f32 v17, v27;
	v31 =	vld [tilespmem:s29+$0x6300];
	v21 =	vsub.f32 v32, v39  }
0x184: {  	v48 =	vld [tilespmem:s29+$0x6750];
	v27 =	vsub.f32 v29, v44;
	v29 =	vsub.f32 v63, v50  }
0x185: {  	v36 =	vld [tilespmem:s29+$0x6B50];
	v49 =	vsub.f32 v60, v58;
	v24 =	vsub.f32 v28, v42  }
0x186: {  	v38 =	vld [tilespmem:s28+$0x40];
	v34 =	vsub.f32 v47, v22;
	v57 =	vsub.f32 v59, v57  }
0x187: {  	v32 =	vld [tilespmem:s1+$0x40];
	v26 =	vsub.f32 v30, v26;
	v30 =	vsub.f32 v56, v62  }
0x188: {  	v28 =	vld [tilespmem:s29+$0x6740];
	v62 =	vsub.f32 v31, v61;
	v21 =	vmul.f32 v21, v21;
	v27 =	vmul.f32 v27, v27  }
0x189: {  	v50 =	vld [tilespmem:s29+$0x6370];
	v63 =	vsub.f32 v55, v52;
	v22 =	vmul.f32 v29, v29;
	v31 =	vmul.f32 v57, v57  }
0x18a: {  	v58 =	vld [tilespmem:s29+$0x6720];
	v33 =	vsub.f32 v48, v41;
	v60 =	vmul.f32 v34, v34;
	v30 =	vmul.f32 v30, v30  }
0x18b: {  	v39 =	vld [tilespmem:s7+$0x10];
	v59 =	vmul.f32 v49, v49;
	v40 =	vmul.f32 v63, v63;
	v31 =	vadd.f32 v31, v13  }
0x18c: {  	v41 =	vld [tilespmem:s28+$0x50];
	v43 =	vmul.f32 v26, v26;
	v13 =	vadd.f32 v30, v17;
	v34 =	vadd.f32 v60, v16  }
0x18d: {  	v45 =	vmul.f32 v62, v62;
	v30 =	vld [tilespmem:s28+$0x10];
	v29 =	vsub.f32 v35, v32;
	v14 =	vsub.f32 v28, v14  }
0x18e: {  	v28 =	vld [tilespmem:s29+$0x6B10];
	v44 =	vsub.f32 v50, v37;
	v37 =	vmul.f32 v33, v33;
	v35 =	vsub.f32 v53, v51  }
0x18f: {  	s30 =	simm.s32 $0x80;
	s31 =	simm.s32 $0x10;
	s0 =	simm.s32 $0x1;
	v33 =	vld [tilespmem:s29+$0x6B40];
	v42 =	vsub.f32 v58, v54;
	v32 =	vadd.f32 v59, v13;
	v26 =	vmul.f32 v14, v14  }
.LBB2_6:
0x190: {  	s1 =	smov.u32 s0  }
0x191: {  	s3 =	sand.u32 $0x7, s0;
	s4 =	sshrl.u32 s0, $0x3;
	v13 =	vadd.f32 v43, v23;
	v14 =	vsub.f32 v18, v39;
	v16 =	vmul.f32 v24, v24;
	v17 =	vld [tilespmem:s29+$0x6B70];
	s1 =	sadd.s32 $0x1, s0  }
0x192: {  	p0 =	sne.s32 s0, $0x3F;
	v18 =	vmul.f32 v44, v44;
	v23 =	vsub.f32 v36, v41;
	s4 =	smul.u32 $0x3000, s4;
	v20 =	vadd.f32 v45, v20;
	v24 =	vld [tilespmem:s28+$0x70]  }
0x193: {  	v25 =	vadd.f32 v40, v25;
	s0 =	smul.u32 $0x3000, s3;
	v14 =	vmul.f32 v14, v14;
	v13 =	vadd.f32 v27, v13;
	v27 =	vld [tilespmem:s29+$0x6B20]  }
0x194: {  	s7 =	sand.u32 $0x380, s31;
	v29 =	vmul.f32 v29, v29;
	s3 =	sand.u32 $0x380, s30;
	v18 =	vadd.f32 v18, v19;
	v19 =	vmul.f32 v42, v42;
	s4 =	sshra.s32 s4, $0x2;
	v36 =	vld [tilespmem:s29+$0x6B60]  }
0x195: {  	v23 =	vmul.f32 v23, v23;
	s29 =	sshrl.u32 s0, $0x2;
	s4 =	sor.u32 s3, s4;
	v14 =	vadd.f32 v14, v31;
	v31 =	vadd.f32 v37, v34;
	v34 =	vld [tilespmem:s28+$0x60]  }
0x196: {  	v25 =	vadd.f32 v19, v25;
	v19 =	vmul.f32 v35, v35;
	v33 =	vsub.f32 v33, v38;
	s3 =	sadd.s32 $0x12300, s4;
	s0 =	sadd.s32 $0x12700, s4;
	s28 =	sadd.s32 $0x12B00, s4;
	v37 =	vld [tilespmem:s4+$0x12B00]  }
0x197: {  	v15 =	vadd.f32 v29, v15;
	v28 =	vsub.f32 v28, v30;
	s29 =	sor.u32 s7, s29;
	v35 =	vld [tilespmem:s28+$0x20]  }
0x198: {  	v30 =	vadd.f32 v19, v32;
	v19 =	vmul.f32 v33, v33;
	v17 =	vsub.f32 v17, v24;
	v38 =	vld [tilespmem:s28+$0x30]  }
0x199: {  	v16 =	vadd.f32 v16, v18;
	v24 =	vmul.f32 v28, v28;
	v27 =	vsub.f32 v27, v12;
	v32 =	vld [tilespmem:s3+$0x20]  }
0x19a: {  	v20 =	vadd.f32 v21, v20;
	v17 =	vmul.f32 v17, v17;
	v18 =	vld [tilespmem:s29+$0x6710];
	v21 =	vsub.f32 v36, v34  }
0x19b: {  	v15 =	vadd.f32 v26, v15;
	v14 =	vadd.f32 v24, v14;
	v24 =	vmul.f32 v27, v27;
	v33 =	vld [tilespmem:s29+$0x6B30]  }
0x19c: {  	v20 =	vadd.f32 v22, v20;
	v26 =	vadd.f32 v23, v31;
	v42 =	vld [tilespmem:s0+$0x20];
	v21 =	vmul.f32 v21, v21;
	v12 =	vmovc v35  }
0x19d: {  	v15 =	vadd.f32 v19, v15;
	v19 =	vadd.f32 v17, v16;
	v28 =	vld [tilespmem:s29+$0x6320]  }
0x19e: {  	v25 =	vadd.f32 v24, v25;
	v16 =	vld [tilespmem:s29+$0x6330];
	v23 =	vadd.f32 v21, v13  }
0x19f: {  	v13 =	vld [tilespmem:s3+$0x10]  }
0x1a0: {  	v17 =	vld [tilespmem:s0+$0x30]  }
0x1a1: {  	v29 =	vld [tilespmem:s29+$0x6310]  }
0x1a2: {  	v21 =	vld [tilespmem:s29+$0x6730]  }
0x1a3: {  	v31 =	vld [tilespmem:s4+$0x12300]  }
0x1a4: {  	v34 =	vld [tilespmem:s3+$0x30]  }
0x1a5: {  	v22 =	vld [tilespmem:s29+$0x6B00]  }
0x1a6: {  	v24 =	vld [tilespmem:s4+$0x12700]  }
0x1a7: {  	v17 =	vsub.f32 v21, v17;
	v21 =	vld [tilespmem:s0+$0x70]  }
0x1a8: {  	v27 =	vld [tilespmem:s29+$0x6700]  }
0x1a9: {  	v35 =	vld [tilespmem:s0+$0x60]  }
0x1aa: {  	v40 =	vld [tilespmem:s0+$0x50]  }
0x1ab: {  	v41 =	vld [tilespmem:s0+$0x40]  }
0x1ac: {  	v36 =	vld [tilespmem:s29+$0x6760]  }
0x1ad: {  	v39 =	vld [tilespmem:s29+$0x6340]  }
0x1ae: {  	v43 =	vld [tilespmem:s29+$0x6770]  }
0x1af: {  	v44 =	vld [tilespmem:s29+$0x6350]  }
0x1b0: {  	v45 =	vld [tilespmem:s3+$0x60]  }
0x1b1: {  	v46 =	vld [tilespmem:s3+$0x70];
	v35 =	vsub.f32 v36, v35  }
0x1b2: {  	v36 =	vld [tilespmem:s3+$0x50]  }
0x1b3: {  	v27 =	vsub.f32 v27, v24;
	v47 =	vld [tilespmem:s29+$0x6300];
	v24 =	vsub.f32 v43, v21  }
0x1b4: {  	v43 =	vld [tilespmem:s29+$0x6360]  }
0x1b5: {  	v21 =	vmul.f32 v27, v27;
	v48 =	vld [tilespmem:s3+$0x40]  }
0x1b6: {  	v22 =	vsub.f32 v22, v37;
	v49 =	vld [tilespmem:s29+$0x6750]  }
0x1b7: {  	v36 =	vsub.f32 v44, v36;
	v37 =	vld [tilespmem:s29+$0x6740]  }
0x1b8: {  	v22 =	vmul.f32 v22, v22;
	v27 =	vmul.f32 v35, v35;
	v44 =	vld [tilespmem:s29+$0x6370]  }
0x1b9: {  	v13 =	vsub.f32 v29, v13;
	v17 =	vmul.f32 v17, v17;
	v35 =	vsub.f32 v43, v45;
	v50 =	vld [tilespmem:s29+$0x6720]  }
0x1ba: {  	v16 =	vsub.f32 v16, v34;
	v34 =	vmul.f32 v36, v36;
	v29 =	vsub.f32 v39, v48;
	v39 =	vld [tilespmem:s0+$0x10]  }
0x1bb: {  	v28 =	vsub.f32 v28, v32;
	v13 =	vmul.f32 v13, v13;
	v45 =	vsub.f32 v47, v31;
	v36 =	vld [tilespmem:s29+$0x6B50]  }
.Ltmp2:
0x1bc: {  	v16 =	vmul.f32 v16, v16;
	v32 =	vsub.f32 v37, v41;
	v37 =	vsub.f32 v49, v40;
	v41 =	vld [tilespmem:s28+$0x50];
	(pc) =	sbr.rel @p0 .LBB2_6-.Ltmp2, $4  }
0x1bd: {  	v31 =	vadd.f32 v13, v14;
	v43 =	vmul.f32 v35, v35;
	v40 =	vmul.f32 v28, v28;
	v28 =	vld [tilespmem:s29+$0x6B10]  }
0x1be: {  	v13 =	vadd.f32 v16, v30;
	v34 =	vadd.f32 v34, v26;
	v26 =	vmul.f32 v32, v32;
	v30 =	vld [tilespmem:s28+$0x10]  }
0x1bf: {  	v35 =	vsub.f32 v33, v38;
	v44 =	vsub.f32 v44, v46;
	v37 =	vmul.f32 v37, v37;
	v33 =	vld [tilespmem:s29+$0x6B40]  }
0x1c0: {  	s31 =	sadd.s32 $0x10, s31;
	s30 =	sadd.s32 $0x80, s30;
	s0 =	smov.u32 s1;
	v45 =	vmul.f32 v45, v45;
	v42 =	vsub.f32 v50, v42;
	v32 =	vadd.f32 v17, v13;
	v38 =	vld [tilespmem:s28+$0x40]  }
0x1c1: {  	v46 =	vld [tilespmem:s29+$0x6B70]  }
0x1c2: {  	v47 =	vld [tilespmem:s28+$0x70]  }
0x1c3: {  	v48 =	vld [tilespmem:s29+$0x6B20]  }
0x1c4: {  	v49 =	vld [tilespmem:s29+$0x6B60];
	s0 =	simm.s32 $0x0;
	s1 =	rddreg [dreg:$0xa];
	s3 =	simm.s32 $0x6300  }
0x1c5: {  	v50 =	vld [tilespmem:s28+$0x60];
	[tilespmem:s3], [sflag:$0x2] =	stream.linear.gather [hbm4b:s1+s0], $0x6000, $0x38  }
0x1c6: {  	v13 =	vld [tilespmem:$0x240];
	_ =	sdelay $0x4  }
0x1c7: {  	v14 =	vshrl.u32 v13, $0x3  }
0x1c8: {  	v14 =	vmul.u32 $0x18, v14  }
0x1c9: {  	v13 =	vand.u32 $0x7, v13  }
0x1ca: {  	v13 =	vor.u32 v13, v14  }
0x1cb: {  	v14 =	vperm.xlane v13, v0;
	_ =	sdelay $0x1  }
0x1cc: {  	v14 =	vadd.s32 v2, v14;
	_ =	sdelay $0x1  }
0x1cd: {  	v13 =	vperm.xlane v13, v3;
	_ =	sdelay $0x1  }
0x1ce: {  	s7 =	simm.s32 $0x12300;
	v13 =	vadd.s32 v2, v13  }
0x1cf: {  	[tilespmem:s7], [sflag:$0x4] =	stream.indirect_vreg.gather [hbm4b:s2+s0], $0x80, v14, vm0, $0xb8;
	[tilespmem:$0x18400] =	vst v63  }
0x1d0: {  	s3 =	simm.s32 $0x12B00  }
0x1d1: {  	[tilespmem:s3], [sflag:$0x4] =	stream.indirect_vreg.gather [hbm4b:s6+s0], $0x80, v14, vm1, $0xb8;
	[tilespmem:$0x18400] =	vst v63  }
0x1d2: {  	_ = 	snop  }
0x1d3: {  	[tilespmem:s8], [sflag:$0x4] =	stream.indirect_vreg.gather [hbm4b:s2+s0], $0x80, v13, vm0, $0xb8;
	[tilespmem:$0x18400] =	vst v63  }
0x1d4: {  	_ = 	snop  }
0x1d5: {  	[tilespmem:s9], [sflag:$0x4] =	stream.indirect_vreg.gather [hbm4b:s6+s0], $0x80, v13, vm1, $0xb8;
	[tilespmem:$0x18400] =	vst v63  }
0x1d6: {  	v13 =	vld [tilespmem:$0x250];
	_ =	sdelay $0x4  }
0x1d7: {  	v14 =	vshrl.u32 v13, $0x3  }
0x1d8: {  	v14 =	vmul.u32 $0x18, v14  }
0x1d9: {  	v13 =	vand.u32 $0x7, v13  }
0x1da: {  	v13 =	vor.u32 v13, v14  }
0x1db: {  	v14 =	vperm.xlane v13, v0;
	_ =	sdelay $0x1  }
0x1dc: {  	v14 =	vadd.s32 v2, v14;
	_ =	sdelay $0x1  }
0x1dd: {  	v13 =	vperm.xlane v13, v3;
	_ =	sdelay $0x1  }
0x1de: {  	v13 =	vadd.s32 v2, v13  }
0x1df: {  	[tilespmem:s10], [sflag:$0x4] =	stream.indirect_vreg.gather [hbm4b:s2+s0], $0x80, v14, vm0, $0xb8;
	[tilespmem:$0x18400] =	vst v63  }
0x1e0: {  	_ = 	snop  }
0x1e1: {  	[tilespmem:s11], [sflag:$0x4] =	stream.indirect_vreg.gather [hbm4b:s6+s0], $0x80, v14, vm1, $0xb8;
	[tilespmem:$0x18400] =	vst v63  }
0x1e2: {  	_ = 	snop  }
0x1e3: {  	[tilespmem:s12], [sflag:$0x4] =	stream.indirect_vreg.gather [hbm4b:s2+s0], $0x80, v13, vm0, $0xb8;
	[tilespmem:$0x18400] =	vst v63  }
0x1e4: {  	_ = 	snop  }
0x1e5: {  	[tilespmem:s13], [sflag:$0x4] =	stream.indirect_vreg.gather [hbm4b:s6+s0], $0x80, v13, vm1, $0xb8;
	[tilespmem:$0x18400] =	vst v63  }
0x1e6: {  	v13 =	vld [tilespmem:$0x260];
	_ =	sdelay $0x4  }
0x1e7: {  	v14 =	vshrl.u32 v13, $0x3  }
0x1e8: {  	v14 =	vmul.u32 $0x18, v14  }
0x1e9: {  	v13 =	vand.u32 $0x7, v13  }
0x1ea: {  	v13 =	vor.u32 v13, v14  }
0x1eb: {  	v14 =	vperm.xlane v13, v0;
	_ =	sdelay $0x1  }
0x1ec: {  	v14 =	vadd.s32 v2, v14;
	_ =	sdelay $0x1  }
0x1ed: {  	v13 =	vperm.xlane v13, v3;
	_ =	sdelay $0x1  }
0x1ee: {  	v13 =	vadd.s32 v2, v13  }
0x1ef: {  	[tilespmem:s14], [sflag:$0x4] =	stream.indirect_vreg.gather [hbm4b:s2+s0], $0x80, v14, vm0, $0xb8;
	[tilespmem:$0x18400] =	vst v63  }
0x1f0: {  	_ = 	snop  }
0x1f1: {  	[tilespmem:s5], [sflag:$0x4] =	stream.indirect_vreg.gather [hbm4b:s6+s0], $0x80, v14, vm1, $0xb8;
	[tilespmem:$0x18400] =	vst v63  }
0x1f2: {  	_ = 	snop  }
0x1f3: {  	[tilespmem:s16], [sflag:$0x4] =	stream.indirect_vreg.gather [hbm4b:s2+s0], $0x80, v13, vm0, $0xb8;
	[tilespmem:$0x18400] =	vst v63  }
0x1f4: {  	_ = 	snop  }
0x1f5: {  	[tilespmem:s17], [sflag:$0x4] =	stream.indirect_vreg.gather [hbm4b:s6+s0], $0x80, v13, vm1, $0xb8;
	[tilespmem:$0x18400] =	vst v63  }
0x1f6: {  	v13 =	vld [tilespmem:$0x270];
	_ =	sdelay $0x4  }
0x1f7: {  	v14 =	vshrl.u32 v13, $0x3  }
0x1f8: {  	v14 =	vmul.u32 $0x18, v14  }
0x1f9: {  	v13 =	vand.u32 $0x7, v13  }
0x1fa: {  	v13 =	vor.u32 v13, v14  }
0x1fb: {  	v14 =	vperm.xlane v13, v0;
	_ =	sdelay $0x1  }
0x1fc: {  	v14 =	vadd.s32 v2, v14;
	_ =	sdelay $0x1  }
0x1fd: {  	v13 =	vperm.xlane v13, v3;
	_ =	sdelay $0x1  }
0x1fe: {  	v13 =	vadd.s32 v2, v13  }
0x1ff: {  	[tilespmem:s18], [sflag:$0x4] =	stream.indirect_vreg.gather [hbm4b:s2+s0], $0x80, v14, vm0, $0xb8;
	[tilespmem:$0x18400] =	vst v63  }
0x200: {  	_ = 	snop  }
0x201: {  	[tilespmem:s19], [sflag:$0x4] =	stream.indirect_vreg.gather [hbm4b:s6+s0], $0x80, v14, vm1, $0xb8;
	[tilespmem:$0x18400] =	vst v63  }
0x202: {  	_ = 	snop  }
0x203: {  	[tilespmem:s20], [sflag:$0x4] =	stream.indirect_vreg.gather [hbm4b:s2+s0], $0x80, v13, vm0, $0xb8;
	[tilespmem:$0x18400] =	vst v63  }
0x204: {  	_ = 	snop  }
0x205: {  	[tilespmem:s21], [sflag:$0x4] =	stream.indirect_vreg.gather [hbm4b:s6+s0], $0x80, v13, vm1, $0xb8;
	[tilespmem:$0x18400] =	vst v63  }
0x206: {  	_ =	swait.ge [sflag:s22], $0x6000  }
0x207: {  	s4 =	sand.u32 $0x7, s0;
	[sflag:s22] =	ssyncset.done $0x0  }
0x208: {  	s1 =	smul.u32 $0x3000, s4;
	s7 =	simm.s32 $0x0;
	[sflag:s22] =	ssyncadd.s32 $0xFFFFA000  }
0x209: {  	s3 =	smul.u32 $0x3000, s7;
	_ =	swait.ge [sflag:s23], $0x6000  }
0x20a: {  	s1 =	sshrl.u32 s1, $0x2;
	s0 =	sand.u32 $0x380, s0;
	[sflag:s23] =	ssyncset.done $0x0  }
0x20b: {  	s3 =	sshra.s32 s3, $0x2;
	s28 =	sor.u32 s0, s1;
	[sflag:s23] =	ssyncadd.s32 $0xFFFFA000  }
0x20c: {  	s29 =	sor.u32 s0, s3;
	v13 =	vld [tilespmem:s28+$0x710]  }
0x20d: {  	v14 =	vld [tilespmem:s29+$0xC710]  }
0x20e: {  	v17 =	vld [tilespmem:s29+$0xC770]  }
0x20f: {  	v16 =	vld [tilespmem:s29+$0xCB00]  }
0x210: {  	v51 =	vld [tilespmem:s29+$0xC370]  }
0x211: {  	v52 =	vld [tilespmem:s29+$0xC300]  }
0x212: {  	v53 =	vld [tilespmem:s28+$0x300]  }
0x213: {  	v54 =	vld [tilespmem:s28+$0x370]  }
0x214: {  	v55 =	vld [tilespmem:s29+$0xC700]  }
0x215: {  	v56 =	vld [tilespmem:s29+$0xC310]  }
0x216: {  	v57 =	vld [tilespmem:s28+$0xB60]  }
0x217: {  	v58 =	vld [tilespmem:s28+$0x700]  }
0x218: {  	v59 =	vld [tilespmem:s29+$0xC760]  }
0x219: {  	v60 =	vld [tilespmem:s28+$0x760]  }
0x21a: {  	v61 =	vld [tilespmem:s29+$0xC750]  }
0x21b: {  	v62 =	vld [tilespmem:s28+$0x310]  }
0x21c: {  	v63 =	vld [tilespmem:s28+$0x750]  }
0x21d: {  	v18 =	vsub.f32 v18, v39;
	v23 =	vadd.f32 v43, v23;
	v39 =	vld [tilespmem:s29+$0xC740]  }
0x21e: {  	v44 =	vmul.f32 v44, v44;
	v36 =	vsub.f32 v36, v41;
	v43 =	vadd.f32 v45, v20;
	v20 =	vld [tilespmem:s29+$0xCB20]  }
0x21f: {  	v25 =	vadd.f32 v40, v25;
	v29 =	vmul.f32 v29, v29;
	v18 =	vmul.f32 v18, v18;
	v41 =	vld [tilespmem:s28+$0x740]  }
0x220: {  	v34 =	vadd.f32 v37, v34;
	v27 =	vadd.f32 v27, v23;
	v23 =	vmul.f32 v42, v42;
	v40 =	vld [tilespmem:s29+$0xC730]  }
0x221: {  	v24 =	vmul.f32 v24, v24;
	v19 =	vadd.f32 v44, v19;
	v18 =	vadd.f32 v18, v31;
	v31 =	vld [tilespmem:s28+$0x730]  }
0x222: {  	v15 =	vadd.f32 v29, v15;
	v25 =	vadd.f32 v23, v25;
	v23 =	vmul.f32 v35, v35;
	v35 =	vld [tilespmem:s29+$0xC720]  }
0x223: {  	v28 =	vsub.f32 v28, v30;
	v30 =	vadd.f32 v21, v43;
	v29 =	vld [tilespmem:s28+$0x720]  }
0x224: {  	v33 =	vsub.f32 v33, v38;
	v19 =	vadd.f32 v24, v19;
	v37 =	vld [tilespmem:s29+$0xCB60]  }
0x225: {  	v26 =	vadd.f32 v26, v15;
	v12 =	vsub.f32 v48, v12;
	v24 =	vld [tilespmem:s29+$0xC360]  }
0x226: {  	v28 =	vmul.f32 v28, v28;
	v49 =	vsub.f32 v49, v50;
	v43 =	vadd.f32 v22, v30;
	v45 =	vld [tilespmem:s29+$0xC350]  }
0x227: {  	v15 =	vmul.f32 v36, v36;
	v32 =	vadd.f32 v23, v32;
	v23 =	vsub.f32 v46, v47;
	v50 =	vld [tilespmem:s28+$0x330]  }
0x228: {  	v33 =	vmul.f32 v33, v33;
	v21 =	vadd.f32 v28, v18;
	v12 =	vmul.f32 v12, v12;
	v36 =	vld [tilespmem:s28+$0x320]  }
0x229: {  	v15 =	vadd.f32 v15, v34;
	v28 =	vmul.f32 v49, v49;
	v18 =	vmul.f32 v23, v23;
	v44 =	vld [tilespmem:s29+$0xC340]  }
0x22a: {  	v22 =	vadd.f32 v33, v26;
	v12 =	vadd.f32 v12, v25;
	v26 =	vld [tilespmem:s29+$0xC330]  }
0x22b: {  	v23 =	vadd.f32 v18, v19;
	v18 =	vadd.f32 v28, v27;
	v19 =	vld [tilespmem:s29+$0xCB40]  }
0x22c: {  	v27 =	vld [tilespmem:s29+$0xC320];
	v34 =	vsub.f32 v58, v55;
	v25 =	vsub.f32 v31, v40  }
0x22d: {  	v42 =	vld [tilespmem:s28+$0xB00];
	v30 =	vsub.f32 v29, v35;
	v28 =	vsub.f32 v41, v39  }
0x22e: {  	v38 =	vld [tilespmem:s28+$0xB70];
	v48 =	vsub.f32 v63, v61;
	v49 =	vsub.f32 v60, v59  }
0x22f: {  	v29 =	vld [tilespmem:s28+$0x340];
	v50 =	vsub.f32 v50, v26;
	v55 =	vsub.f32 v53, v52  }
0x230: {  	v40 =	vld [tilespmem:s28+$0xB40];
	v37 =	vsub.f32 v57, v37;
	v41 =	vmul.f32 v25, v25;
	v33 =	vmul.f32 v28, v28  }
0x231: {  	v59 =	vld [tilespmem:s28+$0x350];
	v61 =	vsub.f32 v62, v56;
	v25 =	vmul.f32 v48, v48;
	v26 =	vmul.f32 v49, v49  }
0x232: {  	v31 =	vld [tilespmem:s28+$0x360];
	v60 =	vsub.f32 v36, v27;
	v58 =	vmul.f32 v50, v50;
	v35 =	vmul.f32 v55, v55  }
0x233: {  	v39 =	vld [tilespmem:s28+$0x770];
	v63 =	vsub.f32 v54, v51;
	v27 =	vmul.f32 v37, v37;
	v36 =	vmul.f32 v61, v61  }
0x234: {  	v28 =	vld [tilespmem:s29+$0xCB30];
	v34 =	vmul.f32 v34, v34;
	v35 =	vadd.f32 v35, v43;
	v62 =	vsub.f32 v29, v44  }
0x235: {  	v47 =	vmul.f32 v60, v60;
	v29 =	vadd.f32 v58, v32;
	v32 =	vld [tilespmem:s28+$0xB50];
	v43 =	vsub.f32 v40, v19  }
0x236: {  	v40 =	vld [tilespmem:s29+$0xCB70];
	v37 =	vsub.f32 v59, v45;
	v45 =	vmul.f32 v63, v63;
	v35 =	vadd.f32 v34, v35  }
0x237: {  	s30 =	simm.s32 $0x80;
	s31 =	simm.s32 $0x10;
	s0 =	simm.s32 $0x1;
	v34 =	vadd.f32 v47, v12;
	v29 =	vadd.f32 v41, v29;
	v44 =	vmul.f32 v62, v62;
	v41 =	vld [tilespmem:s28+$0xB20]  }
.LBB2_8:
0x238: {  	s1 =	smov.u32 s0  }
0x239: {  	s3 =	sand.u32 $0x7, s0;
	s4 =	sshrl.u32 s0, $0x3;
	v12 =	vadd.f32 v44, v22;
	v19 =	vmul.f32 v30, v30;
	v17 =	vsub.f32 v39, v17;
	v30 =	vld [tilespmem:s28+$0xB10];
	s1 =	sadd.s32 $0x1, s0  }
0x23a: {  	p0 =	sne.s32 s0, $0x3F;
	v39 =	vmul.f32 v43, v43;
	s4 =	smul.u32 $0x3000, s4;
	v22 =	vadd.f32 v45, v23;
	v16 =	vsub.f32 v42, v16;
	v23 =	vld [tilespmem:s29+$0xCB10]  }
0x23b: {  	v14 =	vsub.f32 v13, v14;
	s0 =	smul.u32 $0x3000, s3;
	v12 =	vadd.f32 v33, v12;
	v13 =	vmul.f32 v17, v17;
	v17 =	vld [tilespmem:s29+$0xCB50]  }
0x23c: {  	v21 =	vadd.f32 v36, v21;
	s3 =	sand.u32 $0x380, s31;
	v33 =	vmul.f32 v37, v37;
	s4 =	sshra.s32 s4, $0x2;
	v36 =	vsub.f32 v38, v40  }
0x23d: {  	s7 =	sand.u32 $0x380, s30;
	s0 =	sshrl.u32 s0, $0x2;
	v16 =	vmul.f32 v16, v16;
	v37 =	vadd.f32 v13, v22;
	v20 =	vsub.f32 v41, v20  }
0x23e: {  	v24 =	vsub.f32 v31, v24;
	s29 =	sor.u32 s7, s4;
	v22 =	vadd.f32 v39, v12;
	v12 =	vmul.f32 v36, v36;
	v31 =	vld [tilespmem:s28+$0xB30];
	s28 =	sor.u32 s3, s0  }
0x23f: {  	v36 =	vmul.f32 v14, v14;
	v35 =	vadd.f32 v16, v35;
	v13 =	vld [tilespmem:s28+$0x710];
	v16 =	vsub.f32 v30, v23  }
0x240: {  	v24 =	vmul.f32 v24, v24;
	v23 =	vadd.f32 v12, v37;
	v14 =	vld [tilespmem:s29+$0xC710];
	v30 =	vsub.f32 v32, v17  }
0x241: {  	v19 =	vadd.f32 v19, v34;
	v12 =	vadd.f32 v36, v21;
	v17 =	vld [tilespmem:s29+$0xC770];
	v21 =	vmul.f32 v16, v16  }
0x242: {  	v15 =	vadd.f32 v33, v15;
	v18 =	vadd.f32 v24, v18;
	v20 =	vmul.f32 v20, v20;
	v16 =	vld [tilespmem:s29+$0xCB00]  }
0x243: {  	v24 =	vmul.f32 v30, v30;
	v34 =	vld [tilespmem:s29+$0xC370];
	v21 =	vadd.f32 v21, v12;
	v12 =	vsub.f32 v31, v28  }
0x244: {  	v15 =	vadd.f32 v25, v15;
	v19 =	vadd.f32 v20, v19;
	v28 =	vld [tilespmem:s29+$0xC300]  }
0x245: {  	v18 =	vadd.f32 v26, v18;
	v32 =	vld [tilespmem:s28+$0x300];
	v12 =	vmul.f32 v12, v12  }
0x246: {  	v15 =	vadd.f32 v24, v15;
	v37 =	vld [tilespmem:s28+$0x370]  }
0x247: {  	v18 =	vadd.f32 v27, v18;
	v20 =	vld [tilespmem:s29+$0xC700];
	v12 =	vadd.f32 v12, v29  }
0x248: {  	v29 =	vld [tilespmem:s29+$0xC310]  }
0x249: {  	v26 =	vld [tilespmem:s28+$0xB60]  }
0x24a: {  	v24 =	vld [tilespmem:s28+$0x700]  }
0x24b: {  	v27 =	vld [tilespmem:s29+$0xC760]  }
0x24c: {  	v31 =	vld [tilespmem:s28+$0x760]  }
0x24d: {  	v25 =	vld [tilespmem:s29+$0xC750]  }
0x24e: {  	v36 =	vld [tilespmem:s28+$0x310]  }
0x24f: {  	v38 =	vsub.f32 v24, v20;
	v39 =	vld [tilespmem:s28+$0x750]  }
0x250: {  	v33 =	vld [tilespmem:s29+$0xC740]  }
0x251: {  	v20 =	vld [tilespmem:s29+$0xCB20]  }
0x252: {  	v40 =	vld [tilespmem:s28+$0x740]  }
0x253: {  	v30 =	vld [tilespmem:s29+$0xC730]  }
0x254: {  	v41 =	vld [tilespmem:s28+$0x730]  }
0x255: {  	v42 =	vld [tilespmem:s29+$0xC720]  }
0x256: {  	v43 =	vld [tilespmem:s28+$0x720]  }
0x257: {  	v44 =	vld [tilespmem:s29+$0xCB60]  }
0x258: {  	v24 =	vld [tilespmem:s29+$0xC360]  }
0x259: {  	v45 =	vld [tilespmem:s29+$0xC350]  }
0x25a: {  	v41 =	vsub.f32 v41, v30;
	v46 =	vld [tilespmem:s28+$0x330]  }
0x25b: {  	v47 =	vld [tilespmem:s28+$0x320];
	v30 =	vsub.f32 v43, v42  }
0x25c: {  	v33 =	vsub.f32 v40, v33;
	v41 =	vmul.f32 v41, v41;
	v42 =	vld [tilespmem:s29+$0xC340]  }
0x25d: {  	v40 =	vld [tilespmem:s29+$0xC330]  }
0x25e: {  	v25 =	vsub.f32 v39, v25;
	v33 =	vmul.f32 v33, v33;
	v43 =	vld [tilespmem:s29+$0xCB40]  }
0x25f: {  	v39 =	vld [tilespmem:s29+$0xC320]  }
0x260: {  	v27 =	vsub.f32 v31, v27;
	v25 =	vmul.f32 v25, v25;
	v48 =	vld [tilespmem:s28+$0x340]  }
0x261: {  	v44 =	vsub.f32 v26, v44;
	v49 =	vld [tilespmem:s28+$0xB40]  }
0x262: {  	v26 =	vmul.f32 v27, v27;
	v40 =	vsub.f32 v46, v40;
	v31 =	vld [tilespmem:s28+$0x360]  }
0x263: {  	v32 =	vsub.f32 v32, v28;
	v28 =	vld [tilespmem:s29+$0xCB30]  }
0x264: {  	v27 =	vmul.f32 v44, v44;
	v46 =	vsub.f32 v47, v39;
	v40 =	vmul.f32 v40, v40;
	v47 =	vld [tilespmem:s28+$0x350]  }
0x265: {  	v29 =	vsub.f32 v36, v29;
	v44 =	vmul.f32 v32, v32;
	v48 =	vsub.f32 v48, v42;
	v39 =	vld [tilespmem:s28+$0x770]  }
.Ltmp3:
0x266: {  	v12 =	vadd.f32 v40, v12;
	v32 =	vld [tilespmem:s28+$0xB50];
	(pc) =	sbr.rel @p0 .LBB2_8-.Ltmp3, $4  }
0x267: {  	v36 =	vmul.f32 v29, v29;
	v35 =	vadd.f32 v44, v35;
	v40 =	vmul.f32 v38, v38;
	v42 =	vld [tilespmem:s28+$0xB00]  }
0x268: {  	v50 =	vsub.f32 v37, v34;
	v46 =	vmul.f32 v46, v46;
	v29 =	vadd.f32 v41, v12;
	v38 =	vld [tilespmem:s28+$0xB70]  }
0x269: {  	v43 =	vsub.f32 v49, v43;
	v44 =	vmul.f32 v48, v48;
	v35 =	vadd.f32 v40, v35;
	v40 =	vld [tilespmem:s29+$0xCB70]  }
0x26a: {  	s30 =	sadd.s32 $0x80, s30;
	s31 =	sadd.s32 $0x10, s31;
	s0 =	smov.u32 s1;
	v34 =	vadd.f32 v46, v19;
	v37 =	vsub.f32 v47, v45;
	v45 =	vmul.f32 v50, v50;
	v41 =	vld [tilespmem:s28+$0xB20]  }
0x26b: {  	v46 =	vld [tilespmem:s28+$0xB10]  }
0x26c: {  	v47 =	vld [tilespmem:s29+$0xCB10]  }
0x26d: {  	v48 =	vld [tilespmem:s29+$0xCB50];
	s0 =	simm.s32 $0x0;
	s1 =	rddreg [dreg:$0xb];
	s3 =	simm.s32 $0x300  }
0x26e: {  	v49 =	vld [tilespmem:s28+$0xB30];
	[tilespmem:s3], [sflag:$0x1] =	stream.linear.gather [hbm4b:s1+s0], $0x6000, $0x38  }
0x26f: {  	v12 =	vld [tilespmem:$0x280];
	_ =	sdelay $0x4  }
0x270: {  	v19 =	vshrl.u32 v12, $0x3  }
0x271: {  	v19 =	vmul.u32 $0x18, v19  }
0x272: {  	v12 =	vand.u32 $0x7, v12  }
0x273: {  	v12 =	vor.u32 v12, v19  }
0x274: {  	v19 =	vperm.xlane v12, v0;
	_ =	sdelay $0x1  }
0x275: {  	v19 =	vadd.s32 v2, v19;
	_ =	sdelay $0x1  }
0x276: {  	v12 =	vperm.xlane v12, v3;
	_ =	sdelay $0x1  }
0x277: {  	s3 =	simm.s32 $0xC300;
	v12 =	vadd.s32 v2, v12  }
0x278: {  	[tilespmem:s3], [sflag:$0x3] =	stream.indirect_vreg.gather [hbm4b:s2+s0], $0x80, v19, vm0, $0xb8;
	[tilespmem:$0x18400] =	vst v63  }
0x279: {  	s4 =	simm.s32 $0xCB00  }
0x27a: {  	[tilespmem:s4], [sflag:$0x3] =	stream.indirect_vreg.gather [hbm4b:s6+s0], $0x80, v19, vm1, $0xb8;
	[tilespmem:$0x18400] =	vst v63  }
0x27b: {  	s7 =	simm.s32 $0xCF00  }
0x27c: {  	[tilespmem:s7], [sflag:$0x3] =	stream.indirect_vreg.gather [hbm4b:s2+s0], $0x80, v12, vm0, $0xb8;
	[tilespmem:$0x18400] =	vst v63  }
0x27d: {  	s3 =	simm.s32 $0xD700  }
0x27e: {  	[tilespmem:s3], [sflag:$0x3] =	stream.indirect_vreg.gather [hbm4b:s6+s0], $0x80, v12, vm1, $0xb8;
	[tilespmem:$0x18400] =	vst v63  }
0x27f: {  	v12 =	vld [tilespmem:$0x290];
	_ =	sdelay $0x4  }
0x280: {  	v19 =	vshrl.u32 v12, $0x3  }
0x281: {  	v19 =	vmul.u32 $0x18, v19  }
0x282: {  	v12 =	vand.u32 $0x7, v12  }
0x283: {  	v12 =	vor.u32 v12, v19  }
0x284: {  	v19 =	vperm.xlane v12, v0;
	_ =	sdelay $0x1  }
0x285: {  	v19 =	vadd.s32 v2, v19;
	_ =	sdelay $0x1  }
0x286: {  	v12 =	vperm.xlane v12, v3;
	_ =	sdelay $0x1  }
0x287: {  	s4 =	simm.s32 $0xDB00;
	v12 =	vadd.s32 v2, v12  }
0x288: {  	[tilespmem:s4], [sflag:$0x3] =	stream.indirect_vreg.gather [hbm4b:s2+s0], $0x80, v19, vm0, $0xb8;
	[tilespmem:$0x18400] =	vst v63  }
0x289: {  	s7 =	simm.s32 $0xE300  }
0x28a: {  	[tilespmem:s7], [sflag:$0x3] =	stream.indirect_vreg.gather [hbm4b:s6+s0], $0x80, v19, vm1, $0xb8;
	[tilespmem:$0x18400] =	vst v63  }
0x28b: {  	s3 =	simm.s32 $0xE700  }
0x28c: {  	[tilespmem:s3], [sflag:$0x3] =	stream.indirect_vreg.gather [hbm4b:s2+s0], $0x80, v12, vm0, $0xb8;
	[tilespmem:$0x18400] =	vst v63  }
0x28d: {  	s4 =	simm.s32 $0xEF00  }
0x28e: {  	[tilespmem:s4], [sflag:$0x3] =	stream.indirect_vreg.gather [hbm4b:s6+s0], $0x80, v12, vm1, $0xb8;
	[tilespmem:$0x18400] =	vst v63  }
0x28f: {  	v12 =	vld [tilespmem:$0x2A0];
	_ =	sdelay $0x4  }
0x290: {  	v19 =	vshrl.u32 v12, $0x3  }
0x291: {  	v19 =	vmul.u32 $0x18, v19  }
0x292: {  	v12 =	vand.u32 $0x7, v12  }
0x293: {  	v12 =	vor.u32 v12, v19  }
0x294: {  	v19 =	vperm.xlane v12, v0;
	_ =	sdelay $0x1  }
0x295: {  	v19 =	vadd.s32 v2, v19;
	_ =	sdelay $0x1  }
0x296: {  	v12 =	vperm.xlane v12, v3;
	_ =	sdelay $0x1  }
0x297: {  	s7 =	simm.s32 $0xF300;
	v12 =	vadd.s32 v2, v12  }
0x298: {  	[tilespmem:s7], [sflag:$0x3] =	stream.indirect_vreg.gather [hbm4b:s2+s0], $0x80, v19, vm0, $0xb8;
	[tilespmem:$0x18400] =	vst v63  }
0x299: {  	s3 =	simm.s32 $0xFB00  }
0x29a: {  	[tilespmem:s3], [sflag:$0x3] =	stream.indirect_vreg.gather [hbm4b:s6+s0], $0x80, v19, vm1, $0xb8;
	[tilespmem:$0x18400] =	vst v63  }
0x29b: {  	s4 =	simm.s32 $0xFF00  }
0x29c: {  	[tilespmem:s4], [sflag:$0x3] =	stream.indirect_vreg.gather [hbm4b:s2+s0], $0x80, v12, vm0, $0xb8;
	[tilespmem:$0x18400] =	vst v63  }
0x29d: {  	s7 =	simm.s32 $0x10700  }
0x29e: {  	[tilespmem:s7], [sflag:$0x3] =	stream.indirect_vreg.gather [hbm4b:s6+s0], $0x80, v12, vm1, $0xb8;
	[tilespmem:$0x18400] =	vst v63  }
0x29f: {  	v12 =	vld [tilespmem:$0x2B0];
	_ =	sdelay $0x4  }
0x2a0: {  	v19 =	vshrl.u32 v12, $0x3  }
0x2a1: {  	v19 =	vmul.u32 $0x18, v19  }
0x2a2: {  	v12 =	vand.u32 $0x7, v12  }
0x2a3: {  	v12 =	vor.u32 v12, v19  }
0x2a4: {  	v19 =	vperm.xlane v12, v0;
	_ =	sdelay $0x1  }
0x2a5: {  	v19 =	vadd.s32 v2, v19;
	_ =	sdelay $0x1  }
0x2a6: {  	v12 =	vperm.xlane v12, v3;
	_ =	sdelay $0x1  }
0x2a7: {  	s3 =	simm.s32 $0x10B00;
	v12 =	vadd.s32 v2, v12  }
0x2a8: {  	[tilespmem:s3], [sflag:$0x3] =	stream.indirect_vreg.gather [hbm4b:s2+s0], $0x80, v19, vm0, $0xb8;
	[tilespmem:$0x18400] =	vst v63  }
0x2a9: {  	s4 =	simm.s32 $0x11300  }
0x2aa: {  	[tilespmem:s4], [sflag:$0x3] =	stream.indirect_vreg.gather [hbm4b:s6+s0], $0x80, v19, vm1, $0xb8;
	[tilespmem:$0x18400] =	vst v63  }
0x2ab: {  	s7 =	simm.s32 $0x11700  }
0x2ac: {  	[tilespmem:s7], [sflag:$0x3] =	stream.indirect_vreg.gather [hbm4b:s2+s0], $0x80, v12, vm0, $0xb8;
	[tilespmem:$0x18400] =	vst v63  }
0x2ad: {  	s3 =	simm.s32 $0x11F00  }
0x2ae: {  	[tilespmem:s3], [sflag:$0x3] =	stream.indirect_vreg.gather [hbm4b:s6+s0], $0x80, v12, vm1, $0xb8;
	[tilespmem:$0x18400] =	vst v63  }
0x2af: {  	_ =	swait.ge [sflag:s24], $0x6000  }
0x2b0: {  	s4 =	simm.s32 $0x0;
	[sflag:s24] =	ssyncset.done $0x0  }
0x2b1: {  	s1 =	smul.u32 $0x3000, s4;
	[sflag:s24] =	ssyncadd.s32 $0xFFFFA000  }
0x2b2: {  	_ =	swait.ge [sflag:s25], $0x6000  }
0x2b3: {  	s7 =	sand.u32 $0x380, s0;
	s1 =	sshra.s32 s1, $0x2;
	[sflag:s25] =	ssyncset.done $0x0  }
0x2b4: {  	s0 =	sand.u32 $0x7, s0;
	s4 =	sor.u32 s7, s1;
	[sflag:s25] =	ssyncadd.s32 $0xFFFFA000  }
0x2b5: {  	s0 =	smul.u32 $0x3000, s0;
	s28 =	sadd.s32 $0x12B00, s4;
	v50 =	vld [tilespmem:s4+$0x12B00]  }
0x2b6: {  	v12 =	vld [tilespmem:s28+$0x20]  }
0x2b7: {  	s1 =	sadd.s32 $0x12300, s4;
	s0 =	sshrl.u32 s0, $0x2;
	v51 =	vld [tilespmem:s28+$0x30]  }
0x2b8: {  	s29 =	sor.u32 s7, s0;
	v52 =	vld [tilespmem:s1+$0x20]  }
0x2b9: {  	v19 =	vld [tilespmem:s29+$0x6710]  }
0x2ba: {  	s7 =	sadd.s32 $0x12700, s4;
	v53 =	vld [tilespmem:s29+$0x6B30]  }
0x2bb: {  	v54 =	vld [tilespmem:s7+$0x20]  }
0x2bc: {  	v55 =	vld [tilespmem:s29+$0x6320]  }
0x2bd: {  	v56 =	vld [tilespmem:s29+$0x6330]  }
0x2be: {  	v57 =	vld [tilespmem:s1+$0x10]  }
0x2bf: {  	v58 =	vld [tilespmem:s7+$0x30]  }
0x2c0: {  	v59 =	vld [tilespmem:s29+$0x6310]  }
0x2c1: {  	v60 =	vld [tilespmem:s29+$0x6730]  }
0x2c2: {  	v61 =	vld [tilespmem:s4+$0x12300]  }
0x2c3: {  	v62 =	vld [tilespmem:s1+$0x30]  }
0x2c4: {  	v22 =	vadd.f32 v44, v22;
	v63 =	vld [tilespmem:s29+$0x6B00]  }
0x2c5: {  	v17 =	vsub.f32 v39, v17;
	v14 =	vsub.f32 v13, v14;
	v39 =	vld [tilespmem:s4+$0x12700]  }
0x2c6: {  	v21 =	vadd.f32 v36, v21;
	v16 =	vsub.f32 v42, v16;
	v42 =	vld [tilespmem:s7+$0x70]  }
0x2c7: {  	v23 =	vadd.f32 v45, v23;
	v13 =	vadd.f32 v33, v22;
	v22 =	vld [tilespmem:s29+$0x6700]  }
0x2c8: {  	v45 =	vmul.f32 v43, v43;
	v17 =	vmul.f32 v17, v17;
	v44 =	vsub.f32 v38, v40;
	v38 =	vld [tilespmem:s7+$0x60]  }
0x2c9: {  	v24 =	vsub.f32 v31, v24;
	v30 =	vmul.f32 v30, v30;
	v16 =	vmul.f32 v16, v16;
	v40 =	vld [tilespmem:s7+$0x50]  }
0x2ca: {  	v23 =	vadd.f32 v17, v23;
	v13 =	vadd.f32 v45, v13;
	v45 =	vmul.f32 v44, v44;
	v31 =	vld [tilespmem:s7+$0x40]  }
0x2cb: {  	v14 =	vmul.f32 v14, v14;
	v30 =	vadd.f32 v30, v34;
	v17 =	vadd.f32 v16, v35;
	v35 =	vld [tilespmem:s29+$0x6760]  }
0x2cc: {  	v20 =	vsub.f32 v41, v20;
	v16 =	vadd.f32 v45, v23;
	v23 =	vmul.f32 v37, v37;
	v41 =	vld [tilespmem:s29+$0x6340]  }
0x2cd: {  	v24 =	vmul.f32 v24, v24;
	v14 =	vadd.f32 v14, v21;
	v47 =	vsub.f32 v46, v47;
	v21 =	vld [tilespmem:s29+$0x6770]  }
0x2ce: {  	v15 =	vadd.f32 v23, v15;
	v23 =	vsub.f32 v49, v28;
	v45 =	vld [tilespmem:s29+$0x6350]  }
0x2cf: {  	v18 =	vadd.f32 v24, v18;
	v32 =	vsub.f32 v32, v48;
	v44 =	vmul.f32 v47, v47;
	v28 =	vld [tilespmem:s1+$0x60]  }
0x2d0: {  	v20 =	vmul.f32 v20, v20;
	v15 =	vadd.f32 v25, v15;
	v25 =	vmul.f32 v23, v23;
	v33 =	vld [tilespmem:s1+$0x70]  }
0x2d1: {  	v18 =	vadd.f32 v26, v18;
	v24 =	vmul.f32 v32, v32;
	v14 =	vadd.f32 v44, v14;
	v46 =	vld [tilespmem:s1+$0x50]  }
0x2d2: {  	v23 =	vadd.f32 v20, v30;
	v25 =	vadd.f32 v25, v29;
	v29 =	vld [tilespmem:s29+$0x6360]  }
0x2d3: {  	v15 =	vadd.f32 v24, v15;
	v24 =	vadd.f32 v27, v18;
	v30 =	vld [tilespmem:s1+$0x40]  }
0x2d4: {  	v20 =	vld [tilespmem:s29+$0x6300];
	v18 =	vsub.f32 v22, v39;
	v27 =	vsub.f32 v35, v38  }
0x2d5: {  	v48 =	vld [tilespmem:s29+$0x6750];
	v47 =	vsub.f32 v63, v50;
	v49 =	vsub.f32 v60, v58  }
0x2d6: {  	v36 =	vld [tilespmem:s29+$0x6B50];
	v26 =	vsub.f32 v21, v42;
	v32 =	vsub.f32 v45, v46  }
0x2d7: {  	v57 =	vsub.f32 v59, v57;
	v28 =	vsub.f32 v29, v28;
	v22 =	vmul.f32 v18, v18;
	v18 =	vld [tilespmem:s29+$0x6740]  }
0x2d8: {  	v50 =	vld [tilespmem:s29+$0x6370];
	v60 =	vsub.f32 v56, v62;
	v29 =	vsub.f32 v41, v30;
	v27 =	vmul.f32 v27, v27  }
0x2d9: {  	v58 =	vld [tilespmem:s29+$0x6720];
	v63 =	vsub.f32 v55, v52;
	v21 =	vmul.f32 v47, v47;
	v59 =	vmul.f32 v49, v49  }
0x2da: {  	v39 =	vld [tilespmem:s7+$0x10];
	v20 =	vsub.f32 v20, v61;
	v30 =	vmul.f32 v32, v32;
	v62 =	vmul.f32 v57, v57  }
0x2db: {  	v37 =	vsub.f32 v48, v40;
	v41 =	vld [tilespmem:s28+$0x50];
	v35 =	vmul.f32 v60, v60;
	v40 =	vmul.f32 v63, v63  }
0x2dc: {  	v38 =	vld [tilespmem:s28+$0x40];
	v43 =	vmul.f32 v28, v28;
	v34 =	vadd.f32 v30, v15;
	v18 =	vsub.f32 v18, v31  }
0x2dd: {  	v28 =	vld [tilespmem:s29+$0x6B10];
	v37 =	vmul.f32 v37, v37;
	v31 =	vadd.f32 v62, v14;
	v14 =	vadd.f32 v35, v25  }
0x2de: {  	v45 =	vmul.f32 v20, v20;
	v30 =	vld [tilespmem:s28+$0x10];
	v44 =	vsub.f32 v50, v33;
	v42 =	vsub.f32 v58, v54  }
0x2df: {  	s30 =	simm.s32 $0x80;
	s31 =	simm.s32 $0x10;
	s0 =	simm.s32 $0x1;
	v33 =	vld [tilespmem:s29+$0x6B40];
	v35 =	vsub.f32 v53, v51;
	v25 =	vmul.f32 v18, v18;
	v32 =	vadd.f32 v59, v14  }
.LBB2_10:
0x2e0: {  	s1 =	smov.u32 s0  }
0x2e1: {  	s3 =	sand.u32 $0x7, s0;
	s4 =	sshrl.u32 s0, $0x3;
	v14 =	vadd.f32 v43, v24;
	v15 =	vsub.f32 v19, v39;
	v18 =	vmul.f32 v26, v26;
	v19 =	vld [tilespmem:s29+$0x6B70];
	s1 =	sadd.s32 $0x1, s0  }
0x2e2: {  	p0 =	sne.s32 s0, $0x3F;
	v20 =	vmul.f32 v44, v44;
	v24 =	vsub.f32 v36, v41;
	s4 =	smul.u32 $0x3000, s4;
	v17 =	vadd.f32 v45, v17;
	v26 =	vld [tilespmem:s28+$0x70]  }
0x2e3: {  	v23 =	vadd.f32 v40, v23;
	s0 =	smul.u32 $0x3000, s3;
	v15 =	vmul.f32 v15, v15;
	v14 =	vadd.f32 v27, v14;
	v27 =	vld [tilespmem:s29+$0x6B20]  }
0x2e4: {  	s7 =	sand.u32 $0x380, s31;
	v29 =	vmul.f32 v29, v29;
	s3 =	sand.u32 $0x380, s30;
	v16 =	vadd.f32 v20, v16;
	v20 =	vmul.f32 v42, v42;
	s4 =	sshra.s32 s4, $0x2;
	v36 =	vld [tilespmem:s29+$0x6B60]  }
0x2e5: {  	v24 =	vmul.f32 v24, v24;
	s29 =	sshrl.u32 s0, $0x2;
	s4 =	sor.u32 s3, s4;
	v15 =	vadd.f32 v15, v31;
	v31 =	vadd.f32 v37, v34;
	v34 =	vld [tilespmem:s28+$0x60]  }
0x2e6: {  	v20 =	vadd.f32 v20, v23;
	v23 =	vmul.f32 v35, v35;
	v33 =	vsub.f32 v33, v38;
	s3 =	sadd.s32 $0x12300, s4;
	s0 =	sadd.s32 $0x12700, s4;
	s28 =	sadd.s32 $0x12B00, s4;
	v37 =	vld [tilespmem:s4+$0x12B00]  }
0x2e7: {  	v13 =	vadd.f32 v29, v13;
	v28 =	vsub.f32 v28, v30;
	s29 =	sor.u32 s7, s29;
	v35 =	vld [tilespmem:s28+$0x20]  }
0x2e8: {  	v30 =	vadd.f32 v23, v32;
	v23 =	vmul.f32 v33, v33;
	v26 =	vsub.f32 v19, v26;
	v38 =	vld [tilespmem:s28+$0x30]  }
0x2e9: {  	v16 =	vadd.f32 v18, v16;
	v18 =	vmul.f32 v28, v28;
	v27 =	vsub.f32 v27, v12;
	v32 =	vld [tilespmem:s3+$0x20]  }
0x2ea: {  	v17 =	vadd.f32 v22, v17;
	v26 =	vmul.f32 v26, v26;
	v19 =	vld [tilespmem:s29+$0x6710];
	v22 =	vsub.f32 v36, v34  }
0x2eb: {  	v13 =	vadd.f32 v25, v13;
	v15 =	vadd.f32 v18, v15;
	v18 =	vmul.f32 v27, v27;
	v33 =	vld [tilespmem:s29+$0x6B30]  }
0x2ec: {  	v17 =	vadd.f32 v21, v17;
	v25 =	vadd.f32 v24, v31;
	v42 =	vld [tilespmem:s0+$0x20];
	v21 =	vmul.f32 v22, v22;
	v12 =	vmovc v35  }
0x2ed: {  	v13 =	vadd.f32 v23, v13;
	v16 =	vadd.f32 v26, v16;
	v28 =	vld [tilespmem:s29+$0x6320]  }
0x2ee: {  	v23 =	vadd.f32 v18, v20;
	v29 =	vld [tilespmem:s29+$0x6330];
	v24 =	vadd.f32 v21, v14  }
0x2ef: {  	v14 =	vld [tilespmem:s3+$0x10]  }
0x2f0: {  	v18 =	vld [tilespmem:s0+$0x30]  }
0x2f1: {  	v20 =	vld [tilespmem:s29+$0x6310]  }
0x2f2: {  	v21 =	vld [tilespmem:s29+$0x6730]  }
0x2f3: {  	v31 =	vld [tilespmem:s4+$0x12300]  }
0x2f4: {  	v34 =	vld [tilespmem:s3+$0x30]  }
0x2f5: {  	v27 =	vld [tilespmem:s29+$0x6B00]  }
0x2f6: {  	v22 =	vld [tilespmem:s4+$0x12700]  }
0x2f7: {  	v18 =	vsub.f32 v21, v18;
	v21 =	vld [tilespmem:s0+$0x70]  }
0x2f8: {  	v26 =	vld [tilespmem:s29+$0x6700]  }
0x2f9: {  	v35 =	vld [tilespmem:s0+$0x60]  }
0x2fa: {  	v40 =	vld [tilespmem:s0+$0x50]  }
0x2fb: {  	v41 =	vld [tilespmem:s0+$0x40]  }
0x2fc: {  	v36 =	vld [tilespmem:s29+$0x6760]  }
0x2fd: {  	v39 =	vld [tilespmem:s29+$0x6340]  }
0x2fe: {  	v43 =	vld [tilespmem:s29+$0x6770]  }
0x2ff: {  	v44 =	vld [tilespmem:s29+$0x6350]  }
0x300: {  	v45 =	vld [tilespmem:s3+$0x60]  }
0x301: {  	v46 =	vld [tilespmem:s3+$0x70];
	v35 =	vsub.f32 v36, v35  }
0x302: {  	v36 =	vld [tilespmem:s3+$0x50]  }
0x303: {  	v22 =	vsub.f32 v26, v22;
	v47 =	vld [tilespmem:s29+$0x6300];
	v26 =	vsub.f32 v43, v21  }
0x304: {  	v43 =	vld [tilespmem:s29+$0x6360]  }
0x305: {  	v22 =	vmul.f32 v22, v22;
	v48 =	vld [tilespmem:s3+$0x40]  }
0x306: {  	v21 =	vsub.f32 v27, v37;
	v49 =	vld [tilespmem:s29+$0x6750]  }
0x307: {  	v36 =	vsub.f32 v44, v36;
	v37 =	vld [tilespmem:s29+$0x6740]  }
0x308: {  	v27 =	vmul.f32 v35, v35;
	v21 =	vmul.f32 v21, v21;
	v44 =	vld [tilespmem:s29+$0x6370]  }
0x309: {  	v14 =	vsub.f32 v20, v14;
	v18 =	vmul.f32 v18, v18;
	v20 =	vsub.f32 v43, v45;
	v50 =	vld [tilespmem:s29+$0x6720]  }
0x30a: {  	v34 =	vsub.f32 v29, v34;
	v35 =	vmul.f32 v36, v36;
	v29 =	vsub.f32 v39, v48;
	v39 =	vld [tilespmem:s0+$0x10]  }
0x30b: {  	v28 =	vsub.f32 v28, v32;
	v14 =	vmul.f32 v14, v14;
	v45 =	vsub.f32 v47, v31;
	v36 =	vld [tilespmem:s29+$0x6B50]  }
.Ltmp4:
0x30c: {  	v32 =	vmul.f32 v34, v34;
	v47 =	vsub.f32 v49, v40;
	v37 =	vsub.f32 v37, v41;
	v41 =	vld [tilespmem:s28+$0x50];
	(pc) =	sbr.rel @p0 .LBB2_10-.Ltmp4, $4  }
0x30d: {  	v31 =	vadd.f32 v14, v15;
	v40 =	vmul.f32 v28, v28;
	v43 =	vmul.f32 v20, v20;
	v28 =	vld [tilespmem:s29+$0x6B10]  }
0x30e: {  	v14 =	vadd.f32 v32, v30;
	v34 =	vadd.f32 v35, v25;
	v25 =	vmul.f32 v37, v37;
	v30 =	vld [tilespmem:s28+$0x10]  }
0x30f: {  	v35 =	vsub.f32 v33, v38;
	v44 =	vsub.f32 v44, v46;
	v37 =	vmul.f32 v47, v47;
	v33 =	vld [tilespmem:s29+$0x6B40]  }
0x310: {  	s31 =	sadd.s32 $0x10, s31;
	s30 =	sadd.s32 $0x80, s30;
	s0 =	smov.u32 s1;
	v45 =	vmul.f32 v45, v45;
	v32 =	vadd.f32 v18, v14;
	v42 =	vsub.f32 v50, v42;
	v38 =	vld [tilespmem:s28+$0x40]  }
0x311: {  	v46 =	vld [tilespmem:s29+$0x6B70]  }
0x312: {  	v47 =	vld [tilespmem:s28+$0x70]  }
0x313: {  	v48 =	vld [tilespmem:s29+$0x6B20]  }
0x314: {  	v49 =	vld [tilespmem:s29+$0x6B60];
	s0 =	simm.s32 $0x0;
	s1 =	rddreg [dreg:$0xc];
	s3 =	simm.s32 $0x6300  }
0x315: {  	v50 =	vld [tilespmem:s28+$0x60];
	[tilespmem:s3], [sflag:$0x2] =	stream.linear.gather [hbm4b:s1+s0], $0x6000, $0x38  }
0x316: {  	v14 =	vld [tilespmem:$0x2C0];
	_ =	sdelay $0x4  }
0x317: {  	v15 =	vshrl.u32 v14, $0x3  }
0x318: {  	v15 =	vmul.u32 $0x18, v15  }
0x319: {  	v14 =	vand.u32 $0x7, v14  }
0x31a: {  	v14 =	vor.u32 v14, v15  }
0x31b: {  	v15 =	vperm.xlane v14, v0;
	_ =	sdelay $0x1  }
0x31c: {  	v15 =	vadd.s32 v2, v15;
	_ =	sdelay $0x1  }
0x31d: {  	v14 =	vperm.xlane v14, v3;
	_ =	sdelay $0x1  }
0x31e: {  	s7 =	simm.s32 $0x12300;
	v14 =	vadd.s32 v2, v14  }
0x31f: {  	[tilespmem:s7], [sflag:$0x4] =	stream.indirect_vreg.gather [hbm4b:s2+s0], $0x80, v15, vm0, $0xb8;
	[tilespmem:$0x18400] =	vst v63  }
0x320: {  	s3 =	simm.s32 $0x12B00  }
0x321: {  	[tilespmem:s3], [sflag:$0x4] =	stream.indirect_vreg.gather [hbm4b:s6+s0], $0x80, v15, vm1, $0xb8;
	[tilespmem:$0x18400] =	vst v63  }
0x322: {  	_ = 	snop  }
0x323: {  	[tilespmem:s8], [sflag:$0x4] =	stream.indirect_vreg.gather [hbm4b:s2+s0], $0x80, v14, vm0, $0xb8;
	[tilespmem:$0x18400] =	vst v63  }
0x324: {  	_ = 	snop  }
0x325: {  	[tilespmem:s9], [sflag:$0x4] =	stream.indirect_vreg.gather [hbm4b:s6+s0], $0x80, v14, vm1, $0xb8;
	[tilespmem:$0x18400] =	vst v63  }
0x326: {  	v14 =	vld [tilespmem:$0x2D0];
	_ =	sdelay $0x4  }
0x327: {  	v15 =	vshrl.u32 v14, $0x3  }
0x328: {  	v15 =	vmul.u32 $0x18, v15  }
0x329: {  	v14 =	vand.u32 $0x7, v14  }
0x32a: {  	v14 =	vor.u32 v14, v15  }
0x32b: {  	v15 =	vperm.xlane v14, v0;
	_ =	sdelay $0x1  }
0x32c: {  	v15 =	vadd.s32 v2, v15;
	_ =	sdelay $0x1  }
0x32d: {  	v14 =	vperm.xlane v14, v3;
	_ =	sdelay $0x1  }
0x32e: {  	v14 =	vadd.s32 v2, v14  }
0x32f: {  	[tilespmem:s10], [sflag:$0x4] =	stream.indirect_vreg.gather [hbm4b:s2+s0], $0x80, v15, vm0, $0xb8;
	[tilespmem:$0x18400] =	vst v63  }
0x330: {  	_ = 	snop  }
0x331: {  	[tilespmem:s11], [sflag:$0x4] =	stream.indirect_vreg.gather [hbm4b:s6+s0], $0x80, v15, vm1, $0xb8;
	[tilespmem:$0x18400] =	vst v63  }
0x332: {  	_ = 	snop  }
0x333: {  	[tilespmem:s12], [sflag:$0x4] =	stream.indirect_vreg.gather [hbm4b:s2+s0], $0x80, v14, vm0, $0xb8;
	[tilespmem:$0x18400] =	vst v63  }
0x334: {  	_ = 	snop  }
0x335: {  	[tilespmem:s13], [sflag:$0x4] =	stream.indirect_vreg.gather [hbm4b:s6+s0], $0x80, v14, vm1, $0xb8;
	[tilespmem:$0x18400] =	vst v63  }
0x336: {  	v14 =	vld [tilespmem:$0x2E0];
	_ =	sdelay $0x4  }
0x337: {  	v15 =	vshrl.u32 v14, $0x3  }
0x338: {  	v15 =	vmul.u32 $0x18, v15  }
0x339: {  	v14 =	vand.u32 $0x7, v14  }
0x33a: {  	v14 =	vor.u32 v14, v15  }
0x33b: {  	v15 =	vperm.xlane v14, v0;
	_ =	sdelay $0x1  }
0x33c: {  	v15 =	vadd.s32 v2, v15;
	_ =	sdelay $0x1  }
0x33d: {  	v14 =	vperm.xlane v14, v3;
	_ =	sdelay $0x1  }
0x33e: {  	v14 =	vadd.s32 v2, v14  }
0x33f: {  	[tilespmem:s14], [sflag:$0x4] =	stream.indirect_vreg.gather [hbm4b:s2+s0], $0x80, v15, vm0, $0xb8;
	[tilespmem:$0x18400] =	vst v63  }
0x340: {  	_ = 	snop  }
0x341: {  	[tilespmem:s5], [sflag:$0x4] =	stream.indirect_vreg.gather [hbm4b:s6+s0], $0x80, v15, vm1, $0xb8;
	[tilespmem:$0x18400] =	vst v63  }
0x342: {  	_ = 	snop  }
0x343: {  	[tilespmem:s16], [sflag:$0x4] =	stream.indirect_vreg.gather [hbm4b:s2+s0], $0x80, v14, vm0, $0xb8;
	[tilespmem:$0x18400] =	vst v63  }
0x344: {  	_ = 	snop  }
0x345: {  	[tilespmem:s17], [sflag:$0x4] =	stream.indirect_vreg.gather [hbm4b:s6+s0], $0x80, v14, vm1, $0xb8;
	[tilespmem:$0x18400] =	vst v63  }
0x346: {  	v14 =	vld [tilespmem:$0x2F0];
	_ =	sdelay $0x4  }
0x347: {  	v15 =	vshrl.u32 v14, $0x3  }
0x348: {  	v15 =	vmul.u32 $0x18, v15  }
0x349: {  	v14 =	vand.u32 $0x7, v14  }
0x34a: {  	v14 =	vor.u32 v14, v15  }
0x34b: {  	v15 =	vperm.xlane v14, v0;
	_ =	sdelay $0x1  }
0x34c: {  	v15 =	vadd.s32 v2, v15;
	_ =	sdelay $0x1  }
0x34d: {  	v14 =	vperm.xlane v14, v3;
	_ =	sdelay $0x1  }
0x34e: {  	v14 =	vadd.s32 v2, v14  }
0x34f: {  	[tilespmem:s18], [sflag:$0x4] =	stream.indirect_vreg.gather [hbm4b:s2+s0], $0x80, v15, vm0, $0xb8;
	[tilespmem:$0x18400] =	vst v63  }
0x350: {  	_ = 	snop  }
0x351: {  	[tilespmem:s19], [sflag:$0x4] =	stream.indirect_vreg.gather [hbm4b:s6+s0], $0x80, v15, vm1, $0xb8;
	[tilespmem:$0x18400] =	vst v63  }
0x352: {  	_ = 	snop  }
0x353: {  	[tilespmem:s20], [sflag:$0x4] =	stream.indirect_vreg.gather [hbm4b:s2+s0], $0x80, v14, vm0, $0xb8;
	[tilespmem:$0x18400] =	vst v63  }
0x354: {  	_ = 	snop  }
0x355: {  	[tilespmem:s21], [sflag:$0x4] =	stream.indirect_vreg.gather [hbm4b:s6+s0], $0x80, v14, vm1, $0xb8;
	[tilespmem:$0x18400] =	vst v63  }
0x356: {  	_ =	swait.ge [sflag:s22], $0x6000  }
0x357: {  	s4 =	sand.u32 $0x7, s0;
	[sflag:s22] =	ssyncset.done $0x0  }
0x358: {  	s1 =	smul.u32 $0x3000, s4;
	s7 =	simm.s32 $0x0;
	[sflag:s22] =	ssyncadd.s32 $0xFFFFA000  }
0x359: {  	s3 =	smul.u32 $0x3000, s7;
	_ =	swait.ge [sflag:s23], $0x6000  }
0x35a: {  	s1 =	sshrl.u32 s1, $0x2;
	s0 =	sand.u32 $0x380, s0;
	[sflag:s23] =	ssyncset.done $0x0  }
0x35b: {  	s3 =	sshra.s32 s3, $0x2;
	s28 =	sor.u32 s0, s1;
	[sflag:s23] =	ssyncadd.s32 $0xFFFFA000  }
0x35c: {  	s29 =	sor.u32 s0, s3;
	v14 =	vld [tilespmem:s28+$0x710]  }
0x35d: {  	v15 =	vld [tilespmem:s29+$0xC710]  }
0x35e: {  	v20 =	vld [tilespmem:s29+$0xC770]  }
0x35f: {  	v18 =	vld [tilespmem:s29+$0xCB00]  }
0x360: {  	v51 =	vld [tilespmem:s29+$0xC370]  }
0x361: {  	v52 =	vld [tilespmem:s29+$0xC300]  }
0x362: {  	v53 =	vld [tilespmem:s28+$0x300]  }
0x363: {  	v54 =	vld [tilespmem:s28+$0x370]  }
0x364: {  	v55 =	vld [tilespmem:s29+$0xC700]  }
0x365: {  	v56 =	vld [tilespmem:s29+$0xC310]  }
0x366: {  	v57 =	vld [tilespmem:s28+$0xB60]  }
0x367: {  	v58 =	vld [tilespmem:s28+$0x700]  }
0x368: {  	v59 =	vld [tilespmem:s29+$0xC760]  }
0x369: {  	v60 =	vld [tilespmem:s28+$0x760]  }
0x36a: {  	v61 =	vld [tilespmem:s29+$0xC750]  }
0x36b: {  	v62 =	vld [tilespmem:s28+$0x310]  }
0x36c: {  	v63 =	vld [tilespmem:s28+$0x750]  }
0x36d: {  	v19 =	vsub.f32 v19, v39;
	v24 =	vadd.f32 v43, v24;
	v39 =	vld [tilespmem:s29+$0xC740]  }
0x36e: {  	v44 =	vmul.f32 v44, v44;
	v36 =	vsub.f32 v36, v41;
	v43 =	vadd.f32 v45, v17;
	v17 =	vld [tilespmem:s29+$0xCB20]  }
0x36f: {  	v23 =	vadd.f32 v40, v23;
	v29 =	vmul.f32 v29, v29;
	v19 =	vmul.f32 v19, v19;
	v41 =	vld [tilespmem:s28+$0x740]  }
0x370: {  	v34 =	vadd.f32 v37, v34;
	v27 =	vadd.f32 v27, v24;
	v24 =	vmul.f32 v42, v42;
	v40 =	vld [tilespmem:s29+$0xC730]  }
0x371: {  	v16 =	vadd.f32 v44, v16;
	v19 =	vadd.f32 v19, v31;
	v31 =	vld [tilespmem:s28+$0x730]  }
0x372: {  	v13 =	vadd.f32 v29, v13;
	v37 =	vadd.f32 v24, v23;
	v23 =	vmul.f32 v35, v35;
	v35 =	vld [tilespmem:s29+$0xC720]  }
0x373: {  	v28 =	vsub.f32 v28, v30;
	v22 =	vadd.f32 v22, v43;
	v24 =	vmul.f32 v26, v26;
	v26 =	vld [tilespmem:s28+$0x720]  }
0x374: {  	v33 =	vsub.f32 v33, v38;
	v29 =	vadd.f32 v23, v32;
	v32 =	vld [tilespmem:s29+$0xCB60]  }
0x375: {  	v25 =	vadd.f32 v25, v13;
	v16 =	vadd.f32 v24, v16;
	v24 =	vld [tilespmem:s29+$0xC360]  }
0x376: {  	v28 =	vmul.f32 v28, v28;
	v12 =	vsub.f32 v48, v12;
	v30 =	vsub.f32 v49, v50;
	v45 =	vld [tilespmem:s29+$0xC350]  }
0x377: {  	v13 =	vmul.f32 v36, v36;
	v21 =	vadd.f32 v21, v22;
	v23 =	vsub.f32 v46, v47;
	v38 =	vld [tilespmem:s28+$0x330]  }
0x378: {  	v33 =	vmul.f32 v33, v33;
	v19 =	vadd.f32 v28, v19;
	v12 =	vmul.f32 v12, v12;
	v46 =	vld [tilespmem:s28+$0x320]  }
0x379: {  	v13 =	vadd.f32 v13, v34;
	v28 =	vmul.f32 v30, v30;
	v23 =	vmul.f32 v23, v23;
	v42 =	vld [tilespmem:s29+$0xC340]  }
0x37a: {  	v22 =	vadd.f32 v33, v25;
	v12 =	vadd.f32 v12, v37;
	v25 =	vld [tilespmem:s29+$0xC330]  }
0x37b: {  	v23 =	vadd.f32 v23, v16;
	v16 =	vadd.f32 v28, v27;
	v27 =	vld [tilespmem:s29+$0xC320]  }
0x37c: {  	v34 =	vld [tilespmem:s29+$0xCB40];
	v37 =	vsub.f32 v58, v55;
	v28 =	vsub.f32 v31, v40  }
0x37d: {  	v48 =	vld [tilespmem:s28+$0xB40];
	v30 =	vsub.f32 v26, v35;
	v26 =	vsub.f32 v41, v39  }
0x37e: {  	v35 =	vld [tilespmem:s28+$0x340];
	v47 =	vsub.f32 v63, v61;
	v49 =	vsub.f32 v60, v59  }
0x37f: {  	v38 =	vsub.f32 v38, v25;
	v31 =	vld [tilespmem:s28+$0x360];
	v55 =	vsub.f32 v53, v52  }
0x380: {  	v32 =	vsub.f32 v57, v32;
	v58 =	vld [tilespmem:s28+$0x350];
	v59 =	vsub.f32 v46, v27;
	v50 =	vmul.f32 v28, v28  }
0x381: {  	v61 =	vsub.f32 v62, v56;
	v39 =	vld [tilespmem:s28+$0x770];
	v33 =	vmul.f32 v26, v26;
	v25 =	vmul.f32 v47, v47  }
0x382: {  	v63 =	vsub.f32 v54, v51;
	v40 =	vld [tilespmem:s29+$0xCB70];
	v26 =	vmul.f32 v49, v49;
	v38 =	vmul.f32 v38, v38  }
0x383: {  	v43 =	vsub.f32 v48, v34;
	v41 =	vld [tilespmem:s28+$0xB20];
	v60 =	vmul.f32 v55, v55;
	v27 =	vmul.f32 v32, v32  }
0x384: {  	v28 =	vld [tilespmem:s29+$0xCB30];
	v62 =	vmul.f32 v59, v59;
	v29 =	vadd.f32 v38, v29;
	v35 =	vsub.f32 v35, v42  }
0x385: {  	v36 =	vmul.f32 v61, v61;
	v37 =	vmul.f32 v37, v37;
	v21 =	vadd.f32 v60, v21;
	v42 =	vld [tilespmem:s28+$0xB00]  }
0x386: {  	v32 =	vld [tilespmem:s28+$0xB50];
	v34 =	vadd.f32 v62, v12;
	v29 =	vadd.f32 v50, v29;
	v44 =	vmul.f32 v35, v35  }
0x387: {  	s30 =	simm.s32 $0x80;
	s31 =	simm.s32 $0x10;
	s0 =	simm.s32 $0x1;
	v38 =	vld [tilespmem:s28+$0xB70];
	v35 =	vadd.f32 v37, v21;
	v37 =	vsub.f32 v58, v45;
	v45 =	vmul.f32 v63, v63  }
.LBB2_12:
0x388: {  	s1 =	smov.u32 s0  }
0x389: {  	s3 =	sand.u32 $0x7, s0;
	s4 =	sshrl.u32 s0, $0x3;
	v12 =	vadd.f32 v44, v22;
	v21 =	vmul.f32 v30, v30;
	v20 =	vsub.f32 v39, v20;
	v30 =	vld [tilespmem:s28+$0xB10];
	s1 =	sadd.s32 $0x1, s0  }
0x38a: {  	p0 =	sne.s32 s0, $0x3F;
	v39 =	vmul.f32 v43, v43;
	s4 =	smul.u32 $0x3000, s4;
	v22 =	vadd.f32 v45, v23;
	v18 =	vsub.f32 v42, v18;
	v23 =	vld [tilespmem:s29+$0xCB10]  }
0x38b: {  	v15 =	vsub.f32 v14, v15;
	s0 =	smul.u32 $0x3000, s3;
	v12 =	vadd.f32 v33, v12;
	v14 =	vmul.f32 v20, v20;
	v20 =	vld [tilespmem:s29+$0xCB50]  }
0x38c: {  	v19 =	vadd.f32 v36, v19;
	s3 =	sand.u32 $0x380, s31;
	v33 =	vmul.f32 v37, v37;
	s4 =	sshra.s32 s4, $0x2;
	v36 =	vsub.f32 v38, v40  }
0x38d: {  	s7 =	sand.u32 $0x380, s30;
	s0 =	sshrl.u32 s0, $0x2;
	v18 =	vmul.f32 v18, v18;
	v37 =	vadd.f32 v14, v22;
	v17 =	vsub.f32 v41, v17  }
0x38e: {  	v24 =	vsub.f32 v31, v24;
	s29 =	sor.u32 s7, s4;
	v22 =	vadd.f32 v39, v12;
	v12 =	vmul.f32 v36, v36;
	v31 =	vld [tilespmem:s28+$0xB30];
	s28 =	sor.u32 s3, s0  }
0x38f: {  	v36 =	vmul.f32 v15, v15;
	v35 =	vadd.f32 v18, v35;
	v14 =	vld [tilespmem:s28+$0x710];
	v18 =	vsub.f32 v30, v23  }
0x390: {  	v24 =	vmul.f32 v24, v24;
	v23 =	vadd.f32 v12, v37;
	v15 =	vld [tilespmem:s29+$0xC710];
	v30 =	vsub.f32 v32, v20  }
0x391: {  	v21 =	vadd.f32 v21, v34;
	v12 =	vadd.f32 v36, v19;
	v20 =	vld [tilespmem:s29+$0xC770];
	v19 =	vmul.f32 v18, v18  }
0x392: {  	v13 =	vadd.f32 v33, v13;
	v16 =	vadd.f32 v24, v16;
	v17 =	vmul.f32 v17, v17;
	v18 =	vld [tilespmem:s29+$0xCB00]  }
0x393: {  	v24 =	vmul.f32 v30, v30;
	v34 =	vld [tilespmem:s29+$0xC370];
	v19 =	vadd.f32 v19, v12;
	v12 =	vsub.f32 v31, v28  }
0x394: {  	v13 =	vadd.f32 v25, v13;
	v21 =	vadd.f32 v17, v21;
	v28 =	vld [tilespmem:s29+$0xC300]  }
0x395: {  	v16 =	vadd.f32 v26, v16;
	v32 =	vld [tilespmem:s28+$0x300];
	v12 =	vmul.f32 v12, v12  }
0x396: {  	v13 =	vadd.f32 v24, v13;
	v37 =	vld [tilespmem:s28+$0x370]  }
0x397: {  	v16 =	vadd.f32 v27, v16;
	v17 =	vld [tilespmem:s29+$0xC700];
	v12 =	vadd.f32 v12, v29  }
0x398: {  	v29 =	vld [tilespmem:s29+$0xC310]  }
0x399: {  	v26 =	vld [tilespmem:s28+$0xB60]  }
0x39a: {  	v24 =	vld [tilespmem:s28+$0x700]  }
0x39b: {  	v27 =	vld [tilespmem:s29+$0xC760]  }
0x39c: {  	v31 =	vld [tilespmem:s28+$0x760]  }
0x39d: {  	v25 =	vld [tilespmem:s29+$0xC750]  }
0x39e: {  	v36 =	vld [tilespmem:s28+$0x310]  }
0x39f: {  	v38 =	vsub.f32 v24, v17;
	v39 =	vld [tilespmem:s28+$0x750]  }
0x3a0: {  	v33 =	vld [tilespmem:s29+$0xC740]  }
0x3a1: {  	v17 =	vld [tilespmem:s29+$0xCB20]  }
0x3a2: {  	v40 =	vld [tilespmem:s28+$0x740]  }
0x3a3: {  	v30 =	vld [tilespmem:s29+$0xC730]  }
0x3a4: {  	v41 =	vld [tilespmem:s28+$0x730]  }
0x3a5: {  	v42 =	vld [tilespmem:s29+$0xC720]  }
0x3a6: {  	v43 =	vld [tilespmem:s28+$0x720]  }
0x3a7: {  	v44 =	vld [tilespmem:s29+$0xCB60]  }
0x3a8: {  	v24 =	vld [tilespmem:s29+$0xC360]  }
0x3a9: {  	v45 =	vld [tilespmem:s29+$0xC350]  }
0x3aa: {  	v41 =	vsub.f32 v41, v30;
	v46 =	vld [tilespmem:s28+$0x330]  }
0x3ab: {  	v47 =	vld [tilespmem:s28+$0x320];
	v30 =	vsub.f32 v43, v42  }
0x3ac: {  	v33 =	vsub.f32 v40, v33;
	v41 =	vmul.f32 v41, v41;
	v42 =	vld [tilespmem:s29+$0xC340]  }
0x3ad: {  	v40 =	vld [tilespmem:s29+$0xC330]  }
0x3ae: {  	v25 =	vsub.f32 v39, v25;
	v33 =	vmul.f32 v33, v33;
	v43 =	vld [tilespmem:s29+$0xCB40]  }
0x3af: {  	v39 =	vld [tilespmem:s29+$0xC320]  }
0x3b0: {  	v27 =	vsub.f32 v31, v27;
	v25 =	vmul.f32 v25, v25;
	v48 =	vld [tilespmem:s28+$0x340]  }
0x3b1: {  	v44 =	vsub.f32 v26, v44;
	v49 =	vld [tilespmem:s28+$0xB40]  }
0x3b2: {  	v26 =	vmul.f32 v27, v27;
	v40 =	vsub.f32 v46, v40;
	v31 =	vld [tilespmem:s28+$0x360]  }
0x3b3: {  	v32 =	vsub.f32 v32, v28;
	v28 =	vld [tilespmem:s29+$0xCB30]  }
0x3b4: {  	v27 =	vmul.f32 v44, v44;
	v46 =	vsub.f32 v47, v39;
	v40 =	vmul.f32 v40, v40;
	v47 =	vld [tilespmem:s28+$0x350]  }
0x3b5: {  	v29 =	vsub.f32 v36, v29;
	v44 =	vmul.f32 v32, v32;
	v48 =	vsub.f32 v48, v42;
	v39 =	vld [tilespmem:s28+$0x770]  }
.Ltmp5:
0x3b6: {  	v12 =	vadd.f32 v40, v12;
	v32 =	vld [tilespmem:s28+$0xB50];
	(pc) =	sbr.rel @p0 .LBB2_12-.Ltmp5, $4  }
0x3b7: {  	v36 =	vmul.f32 v29, v29;
	v35 =	vadd.f32 v44, v35;
	v40 =	vmul.f32 v38, v38;
	v42 =	vld [tilespmem:s28+$0xB00]  }
0x3b8: {  	v50 =	vsub.f32 v37, v34;
	v46 =	vmul.f32 v46, v46;
	v29 =	vadd.f32 v41, v12;
	v38 =	vld [tilespmem:s28+$0xB70]  }
0x3b9: {  	v43 =	vsub.f32 v49, v43;
	v44 =	vmul.f32 v48, v48;
	v35 =	vadd.f32 v40, v35;
	v40 =	vld [tilespmem:s29+$0xCB70]  }
0x3ba: {  	s30 =	sadd.s32 $0x80, s30;
	s31 =	sadd.s32 $0x10, s31;
	s0 =	smov.u32 s1;
	v34 =	vadd.f32 v46, v21;
	v37 =	vsub.f32 v47, v45;
	v45 =	vmul.f32 v50, v50;
	v41 =	vld [tilespmem:s28+$0xB20]  }
0x3bb: {  	v46 =	vld [tilespmem:s28+$0xB10]  }
0x3bc: {  	v47 =	vld [tilespmem:s29+$0xCB10]  }
0x3bd: {  	v48 =	vld [tilespmem:s29+$0xCB50]  }
0x3be: {  	v49 =	vld [tilespmem:s28+$0xB30];
	_ =	swait.ge [sflag:s24], $0x6000  }
0x3bf: {  	s0 =	simm.s32 $0x0;
	[sflag:s24] =	ssyncset.done $0x0  }
0x3c0: {  	s0 =	smul.u32 $0x3000, s0;
	[sflag:s24] =	ssyncadd.s32 $0xFFFFA000  }
0x3c1: {  	s1 =	simm.s32 $0x0;
	_ =	swait.ge [sflag:s25], $0x6000  }
0x3c2: {  	s3 =	sand.u32 $0x380, s1;
	s0 =	sshra.s32 s0, $0x2;
	[sflag:s25] =	ssyncset.done $0x0  }
0x3c3: {  	s1 =	sand.u32 $0x7, s1;
	s4 =	sor.u32 s3, s0;
	[sflag:s25] =	ssyncadd.s32 $0xFFFFA000  }
0x3c4: {  	s1 =	smul.u32 $0x3000, s1;
	s28 =	sadd.s32 $0x12B00, s4;
	v50 =	vld [tilespmem:s4+$0x12B00]  }
0x3c5: {  	v12 =	vld [tilespmem:s28+$0x20]  }
0x3c6: {  	s0 =	sshrl.u32 s1, $0x2;
	s1 =	sadd.s32 $0x12300, s4;
	v51 =	vld [tilespmem:s28+$0x30]  }
0x3c7: {  	s29 =	sor.u32 s3, s0;
	v52 =	vld [tilespmem:s1+$0x20]  }
0x3c8: {  	s7 =	sadd.s32 $0x12700, s4;
	v21 =	vld [tilespmem:s29+$0x6710]  }
0x3c9: {  	v54 =	vld [tilespmem:s7+$0x20]  }
0x3ca: {  	v56 =	vld [tilespmem:s29+$0x6330]  }
0x3cb: {  	v57 =	vld [tilespmem:s1+$0x10]  }
0x3cc: {  	v58 =	vld [tilespmem:s7+$0x30]  }
0x3cd: {  	v59 =	vld [tilespmem:s29+$0x6310]  }
0x3ce: {  	v60 =	vld [tilespmem:s29+$0x6730]  }
0x3cf: {  	v61 =	vld [tilespmem:s4+$0x12300]  }
0x3d0: {  	v62 =	vld [tilespmem:s1+$0x30]  }
0x3d1: {  	v63 =	vld [tilespmem:s29+$0x6B00]  }
0x3d2: {  	v22 =	vadd.f32 v44, v22;
	v20 =	vsub.f32 v39, v20;
	v39 =	vld [tilespmem:s4+$0x12700]  }
0x3d3: {  	v18 =	vsub.f32 v42, v18;
	v42 =	vld [tilespmem:s7+$0x70]  }
0x3d4: {  	v15 =	vsub.f32 v14, v15;
	v14 =	vadd.f32 v33, v22;
	v22 =	vld [tilespmem:s29+$0x6700]  }
0x3d5: {  	v23 =	vadd.f32 v45, v23;
	v20 =	vmul.f32 v20, v20;
	v44 =	vsub.f32 v38, v40;
	v38 =	vld [tilespmem:s7+$0x60]  }
0x3d6: {  	v24 =	vsub.f32 v31, v24;
	v18 =	vmul.f32 v18, v18;
	v40 =	vld [tilespmem:s7+$0x50]  }
0x3d7: {  	v45 =	vmul.f32 v43, v43;
	v20 =	vadd.f32 v20, v23;
	v31 =	vld [tilespmem:s7+$0x40]  }
0x3d8: {  	v24 =	vmul.f32 v24, v24;
	v23 =	vsub.f32 v41, v17;
	v17 =	vadd.f32 v18, v35;
	v35 =	vld [tilespmem:s29+$0x6760]  }
0x3d9: {  	v14 =	vadd.f32 v45, v14;
	v41 =	vld [tilespmem:s29+$0x6340]  }
0x3da: {  	v16 =	vadd.f32 v24, v16;
	v45 =	vmul.f32 v44, v44;
	v18 =	vsub.f32 v46, v47;
	v46 =	vld [tilespmem:s29+$0x6350]  }
0x3db: {  	v19 =	vadd.f32 v36, v19;
	v44 =	vmul.f32 v15, v15;
	v43 =	vld [tilespmem:s1+$0x70]  }
0x3dc: {  	v16 =	vadd.f32 v26, v16;
	v26 =	vld [tilespmem:s29+$0x6300];
	v15 =	vadd.f32 v45, v20;
	v20 =	vmul.f32 v37, v37  }
0x3dd: {  	v30 =	vmul.f32 v30, v30;
	v19 =	vadd.f32 v44, v19;
	v45 =	vld [tilespmem:s29+$0x6770]  }
0x3de: {  	v18 =	vmul.f32 v18, v18;
	v13 =	vadd.f32 v20, v13;
	v20 =	vsub.f32 v49, v28;
	v28 =	vld [tilespmem:s1+$0x60]  }
0x3df: {  	v30 =	vadd.f32 v30, v34;
	v32 =	vsub.f32 v32, v48;
	v23 =	vmul.f32 v23, v23;
	v49 =	vld [tilespmem:s29+$0x6740]  }
0x3e0: {  	v24 =	vadd.f32 v18, v19;
	v13 =	vadd.f32 v25, v13;
	v25 =	vld [tilespmem:s1+$0x50]  }
0x3e1: {  	v18 =	vadd.f32 v23, v30;
	v20 =	vmul.f32 v20, v20;
	v47 =	vsub.f32 v63, v50;
	v63 =	vld [tilespmem:s29+$0x6750]  }
0x3e2: {  	v19 =	vmul.f32 v32, v32;
	v23 =	vsub.f32 v35, v38;
	v48 =	vsub.f32 v60, v58;
	v50 =	vld [tilespmem:s29+$0x6370]  }
0x3e3: {  	v58 =	vsub.f32 v59, v57;
	v20 =	vadd.f32 v20, v29;
	v29 =	vld [tilespmem:s29+$0x6360]  }
0x3e4: {  	v59 =	vld [tilespmem:s29+$0x6720];
	v61 =	vsub.f32 v26, v61;
	v30 =	vadd.f32 v19, v13  }
0x3e5: {  	v19 =	vadd.f32 v27, v16;
	v13 =	vsub.f32 v22, v39;
	v27 =	vld [tilespmem:s1+$0x40]  }
0x3e6: {  	v55 =	vld [tilespmem:s29+$0x6320];
	v22 =	vsub.f32 v45, v42;
	v23 =	vmul.f32 v23, v23;
	v60 =	vmul.f32 v48, v48  }
0x3e7: {  	v53 =	vld [tilespmem:s29+$0x6B30];
	v26 =	vmul.f32 v58, v58;
	v31 =	vsub.f32 v49, v31;
	v34 =	vsub.f32 v46, v25  }
0x3e8: {  	v37 =	vld [tilespmem:s28+$0x50];
	v16 =	vmul.f32 v13, v13;
	v28 =	vsub.f32 v29, v28;
	v29 =	vsub.f32 v56, v62  }
0x3e9: {  	v32 =	vld [tilespmem:s29+$0x6B50];
	v13 =	vmul.f32 v47, v47;
	v63 =	vsub.f32 v63, v40;
	v40 =	vsub.f32 v50, v43  }
0x3ea: {  	v35 =	vld [tilespmem:s7+$0x10];
	v38 =	vsub.f32 v59, v54;
	v25 =	vsub.f32 v41, v27;
	v29 =	vmul.f32 v29, v29  }
0x3eb: {  	v34 =	vmul.f32 v34, v34;
	v62 =	vsub.f32 v55, v52;
	v27 =	vadd.f32 v26, v24;
	v24 =	vld [tilespmem:s29+$0x6B10]  }
0x3ec: {  	v26 =	vld [tilespmem:s28+$0x10];
	v33 =	vmul.f32 v63, v63;
	v39 =	vmul.f32 v28, v28;
	v28 =	vadd.f32 v29, v20  }
0x3ed: {  	v41 =	vmul.f32 v61, v61;
	v36 =	vmul.f32 v62, v62;
	v30 =	vadd.f32 v34, v30;
	v34 =	vld [tilespmem:s28+$0x40]  }
0x3ee: {  	s30 =	simm.s32 $0x80;
	s31 =	simm.s32 $0x10;
	s0 =	simm.s32 $0x1;
	v20 =	vmul.f32 v31, v31;
	v31 =	vsub.f32 v53, v51;
	v29 =	vld [tilespmem:s29+$0x6B40];
	v28 =	vadd.f32 v60, v28  }
.LBB2_14:
0x3ef: {  	s1 =	smov.u32 s0  }
0x3f0: {  	s3 =	sand.u32 $0x7, s0;
	s4 =	sshrl.u32 s0, $0x3;
	v19 =	vadd.f32 v39, v19;
	v21 =	vsub.f32 v21, v35;
	v22 =	vmul.f32 v22, v22;
	v35 =	vld [tilespmem:s29+$0x6B70];
	s1 =	sadd.s32 $0x1, s0  }
0x3f1: {  	p0 =	sne.s32 s0, $0x3F;
	v39 =	vmul.f32 v40, v40;
	v32 =	vsub.f32 v32, v37;
	s4 =	smul.u32 $0x3000, s4;
	v17 =	vadd.f32 v41, v17;
	v37 =	vld [tilespmem:s28+$0x70]  }
0x3f2: {  	v18 =	vadd.f32 v36, v18;
	s0 =	smul.u32 $0x3000, s3;
	v21 =	vmul.f32 v21, v21;
	v19 =	vadd.f32 v23, v19;
	v23 =	vld [tilespmem:s29+$0x6B20]  }
0x3f3: {  	s7 =	sand.u32 $0x380, s31;
	v25 =	vmul.f32 v25, v25;
	s3 =	sand.u32 $0x380, s30;
	v36 =	vmul.f32 v38, v38;
	v15 =	vadd.f32 v39, v15;
	s4 =	sshra.s32 s4, $0x2;
	v38 =	vld [tilespmem:s29+$0x6B60]  }
0x3f4: {  	v30 =	vadd.f32 v33, v30;
	v32 =	vmul.f32 v32, v32;
	s29 =	sshrl.u32 s0, $0x2;
	s4 =	sor.u32 s3, s4;
	v27 =	vadd.f32 v21, v27;
	v33 =	vld [tilespmem:s28+$0x60]  }
0x3f5: {  	v18 =	vadd.f32 v36, v18;
	v21 =	vmul.f32 v31, v31;
	v29 =	vsub.f32 v29, v34;
	s3 =	sadd.s32 $0x12300, s4;
	s0 =	sadd.s32 $0x12700, s4;
	s28 =	sadd.s32 $0x12B00, s4;
	v39 =	vld [tilespmem:s4+$0x12B00]  }
0x3f6: {  	v14 =	vadd.f32 v25, v14;
	v24 =	vsub.f32 v24, v26;
	s29 =	sor.u32 s7, s29;
	v31 =	vld [tilespmem:s28+$0x20]  }
0x3f7: {  	v26 =	vadd.f32 v21, v28;
	v25 =	vmul.f32 v29, v29;
	v28 =	vsub.f32 v35, v37;
	v34 =	vld [tilespmem:s28+$0x30]  }
0x3f8: {  	v15 =	vadd.f32 v22, v15;
	v22 =	vmul.f32 v24, v24;
	v35 =	vsub.f32 v23, v12;
	v29 =	vld [tilespmem:s3+$0x20]  }
0x3f9: {  	v16 =	vadd.f32 v16, v17;
	v24 =	vmul.f32 v28, v28;
	v21 =	vld [tilespmem:s29+$0x6710];
	v23 =	vsub.f32 v38, v33  }
0x3fa: {  	v14 =	vadd.f32 v20, v14;
	v20 =	vadd.f32 v22, v27;
	v22 =	vmul.f32 v35, v35;
	v28 =	vld [tilespmem:s29+$0x6B30]  }
0x3fb: {  	v30 =	vadd.f32 v32, v30;
	v17 =	vadd.f32 v13, v16;
	v38 =	vld [tilespmem:s0+$0x20];
	v13 =	vmul.f32 v23, v23;
	v12 =	vmovc v31  }
0x3fc: {  	v14 =	vadd.f32 v25, v14;
	v15 =	vadd.f32 v24, v15;
	v27 =	vld [tilespmem:s29+$0x6320]  }
0x3fd: {  	v18 =	vadd.f32 v22, v18;
	v24 =	vld [tilespmem:s29+$0x6330];
	v19 =	vadd.f32 v13, v19  }
0x3fe: {  	v25 =	vld [tilespmem:s3+$0x10]  }
0x3ff: {  	v13 =	vld [tilespmem:s0+$0x30]  }
0x400: {  	v31 =	vld [tilespmem:s29+$0x6310]  }
0x401: {  	v16 =	vld [tilespmem:s29+$0x6730]  }
0x402: {  	v32 =	vld [tilespmem:s4+$0x12300]  }
0x403: {  	v33 =	vld [tilespmem:s3+$0x30]  }
0x404: {  	v23 =	vld [tilespmem:s29+$0x6B00]  }
0x405: {  	v22 =	vld [tilespmem:s4+$0x12700]  }
0x406: {  	v35 =	vsub.f32 v16, v13;
	v13 =	vld [tilespmem:s0+$0x70]  }
0x407: {  	v16 =	vld [tilespmem:s29+$0x6700]  }
0x408: {  	v36 =	vld [tilespmem:s0+$0x60]  }
0x409: {  	v37 =	vld [tilespmem:s0+$0x50]  }
0x40a: {  	v40 =	vld [tilespmem:s0+$0x40]  }
0x40b: {  	v41 =	vld [tilespmem:s29+$0x6760]  }
0x40c: {  	v42 =	vld [tilespmem:s29+$0x6340]  }
0x40d: {  	v43 =	vld [tilespmem:s29+$0x6770]  }
0x40e: {  	v44 =	vld [tilespmem:s29+$0x6350]  }
0x40f: {  	v45 =	vld [tilespmem:s3+$0x60]  }
0x410: {  	v46 =	vld [tilespmem:s3+$0x70];
	v36 =	vsub.f32 v41, v36  }
0x411: {  	v41 =	vld [tilespmem:s3+$0x50]  }
0x412: {  	v16 =	vsub.f32 v16, v22;
	v47 =	vld [tilespmem:s29+$0x6300];
	v22 =	vsub.f32 v43, v13  }
0x413: {  	v43 =	vld [tilespmem:s29+$0x6360]  }
0x414: {  	v16 =	vmul.f32 v16, v16;
	v48 =	vld [tilespmem:s3+$0x40]  }
0x415: {  	v13 =	vsub.f32 v23, v39;
	v49 =	vld [tilespmem:s29+$0x6750]  }
0x416: {  	v39 =	vsub.f32 v44, v41;
	v41 =	vld [tilespmem:s29+$0x6740]  }
0x417: {  	v23 =	vmul.f32 v36, v36;
	v13 =	vmul.f32 v13, v13;
	v44 =	vld [tilespmem:s29+$0x6370]  }
0x418: {  	v31 =	vsub.f32 v31, v25;
	v50 =	vmul.f32 v35, v35;
	v43 =	vsub.f32 v43, v45;
	v45 =	vld [tilespmem:s29+$0x6720]  }
0x419: {  	v24 =	vsub.f32 v24, v33;
	v33 =	vmul.f32 v39, v39;
	v25 =	vsub.f32 v42, v48;
	v35 =	vld [tilespmem:s0+$0x10]  }
0x41a: {  	v29 =	vsub.f32 v27, v29;
	v31 =	vmul.f32 v31, v31;
	v42 =	vsub.f32 v47, v32;
	v32 =	vld [tilespmem:s29+$0x6B50]  }
.Ltmp6:
0x41b: {  	v47 =	vmul.f32 v24, v24;
	v40 =	vsub.f32 v41, v40;
	v41 =	vsub.f32 v49, v37;
	v37 =	vld [tilespmem:s28+$0x50];
	(pc) =	sbr.rel @p0 .LBB2_14-.Ltmp6, $4  }
0x41c: {  	v27 =	vadd.f32 v31, v20;
	v36 =	vmul.f32 v29, v29;
	v39 =	vmul.f32 v43, v43;
	v24 =	vld [tilespmem:s29+$0x6B10]  }
0x41d: {  	v30 =	vadd.f32 v33, v30;
	v43 =	vadd.f32 v47, v26;
	v20 =	vmul.f32 v40, v40;
	v26 =	vld [tilespmem:s28+$0x10]  }
0x41e: {  	v31 =	vsub.f32 v28, v34;
	v40 =	vsub.f32 v44, v46;
	v33 =	vmul.f32 v41, v41;
	v29 =	vld [tilespmem:s29+$0x6B40]  }
0x41f: {  	s31 =	sadd.s32 $0x10, s31;
	s30 =	sadd.s32 $0x80, s30;
	s0 =	smov.u32 s1;
	v41 =	vmul.f32 v42, v42;
	v38 =	vsub.f32 v45, v38;
	v28 =	vadd.f32 v50, v43;
	v34 =	vld [tilespmem:s28+$0x40]  }
0x420: {  	v21 =	vsub.f32 v21, v35  }
0x421: {  	v19 =	vadd.f32 v39, v19;
	v32 =	vsub.f32 v32, v37  }
0x422: {  	v63 =	vmul.f32 v40, v40;
	v18 =	vadd.f32 v36, v18;
	v30 =	vadd.f32 v33, v30  }
0x423: {  	v62 =	vld [tilespmem:s29+$0x6B70];
	v25 =	vmul.f32 v25, v25;
	v11 =	vadd.f32 $0.0e+00, v11;
	v17 =	vadd.f32 v41, v17  }
0x424: {  	v42 =	vld [tilespmem:s28+$0x70];
	v46 =	vmul.f32 v31, v31;
	v19 =	vadd.f32 v23, v19;
	v15 =	vadd.f32 v63, v15  }
0x425: {  	v44 =	vld [tilespmem:s29+$0x6B20];
	v43 =	vmul.f32 v38, v38;
	v14 =	vadd.f32 v25, v14;
	v24 =	vsub.f32 v24, v26  }
0x426: {  	v45 =	vld [tilespmem:s29+$0x6B60];
	v21 =	vmul.f32 v21, v21;
	v23 =	vadd.f32 v46, v28;
	v10 =	vadd.f32 v10, v11  }
0x427: {  	v47 =	vld [tilespmem:s28+$0x60];
	v22 =	vmul.f32 v22, v22;
	v18 =	vadd.f32 v43, v18;
	v16 =	vadd.f32 v16, v17  }
0x428: {  	v49 =	vmul.f32 v32, v32;
	v21 =	vadd.f32 v21, v27;
	v29 =	vsub.f32 v29, v34  }
0x429: {  	v15 =	vadd.f32 v22, v15;
	v14 =	vadd.f32 v20, v14  }
0x42a: {  	v9 =	vadd.f32 v9, v10;
	v56 =	vadd.f32 v49, v30  }
0x42b: {  	v50 =	vmul.f32 v24, v24;
	v48 =	vsub.f32 v62, v42;
	v12 =	vsub.f32 v44, v12  }
0x42c: {  	v52 =	vsub.f32 v45, v47;
	v55 =	vadd.f32 v13, v16;
	v51 =	vmul.f32 v29, v29  }
0x42d: {  	v21 =	vadd.f32 v50, v21;
	v8 =	vadd.f32 v8, v9;
	v53 =	vmul.f32 v48, v48  }
0x42e: {  	v54 =	vmul.f32 v12, v12;
	v57 =	vmul.f32 v52, v52;
	v11 =	vadd.f32 v51, v14  }
0x42f: {  	v7 =	vadd.f32 v7, v8;
	v58 =	vadd.f32 v53, v15  }
0x430: {  	v10 =	vadd.f32 v54, v18;
	v59 =	vadd.f32 v57, v19  }
0x431: {  	v60 =	vadd.f32 v21, v55;
	v11 =	vadd.f32 v56, v11  }
0x432: {  	v10 =	vadd.f32 v23, v10;
	v9 =	vadd.f32 v58, v59  }
0x433: {  	v6 =	vadd.f32 v6, v7  }
0x434: {  	v61 =	vadd.f32 v10, v60;
	v62 =	vadd.f32 v9, v11;
	_ =	sdelay $0x1  }
0x435: {  	v5 =	vadd.f32 v5, v6;
	v63 =	vadd.f32 v62, v61;
	_ =	sdelay $0x1  }
0x436: {  	v4 =	vadd.f32 v4, v5;
	v5 =	vmul.f32 $5.000000000e-01, v63;
	_ =	sdelay $0x1  }
0x437: {  	v4 =	vsub.f32 v5, v4;
	_ =	sdelay $0x1  }
0x438: {  	s28 =	simm.s32 $0x0;
	s0 =	rddreg [dreg:$0xd];
	s1 =	simm.s32 $0x18380;
	[tilespmem:$0x18380] =	vst v4  }
0x439: {  	[hbm4b:s0+s28] =	stream.linear.scatter [tilespmem:s1], [sflag:$0x5], $0x80, $0x38;
	[tilespmem:$0x18400] =	vst v63  }
0x43a: {  	_ =	swait.ge [sflag:s15], $0x80  }
0x43b: {  	s26 =	sadd.s32 $0x1, s26;
	s31 =	rddreg [dreg:$0xe]  }
0x43c: {  	p0 =	sne.s32 s26, s31  }
.Ltmp7:
0x43d: {  	_ = 	snop;
	(pc) =	sbr.rel @p0 .LBB2_1-.Ltmp7, $3  }
0x43e: {  	_ =	sdelay $0x1  }
0x43f: {  	[sflag:s15] =	ssyncset.done $0x0  }
0x440: {  	[sflag:s15] =	ssyncadd.s32 $0xFFFFFF80  }
0x441: {  	_ =	sfence.sel $0x180000  }
0x442: {  	[bflag:$0x0] =	sbarrier.arrive $0xFFFF  }
0x443: {  	_ =	strace $0x90000047  }
0x444: {  	s0 =	stileid.u32;
	[bflag:$0x2] =	sbarrier.arrive $0xFFFF  }
0x445: {  	p0 =	sne.s32 s0, $0x0;
	s0 =	rddreg [dreg:$0x4]  }
0x446: {  	s0 =	sadd.s32 @!p0 $0x100000, s0  }
0x447: {  	[sflag:s0] =	ssyncadd.tile.s32 @!p0 $0x1;
	_ =	shalt  }
.Lfunc_end2:
_tile_overlayer_lowered:
.L_overlay_start_2:
0x448: {  	(tag) =	ssettag $0x2  }
0x449: {  	s0 =	rddreg [dreg:$0x0];
	s2 =	stileid.u32  }
0x44a: {  	s1 =	rddreg [dreg:$0x1];
	p0 =	sne.s32 s2, $0x0  }
0x44b: {  	s3 =	rddreg [dreg:$0x2];
	[bflag:$0x3] =	sbarrier.arrive $0xFFFF;
	s2 =	simm.s32 @!p0 $0x1C05  }
0x44c: {  	[timem:s3], [sflag:s2] =	dma.local @!p0 [hbm:s0], s1  }
0x44d: {  	s0 =	simm.s32 @!p0 $0x5  }
0x44e: {  	_ =	swait.ge @!p0 [sflag:s0], s1  }
0x44f: {  	s1 =	ssub.s32 @!p0 $0x0, s1;
	[sflag:s0] =	ssyncset.done @!p0 $0x0  }
0x450: {  	[sflag:s0] =	ssyncadd.s32 @!p0 s1  }
0x451: {  	[bflag:$0x3] =	sbarrier.arrive $0xFFFF  }
0x452: {  	_ =	shalt  }

</sc_bundles>
